<compile_context>
chip_gen: v7x
topology: tpu7x:2x2x1
jax: 0.10.2.dev20260603
libtpu: 0.0.44.dev20260713+nightly
codegen_flags: <defaults>
</compile_context>

<pallas_src>
import functools

import jax
import jax.numpy as jnp
from jax import lax
from jax.experimental import pallas as pl
from jax.experimental.pallas import tpu as pltpu
from jax.experimental.pallas import tpu_sc as plsc

_EPS = 1e-5


def _tdot(a, b):
    return lax.dot_general(a, b, (((0,), (0,)), ((), ())),
                           preferred_element_type=jnp.float32)


def _sigmoid(x):
    return 1.0 / (1.0 + jnp.exp(-x))



def _ka_body(N, Nb, x_ref, wf_ref, bf_ref, gf_ref, bef_ref, wl_ref, bl_ref,
             feat_ref, ns0_ref, y1_ref, st_ref):
    p = pl.program_id(0)
    i = pl.program_id(1)

    @pl.when((p == 0) & (i == 0))
    def _():
        st_ref[...] = jnp.zeros_like(st_ref)

    @pl.when(p == 0)
    def _():
        y = jnp.dot(x_ref[...], wf_ref[...],
                    preferred_element_type=jnp.float32) + bf_ref[...]
        y1_ref[pl.ds(i * Nb, Nb), :] = y
        st_ref[0:1, :] += jnp.sum(y, axis=0, keepdims=True)
        st_ref[1:2, :] += jnp.sum(y * y, axis=0, keepdims=True)

    @pl.when(p == 1)
    def _():
        mean = st_ref[0:1, :] / N
        var = st_ref[1:2, :] / N - mean * mean
        scale = gf_ref[...] * lax.rsqrt(var + _EPS)
        shift = bef_ref[...] - mean * scale
        y = y1_ref[pl.ds(i * Nb, Nb), :]
        f = jnp.maximum(y * scale + shift, 0.0)
        feat_ref[...] = f
        ns0_ref[...] = jnp.dot(f, wl_ref[...],
                               preferred_element_type=jnp.float32) + bl_ref[...]


def _ka_call(x, wf, bf, gf, bef, wl, bl):
    N, D = x.shape
    H = wf.shape[1]
    T = wl.shape[1]
    Nb = 1000
    NB = N // Nb
    grid = (2, NB)
    return pl.pallas_call(
        functools.partial(_ka_body, N, Nb),
        grid=grid,
        in_specs=[
            pl.BlockSpec((Nb, D), lambda p, i: (jnp.where(p == 0, i, 0), 0)),
            pl.BlockSpec((D, H), lambda p, i: (0, 0)),
            pl.BlockSpec((1, H), lambda p, i: (0, 0)),
            pl.BlockSpec((1, H), lambda p, i: (0, 0)),
            pl.BlockSpec((1, H), lambda p, i: (0, 0)),
            pl.BlockSpec((H, T), lambda p, i: (0, 0)),
            pl.BlockSpec((1, T), lambda p, i: (0, 0)),
        ],
        out_specs=[
            pl.BlockSpec((Nb, H), lambda p, i: (jnp.where(p == 1, i, 0), 0)),
            pl.BlockSpec((Nb, T), lambda p, i: (jnp.where(p == 1, i, 0), 0)),
        ],
        out_shape=[
            jax.ShapeDtypeStruct((N, H), jnp.float32),
            jax.ShapeDtypeStruct((N, T), jnp.float32),
        ],
        scratch_shapes=[
            pltpu.VMEM((N, H), jnp.float32),
            pltpu.VMEM((2, H), jnp.float32),
        ],
    )(x, wf, bf, gf, bef, wl, bl)



def _sc_agg(f2, src2, dst2, zeros, Np):
    J = src2.shape[0]
    SCHUNKS = J // 8
    RPS = Np // 16
    mesh = plsc.VectorSubcoreMesh(core_axis_name="c", subcore_axis_name="s",
                                  num_cores=2, num_subcores=16)

    @functools.partial(
        pl.kernel,
        mesh=mesh,
        out_type=[
            jax.ShapeDtypeStruct((Np, 128), jnp.float32),
            jax.ShapeDtypeStruct((Np, 128), jnp.float32),
        ],
        scratch_types=[
            pltpu.VMEM((8, 128), jnp.int32),
            pltpu.VMEM((8, 128), jnp.int32),
            pltpu.VMEM((128, 128), jnp.float32),
            pltpu.VMEM_SHARED((Np, 128), jnp.float32),
            pltpu.SemaphoreType.DMA,
        ],
    )
    def k(f2_hbm, src_hbm, dst_hbm, z_hbm, alo_hbm, ahi_hbm,
          srcv, dstv, rows, acc, sem):
        c = lax.axis_index("c")
        s = lax.axis_index("s")
        row0 = pl.multiple_of(s * RPS, 8)
        pltpu.sync_copy(z_hbm, acc.at[pl.ds(row0, RPS)])
        plsc.subcore_barrier()

        nt = (SCHUNKS - s + 15) // 16

        def body(t, carry):
            j8 = s + t * 16
            base = pl.multiple_of(j8 * 8, 8)
            pltpu.sync_copy(src_hbm.at[pl.ds(base, 8)], srcv)
            pltpu.sync_copy(dst_hbm.at[pl.ds(base, 8)], dstv)
            for r in range(8):
                for kk in range(8):
                    sl = (r, pl.ds(kk * 16, 16))
                    srcv[sl] = srcv[sl] * 2 + c
                pltpu.async_copy(f2_hbm.at[srcv.at[r]], rows, sem).wait()
                pltpu.sync_copy(rows, acc.at[dstv.at[r]], add=True)
            return carry

        lax.fori_loop(0, nt, body, 0)
        plsc.subcore_barrier()

        @pl.when(c == 0)
        def _():
            pltpu.sync_copy(acc.at[pl.ds(row0, RPS)],
                            alo_hbm.at[pl.ds(row0, RPS)])

        @pl.when(c == 1)
        def _():
            pltpu.sync_copy(acc.at[pl.ds(row0, RPS)],
                            ahi_hbm.at[pl.ds(row0, RPS)])

    return k(f2, src2, dst2, zeros)



def _kb_body(N, Nb, G,
             feat_ref, alo_ref, ahi_ref, ns0_ref, b3_ref,
             wc_ref, bc_ref, gc_ref, bec_ref, wbr_ref, bbr_ref,
             gm_ref, bem_ref, wm2_ref, bm2_ref,
             node_ref, wsi_ref,
             z_ref, nall_ref, st_ref, p0_ref, pbr_ref, cnt_ref):
    p = pl.program_id(0)
    i = pl.program_id(1)

    @pl.when((p == 0) & (i == 0))
    def _():
        st_ref[...] = jnp.zeros_like(st_ref)
        p0_ref[...] = jnp.zeros_like(p0_ref)
        pbr_ref[...] = jnp.zeros_like(pbr_ref)
        cnt_ref[...] = jnp.zeros_like(cnt_ref)

    @pl.when(p == 0)
    def _():
        agg = jnp.concatenate([alo_ref[...], ahi_ref[...]], axis=1)
        u = feat_ref[...] + agg
        z = jnp.dot(u, wc_ref[...],
                    preferred_element_type=jnp.float32) + bc_ref[...]
        z_ref[pl.ds(i * Nb, Nb), :] = z
        st_ref[0:1, :] += jnp.sum(z, axis=0, keepdims=True)
        st_ref[1:2, :] += jnp.sum(z * z, axis=0, keepdims=True)

    @pl.when(p == 1)
    def _():
        mean = st_ref[0:1, :] / N
        var = st_ref[1:2, :] / N - mean * mean
        zscale = gc_ref[...] * lax.rsqrt(var + _EPS)
        zshift = bec_ref[...] - mean * zscale
        z = z_ref[pl.ds(i * Nb, Nb), :]
        br = jnp.maximum(z * zscale + zshift, 0.0)
        ns = jnp.dot(br, wbr_ref[...],
                     preferred_element_type=jnp.float32) + bbr_ref[...]
        n0 = ns0_ref[...]
        node = ns + jnp.concatenate([n0, n0], axis=1)
        nall_ref[pl.ds(i * Nb, Nb), :] = node
        st_ref[2:3, :] += jnp.sum(node, axis=0, keepdims=True)
        st_ref[3:4, :] += jnp.sum(node * node, axis=0, keepdims=True)
        bb = b3_ref[0, 0, :]
        gids = lax.broadcasted_iota(jnp.int32, (1, G), 1)
        oh = (bb[:, None] == gids).astype(jnp.float32)
        p0_ref[...] += _tdot(oh, n0)
        pbr_ref[...] += _tdot(oh, ns)
        cnt_ref[...] += _tdot(oh, jnp.ones_like(n0))

    @pl.when(p == 2)
    def _():
        nm = st_ref[2:3, :] / N
        nv = st_ref[3:4, :] / N - nm * nm
        nscale = gm_ref[...] * lax.rsqrt(nv + _EPS)
        nshift = bem_ref[...] - nm * nscale
        node = nall_ref[pl.ds(i * Nb, Nb), :]
        nhat = node * nscale + nshift
        out = _sigmoid(jnp.dot(nhat, wm2_ref[...],
                               preferred_element_type=jnp.float32) + bm2_ref[...])
        node_ref[...] = out

        @pl.when(i == 0)
        def _():
            cc = jnp.maximum(cnt_ref[...], 1.0)
            wsi_pred = p0_ref[...] / cc
            cc2 = jnp.concatenate([cc, cc], axis=1)
            wsi = jnp.concatenate([wsi_pred, wsi_pred], axis=1) \
                + pbr_ref[...] / cc2
            wm = jnp.mean(wsi, axis=0, keepdims=True)
            wv = jnp.mean((wsi - wm) ** 2, axis=0, keepdims=True)
            wh = (wsi - wm) / jnp.sqrt(wv + _EPS) * gm_ref[...] + bem_ref[...]
            wout = _sigmoid(jnp.dot(wh, wm2_ref[...],
                                    preferred_element_type=jnp.float32)
                            + bm2_ref[...])
            wsi_ref[...] = wout


def _kb_call(feat, alo, ahi, ns0, batch3, wc, bc, gc, bec, wbr, bbr,
             gm, bem, wm2, bm2):
    N, H = feat.shape
    T = ns0.shape[1]
    G = 8
    Nb = 1000
    NB = N // Nb
    grid = (3, NB)
    w0 = lambda p, i: (0, 0)
    return pl.pallas_call(
        functools.partial(_kb_body, N, Nb, G),
        grid=grid,
        in_specs=[
            pl.BlockSpec((Nb, H), lambda p, i: (jnp.where(p == 0, i, 0), 0)),
            pl.BlockSpec((Nb, 128), lambda p, i: (jnp.where(p == 0, i, 0), 0)),
            pl.BlockSpec((Nb, 128), lambda p, i: (jnp.where(p == 0, i, 0), 0)),
            pl.BlockSpec((Nb, T), lambda p, i: (jnp.where(p == 1, i, 0), 0)),
            pl.BlockSpec((1, 1, Nb),
                         lambda p, i: (jnp.where(p == 1, i, 0), 0, 0)),
            pl.BlockSpec((H, H), w0),
            pl.BlockSpec((1, H), w0),
            pl.BlockSpec((1, H), w0),
            pl.BlockSpec((1, H), w0),
            pl.BlockSpec((H, 2 * T), w0),
            pl.BlockSpec((1, 2 * T), w0),
            pl.BlockSpec((1, 2 * T), w0),
            pl.BlockSpec((1, 2 * T), w0),
            pl.BlockSpec((2 * T, 2), w0),
            pl.BlockSpec((1, 2), w0),
        ],
        out_specs=[
            pl.BlockSpec((Nb, 2), lambda p, i: (jnp.where(p == 2, i, 0), 0)),
            pl.BlockSpec((G, 2), lambda p, i: (0, 0)),
        ],
        out_shape=[
            jax.ShapeDtypeStruct((N, 2), jnp.float32),
            jax.ShapeDtypeStruct((G, 2), jnp.float32),
        ],
        scratch_shapes=[
            pltpu.VMEM((N, H), jnp.float32),
            pltpu.VMEM((N, 2 * T), jnp.float32),
            pltpu.VMEM((4, 2 * T), jnp.float32),
            pltpu.VMEM((G, T), jnp.float32),
            pltpu.VMEM((G, 2 * T), jnp.float32),
            pltpu.VMEM((G, T), jnp.float32),
        ],
    )(feat, alo, ahi, ns0, batch3, wc, bc, gc, bec, wbr, bbr,
      gm, bem, wm2, bm2)



def kernel(x, edge_index, batch, W_first, b_first, g_first, be_first,
           W_lin0, b_lin0, W_conv, b_conv, g_conv, be_conv,
           W_br0, b_br0, W_br1, b_br1, g_mlp0, be_mlp0, W_mlp0, b_mlp0,
           g_mlp1, be_mlp1, W_mlp1, b_mlp1):
    N, D = x.shape
    H = W_first.shape[1]
    T = W_lin0.shape[1]
    E = edge_index.shape[1]
    Nb = 1000
    NB = N // Nb

    feat, ns0 = _ka_call(
        x, W_first, b_first.reshape(1, H), g_first.reshape(1, H),
        be_first.reshape(1, H), W_lin0, b_lin0.reshape(1, T))

    f2 = feat.reshape(2 * N, 128)
    J = E // 128
    Jp = ((J + 7) // 8) * 8
    Np = 16 * 640
    src2 = jnp.concatenate(
        [edge_index[0].reshape(J, 128),
         jnp.zeros((Jp - J, 128), jnp.int32)], axis=0)
    dst2 = jnp.concatenate(
        [edge_index[1].reshape(J, 128),
         jnp.full((Jp - J, 128), N, jnp.int32)], axis=0)
    zeros = jnp.zeros((Np // 16, 128), jnp.float32)
    alo_p, ahi_p = _sc_agg(f2, src2, dst2, zeros, Np)
    alo, ahi = alo_p[:N], ahi_p[:N]

    wbr = jnp.concatenate([W_br0, W_br1], axis=1)
    bbr = jnp.concatenate([b_br0, b_br1]).reshape(1, 2 * T)
    gm = jnp.concatenate([g_mlp0, g_mlp1]).reshape(1, 2 * T)
    bem = jnp.concatenate([be_mlp0, be_mlp1]).reshape(1, 2 * T)
    wm2 = jnp.zeros((2 * T, 2), jnp.float32)
    wm2 = wm2.at[:T, 0:1].set(W_mlp0).at[T:, 1:2].set(W_mlp1)
    bm2 = jnp.concatenate([b_mlp0, b_mlp1]).reshape(1, 2)
    batch3 = batch.reshape(NB, 1, Nb)

    node01, wsi01 = _kb_call(
        feat, alo, ahi, ns0, batch3, W_conv, b_conv.reshape(1, H),
        g_conv.reshape(1, H), be_conv.reshape(1, H), wbr, bbr,
        gm, bem, wm2, bm2)

    return (wsi01[:, 0:1], node01[:, 0:1], wsi01[:, 1:2], node01[:, 1:2])

# --- scband reference (transcript-rebuilt; emitter-appended) ---
"""Pipeline reference for scband-slide-graph-arch-25228637896960 (READ-ONLY COPY).

The authoritative reference and input builder live on the scoring server;
editing this copy changes nothing except your own understanding.
"""

import jax, jax.numpy as jnp
import numpy as np

N = 10000
E = 160000
D = 256
H = 256
T = 128
G = 8


def _linear(x, W, b):
    return x @ W + b


def _bn(x, g, b, eps=1e-5):
    m = jnp.mean(x, axis=0)
    v = jnp.var(x, axis=0)
    return (x - m) / jnp.sqrt(v + eps) * g + b


def _mean_pool(x, batch):
    s = jax.ops.segment_sum(x, batch, num_segments=G)
    c = jax.ops.segment_sum(jnp.ones((x.shape[0], 1), x.dtype), batch, num_segments=G)
    return s / jnp.maximum(c, 1.0)


def setup_inputs(seed: int = 0) -> dict:
    key = jax.random.key(seed)
    ks = jax.random.split(key, 16)

    def w(k, shape, fan_in):
        return jax.random.uniform(k, shape, jnp.float32, -1.0, 1.0) / np.sqrt(fan_in)

    inp = {}
    inp["x"] = jax.random.normal(ks[0], (N, D), jnp.float32)
    inp["edge_index"] = jax.random.randint(ks[1], (2, E), 0, N, jnp.int32)
    inp["batch"] = jnp.sort(jax.random.randint(ks[2], (N,), 0, G, jnp.int32))
    inp["W_first"] = w(ks[3], (D, H), D)
    inp["b_first"] = jnp.zeros((H,), jnp.float32)
    inp["g_first"] = jnp.ones((H,), jnp.float32)
    inp["be_first"] = jnp.zeros((H,), jnp.float32)
    inp["W_lin0"] = w(ks[4], (H, T), H)
    inp["b_lin0"] = jnp.zeros((T,), jnp.float32)
    inp["W_conv"] = w(ks[5], (H, H), H)
    inp["b_conv"] = jnp.zeros((H,), jnp.float32)
    inp["g_conv"] = jnp.ones((H,), jnp.float32)
    inp["be_conv"] = jnp.zeros((H,), jnp.float32)
    inp["W_br0"] = w(ks[6], (H, T), H)
    inp["b_br0"] = jnp.zeros((T,), jnp.float32)
    inp["W_br1"] = w(ks[7], (H, T), H)
    inp["b_br1"] = jnp.zeros((T,), jnp.float32)
    inp["g_mlp0"] = jnp.ones((T,), jnp.float32)
    inp["be_mlp0"] = jnp.zeros((T,), jnp.float32)
    inp["W_mlp0"] = w(ks[8], (T, 1), T)
    inp["b_mlp0"] = jnp.zeros((1,), jnp.float32)
    inp["g_mlp1"] = jnp.ones((T,), jnp.float32)
    inp["be_mlp1"] = jnp.zeros((T,), jnp.float32)
    inp["W_mlp1"] = w(ks[9], (T, 1), T)
    inp["b_mlp1"] = jnp.zeros((1,), jnp.float32)
    return inp


def reference(x, edge_index, batch, W_first, b_first, g_first, be_first, W_lin0, b_lin0, W_conv, b_conv, g_conv, be_conv, W_br0, b_br0, W_br1, b_br1, g_mlp0, be_mlp0, W_mlp0, b_mlp0, g_mlp1, be_mlp1, W_mlp1, b_mlp1):
    src = edge_index[0]
    dst = edge_index[1]
    # first_h: Linear + BN + ReLU
    feature = jax.nn.relu(_bn(_linear(x, W_first, b_first), g_first, be_first))
    # layer 0
    node_sub0 = _linear(feature, W_lin0, b_lin0)
    node_prediction = node_sub0
    wsi_prediction = _mean_pool(node_sub0, batch)
    # layer 1 (last): GINConv, eps=0 -> nn(x + sum_{j->i} x_j)
    agg = jax.ops.segment_sum(feature[src], dst, num_segments=N)
    branches = jax.nn.relu(_bn(_linear(feature + agg, W_conv, b_conv), g_conv, be_conv))
    outs = []
    for (Wb, bb, gm, bem, Wm, bm) in (
        (W_br0, b_br0, g_mlp0, be_mlp0, W_mlp0, b_mlp0),
        (W_br1, b_br1, g_mlp1, be_mlp1, W_mlp1, b_mlp1),
    ):
        node_sub = _linear(branches, Wb, bb)
        _node = node_prediction + node_sub
        _wsi = wsi_prediction + _mean_pool(node_sub, batch)
        _wsi = jax.nn.sigmoid(_linear(_bn(_wsi, gm, bem), Wm, bm))
        _node = jax.nn.sigmoid(_linear(_bn(_node, gm, bem), Wm, bm))
        outs.append(_wsi)
        outs.append(_node)
    return tuple(outs)

if __name__ == "__main__":
    import jax
    _d = setup_inputs()
    print(jax.jit(kernel)(*tuple(_d.values())))

</pallas_src>

<mosaic_0001>
#map = affine_map<(d0, d1) -> (0, 0)>
module attributes {stable_mosaic.version = 14 : i64} {
  func.func @k(%arg0: i32, %arg1: i32, %arg2: memref<20000x128xf32, #tpu.memory_space<hbm>>, %arg3: memref<1256x128xi32, #tpu.memory_space<hbm>>, %arg4: memref<1256x128xi32, #tpu.memory_space<hbm>>, %arg5: memref<640x128xf32, #tpu.memory_space<hbm>>, %arg6: memref<10240x128xf32, #tpu.memory_space<hbm>>, %arg7: memref<10240x128xf32, #tpu.memory_space<hbm>>, %arg8: memref<8x128xi32, #tpu.memory_space<vmem>>, %arg9: memref<8x128xi32, #tpu.memory_space<vmem>>, %arg10: memref<128x128xf32, #tpu.memory_space<vmem>>, %arg11: memref<10240x128xf32, #tpu.memory_space<vmem_shared>>, %arg12: memref<!tpu.dma_semaphore, #tpu.memory_space<semaphore_mem>>) attributes {dimension_semantics = [#tpu.dimension_semantics<core_parallel>, #tpu.dimension_semantics<subcore_parallel>], iteration_bounds = array<i64: 2, 16>, scalar_prefetch = 0 : i64, scratch_operands = 5 : i64, tpu.core_type = #tpu.core_type<sc_vector_subcore>, window_params = [{transform_indices = #map}, {transform_indices = #map}, {transform_indices = #map}, {transform_indices = #map}, {transform_indices = #map}, {transform_indices = #map}]} {
    %mul3A = arith.constant 640 : i32
    %mul3A_0 = arith.muli %arg1, %mul3A : i32
    %multiple_of3A = tpu.assume_multiple %mul3A_0, 8 : i32
    "tpu.region"() ({
      %run_scoped3A = tpu.sem_alloc : memref<!tpu.dma_semaphore, #tpu.memory_space<semaphore_mem>>
      %dma_start3A = arith.constant 0 : i32
      %dma_start3A_37 = tpu.memref_slice %arg11[%multiple_of3A, %dma_start3A] : memref<10240x128xf32, #tpu.memory_space<vmem_shared>> -> memref<640x128xf32, #tpu.memory_space<vmem_shared>>
      tpu.enqueue_dma source(%arg5 : memref<640x128xf32, #tpu.memory_space<hbm>>) target(%dma_start3A_37 : memref<640x128xf32, #tpu.memory_space<vmem_shared>>) target_semaphore(%run_scoped3A : memref<!tpu.dma_semaphore, #tpu.memory_space<semaphore_mem>>)
      %dma_wait3A = arith.constant 0 : i32
      %dma_wait3A_38 = tpu.memref_slice %arg11[%multiple_of3A, %dma_wait3A] : memref<10240x128xf32, #tpu.memory_space<vmem_shared>> -> memref<640x128xf32, #tpu.memory_space<vmem_shared>>
      tpu.wait_dma2 semaphore(%run_scoped3A : memref<!tpu.dma_semaphore, #tpu.memory_space<semaphore_mem>>) src(%arg5 : memref<640x128xf32, #tpu.memory_space<hbm>>) dst(%dma_wait3A_38 : memref<640x128xf32, #tpu.memory_space<vmem_shared>>)
      tpu.yield
    }) : () -> ()
    %barrier3A = arith.constant 0 : index
    tpu.barrier barrier_id(%barrier3A)
    %sub3A = arith.constant 157 : i32
    %sub3A_1 = arith.subi %sub3A, %arg1 : i32
    %add3A = arith.constant 15 : i32
    %add3A_2 = arith.addi %sub3A_1, %add3A : i32
    %jit3A = arith.constant 16 : i32
    %div3A = arith.divsi %add3A_2, %jit3A : i32
    %sign3A = arith.constant 0 : i32
    %sign3A_3 = arith.cmpi sgt, %add3A_2, %sign3A : i32
    %sign3A_4 = arith.extui %sign3A_3 : i1 to i32
    %sign3A_5 = arith.constant 0 : i32
    %sign3A_6 = arith.cmpi slt, %add3A_2, %sign3A_5 : i32
    %sign3A_7 = arith.extui %sign3A_6 : i1 to i32
    %sign3A_8 = arith.subi %sign3A_4, %sign3A_7 : i32
    %sign3A_9 = arith.constant 0 : i32
    %sign3A_10 = arith.cmpi sgt, %jit3A, %sign3A_9 : i32
    %sign3A_11 = arith.extui %sign3A_10 : i1 to i32
    %sign3A_12 = arith.constant 0 : i32
    %sign3A_13 = arith.cmpi slt, %jit3A, %sign3A_12 : i32
    %sign3A_14 = arith.extui %sign3A_13 : i1 to i32
    %sign3A_15 = arith.subi %sign3A_11, %sign3A_14 : i32
    %ne3A = arith.cmpi ne, %sign3A_8, %sign3A_15 : i32
    %rem3A = arith.remsi %add3A_2, %jit3A : i32
    %ne3A_16 = arith.constant 0 : i32
    %ne3A_17 = arith.cmpi ne, %rem3A, %ne3A_16 : i32
    %and3A = arith.andi %ne3A, %ne3A_17 : i1
    %sub3A_18 = arith.constant 1 : i32
    %sub3A_19 = arith.subi %div3A, %sub3A_18 : i32
    %select_n3A = arith.select %and3A, %sub3A_19, %div3A : i32
    %while3A = arith.constant 0 : i32
    %while3A_20 = arith.constant 0 : i32
    %while3A_21 = arith.subi %select_n3A, %while3A_20 : i32
    %while3A_22 = arith.addi %while3A_20, %while3A_21 : i32
    %while3A_23 = arith.constant 1 : i32
    %while3A_24 = arith.divsi %while3A_21, %while3A_23 : i32
    %while3A_25 = arith.muli %while3A_24, %while3A_23 : i32
    %while3A_26 = arith.addi %while3A_20, %while3A_25 : i32
    %while3A_27 = arith.constant 1 : i32
    scf.for %while3A_37 = %while3A_20 to %while3A_26 step %while3A_27  : i32 {
      %mul3A_38 = arith.constant 16 : i32
      %mul3A_39 = arith.muli %while3A_37, %mul3A_38 : i32
      %add3A_40 = arith.addi %arg1, %mul3A_39 : i32
      %mul3A_41 = arith.constant 8 : i32
      %mul3A_42 = arith.muli %add3A_40, %mul3A_41 : i32
      %multiple_of3A_43 = tpu.assume_multiple %mul3A_42, 8 : i32
      "tpu.region"() ({
        %run_scoped3A_1183 = tpu.sem_alloc : memref<!tpu.dma_semaphore, #tpu.memory_space<semaphore_mem>>
        %dma_start3A_1184 = arith.constant 0 : i32
        %dma_start3A_1185 = tpu.memref_slice %arg3[%multiple_of3A_43, %dma_start3A_1184] : memref<1256x128xi32, #tpu.memory_space<hbm>> -> memref<8x128xi32, #tpu.memory_space<hbm>>
        %dma_start3A_1186 = arith.constant 0 : i32
        %dma_start3A_1187 = tpu.memref_slice %arg3[%multiple_of3A_43, %dma_start3A_1186] : memref<1256x128xi32, #tpu.memory_space<hbm>> -> memref<8x128xi32, #tpu.memory_space<hbm>>
        tpu.enqueue_dma source(%dma_start3A_1187 : memref<8x128xi32, #tpu.memory_space<hbm>>) target(%arg8 : memref<8x128xi32, #tpu.memory_space<vmem>>) target_semaphore(%run_scoped3A_1183 : memref<!tpu.dma_semaphore, #tpu.memory_space<semaphore_mem>>)
        %dma_wait3A_1188 = arith.constant 0 : i32
        %dma_wait3A_1189 = tpu.memref_slice %arg3[%multiple_of3A_43, %dma_wait3A_1188] : memref<1256x128xi32, #tpu.memory_space<hbm>> -> memref<8x128xi32, #tpu.memory_space<hbm>>
        %dma_wait3A_1190 = arith.constant 0 : i32
        %dma_wait3A_1191 = tpu.memref_slice %arg3[%multiple_of3A_43, %dma_wait3A_1190] : memref<1256x128xi32, #tpu.memory_space<hbm>> -> memref<8x128xi32, #tpu.memory_space<hbm>>
        tpu.wait_dma2 semaphore(%run_scoped3A_1183 : memref<!tpu.dma_semaphore, #tpu.memory_space<semaphore_mem>>) src(%dma_wait3A_1191 : memref<8x128xi32, #tpu.memory_space<hbm>>) dst(%arg8 : memref<8x128xi32, #tpu.memory_space<vmem>>)
        tpu.yield
      }) : () -> ()
      "tpu.region"() ({
        %run_scoped3A_1183 = tpu.sem_alloc : memref<!tpu.dma_semaphore, #tpu.memory_space<semaphore_mem>>
        %dma_start3A_1184 = arith.constant 0 : i32
        %dma_start3A_1185 = tpu.memref_slice %arg4[%multiple_of3A_43, %dma_start3A_1184] : memref<1256x128xi32, #tpu.memory_space<hbm>> -> memref<8x128xi32, #tpu.memory_space<hbm>>
        %dma_start3A_1186 = arith.constant 0 : i32
        %dma_start3A_1187 = tpu.memref_slice %arg4[%multiple_of3A_43, %dma_start3A_1186] : memref<1256x128xi32, #tpu.memory_space<hbm>> -> memref<8x128xi32, #tpu.memory_space<hbm>>
        tpu.enqueue_dma source(%dma_start3A_1187 : memref<8x128xi32, #tpu.memory_space<hbm>>) target(%arg9 : memref<8x128xi32, #tpu.memory_space<vmem>>) target_semaphore(%run_scoped3A_1183 : memref<!tpu.dma_semaphore, #tpu.memory_space<semaphore_mem>>)
        %dma_wait3A_1188 = arith.constant 0 : i32
        %dma_wait3A_1189 = tpu.memref_slice %arg4[%multiple_of3A_43, %dma_wait3A_1188] : memref<1256x128xi32, #tpu.memory_space<hbm>> -> memref<8x128xi32, #tpu.memory_space<hbm>>
        %dma_wait3A_1190 = arith.constant 0 : i32
        %dma_wait3A_1191 = tpu.memref_slice %arg4[%multiple_of3A_43, %dma_wait3A_1190] : memref<1256x128xi32, #tpu.memory_space<hbm>> -> memref<8x128xi32, #tpu.memory_space<hbm>>
        tpu.wait_dma2 semaphore(%run_scoped3A_1183 : memref<!tpu.dma_semaphore, #tpu.memory_space<semaphore_mem>>) src(%dma_wait3A_1191 : memref<8x128xi32, #tpu.memory_space<hbm>>) dst(%arg9 : memref<8x128xi32, #tpu.memory_space<vmem>>)
        tpu.yield
      }) : () -> ()
      %get3A = arith.constant 0 : i32
      %get3A_44 = arith.index_cast %get3A : i32 to index
      %get3A_45 = arith.constant 0 : index
      %get3A_46 = tpu.vector_load %arg8[%get3A_44, %get3A_45] {strides = array<i32>} : memref<8x128xi32, #tpu.memory_space<vmem>>, vector<1x16xi32>,
      %get3A_47 = vector.shape_cast %get3A_46 : vector<1x16xi32> to vector<16xi32>
      %mul3A_48 = arith.constant 2 : i32
      %mul3A_49 = vector.broadcast %mul3A_48 : i32 to vector<16xi32>
      %mul3A_50 = arith.muli %get3A_47, %mul3A_49 : vector<16xi32>
      %add3A_51 = vector.broadcast %arg0 : i32 to vector<16xi32>
      %add3A_52 = arith.addi %mul3A_50, %add3A_51 : vector<16xi32>
      %swap3A = arith.constant 0 : i32
      %swap3A_53 = arith.index_cast %swap3A : i32 to index
      %swap3A_54 = arith.constant 0 : index
      %swap3A_55 = tpu.vector_load %arg8[%swap3A_53, %swap3A_54] {strides = array<i32>} : memref<8x128xi32, #tpu.memory_space<vmem>>, vector<1x16xi32>,
      %swap3A_56 = vector.shape_cast %swap3A_55 : vector<1x16xi32> to vector<16xi32>
      %swap3A_57 = vector.shape_cast %add3A_52 : vector<16xi32> to vector<1x16xi32>
      tpu.vector_store %arg8[%swap3A_53, %swap3A_54], %swap3A_57 {strides = array<i32>} : memref<8x128xi32, #tpu.memory_space<vmem>>, vector<1x16xi32>,
      %get3A_58 = arith.constant 0 : i32
      %get3A_59 = arith.index_cast %get3A_58 : i32 to index
      %get3A_60 = arith.constant 16 : index
      %get3A_61 = tpu.vector_load %arg8[%get3A_59, %get3A_60] {strides = array<i32>} : memref<8x128xi32, #tpu.memory_space<vmem>>, vector<1x16xi32>,
      %get3A_62 = vector.shape_cast %get3A_61 : vector<1x16xi32> to vector<16xi32>
      %mul3A_63 = arith.constant 2 : i32
      %mul3A_64 = vector.broadcast %mul3A_63 : i32 to vector<16xi32>
      %mul3A_65 = arith.muli %get3A_62, %mul3A_64 : vector<16xi32>
      %add3A_66 = vector.broadcast %arg0 : i32 to vector<16xi32>
      %add3A_67 = arith.addi %mul3A_65, %add3A_66 : vector<16xi32>
      %swap3A_68 = arith.constant 0 : i32
      %swap3A_69 = arith.index_cast %swap3A_68 : i32 to index
      %swap3A_70 = arith.constant 16 : index
      %swap3A_71 = tpu.vector_load %arg8[%swap3A_69, %swap3A_70] {strides = array<i32>} : memref<8x128xi32, #tpu.memory_space<vmem>>, vector<1x16xi32>,
      %swap3A_72 = vector.shape_cast %swap3A_71 : vector<1x16xi32> to vector<16xi32>
      %swap3A_73 = vector.shape_cast %add3A_67 : vector<16xi32> to vector<1x16xi32>
      tpu.vector_store %arg8[%swap3A_69, %swap3A_70], %swap3A_73 {strides = array<i32>} : memref<8x128xi32, #tpu.memory_space<vmem>>, vector<1x16xi32>,
      %get3A_74 = arith.constant 0 : i32
      %get3A_75 = arith.index_cast %get3A_74 : i32 to index
      %get3A_76 = arith.constant 32 : index
      %get3A_77 = tpu.vector_load %arg8[%get3A_75, %get3A_76] {strides = array<i32>} : memref<8x128xi32, #tpu.memory_space<vmem>>, vector<1x16xi32>,
      %get3A_78 = vector.shape_cast %get3A_77 : vector<1x16xi32> to vector<16xi32>
      %mul3A_79 = arith.constant 2 : i32
      %mul3A_80 = vector.broadcast %mul3A_79 : i32 to vector<16xi32>
      %mul3A_81 = arith.muli %get3A_78, %mul3A_80 : vector<16xi32>
      %add3A_82 = vector.broadcast %arg0 : i32 to vector<16xi32>
      %add3A_83 = arith.addi %mul3A_81, %add3A_82 : vector<16xi32>
      %swap3A_84 = arith.constant 0 : i32
      %swap3A_85 = arith.index_cast %swap3A_84 : i32 to index
      %swap3A_86 = arith.constant 32 : index
      %swap3A_87 = tpu.vector_load %arg8[%swap3A_85, %swap3A_86] {strides = array<i32>} : memref<8x128xi32, #tpu.memory_space<vmem>>, vector<1x16xi32>,
      %swap3A_88 = vector.shape_cast %swap3A_87 : vector<1x16xi32> to vector<16xi32>
      %swap3A_89 = vector.shape_cast %add3A_83 : vector<16xi32> to vector<1x16xi32>
      tpu.vector_store %arg8[%swap3A_85, %swap3A_86], %swap3A_89 {strides = array<i32>} : memref<8x128xi32, #tpu.memory_space<vmem>>, vector<1x16xi32>,
      %get3A_90 = arith.constant 0 : i32
      %get3A_91 = arith.index_cast %get3A_90 : i32 to index
      %get3A_92 = arith.constant 48 : index
      %get3A_93 = tpu.vector_load %arg8[%get3A_91, %get3A_92] {strides = array<i32>} : memref<8x128xi32, #tpu.memory_space<vmem>>, vector<1x16xi32>,
      %get3A_94 = vector.shape_cast %get3A_93 : vector<1x16xi32> to vector<16xi32>
      %mul3A_95 = arith.constant 2 : i32
      %mul3A_96 = vector.broadcast %mul3A_95 : i32 to vector<16xi32>
      %mul3A_97 = arith.muli %get3A_94, %mul3A_96 : vector<16xi32>
      %add3A_98 = vector.broadcast %arg0 : i32 to vector<16xi32>
      %add3A_99 = arith.addi %mul3A_97, %add3A_98 : vector<16xi32>
      %swap3A_100 = arith.constant 0 : i32
      %swap3A_101 = arith.index_cast %swap3A_100 : i32 to index
      %swap3A_102 = arith.constant 48 : index
      %swap3A_103 = tpu.vector_load %arg8[%swap3A_101, %swap3A_102] {strides = array<i32>} : memref<8x128xi32, #tpu.memory_space<vmem>>, vector<1x16xi32>,
      %swap3A_104 = vector.shape_cast %swap3A_103 : vector<1x16xi32> to vector<16xi32>
      %swap3A_105 = vector.shape_cast %add3A_99 : vector<16xi32> to vector<1x16xi32>
      tpu.vector_store %arg8[%swap3A_101, %swap3A_102], %swap3A_105 {strides = array<i32>} : memref<8x128xi32, #tpu.memory_space<vmem>>, vector<1x16xi32>,
      %get3A_106 = arith.constant 0 : i32
      %get3A_107 = arith.index_cast %get3A_106 : i32 to index
      %get3A_108 = arith.constant 64 : index
      %get3A_109 = tpu.vector_load %arg8[%get3A_107, %get3A_108] {strides = array<i32>} : memref<8x128xi32, #tpu.memory_space<vmem>>, vector<1x16xi32>,
      %get3A_110 = vector.shape_cast %get3A_109 : vector<1x16xi32> to vector<16xi32>
      %mul3A_111 = arith.constant 2 : i32
      %mul3A_112 = vector.broadcast %mul3A_111 : i32 to vector<16xi32>
      %mul3A_113 = arith.muli %get3A_110, %mul3A_112 : vector<16xi32>
      %add3A_114 = vector.broadcast %arg0 : i32 to vector<16xi32>
      %add3A_115 = arith.addi %mul3A_113, %add3A_114 : vector<16xi32>
      %swap3A_116 = arith.constant 0 : i32
      %swap3A_117 = arith.index_cast %swap3A_116 : i32 to index
      %swap3A_118 = arith.constant 64 : index
      %swap3A_119 = tpu.vector_load %arg8[%swap3A_117, %swap3A_118] {strides = array<i32>} : memref<8x128xi32, #tpu.memory_space<vmem>>, vector<1x16xi32>,
      %swap3A_120 = vector.shape_cast %swap3A_119 : vector<1x16xi32> to vector<16xi32>
      %swap3A_121 = vector.shape_cast %add3A_115 : vector<16xi32> to vector<1x16xi32>
      tpu.vector_store %arg8[%swap3A_117, %swap3A_118], %swap3A_121 {strides = array<i32>} : memref<8x128xi32, #tpu.memory_space<vmem>>, vector<1x16xi32>,
      %get3A_122 = arith.constant 0 : i32
      %get3A_123 = arith.index_cast %get3A_122 : i32 to index
      %get3A_124 = arith.constant 80 : index
      %get3A_125 = tpu.vector_load %arg8[%get3A_123, %get3A_124] {strides = array<i32>} : memref<8x128xi32, #tpu.memory_space<vmem>>, vector<1x16xi32>,
      %get3A_126 = vector.shape_cast %get3A_125 : vector<1x16xi32> to vector<16xi32>
      %mul3A_127 = arith.constant 2 : i32
      %mul3A_128 = vector.broadcast %mul3A_127 : i32 to vector<16xi32>
      %mul3A_129 = arith.muli %get3A_126, %mul3A_128 : vector<16xi32>
      %add3A_130 = vector.broadcast %arg0 : i32 to vector<16xi32>
      %add3A_131 = arith.addi %mul3A_129, %add3A_130 : vector<16xi32>
      %swap3A_132 = arith.constant 0 : i32
      %swap3A_133 = arith.index_cast %swap3A_132 : i32 to index
      %swap3A_134 = arith.constant 80 : index
      %swap3A_135 = tpu.vector_load %arg8[%swap3A_133, %swap3A_134] {strides = array<i32>} : memref<8x128xi32, #tpu.memory_space<vmem>>, vector<1x16xi32>,
      %swap3A_136 = vector.shape_cast %swap3A_135 : vector<1x16xi32> to vector<16xi32>
      %swap3A_137 = vector.shape_cast %add3A_131 : vector<16xi32> to vector<1x16xi32>
      tpu.vector_store %arg8[%swap3A_133, %swap3A_134], %swap3A_137 {strides = array<i32>} : memref<8x128xi32, #tpu.memory_space<vmem>>, vector<1x16xi32>,
      %get3A_138 = arith.constant 0 : i32
      %get3A_139 = arith.index_cast %get3A_138 : i32 to index
      %get3A_140 = arith.constant 96 : index
      %get3A_141 = tpu.vector_load %arg8[%get3A_139, %get3A_140] {strides = array<i32>} : memref<8x128xi32, #tpu.memory_space<vmem>>, vector<1x16xi32>,
      %get3A_142 = vector.shape_cast %get3A_141 : vector<1x16xi32> to vector<16xi32>
      %mul3A_143 = arith.constant 2 : i32
      %mul3A_144 = vector.broadcast %mul3A_143 : i32 to vector<16xi32>
      %mul3A_145 = arith.muli %get3A_142, %mul3A_144 : vector<16xi32>
      %add3A_146 = vector.broadcast %arg0 : i32 to vector<16xi32>
      %add3A_147 = arith.addi %mul3A_145, %add3A_146 : vector<16xi32>
      %swap3A_148 = arith.constant 0 : i32
      %swap3A_149 = arith.index_cast %swap3A_148 : i32 to index
      %swap3A_150 = arith.constant 96 : index
      %swap3A_151 = tpu.vector_load %arg8[%swap3A_149, %swap3A_150] {strides = array<i32>} : memref<8x128xi32, #tpu.memory_space<vmem>>, vector<1x16xi32>,
      %swap3A_152 = vector.shape_cast %swap3A_151 : vector<1x16xi32> to vector<16xi32>
      %swap3A_153 = vector.shape_cast %add3A_147 : vector<16xi32> to vector<1x16xi32>
      tpu.vector_store %arg8[%swap3A_149, %swap3A_150], %swap3A_153 {strides = array<i32>} : memref<8x128xi32, #tpu.memory_space<vmem>>, vector<1x16xi32>,
      %get3A_154 = arith.constant 0 : i32
      %get3A_155 = arith.index_cast %get3A_154 : i32 to index
      %get3A_156 = arith.constant 112 : index
      %get3A_157 = tpu.vector_load %arg8[%get3A_155, %get3A_156] {strides = array<i32>} : memref<8x128xi32, #tpu.memory_space<vmem>>, vector<1x16xi32>,
      %get3A_158 = vector.shape_cast %get3A_157 : vector<1x16xi32> to vector<16xi32>
      %mul3A_159 = arith.constant 2 : i32
      %mul3A_160 = vector.broadcast %mul3A_159 : i32 to vector<16xi32>
      %mul3A_161 = arith.muli %get3A_158, %mul3A_160 : vector<16xi32>
      %add3A_162 = vector.broadcast %arg0 : i32 to vector<16xi32>
      %add3A_163 = arith.addi %mul3A_161, %add3A_162 : vector<16xi32>
      %swap3A_164 = arith.constant 0 : i32
      %swap3A_165 = arith.index_cast %swap3A_164 : i32 to index
      %swap3A_166 = arith.constant 112 : index
      %swap3A_167 = tpu.vector_load %arg8[%swap3A_165, %swap3A_166] {strides = array<i32>} : memref<8x128xi32, #tpu.memory_space<vmem>>, vector<1x16xi32>,
      %swap3A_168 = vector.shape_cast %swap3A_167 : vector<1x16xi32> to vector<16xi32>
      %swap3A_169 = vector.shape_cast %add3A_163 : vector<16xi32> to vector<1x16xi32>
      tpu.vector_store %arg8[%swap3A_165, %swap3A_166], %swap3A_169 {strides = array<i32>} : memref<8x128xi32, #tpu.memory_space<vmem>>, vector<1x16xi32>,
      %dma_start3A = arith.constant 0 : i32
      %dma_start3A_170 = arith.constant 0 : i32
      %dma_start3A_171 = tpu.memref_slice %arg8[%dma_start3A, %dma_start3A_170] : memref<8x128xi32, #tpu.memory_space<vmem>> -> memref<1x128xi32, #tpu.memory_space<vmem>>
      %dma_start3A_172 = tpu.memref_squeeze %dma_start3A_171 : memref<1x128xi32, #tpu.memory_space<vmem>> -> memref<128xi32, #tpu.memory_space<vmem>>
      %dma_start3A_173 = arith.constant 0 : i32
      %dma_start3A_174 = arith.constant 0 : i32
      %dma_start3A_175 = tpu.memref_slice %arg2[%dma_start3A_173, %dma_start3A_174] : memref<20000x128xf32, #tpu.memory_space<hbm>> -> memref<20000x128xf32, #tpu.memory_space<hbm>>
      tpu.enqueue_indirect_dma source(%dma_start3A_175 : memref<20000x128xf32, #tpu.memory_space<hbm>>) target(%arg10 : memref<128x128xf32, #tpu.memory_space<vmem>>) offsets(%dma_start3A_172 : memref<128xi32, #tpu.memory_space<vmem>>) semaphore(%arg12 : memref<!tpu.dma_semaphore, #tpu.memory_space<semaphore_mem>>)
      %dma_wait3A = arith.constant 0 : i32
      %dma_wait3A_176 = arith.constant 0 : i32
      %dma_wait3A_177 = tpu.memref_slice %arg8[%dma_wait3A, %dma_wait3A_176] : memref<8x128xi32, #tpu.memory_space<vmem>> -> memref<1x128xi32, #tpu.memory_space<vmem>>
      %dma_wait3A_178 = tpu.memref_squeeze %dma_wait3A_177 : memref<1x128xi32, #tpu.memory_space<vmem>> -> memref<128xi32, #tpu.memory_space<vmem>>
      %dma_wait3A_179 = arith.constant 0 : i32
      %dma_wait3A_180 = arith.constant 0 : i32
      %dma_wait3A_181 = tpu.memref_slice %arg2[%dma_wait3A_179, %dma_wait3A_180] : memref<20000x128xf32, #tpu.memory_space<hbm>> -> memref<20000x128xf32, #tpu.memory_space<hbm>>
      tpu.wait_indirect_dma semaphore(%arg12 : memref<!tpu.dma_semaphore, #tpu.memory_space<semaphore_mem>>) src(%dma_wait3A_181 : memref<20000x128xf32, #tpu.memory_space<hbm>>) dst(%arg10 : memref<128x128xf32, #tpu.memory_space<vmem>>)
      %run_scoped3A = arith.constant 0 : i32
      "tpu.region"() ({
        %run_scoped3A_1183 = tpu.sem_alloc : memref<!tpu.dma_semaphore, #tpu.memory_space<semaphore_mem>>
        %dma_start3A_1184 = arith.constant 0 : i32
        %dma_start3A_1185 = tpu.memref_slice %arg9[%run_scoped3A, %dma_start3A_1184] : memref<8x128xi32, #tpu.memory_space<vmem>> -> memref<1x128xi32, #tpu.memory_space<vmem>>
        %dma_start3A_1186 = tpu.memref_squeeze %dma_start3A_1185 : memref<1x128xi32, #tpu.memory_space<vmem>> -> memref<128xi32, #tpu.memory_space<vmem>>
        %dma_start3A_1187 = arith.constant 0 : i32
        %dma_start3A_1188 = arith.constant 0 : i32
        %dma_start3A_1189 = tpu.memref_slice %arg11[%dma_start3A_1187, %dma_start3A_1188] : memref<10240x128xf32, #tpu.memory_space<vmem_shared>> -> memref<10240x128xf32, #tpu.memory_space<vmem_shared>>
        tpu.enqueue_indirect_dma source(%arg10 : memref<128x128xf32, #tpu.memory_space<vmem>>) target(%dma_start3A_1189 : memref<10240x128xf32, #tpu.memory_space<vmem_shared>>) offsets(%dma_start3A_1186 : memref<128xi32, #tpu.memory_space<vmem>>) semaphore(%run_scoped3A_1183 : memref<!tpu.dma_semaphore, #tpu.memory_space<semaphore_mem>>) {add = true}
        %dma_wait3A_1190 = arith.constant 0 : i32
        %dma_wait3A_1191 = tpu.memref_slice %arg9[%run_scoped3A, %dma_wait3A_1190] : memref<8x128xi32, #tpu.memory_space<vmem>> -> memref<1x128xi32, #tpu.memory_space<vmem>>
        %dma_wait3A_1192 = tpu.memref_squeeze %dma_wait3A_1191 : memref<1x128xi32, #tpu.memory_space<vmem>> -> memref<128xi32, #tpu.memory_space<vmem>>
        %dma_wait3A_1193 = arith.constant 0 : i32
        %dma_wait3A_1194 = arith.constant 0 : i32
        %dma_wait3A_1195 = tpu.memref_slice %arg11[%dma_wait3A_1193, %dma_wait3A_1194] : memref<10240x128xf32, #tpu.memory_space<vmem_shared>> -> memref<10240x128xf32, #tpu.memory_space<vmem_shared>>
        tpu.wait_indirect_dma semaphore(%run_scoped3A_1183 : memref<!tpu.dma_semaphore, #tpu.memory_space<semaphore_mem>>) src(%arg10 : memref<128x128xf32, #tpu.memory_space<vmem>>) dst(%dma_wait3A_1195 : memref<10240x128xf32, #tpu.memory_space<vmem_shared>>)
        tpu.yield
      }) : () -> ()
      %get3A_182 = arith.constant 1 : i32
      %get3A_183 = arith.index_cast %get3A_182 : i32 to index
      %get3A_184 = arith.constant 0 : index
      %get3A_185 = tpu.vector_load %arg8[%get3A_183, %get3A_184] {strides = array<i32>} : memref<8x128xi32, #tpu.memory_space<vmem>>, vector<1x16xi32>,
      %get3A_186 = vector.shape_cast %get3A_185 : vector<1x16xi32> to vector<16xi32>
      %mul3A_187 = arith.constant 2 : i32
      %mul3A_188 = vector.broadcast %mul3A_187 : i32 to vector<16xi32>
      %mul3A_189 = arith.muli %get3A_186, %mul3A_188 : vector<16xi32>
      %add3A_190 = vector.broadcast %arg0 : i32 to vector<16xi32>
      %add3A_191 = arith.addi %mul3A_189, %add3A_190 : vector<16xi32>
      %swap3A_192 = arith.constant 1 : i32
      %swap3A_193 = arith.index_cast %swap3A_192 : i32 to index
      %swap3A_194 = arith.constant 0 : index
      %swap3A_195 = tpu.vector_load %arg8[%swap3A_193, %swap3A_194] {strides = array<i32>} : memref<8x128xi32, #tpu.memory_space<vmem>>, vector<1x16xi32>,
      %swap3A_196 = vector.shape_cast %swap3A_195 : vector<1x16xi32> to vector<16xi32>
      %swap3A_197 = vector.shape_cast %add3A_191 : vector<16xi32> to vector<1x16xi32>
      tpu.vector_store %arg8[%swap3A_193, %swap3A_194], %swap3A_197 {strides = array<i32>} : memref<8x128xi32, #tpu.memory_space<vmem>>, vector<1x16xi32>,
      %get3A_198 = arith.constant 1 : i32
      %get3A_199 = arith.index_cast %get3A_198 : i32 to index
      %get3A_200 = arith.constant 16 : index
      %get3A_201 = tpu.vector_load %arg8[%get3A_199, %get3A_200] {strides = array<i32>} : memref<8x128xi32, #tpu.memory_space<vmem>>, vector<1x16xi32>,
      %get3A_202 = vector.shape_cast %get3A_201 : vector<1x16xi32> to vector<16xi32>
      %mul3A_203 = arith.constant 2 : i32
      %mul3A_204 = vector.broadcast %mul3A_203 : i32 to vector<16xi32>
      %mul3A_205 = arith.muli %get3A_202, %mul3A_204 : vector<16xi32>
      %add3A_206 = vector.broadcast %arg0 : i32 to vector<16xi32>
      %add3A_207 = arith.addi %mul3A_205, %add3A_206 : vector<16xi32>
      %swap3A_208 = arith.constant 1 : i32
      %swap3A_209 = arith.index_cast %swap3A_208 : i32 to index
      %swap3A_210 = arith.constant 16 : index
      %swap3A_211 = tpu.vector_load %arg8[%swap3A_209, %swap3A_210] {strides = array<i32>} : memref<8x128xi32, #tpu.memory_space<vmem>>, vector<1x16xi32>,
      %swap3A_212 = vector.shape_cast %swap3A_211 : vector<1x16xi32> to vector<16xi32>
      %swap3A_213 = vector.shape_cast %add3A_207 : vector<16xi32> to vector<1x16xi32>
      tpu.vector_store %arg8[%swap3A_209, %swap3A_210], %swap3A_213 {strides = array<i32>} : memref<8x128xi32, #tpu.memory_space<vmem>>, vector<1x16xi32>,
      %get3A_214 = arith.constant 1 : i32
      %get3A_215 = arith.index_cast %get3A_214 : i32 to index
      %get3A_216 = arith.constant 32 : index
      %get3A_217 = tpu.vector_load %arg8[%get3A_215, %get3A_216] {strides = array<i32>} : memref<8x128xi32, #tpu.memory_space<vmem>>, vector<1x16xi32>,
      %get3A_218 = vector.shape_cast %get3A_217 : vector<1x16xi32> to vector<16xi32>
      %mul3A_219 = arith.constant 2 : i32
      %mul3A_220 = vector.broadcast %mul3A_219 : i32 to vector<16xi32>
      %mul3A_221 = arith.muli %get3A_218, %mul3A_220 : vector<16xi32>
      %add3A_222 = vector.broadcast %arg0 : i32 to vector<16xi32>
      %add3A_223 = arith.addi %mul3A_221, %add3A_222 : vector<16xi32>
      %swap3A_224 = arith.constant 1 : i32
      %swap3A_225 = arith.index_cast %swap3A_224 : i32 to index
      %swap3A_226 = arith.constant 32 : index
      %swap3A_227 = tpu.vector_load %arg8[%swap3A_225, %swap3A_226] {strides = array<i32>} : memref<8x128xi32, #tpu.memory_space<vmem>>, vector<1x16xi32>,
      %swap3A_228 = vector.shape_cast %swap3A_227 : vector<1x16xi32> to vector<16xi32>
      %swap3A_229 = vector.shape_cast %add3A_223 : vector<16xi32> to vector<1x16xi32>
      tpu.vector_store %arg8[%swap3A_225, %swap3A_226], %swap3A_229 {strides = array<i32>} : memref<8x128xi32, #tpu.memory_space<vmem>>, vector<1x16xi32>,
      %get3A_230 = arith.constant 1 : i32
      %get3A_231 = arith.index_cast %get3A_230 : i32 to index
      %get3A_232 = arith.constant 48 : index
      %get3A_233 = tpu.vector_load %arg8[%get3A_231, %get3A_232] {strides = array<i32>} : memref<8x128xi32, #tpu.memory_space<vmem>>, vector<1x16xi32>,
      %get3A_234 = vector.shape_cast %get3A_233 : vector<1x16xi32> to vector<16xi32>
      %mul3A_235 = arith.constant 2 : i32
      %mul3A_236 = vector.broadcast %mul3A_235 : i32 to vector<16xi32>
      %mul3A_237 = arith.muli %get3A_234, %mul3A_236 : vector<16xi32>
      %add3A_238 = vector.broadcast %arg0 : i32 to vector<16xi32>
      %add3A_239 = arith.addi %mul3A_237, %add3A_238 : vector<16xi32>
      %swap3A_240 = arith.constant 1 : i32
      %swap3A_241 = arith.index_cast %swap3A_240 : i32 to index
      %swap3A_242 = arith.constant 48 : index
      %swap3A_243 = tpu.vector_load %arg8[%swap3A_241, %swap3A_242] {strides = array<i32>} : memref<8x128xi32, #tpu.memory_space<vmem>>, vector<1x16xi32>,
      %swap3A_244 = vector.shape_cast %swap3A_243 : vector<1x16xi32> to vector<16xi32>
      %swap3A_245 = vector.shape_cast %add3A_239 : vector<16xi32> to vector<1x16xi32>
      tpu.vector_store %arg8[%swap3A_241, %swap3A_242], %swap3A_245 {strides = array<i32>} : memref<8x128xi32, #tpu.memory_space<vmem>>, vector<1x16xi32>,
      %get3A_246 = arith.constant 1 : i32
      %get3A_247 = arith.index_cast %get3A_246 : i32 to index
      %get3A_248 = arith.constant 64 : index
      %get3A_249 = tpu.vector_load %arg8[%get3A_247, %get3A_248] {strides = array<i32>} : memref<8x128xi32, #tpu.memory_space<vmem>>, vector<1x16xi32>,
      %get3A_250 = vector.shape_cast %get3A_249 : vector<1x16xi32> to vector<16xi32>
      %mul3A_251 = arith.constant 2 : i32
      %mul3A_252 = vector.broadcast %mul3A_251 : i32 to vector<16xi32>
      %mul3A_253 = arith.muli %get3A_250, %mul3A_252 : vector<16xi32>
      %add3A_254 = vector.broadcast %arg0 : i32 to vector<16xi32>
      %add3A_255 = arith.addi %mul3A_253, %add3A_254 : vector<16xi32>
      %swap3A_256 = arith.constant 1 : i32
      %swap3A_257 = arith.index_cast %swap3A_256 : i32 to index
      %swap3A_258 = arith.constant 64 : index
      %swap3A_259 = tpu.vector_load %arg8[%swap3A_257, %swap3A_258] {strides = array<i32>} : memref<8x128xi32, #tpu.memory_space<vmem>>, vector<1x16xi32>,
      %swap3A_260 = vector.shape_cast %swap3A_259 : vector<1x16xi32> to vector<16xi32>
      %swap3A_261 = vector.shape_cast %add3A_255 : vector<16xi32> to vector<1x16xi32>
      tpu.vector_store %arg8[%swap3A_257, %swap3A_258], %swap3A_261 {strides = array<i32>} : memref<8x128xi32, #tpu.memory_space<vmem>>, vector<1x16xi32>,
      %get3A_262 = arith.constant 1 : i32
      %get3A_263 = arith.index_cast %get3A_262 : i32 to index
      %get3A_264 = arith.constant 80 : index
      %get3A_265 = tpu.vector_load %arg8[%get3A_263, %get3A_264] {strides = array<i32>} : memref<8x128xi32, #tpu.memory_space<vmem>>, vector<1x16xi32>,
      %get3A_266 = vector.shape_cast %get3A_265 : vector<1x16xi32> to vector<16xi32>
      %mul3A_267 = arith.constant 2 : i32
      %mul3A_268 = vector.broadcast %mul3A_267 : i32 to vector<16xi32>
      %mul3A_269 = arith.muli %get3A_266, %mul3A_268 : vector<16xi32>
      %add3A_270 = vector.broadcast %arg0 : i32 to vector<16xi32>
      %add3A_271 = arith.addi %mul3A_269, %add3A_270 : vector<16xi32>
      %swap3A_272 = arith.constant 1 : i32
      %swap3A_273 = arith.index_cast %swap3A_272 : i32 to index
      %swap3A_274 = arith.constant 80 : index
      %swap3A_275 = tpu.vector_load %arg8[%swap3A_273, %swap3A_274] {strides = array<i32>} : memref<8x128xi32, #tpu.memory_space<vmem>>, vector<1x16xi32>,
      %swap3A_276 = vector.shape_cast %swap3A_275 : vector<1x16xi32> to vector<16xi32>
      %swap3A_277 = vector.shape_cast %add3A_271 : vector<16xi32> to vector<1x16xi32>
      tpu.vector_store %arg8[%swap3A_273, %swap3A_274], %swap3A_277 {strides = array<i32>} : memref<8x128xi32, #tpu.memory_space<vmem>>, vector<1x16xi32>,
      %get3A_278 = arith.constant 1 : i32
      %get3A_279 = arith.index_cast %get3A_278 : i32 to index
      %get3A_280 = arith.constant 96 : index
      %get3A_281 = tpu.vector_load %arg8[%get3A_279, %get3A_280] {strides = array<i32>} : memref<8x128xi32, #tpu.memory_space<vmem>>, vector<1x16xi32>,
      %get3A_282 = vector.shape_cast %get3A_281 : vector<1x16xi32> to vector<16xi32>
      %mul3A_283 = arith.constant 2 : i32
      %mul3A_284 = vector.broadcast %mul3A_283 : i32 to vector<16xi32>
      %mul3A_285 = arith.muli %get3A_282, %mul3A_284 : vector<16xi32>
      %add3A_286 = vector.broadcast %arg0 : i32 to vector<16xi32>
      %add3A_287 = arith.addi %mul3A_285, %add3A_286 : vector<16xi32>
      %swap3A_288 = arith.constant 1 : i32
      %swap3A_289 = arith.index_cast %swap3A_288 : i32 to index
      %swap3A_290 = arith.constant 96 : index
      %swap3A_291 = tpu.vector_load %arg8[%swap3A_289, %swap3A_290] {strides = array<i32>} : memref<8x128xi32, #tpu.memory_space<vmem>>, vector<1x16xi32>,
      %swap3A_292 = vector.shape_cast %swap3A_291 : vector<1x16xi32> to vector<16xi32>
      %swap3A_293 = vector.shape_cast %add3A_287 : vector<16xi32> to vector<1x16xi32>
      tpu.vector_store %arg8[%swap3A_289, %swap3A_290], %swap3A_293 {strides = array<i32>} : memref<8x128xi32, #tpu.memory_space<vmem>>, vector<1x16xi32>,
      %get3A_294 = arith.constant 1 : i32
      %get3A_295 = arith.index_cast %get3A_294 : i32 to index
      %get3A_296 = arith.constant 112 : index
      %get3A_297 = tpu.vector_load %arg8[%get3A_295, %get3A_296] {strides = array<i32>} : memref<8x128xi32, #tpu.memory_space<vmem>>, vector<1x16xi32>,
      %get3A_298 = vector.shape_cast %get3A_297 : vector<1x16xi32> to vector<16xi32>
      %mul3A_299 = arith.constant 2 : i32
      %mul3A_300 = vector.broadcast %mul3A_299 : i32 to vector<16xi32>
      %mul3A_301 = arith.muli %get3A_298, %mul3A_300 : vector<16xi32>
      %add3A_302 = vector.broadcast %arg0 : i32 to vector<16xi32>
      %add3A_303 = arith.addi %mul3A_301, %add3A_302 : vector<16xi32>
      %swap3A_304 = arith.constant 1 : i32
      %swap3A_305 = arith.index_cast %swap3A_304 : i32 to index
      %swap3A_306 = arith.constant 112 : index
      %swap3A_307 = tpu.vector_load %arg8[%swap3A_305, %swap3A_306] {strides = array<i32>} : memref<8x128xi32, #tpu.memory_space<vmem>>, vector<1x16xi32>,
      %swap3A_308 = vector.shape_cast %swap3A_307 : vector<1x16xi32> to vector<16xi32>
      %swap3A_309 = vector.shape_cast %add3A_303 : vector<16xi32> to vector<1x16xi32>
      tpu.vector_store %arg8[%swap3A_305, %swap3A_306], %swap3A_309 {strides = array<i32>} : memref<8x128xi32, #tpu.memory_space<vmem>>, vector<1x16xi32>,
      %dma_start3A_310 = arith.constant 1 : i32
      %dma_start3A_311 = arith.constant 0 : i32
      %dma_start3A_312 = tpu.memref_slice %arg8[%dma_start3A_310, %dma_start3A_311] : memref<8x128xi32, #tpu.memory_space<vmem>> -> memref<1x128xi32, #tpu.memory_space<vmem>>
      %dma_start3A_313 = tpu.memref_squeeze %dma_start3A_312 : memref<1x128xi32, #tpu.memory_space<vmem>> -> memref<128xi32, #tpu.memory_space<vmem>>
      %dma_start3A_314 = arith.constant 0 : i32
      %dma_start3A_315 = arith.constant 0 : i32
      %dma_start3A_316 = tpu.memref_slice %arg2[%dma_start3A_314, %dma_start3A_315] : memref<20000x128xf32, #tpu.memory_space<hbm>> -> memref<20000x128xf32, #tpu.memory_space<hbm>>
      tpu.enqueue_indirect_dma source(%dma_start3A_316 : memref<20000x128xf32, #tpu.memory_space<hbm>>) target(%arg10 : memref<128x128xf32, #tpu.memory_space<vmem>>) offsets(%dma_start3A_313 : memref<128xi32, #tpu.memory_space<vmem>>) semaphore(%arg12 : memref<!tpu.dma_semaphore, #tpu.memory_space<semaphore_mem>>)
      %dma_wait3A_317 = arith.constant 1 : i32
      %dma_wait3A_318 = arith.constant 0 : i32
      %dma_wait3A_319 = tpu.memref_slice %arg8[%dma_wait3A_317, %dma_wait3A_318] : memref<8x128xi32, #tpu.memory_space<vmem>> -> memref<1x128xi32, #tpu.memory_space<vmem>>
      %dma_wait3A_320 = tpu.memref_squeeze %dma_wait3A_319 : memref<1x128xi32, #tpu.memory_space<vmem>> -> memref<128xi32, #tpu.memory_space<vmem>>
      %dma_wait3A_321 = arith.constant 0 : i32
      %dma_wait3A_322 = arith.constant 0 : i32
      %dma_wait3A_323 = tpu.memref_slice %arg2[%dma_wait3A_321, %dma_wait3A_322] : memref<20000x128xf32, #tpu.memory_space<hbm>> -> memref<20000x128xf32, #tpu.memory_space<hbm>>
      tpu.wait_indirect_dma semaphore(%arg12 : memref<!tpu.dma_semaphore, #tpu.memory_space<semaphore_mem>>) src(%dma_wait3A_323 : memref<20000x128xf32, #tpu.memory_space<hbm>>) dst(%arg10 : memref<128x128xf32, #tpu.memory_space<vmem>>)
      %run_scoped3A_324 = arith.constant 1 : i32
      "tpu.region"() ({
        %run_scoped3A_1183 = tpu.sem_alloc : memref<!tpu.dma_semaphore, #tpu.memory_space<semaphore_mem>>
        %dma_start3A_1184 = arith.constant 0 : i32
        %dma_start3A_1185 = tpu.memref_slice %arg9[%run_scoped3A_324, %dma_start3A_1184] : memref<8x128xi32, #tpu.memory_space<vmem>> -> memref<1x128xi32, #tpu.memory_space<vmem>>
        %dma_start3A_1186 = tpu.memref_squeeze %dma_start3A_1185 : memref<1x128xi32, #tpu.memory_space<vmem>> -> memref<128xi32, #tpu.memory_space<vmem>>
        %dma_start3A_1187 = arith.constant 0 : i32
        %dma_start3A_1188 = arith.constant 0 : i32
        %dma_start3A_1189 = tpu.memref_slice %arg11[%dma_start3A_1187, %dma_start3A_1188] : memref<10240x128xf32, #tpu.memory_space<vmem_shared>> -> memref<10240x128xf32, #tpu.memory_space<vmem_shared>>
        tpu.enqueue_indirect_dma source(%arg10 : memref<128x128xf32, #tpu.memory_space<vmem>>) target(%dma_start3A_1189 : memref<10240x128xf32, #tpu.memory_space<vmem_shared>>) offsets(%dma_start3A_1186 : memref<128xi32, #tpu.memory_space<vmem>>) semaphore(%run_scoped3A_1183 : memref<!tpu.dma_semaphore, #tpu.memory_space<semaphore_mem>>) {add = true}
        %dma_wait3A_1190 = arith.constant 0 : i32
        %dma_wait3A_1191 = tpu.memref_slice %arg9[%run_scoped3A_324, %dma_wait3A_1190] : memref<8x128xi32, #tpu.memory_space<vmem>> -> memref<1x128xi32, #tpu.memory_space<vmem>>
        %dma_wait3A_1192 = tpu.memref_squeeze %dma_wait3A_1191 : memref<1x128xi32, #tpu.memory_space<vmem>> -> memref<128xi32, #tpu.memory_space<vmem>>
        %dma_wait3A_1193 = arith.constant 0 : i32
        %dma_wait3A_1194 = arith.constant 0 : i32
        %dma_wait3A_1195 = tpu.memref_slice %arg11[%dma_wait3A_1193, %dma_wait3A_1194] : memref<10240x128xf32, #tpu.memory_space<vmem_shared>> -> memref<10240x128xf32, #tpu.memory_space<vmem_shared>>
        tpu.wait_indirect_dma semaphore(%run_scoped3A_1183 : memref<!tpu.dma_semaphore, #tpu.memory_space<semaphore_mem>>) src(%arg10 : memref<128x128xf32, #tpu.memory_space<vmem>>) dst(%dma_wait3A_1195 : memref<10240x128xf32, #tpu.memory_space<vmem_shared>>)
        tpu.yield
      }) : () -> ()
      %get3A_325 = arith.constant 2 : i32
      %get3A_326 = arith.index_cast %get3A_325 : i32 to index
      %get3A_327 = arith.constant 0 : index
      %get3A_328 = tpu.vector_load %arg8[%get3A_326, %get3A_327] {strides = array<i32>} : memref<8x128xi32, #tpu.memory_space<vmem>>, vector<1x16xi32>,
      %get3A_329 = vector.shape_cast %get3A_328 : vector<1x16xi32> to vector<16xi32>
      %mul3A_330 = arith.constant 2 : i32
      %mul3A_331 = vector.broadcast %mul3A_330 : i32 to vector<16xi32>
      %mul3A_332 = arith.muli %get3A_329, %mul3A_331 : vector<16xi32>
      %add3A_333 = vector.broadcast %arg0 : i32 to vector<16xi32>
      %add3A_334 = arith.addi %mul3A_332, %add3A_333 : vector<16xi32>
      %swap3A_335 = arith.constant 2 : i32
      %swap3A_336 = arith.index_cast %swap3A_335 : i32 to index
      %swap3A_337 = arith.constant 0 : index
      %swap3A_338 = tpu.vector_load %arg8[%swap3A_336, %swap3A_337] {strides = array<i32>} : memref<8x128xi32, #tpu.memory_space<vmem>>, vector<1x16xi32>,
      %swap3A_339 = vector.shape_cast %swap3A_338 : vector<1x16xi32> to vector<16xi32>
      %swap3A_340 = vector.shape_cast %add3A_334 : vector<16xi32> to vector<1x16xi32>
      tpu.vector_store %arg8[%swap3A_336, %swap3A_337], %swap3A_340 {strides = array<i32>} : memref<8x128xi32, #tpu.memory_space<vmem>>, vector<1x16xi32>,
      %get3A_341 = arith.constant 2 : i32
      %get3A_342 = arith.index_cast %get3A_341 : i32 to index
      %get3A_343 = arith.constant 16 : index
      %get3A_344 = tpu.vector_load %arg8[%get3A_342, %get3A_343] {strides = array<i32>} : memref<8x128xi32, #tpu.memory_space<vmem>>, vector<1x16xi32>,
      %get3A_345 = vector.shape_cast %get3A_344 : vector<1x16xi32> to vector<16xi32>
      %mul3A_346 = arith.constant 2 : i32
      %mul3A_347 = vector.broadcast %mul3A_346 : i32 to vector<16xi32>
      %mul3A_348 = arith.muli %get3A_345, %mul3A_347 : vector<16xi32>
      %add3A_349 = vector.broadcast %arg0 : i32 to vector<16xi32>
      %add3A_350 = arith.addi %mul3A_348, %add3A_349 : vector<16xi32>
      %swap3A_351 = arith.constant 2 : i32
      %swap3A_352 = arith.index_cast %swap3A_351 : i32 to index
      %swap3A_353 = arith.constant 16 : index
      %swap3A_354 = tpu.vector_load %arg8[%swap3A_352, %swap3A_353] {strides = array<i32>} : memref<8x128xi32, #tpu.memory_space<vmem>>, vector<1x16xi32>,
      %swap3A_355 = vector.shape_cast %swap3A_354 : vector<1x16xi32> to vector<16xi32>
      %swap3A_356 = vector.shape_cast %add3A_350 : vector<16xi32> to vector<1x16xi32>
      tpu.vector_store %arg8[%swap3A_352, %swap3A_353], %swap3A_356 {strides = array<i32>} : memref<8x128xi32, #tpu.memory_space<vmem>>, vector<1x16xi32>,
      %get3A_357 = arith.constant 2 : i32
      %get3A_358 = arith.index_cast %get3A_357 : i32 to index
      %get3A_359 = arith.constant 32 : index
      %get3A_360 = tpu.vector_load %arg8[%get3A_358, %get3A_359] {strides = array<i32>} : memref<8x128xi32, #tpu.memory_space<vmem>>, vector<1x16xi32>,
      %get3A_361 = vector.shape_cast %get3A_360 : vector<1x16xi32> to vector<16xi32>
      %mul3A_362 = arith.constant 2 : i32
      %mul3A_363 = vector.broadcast %mul3A_362 : i32 to vector<16xi32>
      %mul3A_364 = arith.muli %get3A_361, %mul3A_363 : vector<16xi32>
      %add3A_365 = vector.broadcast %arg0 : i32 to vector<16xi32>
      %add3A_366 = arith.addi %mul3A_364, %add3A_365 : vector<16xi32>
      %swap3A_367 = arith.constant 2 : i32
      %swap3A_368 = arith.index_cast %swap3A_367 : i32 to index
      %swap3A_369 = arith.constant 32 : index
      %swap3A_370 = tpu.vector_load %arg8[%swap3A_368, %swap3A_369] {strides = array<i32>} : memref<8x128xi32, #tpu.memory_space<vmem>>, vector<1x16xi32>,
      %swap3A_371 = vector.shape_cast %swap3A_370 : vector<1x16xi32> to vector<16xi32>
      %swap3A_372 = vector.shape_cast %add3A_366 : vector<16xi32> to vector<1x16xi32>
      tpu.vector_store %arg8[%swap3A_368, %swap3A_369], %swap3A_372 {strides = array<i32>} : memref<8x128xi32, #tpu.memory_space<vmem>>, vector<1x16xi32>,
      %get3A_373 = arith.constant 2 : i32
      %get3A_374 = arith.index_cast %get3A_373 : i32 to index
      %get3A_375 = arith.constant 48 : index
      %get3A_376 = tpu.vector_load %arg8[%get3A_374, %get3A_375] {strides = array<i32>} : memref<8x128xi32, #tpu.memory_space<vmem>>, vector<1x16xi32>,
      %get3A_377 = vector.shape_cast %get3A_376 : vector<1x16xi32> to vector<16xi32>
      %mul3A_378 = arith.constant 2 : i32
      %mul3A_379 = vector.broadcast %mul3A_378 : i32 to vector<16xi32>
      %mul3A_380 = arith.muli %get3A_377, %mul3A_379 : vector<16xi32>
      %add3A_381 = vector.broadcast %arg0 : i32 to vector<16xi32>
      %add3A_382 = arith.addi %mul3A_380, %add3A_381 : vector<16xi32>
      %swap3A_383 = arith.constant 2 : i32
      %swap3A_384 = arith.index_cast %swap3A_383 : i32 to index
      %swap3A_385 = arith.constant 48 : index
      %swap3A_386 = tpu.vector_load %arg8[%swap3A_384, %swap3A_385] {strides = array<i32>} : memref<8x128xi32, #tpu.memory_space<vmem>>, vector<1x16xi32>,
      %swap3A_387 = vector.shape_cast %swap3A_386 : vector<1x16xi32> to vector<16xi32>
      %swap3A_388 = vector.shape_cast %add3A_382 : vector<16xi32> to vector<1x16xi32>
      tpu.vector_store %arg8[%swap3A_384, %swap3A_385], %swap3A_388 {strides = array<i32>} : memref<8x128xi32, #tpu.memory_space<vmem>>, vector<1x16xi32>,
      %get3A_389 = arith.constant 2 : i32
      %get3A_390 = arith.index_cast %get3A_389 : i32 to index
      %get3A_391 = arith.constant 64 : index
      %get3A_392 = tpu.vector_load %arg8[%get3A_390, %get3A_391] {strides = array<i32>} : memref<8x128xi32, #tpu.memory_space<vmem>>, vector<1x16xi32>,
      %get3A_393 = vector.shape_cast %get3A_392 : vector<1x16xi32> to vector<16xi32>
      %mul3A_394 = arith.constant 2 : i32
      %mul3A_395 = vector.broadcast %mul3A_394 : i32 to vector<16xi32>
      %mul3A_396 = arith.muli %get3A_393, %mul3A_395 : vector<16xi32>
      %add3A_397 = vector.broadcast %arg0 : i32 to vector<16xi32>
      %add3A_398 = arith.addi %mul3A_396, %add3A_397 : vector<16xi32>
      %swap3A_399 = arith.constant 2 : i32
      %swap3A_400 = arith.index_cast %swap3A_399 : i32 to index
      %swap3A_401 = arith.constant 64 : index
      %swap3A_402 = tpu.vector_load %arg8[%swap3A_400, %swap3A_401] {strides = array<i32>} : memref<8x128xi32, #tpu.memory_space<vmem>>, vector<1x16xi32>,
      %swap3A_403 = vector.shape_cast %swap3A_402 : vector<1x16xi32> to vector<16xi32>
      %swap3A_404 = vector.shape_cast %add3A_398 : vector<16xi32> to vector<1x16xi32>
      tpu.vector_store %arg8[%swap3A_400, %swap3A_401], %swap3A_404 {strides = array<i32>} : memref<8x128xi32, #tpu.memory_space<vmem>>, vector<1x16xi32>,
      %get3A_405 = arith.constant 2 : i32
      %get3A_406 = arith.index_cast %get3A_405 : i32 to index
      %get3A_407 = arith.constant 80 : index
      %get3A_408 = tpu.vector_load %arg8[%get3A_406, %get3A_407] {strides = array<i32>} : memref<8x128xi32, #tpu.memory_space<vmem>>, vector<1x16xi32>,
      %get3A_409 = vector.shape_cast %get3A_408 : vector<1x16xi32> to vector<16xi32>
      %mul3A_410 = arith.constant 2 : i32
      %mul3A_411 = vector.broadcast %mul3A_410 : i32 to vector<16xi32>
      %mul3A_412 = arith.muli %get3A_409, %mul3A_411 : vector<16xi32>
      %add3A_413 = vector.broadcast %arg0 : i32 to vector<16xi32>
      %add3A_414 = arith.addi %mul3A_412, %add3A_413 : vector<16xi32>
      %swap3A_415 = arith.constant 2 : i32
      %swap3A_416 = arith.index_cast %swap3A_415 : i32 to index
      %swap3A_417 = arith.constant 80 : index
      %swap3A_418 = tpu.vector_load %arg8[%swap3A_416, %swap3A_417] {strides = array<i32>} : memref<8x128xi32, #tpu.memory_space<vmem>>, vector<1x16xi32>,
      %swap3A_419 = vector.shape_cast %swap3A_418 : vector<1x16xi32> to vector<16xi32>
      %swap3A_420 = vector.shape_cast %add3A_414 : vector<16xi32> to vector<1x16xi32>
      tpu.vector_store %arg8[%swap3A_416, %swap3A_417], %swap3A_420 {strides = array<i32>} : memref<8x128xi32, #tpu.memory_space<vmem>>, vector<1x16xi32>,
      %get3A_421 = arith.constant 2 : i32
      %get3A_422 = arith.index_cast %get3A_421 : i32 to index
      %get3A_423 = arith.constant 96 : index
      %get3A_424 = tpu.vector_load %arg8[%get3A_422, %get3A_423] {strides = array<i32>} : memref<8x128xi32, #tpu.memory_space<vmem>>, vector<1x16xi32>,
      %get3A_425 = vector.shape_cast %get3A_424 : vector<1x16xi32> to vector<16xi32>
      %mul3A_426 = arith.constant 2 : i32
      %mul3A_427 = vector.broadcast %mul3A_426 : i32 to vector<16xi32>
      %mul3A_428 = arith.muli %get3A_425, %mul3A_427 : vector<16xi32>
      %add3A_429 = vector.broadcast %arg0 : i32 to vector<16xi32>
      %add3A_430 = arith.addi %mul3A_428, %add3A_429 : vector<16xi32>
      %swap3A_431 = arith.constant 2 : i32
      %swap3A_432 = arith.index_cast %swap3A_431 : i32 to index
      %swap3A_433 = arith.constant 96 : index
      %swap3A_434 = tpu.vector_load %arg8[%swap3A_432, %swap3A_433] {strides = array<i32>} : memref<8x128xi32, #tpu.memory_space<vmem>>, vector<1x16xi32>,
      %swap3A_435 = vector.shape_cast %swap3A_434 : vector<1x16xi32> to vector<16xi32>
      %swap3A_436 = vector.shape_cast %add3A_430 : vector<16xi32> to vector<1x16xi32>
      tpu.vector_store %arg8[%swap3A_432, %swap3A_433], %swap3A_436 {strides = array<i32>} : memref<8x128xi32, #tpu.memory_space<vmem>>, vector<1x16xi32>,
      %get3A_437 = arith.constant 2 : i32
      %get3A_438 = arith.index_cast %get3A_437 : i32 to index
      %get3A_439 = arith.constant 112 : index
      %get3A_440 = tpu.vector_load %arg8[%get3A_438, %get3A_439] {strides = array<i32>} : memref<8x128xi32, #tpu.memory_space<vmem>>, vector<1x16xi32>,
      %get3A_441 = vector.shape_cast %get3A_440 : vector<1x16xi32> to vector<16xi32>
      %mul3A_442 = arith.constant 2 : i32
      %mul3A_443 = vector.broadcast %mul3A_442 : i32 to vector<16xi32>
      %mul3A_444 = arith.muli %get3A_441, %mul3A_443 : vector<16xi32>
      %add3A_445 = vector.broadcast %arg0 : i32 to vector<16xi32>
      %add3A_446 = arith.addi %mul3A_444, %add3A_445 : vector<16xi32>
      %swap3A_447 = arith.constant 2 : i32
      %swap3A_448 = arith.index_cast %swap3A_447 : i32 to index
      %swap3A_449 = arith.constant 112 : index
      %swap3A_450 = tpu.vector_load %arg8[%swap3A_448, %swap3A_449] {strides = array<i32>} : memref<8x128xi32, #tpu.memory_space<vmem>>, vector<1x16xi32>,
      %swap3A_451 = vector.shape_cast %swap3A_450 : vector<1x16xi32> to vector<16xi32>
      %swap3A_452 = vector.shape_cast %add3A_446 : vector<16xi32> to vector<1x16xi32>
      tpu.vector_store %arg8[%swap3A_448, %swap3A_449], %swap3A_452 {strides = array<i32>} : memref<8x128xi32, #tpu.memory_space<vmem>>, vector<1x16xi32>,
      %dma_start3A_453 = arith.constant 2 : i32
      %dma_start3A_454 = arith.constant 0 : i32
      %dma_start3A_455 = tpu.memref_slice %arg8[%dma_start3A_453, %dma_start3A_454] : memref<8x128xi32, #tpu.memory_space<vmem>> -> memref<1x128xi32, #tpu.memory_space<vmem>>
      %dma_start3A_456 = tpu.memref_squeeze %dma_start3A_455 : memref<1x128xi32, #tpu.memory_space<vmem>> -> memref<128xi32, #tpu.memory_space<vmem>>
      %dma_start3A_457 = arith.constant 0 : i32
      %dma_start3A_458 = arith.constant 0 : i32
      %dma_start3A_459 = tpu.memref_slice %arg2[%dma_start3A_457, %dma_start3A_458] : memref<20000x128xf32, #tpu.memory_space<hbm>> -> memref<20000x128xf32, #tpu.memory_space<hbm>>
      tpu.enqueue_indirect_dma source(%dma_start3A_459 : memref<20000x128xf32, #tpu.memory_space<hbm>>) target(%arg10 : memref<128x128xf32, #tpu.memory_space<vmem>>) offsets(%dma_start3A_456 : memref<128xi32, #tpu.memory_space<vmem>>) semaphore(%arg12 : memref<!tpu.dma_semaphore, #tpu.memory_space<semaphore_mem>>)
      %dma_wait3A_460 = arith.constant 2 : i32
      %dma_wait3A_461 = arith.constant 0 : i32
      %dma_wait3A_462 = tpu.memref_slice %arg8[%dma_wait3A_460, %dma_wait3A_461] : memref<8x128xi32, #tpu.memory_space<vmem>> -> memref<1x128xi32, #tpu.memory_space<vmem>>
      %dma_wait3A_463 = tpu.memref_squeeze %dma_wait3A_462 : memref<1x128xi32, #tpu.memory_space<vmem>> -> memref<128xi32, #tpu.memory_space<vmem>>
      %dma_wait3A_464 = arith.constant 0 : i32
      %dma_wait3A_465 = arith.constant 0 : i32
      %dma_wait3A_466 = tpu.memref_slice %arg2[%dma_wait3A_464, %dma_wait3A_465] : memref<20000x128xf32, #tpu.memory_space<hbm>> -> memref<20000x128xf32, #tpu.memory_space<hbm>>
      tpu.wait_indirect_dma semaphore(%arg12 : memref<!tpu.dma_semaphore, #tpu.memory_space<semaphore_mem>>) src(%dma_wait3A_466 : memref<20000x128xf32, #tpu.memory_space<hbm>>) dst(%arg10 : memref<128x128xf32, #tpu.memory_space<vmem>>)
      %run_scoped3A_467 = arith.constant 2 : i32
      "tpu.region"() ({
        %run_scoped3A_1183 = tpu.sem_alloc : memref<!tpu.dma_semaphore, #tpu.memory_space<semaphore_mem>>
        %dma_start3A_1184 = arith.constant 0 : i32
        %dma_start3A_1185 = tpu.memref_slice %arg9[%run_scoped3A_467, %dma_start3A_1184] : memref<8x128xi32, #tpu.memory_space<vmem>> -> memref<1x128xi32, #tpu.memory_space<vmem>>
        %dma_start3A_1186 = tpu.memref_squeeze %dma_start3A_1185 : memref<1x128xi32, #tpu.memory_space<vmem>> -> memref<128xi32, #tpu.memory_space<vmem>>
        %dma_start3A_1187 = arith.constant 0 : i32
        %dma_start3A_1188 = arith.constant 0 : i32
        %dma_start3A_1189 = tpu.memref_slice %arg11[%dma_start3A_1187, %dma_start3A_1188] : memref<10240x128xf32, #tpu.memory_space<vmem_shared>> -> memref<10240x128xf32, #tpu.memory_space<vmem_shared>>
        tpu.enqueue_indirect_dma source(%arg10 : memref<128x128xf32, #tpu.memory_space<vmem>>) target(%dma_start3A_1189 : memref<10240x128xf32, #tpu.memory_space<vmem_shared>>) offsets(%dma_start3A_1186 : memref<128xi32, #tpu.memory_space<vmem>>) semaphore(%run_scoped3A_1183 : memref<!tpu.dma_semaphore, #tpu.memory_space<semaphore_mem>>) {add = true}
        %dma_wait3A_1190 = arith.constant 0 : i32
        %dma_wait3A_1191 = tpu.memref_slice %arg9[%run_scoped3A_467, %dma_wait3A_1190] : memref<8x128xi32, #tpu.memory_space<vmem>> -> memref<1x128xi32, #tpu.memory_space<vmem>>
        %dma_wait3A_1192 = tpu.memref_squeeze %dma_wait3A_1191 : memref<1x128xi32, #tpu.memory_space<vmem>> -> memref<128xi32, #tpu.memory_space<vmem>>
        %dma_wait3A_1193 = arith.constant 0 : i32
        %dma_wait3A_1194 = arith.constant 0 : i32
        %dma_wait3A_1195 = tpu.memref_slice %arg11[%dma_wait3A_1193, %dma_wait3A_1194] : memref<10240x128xf32, #tpu.memory_space<vmem_shared>> -> memref<10240x128xf32, #tpu.memory_space<vmem_shared>>
        tpu.wait_indirect_dma semaphore(%run_scoped3A_1183 : memref<!tpu.dma_semaphore, #tpu.memory_space<semaphore_mem>>) src(%arg10 : memref<128x128xf32, #tpu.memory_space<vmem>>) dst(%dma_wait3A_1195 : memref<10240x128xf32, #tpu.memory_space<vmem_shared>>)
        tpu.yield
      }) : () -> ()
      %get3A_468 = arith.constant 3 : i32
      %get3A_469 = arith.index_cast %get3A_468 : i32 to index
      %get3A_470 = arith.constant 0 : index
      %get3A_471 = tpu.vector_load %arg8[%get3A_469, %get3A_470] {strides = array<i32>} : memref<8x128xi32, #tpu.memory_space<vmem>>, vector<1x16xi32>,
      %get3A_472 = vector.shape_cast %get3A_471 : vector<1x16xi32> to vector<16xi32>
      %mul3A_473 = arith.constant 2 : i32
      %mul3A_474 = vector.broadcast %mul3A_473 : i32 to vector<16xi32>
      %mul3A_475 = arith.muli %get3A_472, %mul3A_474 : vector<16xi32>
      %add3A_476 = vector.broadcast %arg0 : i32 to vector<16xi32>
      %add3A_477 = arith.addi %mul3A_475, %add3A_476 : vector<16xi32>
      %swap3A_478 = arith.constant 3 : i32
      %swap3A_479 = arith.index_cast %swap3A_478 : i32 to index
      %swap3A_480 = arith.constant 0 : index
      %swap3A_481 = tpu.vector_load %arg8[%swap3A_479, %swap3A_480] {strides = array<i32>} : memref<8x128xi32, #tpu.memory_space<vmem>>, vector<1x16xi32>,
      %swap3A_482 = vector.shape_cast %swap3A_481 : vector<1x16xi32> to vector<16xi32>
      %swap3A_483 = vector.shape_cast %add3A_477 : vector<16xi32> to vector<1x16xi32>
      tpu.vector_store %arg8[%swap3A_479, %swap3A_480], %swap3A_483 {strides = array<i32>} : memref<8x128xi32, #tpu.memory_space<vmem>>, vector<1x16xi32>,
      %get3A_484 = arith.constant 3 : i32
      %get3A_485 = arith.index_cast %get3A_484 : i32 to index
      %get3A_486 = arith.constant 16 : index
      %get3A_487 = tpu.vector_load %arg8[%get3A_485, %get3A_486] {strides = array<i32>} : memref<8x128xi32, #tpu.memory_space<vmem>>, vector<1x16xi32>,
      %get3A_488 = vector.shape_cast %get3A_487 : vector<1x16xi32> to vector<16xi32>
      %mul3A_489 = arith.constant 2 : i32
      %mul3A_490 = vector.broadcast %mul3A_489 : i32 to vector<16xi32>
      %mul3A_491 = arith.muli %get3A_488, %mul3A_490 : vector<16xi32>
      %add3A_492 = vector.broadcast %arg0 : i32 to vector<16xi32>
      %add3A_493 = arith.addi %mul3A_491, %add3A_492 : vector<16xi32>
      %swap3A_494 = arith.constant 3 : i32
      %swap3A_495 = arith.index_cast %swap3A_494 : i32 to index
      %swap3A_496 = arith.constant 16 : index
      %swap3A_497 = tpu.vector_load %arg8[%swap3A_495, %swap3A_496] {strides = array<i32>} : memref<8x128xi32, #tpu.memory_space<vmem>>, vector<1x16xi32>,
      %swap3A_498 = vector.shape_cast %swap3A_497 : vector<1x16xi32> to vector<16xi32>
      %swap3A_499 = vector.shape_cast %add3A_493 : vector<16xi32> to vector<1x16xi32>
      tpu.vector_store %arg8[%swap3A_495, %swap3A_496], %swap3A_499 {strides = array<i32>} : memref<8x128xi32, #tpu.memory_space<vmem>>, vector<1x16xi32>,
      %get3A_500 = arith.constant 3 : i32
      %get3A_501 = arith.index_cast %get3A_500 : i32 to index
      %get3A_502 = arith.constant 32 : index
      %get3A_503 = tpu.vector_load %arg8[%get3A_501, %get3A_502] {strides = array<i32>} : memref<8x128xi32, #tpu.memory_space<vmem>>, vector<1x16xi32>,
      %get3A_504 = vector.shape_cast %get3A_503 : vector<1x16xi32> to vector<16xi32>
      %mul3A_505 = arith.constant 2 : i32
      %mul3A_506 = vector.broadcast %mul3A_505 : i32 to vector<16xi32>
      %mul3A_507 = arith.muli %get3A_504, %mul3A_506 : vector<16xi32>
      %add3A_508 = vector.broadcast %arg0 : i32 to vector<16xi32>
      %add3A_509 = arith.addi %mul3A_507, %add3A_508 : vector<16xi32>
      %swap3A_510 = arith.constant 3 : i32
      %swap3A_511 = arith.index_cast %swap3A_510 : i32 to index
      %swap3A_512 = arith.constant 32 : index
      %swap3A_513 = tpu.vector_load %arg8[%swap3A_511, %swap3A_512] {strides = array<i32>} : memref<8x128xi32, #tpu.memory_space<vmem>>, vector<1x16xi32>,
      %swap3A_514 = vector.shape_cast %swap3A_513 : vector<1x16xi32> to vector<16xi32>
      %swap3A_515 = vector.shape_cast %add3A_509 : vector<16xi32> to vector<1x16xi32>
      tpu.vector_store %arg8[%swap3A_511, %swap3A_512], %swap3A_515 {strides = array<i32>} : memref<8x128xi32, #tpu.memory_space<vmem>>, vector<1x16xi32>,
      %get3A_516 = arith.constant 3 : i32
      %get3A_517 = arith.index_cast %get3A_516 : i32 to index
      %get3A_518 = arith.constant 48 : index
      %get3A_519 = tpu.vector_load %arg8[%get3A_517, %get3A_518] {strides = array<i32>} : memref<8x128xi32, #tpu.memory_space<vmem>>, vector<1x16xi32>,
      %get3A_520 = vector.shape_cast %get3A_519 : vector<1x16xi32> to vector<16xi32>
      %mul3A_521 = arith.constant 2 : i32
      %mul3A_522 = vector.broadcast %mul3A_521 : i32 to vector<16xi32>
      %mul3A_523 = arith.muli %get3A_520, %mul3A_522 : vector<16xi32>
      %add3A_524 = vector.broadcast %arg0 : i32 to vector<16xi32>
      %add3A_525 = arith.addi %mul3A_523, %add3A_524 : vector<16xi32>
      %swap3A_526 = arith.constant 3 : i32
      %swap3A_527 = arith.index_cast %swap3A_526 : i32 to index
      %swap3A_528 = arith.constant 48 : index
      %swap3A_529 = tpu.vector_load %arg8[%swap3A_527, %swap3A_528] {strides = array<i32>} : memref<8x128xi32, #tpu.memory_space<vmem>>, vector<1x16xi32>,
      %swap3A_530 = vector.shape_cast %swap3A_529 : vector<1x16xi32> to vector<16xi32>
      %swap3A_531 = vector.shape_cast %add3A_525 : vector<16xi32> to vector<1x16xi32>
      tpu.vector_store %arg8[%swap3A_527, %swap3A_528], %swap3A_531 {strides = array<i32>} : memref<8x128xi32, #tpu.memory_space<vmem>>, vector<1x16xi32>,
      %get3A_532 = arith.constant 3 : i32
      %get3A_533 = arith.index_cast %get3A_532 : i32 to index
      %get3A_534 = arith.constant 64 : index
      %get3A_535 = tpu.vector_load %arg8[%get3A_533, %get3A_534] {strides = array<i32>} : memref<8x128xi32, #tpu.memory_space<vmem>>, vector<1x16xi32>,
      %get3A_536 = vector.shape_cast %get3A_535 : vector<1x16xi32> to vector<16xi32>
      %mul3A_537 = arith.constant 2 : i32
      %mul3A_538 = vector.broadcast %mul3A_537 : i32 to vector<16xi32>
      %mul3A_539 = arith.muli %get3A_536, %mul3A_538 : vector<16xi32>
      %add3A_540 = vector.broadcast %arg0 : i32 to vector<16xi32>
      %add3A_541 = arith.addi %mul3A_539, %add3A_540 : vector<16xi32>
      %swap3A_542 = arith.constant 3 : i32
      %swap3A_543 = arith.index_cast %swap3A_542 : i32 to index
      %swap3A_544 = arith.constant 64 : index
      %swap3A_545 = tpu.vector_load %arg8[%swap3A_543, %swap3A_544] {strides = array<i32>} : memref<8x128xi32, #tpu.memory_space<vmem>>, vector<1x16xi32>,
      %swap3A_546 = vector.shape_cast %swap3A_545 : vector<1x16xi32> to vector<16xi32>
      %swap3A_547 = vector.shape_cast %add3A_541 : vector<16xi32> to vector<1x16xi32>
      tpu.vector_store %arg8[%swap3A_543, %swap3A_544], %swap3A_547 {strides = array<i32>} : memref<8x128xi32, #tpu.memory_space<vmem>>, vector<1x16xi32>,
      %get3A_548 = arith.constant 3 : i32
      %get3A_549 = arith.index_cast %get3A_548 : i32 to index
      %get3A_550 = arith.constant 80 : index
      %get3A_551 = tpu.vector_load %arg8[%get3A_549, %get3A_550] {strides = array<i32>} : memref<8x128xi32, #tpu.memory_space<vmem>>, vector<1x16xi32>,
      %get3A_552 = vector.shape_cast %get3A_551 : vector<1x16xi32> to vector<16xi32>
      %mul3A_553 = arith.constant 2 : i32
      %mul3A_554 = vector.broadcast %mul3A_553 : i32 to vector<16xi32>
      %mul3A_555 = arith.muli %get3A_552, %mul3A_554 : vector<16xi32>
      %add3A_556 = vector.broadcast %arg0 : i32 to vector<16xi32>
      %add3A_557 = arith.addi %mul3A_555, %add3A_556 : vector<16xi32>
      %swap3A_558 = arith.constant 3 : i32
      %swap3A_559 = arith.index_cast %swap3A_558 : i32 to index
      %swap3A_560 = arith.constant 80 : index
      %swap3A_561 = tpu.vector_load %arg8[%swap3A_559, %swap3A_560] {strides = array<i32>} : memref<8x128xi32, #tpu.memory_space<vmem>>, vector<1x16xi32>,
      %swap3A_562 = vector.shape_cast %swap3A_561 : vector<1x16xi32> to vector<16xi32>
      %swap3A_563 = vector.shape_cast %add3A_557 : vector<16xi32> to vector<1x16xi32>
      tpu.vector_store %arg8[%swap3A_559, %swap3A_560], %swap3A_563 {strides = array<i32>} : memref<8x128xi32, #tpu.memory_space<vmem>>, vector<1x16xi32>,
      %get3A_564 = arith.constant 3 : i32
      %get3A_565 = arith.index_cast %get3A_564 : i32 to index
      %get3A_566 = arith.constant 96 : index
      %get3A_567 = tpu.vector_load %arg8[%get3A_565, %get3A_566] {strides = array<i32>} : memref<8x128xi32, #tpu.memory_space<vmem>>, vector<1x16xi32>,
      %get3A_568 = vector.shape_cast %get3A_567 : vector<1x16xi32> to vector<16xi32>
      %mul3A_569 = arith.constant 2 : i32
      %mul3A_570 = vector.broadcast %mul3A_569 : i32 to vector<16xi32>
      %mul3A_571 = arith.muli %get3A_568, %mul3A_570 : vector<16xi32>
      %add3A_572 = vector.broadcast %arg0 : i32 to vector<16xi32>
      %add3A_573 = arith.addi %mul3A_571, %add3A_572 : vector<16xi32>
      %swap3A_574 = arith.constant 3 : i32
      %swap3A_575 = arith.index_cast %swap3A_574 : i32 to index
      %swap3A_576 = arith.constant 96 : index
      %swap3A_577 = tpu.vector_load %arg8[%swap3A_575, %swap3A_576] {strides = array<i32>} : memref<8x128xi32, #tpu.memory_space<vmem>>, vector<1x16xi32>,
      %swap3A_578 = vector.shape_cast %swap3A_577 : vector<1x16xi32> to vector<16xi32>
      %swap3A_579 = vector.shape_cast %add3A_573 : vector<16xi32> to vector<1x16xi32>
      tpu.vector_store %arg8[%swap3A_575, %swap3A_576], %swap3A_579 {strides = array<i32>} : memref<8x128xi32, #tpu.memory_space<vmem>>, vector<1x16xi32>,
      %get3A_580 = arith.constant 3 : i32
      %get3A_581 = arith.index_cast %get3A_580 : i32 to index
      %get3A_582 = arith.constant 112 : index
      %get3A_583 = tpu.vector_load %arg8[%get3A_581, %get3A_582] {strides = array<i32>} : memref<8x128xi32, #tpu.memory_space<vmem>>, vector<1x16xi32>,
      %get3A_584 = vector.shape_cast %get3A_583 : vector<1x16xi32> to vector<16xi32>
      %mul3A_585 = arith.constant 2 : i32
      %mul3A_586 = vector.broadcast %mul3A_585 : i32 to vector<16xi32>
      %mul3A_587 = arith.muli %get3A_584, %mul3A_586 : vector<16xi32>
      %add3A_588 = vector.broadcast %arg0 : i32 to vector<16xi32>
      %add3A_589 = arith.addi %mul3A_587, %add3A_588 : vector<16xi32>
      %swap3A_590 = arith.constant 3 : i32
      %swap3A_591 = arith.index_cast %swap3A_590 : i32 to index
      %swap3A_592 = arith.constant 112 : index
      %swap3A_593 = tpu.vector_load %arg8[%swap3A_591, %swap3A_592] {strides = array<i32>} : memref<8x128xi32, #tpu.memory_space<vmem>>, vector<1x16xi32>,
      %swap3A_594 = vector.shape_cast %swap3A_593 : vector<1x16xi32> to vector<16xi32>
      %swap3A_595 = vector.shape_cast %add3A_589 : vector<16xi32> to vector<1x16xi32>
      tpu.vector_store %arg8[%swap3A_591, %swap3A_592], %swap3A_595 {strides = array<i32>} : memref<8x128xi32, #tpu.memory_space<vmem>>, vector<1x16xi32>,
      %dma_start3A_596 = arith.constant 3 : i32
      %dma_start3A_597 = arith.constant 0 : i32
      %dma_start3A_598 = tpu.memref_slice %arg8[%dma_start3A_596, %dma_start3A_597] : memref<8x128xi32, #tpu.memory_space<vmem>> -> memref<1x128xi32, #tpu.memory_space<vmem>>
      %dma_start3A_599 = tpu.memref_squeeze %dma_start3A_598 : memref<1x128xi32, #tpu.memory_space<vmem>> -> memref<128xi32, #tpu.memory_space<vmem>>
      %dma_start3A_600 = arith.constant 0 : i32
      %dma_start3A_601 = arith.constant 0 : i32
      %dma_start3A_602 = tpu.memref_slice %arg2[%dma_start3A_600, %dma_start3A_601] : memref<20000x128xf32, #tpu.memory_space<hbm>> -> memref<20000x128xf32, #tpu.memory_space<hbm>>
      tpu.enqueue_indirect_dma source(%dma_start3A_602 : memref<20000x128xf32, #tpu.memory_space<hbm>>) target(%arg10 : memref<128x128xf32, #tpu.memory_space<vmem>>) offsets(%dma_start3A_599 : memref<128xi32, #tpu.memory_space<vmem>>) semaphore(%arg12 : memref<!tpu.dma_semaphore, #tpu.memory_space<semaphore_mem>>)
      %dma_wait3A_603 = arith.constant 3 : i32
      %dma_wait3A_604 = arith.constant 0 : i32
      %dma_wait3A_605 = tpu.memref_slice %arg8[%dma_wait3A_603, %dma_wait3A_604] : memref<8x128xi32, #tpu.memory_space<vmem>> -> memref<1x128xi32, #tpu.memory_space<vmem>>
      %dma_wait3A_606 = tpu.memref_squeeze %dma_wait3A_605 : memref<1x128xi32, #tpu.memory_space<vmem>> -> memref<128xi32, #tpu.memory_space<vmem>>
      %dma_wait3A_607 = arith.constant 0 : i32
      %dma_wait3A_608 = arith.constant 0 : i32
      %dma_wait3A_609 = tpu.memref_slice %arg2[%dma_wait3A_607, %dma_wait3A_608] : memref<20000x128xf32, #tpu.memory_space<hbm>> -> memref<20000x128xf32, #tpu.memory_space<hbm>>
      tpu.wait_indirect_dma semaphore(%arg12 : memref<!tpu.dma_semaphore, #tpu.memory_space<semaphore_mem>>) src(%dma_wait3A_609 : memref<20000x128xf32, #tpu.memory_space<hbm>>) dst(%arg10 : memref<128x128xf32, #tpu.memory_space<vmem>>)
      %run_scoped3A_610 = arith.constant 3 : i32
      "tpu.region"() ({
        %run_scoped3A_1183 = tpu.sem_alloc : memref<!tpu.dma_semaphore, #tpu.memory_space<semaphore_mem>>
        %dma_start3A_1184 = arith.constant 0 : i32
        %dma_start3A_1185 = tpu.memref_slice %arg9[%run_scoped3A_610, %dma_start3A_1184] : memref<8x128xi32, #tpu.memory_space<vmem>> -> memref<1x128xi32, #tpu.memory_space<vmem>>
        %dma_start3A_1186 = tpu.memref_squeeze %dma_start3A_1185 : memref<1x128xi32, #tpu.memory_space<vmem>> -> memref<128xi32, #tpu.memory_space<vmem>>
        %dma_start3A_1187 = arith.constant 0 : i32
        %dma_start3A_1188 = arith.constant 0 : i32
        %dma_start3A_1189 = tpu.memref_slice %arg11[%dma_start3A_1187, %dma_start3A_1188] : memref<10240x128xf32, #tpu.memory_space<vmem_shared>> -> memref<10240x128xf32, #tpu.memory_space<vmem_shared>>
        tpu.enqueue_indirect_dma source(%arg10 : memref<128x128xf32, #tpu.memory_space<vmem>>) target(%dma_start3A_1189 : memref<10240x128xf32, #tpu.memory_space<vmem_shared>>) offsets(%dma_start3A_1186 : memref<128xi32, #tpu.memory_space<vmem>>) semaphore(%run_scoped3A_1183 : memref<!tpu.dma_semaphore, #tpu.memory_space<semaphore_mem>>) {add = true}
        %dma_wait3A_1190 = arith.constant 0 : i32
        %dma_wait3A_1191 = tpu.memref_slice %arg9[%run_scoped3A_610, %dma_wait3A_1190] : memref<8x128xi32, #tpu.memory_space<vmem>> -> memref<1x128xi32, #tpu.memory_space<vmem>>
        %dma_wait3A_1192 = tpu.memref_squeeze %dma_wait3A_1191 : memref<1x128xi32, #tpu.memory_space<vmem>> -> memref<128xi32, #tpu.memory_space<vmem>>
        %dma_wait3A_1193 = arith.constant 0 : i32
        %dma_wait3A_1194 = arith.constant 0 : i32
        %dma_wait3A_1195 = tpu.memref_slice %arg11[%dma_wait3A_1193, %dma_wait3A_1194] : memref<10240x128xf32, #tpu.memory_space<vmem_shared>> -> memref<10240x128xf32, #tpu.memory_space<vmem_shared>>
        tpu.wait_indirect_dma semaphore(%run_scoped3A_1183 : memref<!tpu.dma_semaphore, #tpu.memory_space<semaphore_mem>>) src(%arg10 : memref<128x128xf32, #tpu.memory_space<vmem>>) dst(%dma_wait3A_1195 : memref<10240x128xf32, #tpu.memory_space<vmem_shared>>)
        tpu.yield
      }) : () -> ()
      %get3A_611 = arith.constant 4 : i32
      %get3A_612 = arith.index_cast %get3A_611 : i32 to index
      %get3A_613 = arith.constant 0 : index
      %get3A_614 = tpu.vector_load %arg8[%get3A_612, %get3A_613] {strides = array<i32>} : memref<8x128xi32, #tpu.memory_space<vmem>>, vector<1x16xi32>,
      %get3A_615 = vector.shape_cast %get3A_614 : vector<1x16xi32> to vector<16xi32>
      %mul3A_616 = arith.constant 2 : i32
      %mul3A_617 = vector.broadcast %mul3A_616 : i32 to vector<16xi32>
      %mul3A_618 = arith.muli %get3A_615, %mul3A_617 : vector<16xi32>
      %add3A_619 = vector.broadcast %arg0 : i32 to vector<16xi32>
      %add3A_620 = arith.addi %mul3A_618, %add3A_619 : vector<16xi32>
      %swap3A_621 = arith.constant 4 : i32
      %swap3A_622 = arith.index_cast %swap3A_621 : i32 to index
      %swap3A_623 = arith.constant 0 : index
      %swap3A_624 = tpu.vector_load %arg8[%swap3A_622, %swap3A_623] {strides = array<i32>} : memref<8x128xi32, #tpu.memory_space<vmem>>, vector<1x16xi32>,
      %swap3A_625 = vector.shape_cast %swap3A_624 : vector<1x16xi32> to vector<16xi32>
      %swap3A_626 = vector.shape_cast %add3A_620 : vector<16xi32> to vector<1x16xi32>
      tpu.vector_store %arg8[%swap3A_622, %swap3A_623], %swap3A_626 {strides = array<i32>} : memref<8x128xi32, #tpu.memory_space<vmem>>, vector<1x16xi32>,
      %get3A_627 = arith.constant 4 : i32
      %get3A_628 = arith.index_cast %get3A_627 : i32 to index
      %get3A_629 = arith.constant 16 : index
      %get3A_630 = tpu.vector_load %arg8[%get3A_628, %get3A_629] {strides = array<i32>} : memref<8x128xi32, #tpu.memory_space<vmem>>, vector<1x16xi32>,
      %get3A_631 = vector.shape_cast %get3A_630 : vector<1x16xi32> to vector<16xi32>
      %mul3A_632 = arith.constant 2 : i32
      %mul3A_633 = vector.broadcast %mul3A_632 : i32 to vector<16xi32>
      %mul3A_634 = arith.muli %get3A_631, %mul3A_633 : vector<16xi32>
      %add3A_635 = vector.broadcast %arg0 : i32 to vector<16xi32>
      %add3A_636 = arith.addi %mul3A_634, %add3A_635 : vector<16xi32>
      %swap3A_637 = arith.constant 4 : i32
      %swap3A_638 = arith.index_cast %swap3A_637 : i32 to index
      %swap3A_639 = arith.constant 16 : index
      %swap3A_640 = tpu.vector_load %arg8[%swap3A_638, %swap3A_639] {strides = array<i32>} : memref<8x128xi32, #tpu.memory_space<vmem>>, vector<1x16xi32>,
      %swap3A_641 = vector.shape_cast %swap3A_640 : vector<1x16xi32> to vector<16xi32>
      %swap3A_642 = vector.shape_cast %add3A_636 : vector<16xi32> to vector<1x16xi32>
      tpu.vector_store %arg8[%swap3A_638, %swap3A_639], %swap3A_642 {strides = array<i32>} : memref<8x128xi32, #tpu.memory_space<vmem>>, vector<1x16xi32>,
      %get3A_643 = arith.constant 4 : i32
      %get3A_644 = arith.index_cast %get3A_643 : i32 to index
      %get3A_645 = arith.constant 32 : index
      %get3A_646 = tpu.vector_load %arg8[%get3A_644, %get3A_645] {strides = array<i32>} : memref<8x128xi32, #tpu.memory_space<vmem>>, vector<1x16xi32>,
      %get3A_647 = vector.shape_cast %get3A_646 : vector<1x16xi32> to vector<16xi32>
      %mul3A_648 = arith.constant 2 : i32
      %mul3A_649 = vector.broadcast %mul3A_648 : i32 to vector<16xi32>
      %mul3A_650 = arith.muli %get3A_647, %mul3A_649 : vector<16xi32>
      %add3A_651 = vector.broadcast %arg0 : i32 to vector<16xi32>
      %add3A_652 = arith.addi %mul3A_650, %add3A_651 : vector<16xi32>
      %swap3A_653 = arith.constant 4 : i32
      %swap3A_654 = arith.index_cast %swap3A_653 : i32 to index
      %swap3A_655 = arith.constant 32 : index
      %swap3A_656 = tpu.vector_load %arg8[%swap3A_654, %swap3A_655] {strides = array<i32>} : memref<8x128xi32, #tpu.memory_space<vmem>>, vector<1x16xi32>,
      %swap3A_657 = vector.shape_cast %swap3A_656 : vector<1x16xi32> to vector<16xi32>
      %swap3A_658 = vector.shape_cast %add3A_652 : vector<16xi32> to vector<1x16xi32>
      tpu.vector_store %arg8[%swap3A_654, %swap3A_655], %swap3A_658 {strides = array<i32>} : memref<8x128xi32, #tpu.memory_space<vmem>>, vector<1x16xi32>,
      %get3A_659 = arith.constant 4 : i32
      %get3A_660 = arith.index_cast %get3A_659 : i32 to index
      %get3A_661 = arith.constant 48 : index
      %get3A_662 = tpu.vector_load %arg8[%get3A_660, %get3A_661] {strides = array<i32>} : memref<8x128xi32, #tpu.memory_space<vmem>>, vector<1x16xi32>,
      %get3A_663 = vector.shape_cast %get3A_662 : vector<1x16xi32> to vector<16xi32>
      %mul3A_664 = arith.constant 2 : i32
      %mul3A_665 = vector.broadcast %mul3A_664 : i32 to vector<16xi32>
      %mul3A_666 = arith.muli %get3A_663, %mul3A_665 : vector<16xi32>
      %add3A_667 = vector.broadcast %arg0 : i32 to vector<16xi32>
      %add3A_668 = arith.addi %mul3A_666, %add3A_667 : vector<16xi32>
      %swap3A_669 = arith.constant 4 : i32
      %swap3A_670 = arith.index_cast %swap3A_669 : i32 to index
      %swap3A_671 = arith.constant 48 : index
      %swap3A_672 = tpu.vector_load %arg8[%swap3A_670, %swap3A_671] {strides = array<i32>} : memref<8x128xi32, #tpu.memory_space<vmem>>, vector<1x16xi32>,
      %swap3A_673 = vector.shape_cast %swap3A_672 : vector<1x16xi32> to vector<16xi32>
      %swap3A_674 = vector.shape_cast %add3A_668 : vector<16xi32> to vector<1x16xi32>
      tpu.vector_store %arg8[%swap3A_670, %swap3A_671], %swap3A_674 {strides = array<i32>} : memref<8x128xi32, #tpu.memory_space<vmem>>, vector<1x16xi32>,
      %get3A_675 = arith.constant 4 : i32
      %get3A_676 = arith.index_cast %get3A_675 : i32 to index
      %get3A_677 = arith.constant 64 : index
      %get3A_678 = tpu.vector_load %arg8[%get3A_676, %get3A_677] {strides = array<i32>} : memref<8x128xi32, #tpu.memory_space<vmem>>, vector<1x16xi32>,
      %get3A_679 = vector.shape_cast %get3A_678 : vector<1x16xi32> to vector<16xi32>
      %mul3A_680 = arith.constant 2 : i32
      %mul3A_681 = vector.broadcast %mul3A_680 : i32 to vector<16xi32>
      %mul3A_682 = arith.muli %get3A_679, %mul3A_681 : vector<16xi32>
      %add3A_683 = vector.broadcast %arg0 : i32 to vector<16xi32>
      %add3A_684 = arith.addi %mul3A_682, %add3A_683 : vector<16xi32>
      %swap3A_685 = arith.constant 4 : i32
      %swap3A_686 = arith.index_cast %swap3A_685 : i32 to index
      %swap3A_687 = arith.constant 64 : index
      %swap3A_688 = tpu.vector_load %arg8[%swap3A_686, %swap3A_687] {strides = array<i32>} : memref<8x128xi32, #tpu.memory_space<vmem>>, vector<1x16xi32>,
      %swap3A_689 = vector.shape_cast %swap3A_688 : vector<1x16xi32> to vector<16xi32>
      %swap3A_690 = vector.shape_cast %add3A_684 : vector<16xi32> to vector<1x16xi32>
      tpu.vector_store %arg8[%swap3A_686, %swap3A_687], %swap3A_690 {strides = array<i32>} : memref<8x128xi32, #tpu.memory_space<vmem>>, vector<1x16xi32>,
      %get3A_691 = arith.constant 4 : i32
      %get3A_692 = arith.index_cast %get3A_691 : i32 to index
      %get3A_693 = arith.constant 80 : index
      %get3A_694 = tpu.vector_load %arg8[%get3A_692, %get3A_693] {strides = array<i32>} : memref<8x128xi32, #tpu.memory_space<vmem>>, vector<1x16xi32>,
      %get3A_695 = vector.shape_cast %get3A_694 : vector<1x16xi32> to vector<16xi32>
      %mul3A_696 = arith.constant 2 : i32
      %mul3A_697 = vector.broadcast %mul3A_696 : i32 to vector<16xi32>
      %mul3A_698 = arith.muli %get3A_695, %mul3A_697 : vector<16xi32>
      %add3A_699 = vector.broadcast %arg0 : i32 to vector<16xi32>
      %add3A_700 = arith.addi %mul3A_698, %add3A_699 : vector<16xi32>
      %swap3A_701 = arith.constant 4 : i32
      %swap3A_702 = arith.index_cast %swap3A_701 : i32 to index
      %swap3A_703 = arith.constant 80 : index
      %swap3A_704 = tpu.vector_load %arg8[%swap3A_702, %swap3A_703] {strides = array<i32>} : memref<8x128xi32, #tpu.memory_space<vmem>>, vector<1x16xi32>,
      %swap3A_705 = vector.shape_cast %swap3A_704 : vector<1x16xi32> to vector<16xi32>
      %swap3A_706 = vector.shape_cast %add3A_700 : vector<16xi32> to vector<1x16xi32>
      tpu.vector_store %arg8[%swap3A_702, %swap3A_703], %swap3A_706 {strides = array<i32>} : memref<8x128xi32, #tpu.memory_space<vmem>>, vector<1x16xi32>,
      %get3A_707 = arith.constant 4 : i32
      %get3A_708 = arith.index_cast %get3A_707 : i32 to index
      %get3A_709 = arith.constant 96 : index
      %get3A_710 = tpu.vector_load %arg8[%get3A_708, %get3A_709] {strides = array<i32>} : memref<8x128xi32, #tpu.memory_space<vmem>>, vector<1x16xi32>,
      %get3A_711 = vector.shape_cast %get3A_710 : vector<1x16xi32> to vector<16xi32>
      %mul3A_712 = arith.constant 2 : i32
      %mul3A_713 = vector.broadcast %mul3A_712 : i32 to vector<16xi32>
      %mul3A_714 = arith.muli %get3A_711, %mul3A_713 : vector<16xi32>
      %add3A_715 = vector.broadcast %arg0 : i32 to vector<16xi32>
      %add3A_716 = arith.addi %mul3A_714, %add3A_715 : vector<16xi32>
      %swap3A_717 = arith.constant 4 : i32
      %swap3A_718 = arith.index_cast %swap3A_717 : i32 to index
      %swap3A_719 = arith.constant 96 : index
      %swap3A_720 = tpu.vector_load %arg8[%swap3A_718, %swap3A_719] {strides = array<i32>} : memref<8x128xi32, #tpu.memory_space<vmem>>, vector<1x16xi32>,
      %swap3A_721 = vector.shape_cast %swap3A_720 : vector<1x16xi32> to vector<16xi32>
      %swap3A_722 = vector.shape_cast %add3A_716 : vector<16xi32> to vector<1x16xi32>
      tpu.vector_store %arg8[%swap3A_718, %swap3A_719], %swap3A_722 {strides = array<i32>} : memref<8x128xi32, #tpu.memory_space<vmem>>, vector<1x16xi32>,
      %get3A_723 = arith.constant 4 : i32
      %get3A_724 = arith.index_cast %get3A_723 : i32 to index
      %get3A_725 = arith.constant 112 : index
      %get3A_726 = tpu.vector_load %arg8[%get3A_724, %get3A_725] {strides = array<i32>} : memref<8x128xi32, #tpu.memory_space<vmem>>, vector<1x16xi32>,
      %get3A_727 = vector.shape_cast %get3A_726 : vector<1x16xi32> to vector<16xi32>
      %mul3A_728 = arith.constant 2 : i32
      %mul3A_729 = vector.broadcast %mul3A_728 : i32 to vector<16xi32>
      %mul3A_730 = arith.muli %get3A_727, %mul3A_729 : vector<16xi32>
      %add3A_731 = vector.broadcast %arg0 : i32 to vector<16xi32>
      %add3A_732 = arith.addi %mul3A_730, %add3A_731 : vector<16xi32>
      %swap3A_733 = arith.constant 4 : i32
      %swap3A_734 = arith.index_cast %swap3A_733 : i32 to index
      %swap3A_735 = arith.constant 112 : index
      %swap3A_736 = tpu.vector_load %arg8[%swap3A_734, %swap3A_735] {strides = array<i32>} : memref<8x128xi32, #tpu.memory_space<vmem>>, vector<1x16xi32>,
      %swap3A_737 = vector.shape_cast %swap3A_736 : vector<1x16xi32> to vector<16xi32>
      %swap3A_738 = vector.shape_cast %add3A_732 : vector<16xi32> to vector<1x16xi32>
      tpu.vector_store %arg8[%swap3A_734, %swap3A_735], %swap3A_738 {strides = array<i32>} : memref<8x128xi32, #tpu.memory_space<vmem>>, vector<1x16xi32>,
      %dma_start3A_739 = arith.constant 4 : i32
      %dma_start3A_740 = arith.constant 0 : i32
      %dma_start3A_741 = tpu.memref_slice %arg8[%dma_start3A_739, %dma_start3A_740] : memref<8x128xi32, #tpu.memory_space<vmem>> -> memref<1x128xi32, #tpu.memory_space<vmem>>
      %dma_start3A_742 = tpu.memref_squeeze %dma_start3A_741 : memref<1x128xi32, #tpu.memory_space<vmem>> -> memref<128xi32, #tpu.memory_space<vmem>>
      %dma_start3A_743 = arith.constant 0 : i32
      %dma_start3A_744 = arith.constant 0 : i32
      %dma_start3A_745 = tpu.memref_slice %arg2[%dma_start3A_743, %dma_start3A_744] : memref<20000x128xf32, #tpu.memory_space<hbm>> -> memref<20000x128xf32, #tpu.memory_space<hbm>>
      tpu.enqueue_indirect_dma source(%dma_start3A_745 : memref<20000x128xf32, #tpu.memory_space<hbm>>) target(%arg10 : memref<128x128xf32, #tpu.memory_space<vmem>>) offsets(%dma_start3A_742 : memref<128xi32, #tpu.memory_space<vmem>>) semaphore(%arg12 : memref<!tpu.dma_semaphore, #tpu.memory_space<semaphore_mem>>)
      %dma_wait3A_746 = arith.constant 4 : i32
      %dma_wait3A_747 = arith.constant 0 : i32
      %dma_wait3A_748 = tpu.memref_slice %arg8[%dma_wait3A_746, %dma_wait3A_747] : memref<8x128xi32, #tpu.memory_space<vmem>> -> memref<1x128xi32, #tpu.memory_space<vmem>>
      %dma_wait3A_749 = tpu.memref_squeeze %dma_wait3A_748 : memref<1x128xi32, #tpu.memory_space<vmem>> -> memref<128xi32, #tpu.memory_space<vmem>>
      %dma_wait3A_750 = arith.constant 0 : i32
      %dma_wait3A_751 = arith.constant 0 : i32
      %dma_wait3A_752 = tpu.memref_slice %arg2[%dma_wait3A_750, %dma_wait3A_751] : memref<20000x128xf32, #tpu.memory_space<hbm>> -> memref<20000x128xf32, #tpu.memory_space<hbm>>
      tpu.wait_indirect_dma semaphore(%arg12 : memref<!tpu.dma_semaphore, #tpu.memory_space<semaphore_mem>>) src(%dma_wait3A_752 : memref<20000x128xf32, #tpu.memory_space<hbm>>) dst(%arg10 : memref<128x128xf32, #tpu.memory_space<vmem>>)
      %run_scoped3A_753 = arith.constant 4 : i32
      "tpu.region"() ({
        %run_scoped3A_1183 = tpu.sem_alloc : memref<!tpu.dma_semaphore, #tpu.memory_space<semaphore_mem>>
        %dma_start3A_1184 = arith.constant 0 : i32
        %dma_start3A_1185 = tpu.memref_slice %arg9[%run_scoped3A_753, %dma_start3A_1184] : memref<8x128xi32, #tpu.memory_space<vmem>> -> memref<1x128xi32, #tpu.memory_space<vmem>>
        %dma_start3A_1186 = tpu.memref_squeeze %dma_start3A_1185 : memref<1x128xi32, #tpu.memory_space<vmem>> -> memref<128xi32, #tpu.memory_space<vmem>>
        %dma_start3A_1187 = arith.constant 0 : i32
        %dma_start3A_1188 = arith.constant 0 : i32
        %dma_start3A_1189 = tpu.memref_slice %arg11[%dma_start3A_1187, %dma_start3A_1188] : memref<10240x128xf32, #tpu.memory_space<vmem_shared>> -> memref<10240x128xf32, #tpu.memory_space<vmem_shared>>
        tpu.enqueue_indirect_dma source(%arg10 : memref<128x128xf32, #tpu.memory_space<vmem>>) target(%dma_start3A_1189 : memref<10240x128xf32, #tpu.memory_space<vmem_shared>>) offsets(%dma_start3A_1186 : memref<128xi32, #tpu.memory_space<vmem>>) semaphore(%run_scoped3A_1183 : memref<!tpu.dma_semaphore, #tpu.memory_space<semaphore_mem>>) {add = true}
        %dma_wait3A_1190 = arith.constant 0 : i32
        %dma_wait3A_1191 = tpu.memref_slice %arg9[%run_scoped3A_753, %dma_wait3A_1190] : memref<8x128xi32, #tpu.memory_space<vmem>> -> memref<1x128xi32, #tpu.memory_space<vmem>>
        %dma_wait3A_1192 = tpu.memref_squeeze %dma_wait3A_1191 : memref<1x128xi32, #tpu.memory_space<vmem>> -> memref<128xi32, #tpu.memory_space<vmem>>
        %dma_wait3A_1193 = arith.constant 0 : i32
        %dma_wait3A_1194 = arith.constant 0 : i32
        %dma_wait3A_1195 = tpu.memref_slice %arg11[%dma_wait3A_1193, %dma_wait3A_1194] : memref<10240x128xf32, #tpu.memory_space<vmem_shared>> -> memref<10240x128xf32, #tpu.memory_space<vmem_shared>>
        tpu.wait_indirect_dma semaphore(%run_scoped3A_1183 : memref<!tpu.dma_semaphore, #tpu.memory_space<semaphore_mem>>) src(%arg10 : memref<128x128xf32, #tpu.memory_space<vmem>>) dst(%dma_wait3A_1195 : memref<10240x128xf32, #tpu.memory_space<vmem_shared>>)
        tpu.yield
      }) : () -> ()
      %get3A_754 = arith.constant 5 : i32
      %get3A_755 = arith.index_cast %get3A_754 : i32 to index
      %get3A_756 = arith.constant 0 : index
      %get3A_757 = tpu.vector_load %arg8[%get3A_755, %get3A_756] {strides = array<i32>} : memref<8x128xi32, #tpu.memory_space<vmem>>, vector<1x16xi32>,
      %get3A_758 = vector.shape_cast %get3A_757 : vector<1x16xi32> to vector<16xi32>
      %mul3A_759 = arith.constant 2 : i32
      %mul3A_760 = vector.broadcast %mul3A_759 : i32 to vector<16xi32>
      %mul3A_761 = arith.muli %get3A_758, %mul3A_760 : vector<16xi32>
      %add3A_762 = vector.broadcast %arg0 : i32 to vector<16xi32>
      %add3A_763 = arith.addi %mul3A_761, %add3A_762 : vector<16xi32>
      %swap3A_764 = arith.constant 5 : i32
      %swap3A_765 = arith.index_cast %swap3A_764 : i32 to index
      %swap3A_766 = arith.constant 0 : index
      %swap3A_767 = tpu.vector_load %arg8[%swap3A_765, %swap3A_766] {strides = array<i32>} : memref<8x128xi32, #tpu.memory_space<vmem>>, vector<1x16xi32>,
      %swap3A_768 = vector.shape_cast %swap3A_767 : vector<1x16xi32> to vector<16xi32>
      %swap3A_769 = vector.shape_cast %add3A_763 : vector<16xi32> to vector<1x16xi32>
      tpu.vector_store %arg8[%swap3A_765, %swap3A_766], %swap3A_769 {strides = array<i32>} : memref<8x128xi32, #tpu.memory_space<vmem>>, vector<1x16xi32>,
      %get3A_770 = arith.constant 5 : i32
      %get3A_771 = arith.index_cast %get3A_770 : i32 to index
      %get3A_772 = arith.constant 16 : index
      %get3A_773 = tpu.vector_load %arg8[%get3A_771, %get3A_772] {strides = array<i32>} : memref<8x128xi32, #tpu.memory_space<vmem>>, vector<1x16xi32>,
      %get3A_774 = vector.shape_cast %get3A_773 : vector<1x16xi32> to vector<16xi32>
      %mul3A_775 = arith.constant 2 : i32
      %mul3A_776 = vector.broadcast %mul3A_775 : i32 to vector<16xi32>
      %mul3A_777 = arith.muli %get3A_774, %mul3A_776 : vector<16xi32>
      %add3A_778 = vector.broadcast %arg0 : i32 to vector<16xi32>
      %add3A_779 = arith.addi %mul3A_777, %add3A_778 : vector<16xi32>
      %swap3A_780 = arith.constant 5 : i32
      %swap3A_781 = arith.index_cast %swap3A_780 : i32 to index
      %swap3A_782 = arith.constant 16 : index
      %swap3A_783 = tpu.vector_load %arg8[%swap3A_781, %swap3A_782] {strides = array<i32>} : memref<8x128xi32, #tpu.memory_space<vmem>>, vector<1x16xi32>,
      %swap3A_784 = vector.shape_cast %swap3A_783 : vector<1x16xi32> to vector<16xi32>
      %swap3A_785 = vector.shape_cast %add3A_779 : vector<16xi32> to vector<1x16xi32>
      tpu.vector_store %arg8[%swap3A_781, %swap3A_782], %swap3A_785 {strides = array<i32>} : memref<8x128xi32, #tpu.memory_space<vmem>>, vector<1x16xi32>,
      %get3A_786 = arith.constant 5 : i32
      %get3A_787 = arith.index_cast %get3A_786 : i32 to index
      %get3A_788 = arith.constant 32 : index
      %get3A_789 = tpu.vector_load %arg8[%get3A_787, %get3A_788] {strides = array<i32>} : memref<8x128xi32, #tpu.memory_space<vmem>>, vector<1x16xi32>,
      %get3A_790 = vector.shape_cast %get3A_789 : vector<1x16xi32> to vector<16xi32>
      %mul3A_791 = arith.constant 2 : i32
      %mul3A_792 = vector.broadcast %mul3A_791 : i32 to vector<16xi32>
      %mul3A_793 = arith.muli %get3A_790, %mul3A_792 : vector<16xi32>
      %add3A_794 = vector.broadcast %arg0 : i32 to vector<16xi32>
      %add3A_795 = arith.addi %mul3A_793, %add3A_794 : vector<16xi32>
      %swap3A_796 = arith.constant 5 : i32
      %swap3A_797 = arith.index_cast %swap3A_796 : i32 to index
      %swap3A_798 = arith.constant 32 : index
      %swap3A_799 = tpu.vector_load %arg8[%swap3A_797, %swap3A_798] {strides = array<i32>} : memref<8x128xi32, #tpu.memory_space<vmem>>, vector<1x16xi32>,
      %swap3A_800 = vector.shape_cast %swap3A_799 : vector<1x16xi32> to vector<16xi32>
      %swap3A_801 = vector.shape_cast %add3A_795 : vector<16xi32> to vector<1x16xi32>
      tpu.vector_store %arg8[%swap3A_797, %swap3A_798], %swap3A_801 {strides = array<i32>} : memref<8x128xi32, #tpu.memory_space<vmem>>, vector<1x16xi32>,
      %get3A_802 = arith.constant 5 : i32
      %get3A_803 = arith.index_cast %get3A_802 : i32 to index
      %get3A_804 = arith.constant 48 : index
      %get3A_805 = tpu.vector_load %arg8[%get3A_803, %get3A_804] {strides = array<i32>} : memref<8x128xi32, #tpu.memory_space<vmem>>, vector<1x16xi32>,
      %get3A_806 = vector.shape_cast %get3A_805 : vector<1x16xi32> to vector<16xi32>
      %mul3A_807 = arith.constant 2 : i32
      %mul3A_808 = vector.broadcast %mul3A_807 : i32 to vector<16xi32>
      %mul3A_809 = arith.muli %get3A_806, %mul3A_808 : vector<16xi32>
      %add3A_810 = vector.broadcast %arg0 : i32 to vector<16xi32>
      %add3A_811 = arith.addi %mul3A_809, %add3A_810 : vector<16xi32>
      %swap3A_812 = arith.constant 5 : i32
      %swap3A_813 = arith.index_cast %swap3A_812 : i32 to index
      %swap3A_814 = arith.constant 48 : index
      %swap3A_815 = tpu.vector_load %arg8[%swap3A_813, %swap3A_814] {strides = array<i32>} : memref<8x128xi32, #tpu.memory_space<vmem>>, vector<1x16xi32>,
      %swap3A_816 = vector.shape_cast %swap3A_815 : vector<1x16xi32> to vector<16xi32>
      %swap3A_817 = vector.shape_cast %add3A_811 : vector<16xi32> to vector<1x16xi32>
      tpu.vector_store %arg8[%swap3A_813, %swap3A_814], %swap3A_817 {strides = array<i32>} : memref<8x128xi32, #tpu.memory_space<vmem>>, vector<1x16xi32>,
      %get3A_818 = arith.constant 5 : i32
      %get3A_819 = arith.index_cast %get3A_818 : i32 to index
      %get3A_820 = arith.constant 64 : index
      %get3A_821 = tpu.vector_load %arg8[%get3A_819, %get3A_820] {strides = array<i32>} : memref<8x128xi32, #tpu.memory_space<vmem>>, vector<1x16xi32>,
      %get3A_822 = vector.shape_cast %get3A_821 : vector<1x16xi32> to vector<16xi32>
      %mul3A_823 = arith.constant 2 : i32
      %mul3A_824 = vector.broadcast %mul3A_823 : i32 to vector<16xi32>
      %mul3A_825 = arith.muli %get3A_822, %mul3A_824 : vector<16xi32>
      %add3A_826 = vector.broadcast %arg0 : i32 to vector<16xi32>
      %add3A_827 = arith.addi %mul3A_825, %add3A_826 : vector<16xi32>
      %swap3A_828 = arith.constant 5 : i32
      %swap3A_829 = arith.index_cast %swap3A_828 : i32 to index
      %swap3A_830 = arith.constant 64 : index
      %swap3A_831 = tpu.vector_load %arg8[%swap3A_829, %swap3A_830] {strides = array<i32>} : memref<8x128xi32, #tpu.memory_space<vmem>>, vector<1x16xi32>,
      %swap3A_832 = vector.shape_cast %swap3A_831 : vector<1x16xi32> to vector<16xi32>
      %swap3A_833 = vector.shape_cast %add3A_827 : vector<16xi32> to vector<1x16xi32>
      tpu.vector_store %arg8[%swap3A_829, %swap3A_830], %swap3A_833 {strides = array<i32>} : memref<8x128xi32, #tpu.memory_space<vmem>>, vector<1x16xi32>,
      %get3A_834 = arith.constant 5 : i32
      %get3A_835 = arith.index_cast %get3A_834 : i32 to index
      %get3A_836 = arith.constant 80 : index
      %get3A_837 = tpu.vector_load %arg8[%get3A_835, %get3A_836] {strides = array<i32>} : memref<8x128xi32, #tpu.memory_space<vmem>>, vector<1x16xi32>,
      %get3A_838 = vector.shape_cast %get3A_837 : vector<1x16xi32> to vector<16xi32>
      %mul3A_839 = arith.constant 2 : i32
      %mul3A_840 = vector.broadcast %mul3A_839 : i32 to vector<16xi32>
      %mul3A_841 = arith.muli %get3A_838, %mul3A_840 : vector<16xi32>
      %add3A_842 = vector.broadcast %arg0 : i32 to vector<16xi32>
      %add3A_843 = arith.addi %mul3A_841, %add3A_842 : vector<16xi32>
      %swap3A_844 = arith.constant 5 : i32
      %swap3A_845 = arith.index_cast %swap3A_844 : i32 to index
      %swap3A_846 = arith.constant 80 : index
      %swap3A_847 = tpu.vector_load %arg8[%swap3A_845, %swap3A_846] {strides = array<i32>} : memref<8x128xi32, #tpu.memory_space<vmem>>, vector<1x16xi32>,
      %swap3A_848 = vector.shape_cast %swap3A_847 : vector<1x16xi32> to vector<16xi32>
      %swap3A_849 = vector.shape_cast %add3A_843 : vector<16xi32> to vector<1x16xi32>
      tpu.vector_store %arg8[%swap3A_845, %swap3A_846], %swap3A_849 {strides = array<i32>} : memref<8x128xi32, #tpu.memory_space<vmem>>, vector<1x16xi32>,
      %get3A_850 = arith.constant 5 : i32
      %get3A_851 = arith.index_cast %get3A_850 : i32 to index
      %get3A_852 = arith.constant 96 : index
      %get3A_853 = tpu.vector_load %arg8[%get3A_851, %get3A_852] {strides = array<i32>} : memref<8x128xi32, #tpu.memory_space<vmem>>, vector<1x16xi32>,
      %get3A_854 = vector.shape_cast %get3A_853 : vector<1x16xi32> to vector<16xi32>
      %mul3A_855 = arith.constant 2 : i32
      %mul3A_856 = vector.broadcast %mul3A_855 : i32 to vector<16xi32>
      %mul3A_857 = arith.muli %get3A_854, %mul3A_856 : vector<16xi32>
      %add3A_858 = vector.broadcast %arg0 : i32 to vector<16xi32>
      %add3A_859 = arith.addi %mul3A_857, %add3A_858 : vector<16xi32>
      %swap3A_860 = arith.constant 5 : i32
      %swap3A_861 = arith.index_cast %swap3A_860 : i32 to index
      %swap3A_862 = arith.constant 96 : index
      %swap3A_863 = tpu.vector_load %arg8[%swap3A_861, %swap3A_862] {strides = array<i32>} : memref<8x128xi32, #tpu.memory_space<vmem>>, vector<1x16xi32>,
      %swap3A_864 = vector.shape_cast %swap3A_863 : vector<1x16xi32> to vector<16xi32>
      %swap3A_865 = vector.shape_cast %add3A_859 : vector<16xi32> to vector<1x16xi32>
      tpu.vector_store %arg8[%swap3A_861, %swap3A_862], %swap3A_865 {strides = array<i32>} : memref<8x128xi32, #tpu.memory_space<vmem>>, vector<1x16xi32>,
      %get3A_866 = arith.constant 5 : i32
      %get3A_867 = arith.index_cast %get3A_866 : i32 to index
      %get3A_868 = arith.constant 112 : index
      %get3A_869 = tpu.vector_load %arg8[%get3A_867, %get3A_868] {strides = array<i32>} : memref<8x128xi32, #tpu.memory_space<vmem>>, vector<1x16xi32>,
      %get3A_870 = vector.shape_cast %get3A_869 : vector<1x16xi32> to vector<16xi32>
      %mul3A_871 = arith.constant 2 : i32
      %mul3A_872 = vector.broadcast %mul3A_871 : i32 to vector<16xi32>
      %mul3A_873 = arith.muli %get3A_870, %mul3A_872 : vector<16xi32>
      %add3A_874 = vector.broadcast %arg0 : i32 to vector<16xi32>
      %add3A_875 = arith.addi %mul3A_873, %add3A_874 : vector<16xi32>
      %swap3A_876 = arith.constant 5 : i32
      %swap3A_877 = arith.index_cast %swap3A_876 : i32 to index
      %swap3A_878 = arith.constant 112 : index
      %swap3A_879 = tpu.vector_load %arg8[%swap3A_877, %swap3A_878] {strides = array<i32>} : memref<8x128xi32, #tpu.memory_space<vmem>>, vector<1x16xi32>,
      %swap3A_880 = vector.shape_cast %swap3A_879 : vector<1x16xi32> to vector<16xi32>
      %swap3A_881 = vector.shape_cast %add3A_875 : vector<16xi32> to vector<1x16xi32>
      tpu.vector_store %arg8[%swap3A_877, %swap3A_878], %swap3A_881 {strides = array<i32>} : memref<8x128xi32, #tpu.memory_space<vmem>>, vector<1x16xi32>,
      %dma_start3A_882 = arith.constant 5 : i32
      %dma_start3A_883 = arith.constant 0 : i32
      %dma_start3A_884 = tpu.memref_slice %arg8[%dma_start3A_882, %dma_start3A_883] : memref<8x128xi32, #tpu.memory_space<vmem>> -> memref<1x128xi32, #tpu.memory_space<vmem>>
      %dma_start3A_885 = tpu.memref_squeeze %dma_start3A_884 : memref<1x128xi32, #tpu.memory_space<vmem>> -> memref<128xi32, #tpu.memory_space<vmem>>
      %dma_start3A_886 = arith.constant 0 : i32
      %dma_start3A_887 = arith.constant 0 : i32
      %dma_start3A_888 = tpu.memref_slice %arg2[%dma_start3A_886, %dma_start3A_887] : memref<20000x128xf32, #tpu.memory_space<hbm>> -> memref<20000x128xf32, #tpu.memory_space<hbm>>
      tpu.enqueue_indirect_dma source(%dma_start3A_888 : memref<20000x128xf32, #tpu.memory_space<hbm>>) target(%arg10 : memref<128x128xf32, #tpu.memory_space<vmem>>) offsets(%dma_start3A_885 : memref<128xi32, #tpu.memory_space<vmem>>) semaphore(%arg12 : memref<!tpu.dma_semaphore, #tpu.memory_space<semaphore_mem>>)
      %dma_wait3A_889 = arith.constant 5 : i32
      %dma_wait3A_890 = arith.constant 0 : i32
      %dma_wait3A_891 = tpu.memref_slice %arg8[%dma_wait3A_889, %dma_wait3A_890] : memref<8x128xi32, #tpu.memory_space<vmem>> -> memref<1x128xi32, #tpu.memory_space<vmem>>
      %dma_wait3A_892 = tpu.memref_squeeze %dma_wait3A_891 : memref<1x128xi32, #tpu.memory_space<vmem>> -> memref<128xi32, #tpu.memory_space<vmem>>
      %dma_wait3A_893 = arith.constant 0 : i32
      %dma_wait3A_894 = arith.constant 0 : i32
      %dma_wait3A_895 = tpu.memref_slice %arg2[%dma_wait3A_893, %dma_wait3A_894] : memref<20000x128xf32, #tpu.memory_space<hbm>> -> memref<20000x128xf32, #tpu.memory_space<hbm>>
      tpu.wait_indirect_dma semaphore(%arg12 : memref<!tpu.dma_semaphore, #tpu.memory_space<semaphore_mem>>) src(%dma_wait3A_895 : memref<20000x128xf32, #tpu.memory_space<hbm>>) dst(%arg10 : memref<128x128xf32, #tpu.memory_space<vmem>>)
      %run_scoped3A_896 = arith.constant 5 : i32
      "tpu.region"() ({
        %run_scoped3A_1183 = tpu.sem_alloc : memref<!tpu.dma_semaphore, #tpu.memory_space<semaphore_mem>>
        %dma_start3A_1184 = arith.constant 0 : i32
        %dma_start3A_1185 = tpu.memref_slice %arg9[%run_scoped3A_896, %dma_start3A_1184] : memref<8x128xi32, #tpu.memory_space<vmem>> -> memref<1x128xi32, #tpu.memory_space<vmem>>
        %dma_start3A_1186 = tpu.memref_squeeze %dma_start3A_1185 : memref<1x128xi32, #tpu.memory_space<vmem>> -> memref<128xi32, #tpu.memory_space<vmem>>
        %dma_start3A_1187 = arith.constant 0 : i32
        %dma_start3A_1188 = arith.constant 0 : i32
        %dma_start3A_1189 = tpu.memref_slice %arg11[%dma_start3A_1187, %dma_start3A_1188] : memref<10240x128xf32, #tpu.memory_space<vmem_shared>> -> memref<10240x128xf32, #tpu.memory_space<vmem_shared>>
        tpu.enqueue_indirect_dma source(%arg10 : memref<128x128xf32, #tpu.memory_space<vmem>>) target(%dma_start3A_1189 : memref<10240x128xf32, #tpu.memory_space<vmem_shared>>) offsets(%dma_start3A_1186 : memref<128xi32, #tpu.memory_space<vmem>>) semaphore(%run_scoped3A_1183 : memref<!tpu.dma_semaphore, #tpu.memory_space<semaphore_mem>>) {add = true}
        %dma_wait3A_1190 = arith.constant 0 : i32
        %dma_wait3A_1191 = tpu.memref_slice %arg9[%run_scoped3A_896, %dma_wait3A_1190] : memref<8x128xi32, #tpu.memory_space<vmem>> -> memref<1x128xi32, #tpu.memory_space<vmem>>
        %dma_wait3A_1192 = tpu.memref_squeeze %dma_wait3A_1191 : memref<1x128xi32, #tpu.memory_space<vmem>> -> memref<128xi32, #tpu.memory_space<vmem>>
        %dma_wait3A_1193 = arith.constant 0 : i32
        %dma_wait3A_1194 = arith.constant 0 : i32
        %dma_wait3A_1195 = tpu.memref_slice %arg11[%dma_wait3A_1193, %dma_wait3A_1194] : memref<10240x128xf32, #tpu.memory_space<vmem_shared>> -> memref<10240x128xf32, #tpu.memory_space<vmem_shared>>
        tpu.wait_indirect_dma semaphore(%run_scoped3A_1183 : memref<!tpu.dma_semaphore, #tpu.memory_space<semaphore_mem>>) src(%arg10 : memref<128x128xf32, #tpu.memory_space<vmem>>) dst(%dma_wait3A_1195 : memref<10240x128xf32, #tpu.memory_space<vmem_shared>>)
        tpu.yield
      }) : () -> ()
      %get3A_897 = arith.constant 6 : i32
      %get3A_898 = arith.index_cast %get3A_897 : i32 to index
      %get3A_899 = arith.constant 0 : index
      %get3A_900 = tpu.vector_load %arg8[%get3A_898, %get3A_899] {strides = array<i32>} : memref<8x128xi32, #tpu.memory_space<vmem>>, vector<1x16xi32>,
      %get3A_901 = vector.shape_cast %get3A_900 : vector<1x16xi32> to vector<16xi32>
      %mul3A_902 = arith.constant 2 : i32
      %mul3A_903 = vector.broadcast %mul3A_902 : i32 to vector<16xi32>
      %mul3A_904 = arith.muli %get3A_901, %mul3A_903 : vector<16xi32>
      %add3A_905 = vector.broadcast %arg0 : i32 to vector<16xi32>
      %add3A_906 = arith.addi %mul3A_904, %add3A_905 : vector<16xi32>
      %swap3A_907 = arith.constant 6 : i32
      %swap3A_908 = arith.index_cast %swap3A_907 : i32 to index
      %swap3A_909 = arith.constant 0 : index
      %swap3A_910 = tpu.vector_load %arg8[%swap3A_908, %swap3A_909] {strides = array<i32>} : memref<8x128xi32, #tpu.memory_space<vmem>>, vector<1x16xi32>,
      %swap3A_911 = vector.shape_cast %swap3A_910 : vector<1x16xi32> to vector<16xi32>
      %swap3A_912 = vector.shape_cast %add3A_906 : vector<16xi32> to vector<1x16xi32>
      tpu.vector_store %arg8[%swap3A_908, %swap3A_909], %swap3A_912 {strides = array<i32>} : memref<8x128xi32, #tpu.memory_space<vmem>>, vector<1x16xi32>,
      %get3A_913 = arith.constant 6 : i32
      %get3A_914 = arith.index_cast %get3A_913 : i32 to index
      %get3A_915 = arith.constant 16 : index
      %get3A_916 = tpu.vector_load %arg8[%get3A_914, %get3A_915] {strides = array<i32>} : memref<8x128xi32, #tpu.memory_space<vmem>>, vector<1x16xi32>,
      %get3A_917 = vector.shape_cast %get3A_916 : vector<1x16xi32> to vector<16xi32>
      %mul3A_918 = arith.constant 2 : i32
      %mul3A_919 = vector.broadcast %mul3A_918 : i32 to vector<16xi32>
      %mul3A_920 = arith.muli %get3A_917, %mul3A_919 : vector<16xi32>
      %add3A_921 = vector.broadcast %arg0 : i32 to vector<16xi32>
      %add3A_922 = arith.addi %mul3A_920, %add3A_921 : vector<16xi32>
      %swap3A_923 = arith.constant 6 : i32
      %swap3A_924 = arith.index_cast %swap3A_923 : i32 to index
      %swap3A_925 = arith.constant 16 : index
      %swap3A_926 = tpu.vector_load %arg8[%swap3A_924, %swap3A_925] {strides = array<i32>} : memref<8x128xi32, #tpu.memory_space<vmem>>, vector<1x16xi32>,
      %swap3A_927 = vector.shape_cast %swap3A_926 : vector<1x16xi32> to vector<16xi32>
      %swap3A_928 = vector.shape_cast %add3A_922 : vector<16xi32> to vector<1x16xi32>
      tpu.vector_store %arg8[%swap3A_924, %swap3A_925], %swap3A_928 {strides = array<i32>} : memref<8x128xi32, #tpu.memory_space<vmem>>, vector<1x16xi32>,
      %get3A_929 = arith.constant 6 : i32
      %get3A_930 = arith.index_cast %get3A_929 : i32 to index
      %get3A_931 = arith.constant 32 : index
      %get3A_932 = tpu.vector_load %arg8[%get3A_930, %get3A_931] {strides = array<i32>} : memref<8x128xi32, #tpu.memory_space<vmem>>, vector<1x16xi32>,
      %get3A_933 = vector.shape_cast %get3A_932 : vector<1x16xi32> to vector<16xi32>
      %mul3A_934 = arith.constant 2 : i32
      %mul3A_935 = vector.broadcast %mul3A_934 : i32 to vector<16xi32>
      %mul3A_936 = arith.muli %get3A_933, %mul3A_935 : vector<16xi32>
      %add3A_937 = vector.broadcast %arg0 : i32 to vector<16xi32>
      %add3A_938 = arith.addi %mul3A_936, %add3A_937 : vector<16xi32>
      %swap3A_939 = arith.constant 6 : i32
      %swap3A_940 = arith.index_cast %swap3A_939 : i32 to index
      %swap3A_941 = arith.constant 32 : index
      %swap3A_942 = tpu.vector_load %arg8[%swap3A_940, %swap3A_941] {strides = array<i32>} : memref<8x128xi32, #tpu.memory_space<vmem>>, vector<1x16xi32>,
      %swap3A_943 = vector.shape_cast %swap3A_942 : vector<1x16xi32> to vector<16xi32>
      %swap3A_944 = vector.shape_cast %add3A_938 : vector<16xi32> to vector<1x16xi32>
      tpu.vector_store %arg8[%swap3A_940, %swap3A_941], %swap3A_944 {strides = array<i32>} : memref<8x128xi32, #tpu.memory_space<vmem>>, vector<1x16xi32>,
      %get3A_945 = arith.constant 6 : i32
      %get3A_946 = arith.index_cast %get3A_945 : i32 to index
      %get3A_947 = arith.constant 48 : index
      %get3A_948 = tpu.vector_load %arg8[%get3A_946, %get3A_947] {strides = array<i32>} : memref<8x128xi32, #tpu.memory_space<vmem>>, vector<1x16xi32>,
      %get3A_949 = vector.shape_cast %get3A_948 : vector<1x16xi32> to vector<16xi32>
      %mul3A_950 = arith.constant 2 : i32
      %mul3A_951 = vector.broadcast %mul3A_950 : i32 to vector<16xi32>
      %mul3A_952 = arith.muli %get3A_949, %mul3A_951 : vector<16xi32>
      %add3A_953 = vector.broadcast %arg0 : i32 to vector<16xi32>
      %add3A_954 = arith.addi %mul3A_952, %add3A_953 : vector<16xi32>
      %swap3A_955 = arith.constant 6 : i32
      %swap3A_956 = arith.index_cast %swap3A_955 : i32 to index
      %swap3A_957 = arith.constant 48 : index
      %swap3A_958 = tpu.vector_load %arg8[%swap3A_956, %swap3A_957] {strides = array<i32>} : memref<8x128xi32, #tpu.memory_space<vmem>>, vector<1x16xi32>,
      %swap3A_959 = vector.shape_cast %swap3A_958 : vector<1x16xi32> to vector<16xi32>
      %swap3A_960 = vector.shape_cast %add3A_954 : vector<16xi32> to vector<1x16xi32>
      tpu.vector_store %arg8[%swap3A_956, %swap3A_957], %swap3A_960 {strides = array<i32>} : memref<8x128xi32, #tpu.memory_space<vmem>>, vector<1x16xi32>,
      %get3A_961 = arith.constant 6 : i32
      %get3A_962 = arith.index_cast %get3A_961 : i32 to index
      %get3A_963 = arith.constant 64 : index
      %get3A_964 = tpu.vector_load %arg8[%get3A_962, %get3A_963] {strides = array<i32>} : memref<8x128xi32, #tpu.memory_space<vmem>>, vector<1x16xi32>,
      %get3A_965 = vector.shape_cast %get3A_964 : vector<1x16xi32> to vector<16xi32>
      %mul3A_966 = arith.constant 2 : i32
      %mul3A_967 = vector.broadcast %mul3A_966 : i32 to vector<16xi32>
      %mul3A_968 = arith.muli %get3A_965, %mul3A_967 : vector<16xi32>
      %add3A_969 = vector.broadcast %arg0 : i32 to vector<16xi32>
      %add3A_970 = arith.addi %mul3A_968, %add3A_969 : vector<16xi32>
      %swap3A_971 = arith.constant 6 : i32
      %swap3A_972 = arith.index_cast %swap3A_971 : i32 to index
      %swap3A_973 = arith.constant 64 : index
      %swap3A_974 = tpu.vector_load %arg8[%swap3A_972, %swap3A_973] {strides = array<i32>} : memref<8x128xi32, #tpu.memory_space<vmem>>, vector<1x16xi32>,
      %swap3A_975 = vector.shape_cast %swap3A_974 : vector<1x16xi32> to vector<16xi32>
      %swap3A_976 = vector.shape_cast %add3A_970 : vector<16xi32> to vector<1x16xi32>
      tpu.vector_store %arg8[%swap3A_972, %swap3A_973], %swap3A_976 {strides = array<i32>} : memref<8x128xi32, #tpu.memory_space<vmem>>, vector<1x16xi32>,
      %get3A_977 = arith.constant 6 : i32
      %get3A_978 = arith.index_cast %get3A_977 : i32 to index
      %get3A_979 = arith.constant 80 : index
      %get3A_980 = tpu.vector_load %arg8[%get3A_978, %get3A_979] {strides = array<i32>} : memref<8x128xi32, #tpu.memory_space<vmem>>, vector<1x16xi32>,
      %get3A_981 = vector.shape_cast %get3A_980 : vector<1x16xi32> to vector<16xi32>
      %mul3A_982 = arith.constant 2 : i32
      %mul3A_983 = vector.broadcast %mul3A_982 : i32 to vector<16xi32>
      %mul3A_984 = arith.muli %get3A_981, %mul3A_983 : vector<16xi32>
      %add3A_985 = vector.broadcast %arg0 : i32 to vector<16xi32>
      %add3A_986 = arith.addi %mul3A_984, %add3A_985 : vector<16xi32>
      %swap3A_987 = arith.constant 6 : i32
      %swap3A_988 = arith.index_cast %swap3A_987 : i32 to index
      %swap3A_989 = arith.constant 80 : index
      %swap3A_990 = tpu.vector_load %arg8[%swap3A_988, %swap3A_989] {strides = array<i32>} : memref<8x128xi32, #tpu.memory_space<vmem>>, vector<1x16xi32>,
      %swap3A_991 = vector.shape_cast %swap3A_990 : vector<1x16xi32> to vector<16xi32>
      %swap3A_992 = vector.shape_cast %add3A_986 : vector<16xi32> to vector<1x16xi32>
      tpu.vector_store %arg8[%swap3A_988, %swap3A_989], %swap3A_992 {strides = array<i32>} : memref<8x128xi32, #tpu.memory_space<vmem>>, vector<1x16xi32>,
      %get3A_993 = arith.constant 6 : i32
      %get3A_994 = arith.index_cast %get3A_993 : i32 to index
      %get3A_995 = arith.constant 96 : index
      %get3A_996 = tpu.vector_load %arg8[%get3A_994, %get3A_995] {strides = array<i32>} : memref<8x128xi32, #tpu.memory_space<vmem>>, vector<1x16xi32>,
      %get3A_997 = vector.shape_cast %get3A_996 : vector<1x16xi32> to vector<16xi32>
      %mul3A_998 = arith.constant 2 : i32
      %mul3A_999 = vector.broadcast %mul3A_998 : i32 to vector<16xi32>
      %mul3A_1000 = arith.muli %get3A_997, %mul3A_999 : vector<16xi32>
      %add3A_1001 = vector.broadcast %arg0 : i32 to vector<16xi32>
      %add3A_1002 = arith.addi %mul3A_1000, %add3A_1001 : vector<16xi32>
      %swap3A_1003 = arith.constant 6 : i32
      %swap3A_1004 = arith.index_cast %swap3A_1003 : i32 to index
      %swap3A_1005 = arith.constant 96 : index
      %swap3A_1006 = tpu.vector_load %arg8[%swap3A_1004, %swap3A_1005] {strides = array<i32>} : memref<8x128xi32, #tpu.memory_space<vmem>>, vector<1x16xi32>,
      %swap3A_1007 = vector.shape_cast %swap3A_1006 : vector<1x16xi32> to vector<16xi32>
      %swap3A_1008 = vector.shape_cast %add3A_1002 : vector<16xi32> to vector<1x16xi32>
      tpu.vector_store %arg8[%swap3A_1004, %swap3A_1005], %swap3A_1008 {strides = array<i32>} : memref<8x128xi32, #tpu.memory_space<vmem>>, vector<1x16xi32>,
      %get3A_1009 = arith.constant 6 : i32
      %get3A_1010 = arith.index_cast %get3A_1009 : i32 to index
      %get3A_1011 = arith.constant 112 : index
      %get3A_1012 = tpu.vector_load %arg8[%get3A_1010, %get3A_1011] {strides = array<i32>} : memref<8x128xi32, #tpu.memory_space<vmem>>, vector<1x16xi32>,
      %get3A_1013 = vector.shape_cast %get3A_1012 : vector<1x16xi32> to vector<16xi32>
      %mul3A_1014 = arith.constant 2 : i32
      %mul3A_1015 = vector.broadcast %mul3A_1014 : i32 to vector<16xi32>
      %mul3A_1016 = arith.muli %get3A_1013, %mul3A_1015 : vector<16xi32>
      %add3A_1017 = vector.broadcast %arg0 : i32 to vector<16xi32>
      %add3A_1018 = arith.addi %mul3A_1016, %add3A_1017 : vector<16xi32>
      %swap3A_1019 = arith.constant 6 : i32
      %swap3A_1020 = arith.index_cast %swap3A_1019 : i32 to index
      %swap3A_1021 = arith.constant 112 : index
      %swap3A_1022 = tpu.vector_load %arg8[%swap3A_1020, %swap3A_1021] {strides = array<i32>} : memref<8x128xi32, #tpu.memory_space<vmem>>, vector<1x16xi32>,
      %swap3A_1023 = vector.shape_cast %swap3A_1022 : vector<1x16xi32> to vector<16xi32>
      %swap3A_1024 = vector.shape_cast %add3A_1018 : vector<16xi32> to vector<1x16xi32>
      tpu.vector_store %arg8[%swap3A_1020, %swap3A_1021], %swap3A_1024 {strides = array<i32>} : memref<8x128xi32, #tpu.memory_space<vmem>>, vector<1x16xi32>,
      %dma_start3A_1025 = arith.constant 6 : i32
      %dma_start3A_1026 = arith.constant 0 : i32
      %dma_start3A_1027 = tpu.memref_slice %arg8[%dma_start3A_1025, %dma_start3A_1026] : memref<8x128xi32, #tpu.memory_space<vmem>> -> memref<1x128xi32, #tpu.memory_space<vmem>>
      %dma_start3A_1028 = tpu.memref_squeeze %dma_start3A_1027 : memref<1x128xi32, #tpu.memory_space<vmem>> -> memref<128xi32, #tpu.memory_space<vmem>>
      %dma_start3A_1029 = arith.constant 0 : i32
      %dma_start3A_1030 = arith.constant 0 : i32
      %dma_start3A_1031 = tpu.memref_slice %arg2[%dma_start3A_1029, %dma_start3A_1030] : memref<20000x128xf32, #tpu.memory_space<hbm>> -> memref<20000x128xf32, #tpu.memory_space<hbm>>
      tpu.enqueue_indirect_dma source(%dma_start3A_1031 : memref<20000x128xf32, #tpu.memory_space<hbm>>) target(%arg10 : memref<128x128xf32, #tpu.memory_space<vmem>>) offsets(%dma_start3A_1028 : memref<128xi32, #tpu.memory_space<vmem>>) semaphore(%arg12 : memref<!tpu.dma_semaphore, #tpu.memory_space<semaphore_mem>>)
      %dma_wait3A_1032 = arith.constant 6 : i32
      %dma_wait3A_1033 = arith.constant 0 : i32
      %dma_wait3A_1034 = tpu.memref_slice %arg8[%dma_wait3A_1032, %dma_wait3A_1033] : memref<8x128xi32, #tpu.memory_space<vmem>> -> memref<1x128xi32, #tpu.memory_space<vmem>>
      %dma_wait3A_1035 = tpu.memref_squeeze %dma_wait3A_1034 : memref<1x128xi32, #tpu.memory_space<vmem>> -> memref<128xi32, #tpu.memory_space<vmem>>
      %dma_wait3A_1036 = arith.constant 0 : i32
      %dma_wait3A_1037 = arith.constant 0 : i32
      %dma_wait3A_1038 = tpu.memref_slice %arg2[%dma_wait3A_1036, %dma_wait3A_1037] : memref<20000x128xf32, #tpu.memory_space<hbm>> -> memref<20000x128xf32, #tpu.memory_space<hbm>>
      tpu.wait_indirect_dma semaphore(%arg12 : memref<!tpu.dma_semaphore, #tpu.memory_space<semaphore_mem>>) src(%dma_wait3A_1038 : memref<20000x128xf32, #tpu.memory_space<hbm>>) dst(%arg10 : memref<128x128xf32, #tpu.memory_space<vmem>>)
      %run_scoped3A_1039 = arith.constant 6 : i32
      "tpu.region"() ({
        %run_scoped3A_1183 = tpu.sem_alloc : memref<!tpu.dma_semaphore, #tpu.memory_space<semaphore_mem>>
        %dma_start3A_1184 = arith.constant 0 : i32
        %dma_start3A_1185 = tpu.memref_slice %arg9[%run_scoped3A_1039, %dma_start3A_1184] : memref<8x128xi32, #tpu.memory_space<vmem>> -> memref<1x128xi32, #tpu.memory_space<vmem>>
        %dma_start3A_1186 = tpu.memref_squeeze %dma_start3A_1185 : memref<1x128xi32, #tpu.memory_space<vmem>> -> memref<128xi32, #tpu.memory_space<vmem>>
        %dma_start3A_1187 = arith.constant 0 : i32
        %dma_start3A_1188 = arith.constant 0 : i32
        %dma_start3A_1189 = tpu.memref_slice %arg11[%dma_start3A_1187, %dma_start3A_1188] : memref<10240x128xf32, #tpu.memory_space<vmem_shared>> -> memref<10240x128xf32, #tpu.memory_space<vmem_shared>>
        tpu.enqueue_indirect_dma source(%arg10 : memref<128x128xf32, #tpu.memory_space<vmem>>) target(%dma_start3A_1189 : memref<10240x128xf32, #tpu.memory_space<vmem_shared>>) offsets(%dma_start3A_1186 : memref<128xi32, #tpu.memory_space<vmem>>) semaphore(%run_scoped3A_1183 : memref<!tpu.dma_semaphore, #tpu.memory_space<semaphore_mem>>) {add = true}
        %dma_wait3A_1190 = arith.constant 0 : i32
        %dma_wait3A_1191 = tpu.memref_slice %arg9[%run_scoped3A_1039, %dma_wait3A_1190] : memref<8x128xi32, #tpu.memory_space<vmem>> -> memref<1x128xi32, #tpu.memory_space<vmem>>
        %dma_wait3A_1192 = tpu.memref_squeeze %dma_wait3A_1191 : memref<1x128xi32, #tpu.memory_space<vmem>> -> memref<128xi32, #tpu.memory_space<vmem>>
        %dma_wait3A_1193 = arith.constant 0 : i32
        %dma_wait3A_1194 = arith.constant 0 : i32
        %dma_wait3A_1195 = tpu.memref_slice %arg11[%dma_wait3A_1193, %dma_wait3A_1194] : memref<10240x128xf32, #tpu.memory_space<vmem_shared>> -> memref<10240x128xf32, #tpu.memory_space<vmem_shared>>
        tpu.wait_indirect_dma semaphore(%run_scoped3A_1183 : memref<!tpu.dma_semaphore, #tpu.memory_space<semaphore_mem>>) src(%arg10 : memref<128x128xf32, #tpu.memory_space<vmem>>) dst(%dma_wait3A_1195 : memref<10240x128xf32, #tpu.memory_space<vmem_shared>>)
        tpu.yield
      }) : () -> ()
      %get3A_1040 = arith.constant 7 : i32
      %get3A_1041 = arith.index_cast %get3A_1040 : i32 to index
      %get3A_1042 = arith.constant 0 : index
      %get3A_1043 = tpu.vector_load %arg8[%get3A_1041, %get3A_1042] {strides = array<i32>} : memref<8x128xi32, #tpu.memory_space<vmem>>, vector<1x16xi32>,
      %get3A_1044 = vector.shape_cast %get3A_1043 : vector<1x16xi32> to vector<16xi32>
      %mul3A_1045 = arith.constant 2 : i32
      %mul3A_1046 = vector.broadcast %mul3A_1045 : i32 to vector<16xi32>
      %mul3A_1047 = arith.muli %get3A_1044, %mul3A_1046 : vector<16xi32>
      %add3A_1048 = vector.broadcast %arg0 : i32 to vector<16xi32>
      %add3A_1049 = arith.addi %mul3A_1047, %add3A_1048 : vector<16xi32>
      %swap3A_1050 = arith.constant 7 : i32
      %swap3A_1051 = arith.index_cast %swap3A_1050 : i32 to index
      %swap3A_1052 = arith.constant 0 : index
      %swap3A_1053 = tpu.vector_load %arg8[%swap3A_1051, %swap3A_1052] {strides = array<i32>} : memref<8x128xi32, #tpu.memory_space<vmem>>, vector<1x16xi32>,
      %swap3A_1054 = vector.shape_cast %swap3A_1053 : vector<1x16xi32> to vector<16xi32>
      %swap3A_1055 = vector.shape_cast %add3A_1049 : vector<16xi32> to vector<1x16xi32>
      tpu.vector_store %arg8[%swap3A_1051, %swap3A_1052], %swap3A_1055 {strides = array<i32>} : memref<8x128xi32, #tpu.memory_space<vmem>>, vector<1x16xi32>,
      %get3A_1056 = arith.constant 7 : i32
      %get3A_1057 = arith.index_cast %get3A_1056 : i32 to index
      %get3A_1058 = arith.constant 16 : index
      %get3A_1059 = tpu.vector_load %arg8[%get3A_1057, %get3A_1058] {strides = array<i32>} : memref<8x128xi32, #tpu.memory_space<vmem>>, vector<1x16xi32>,
      %get3A_1060 = vector.shape_cast %get3A_1059 : vector<1x16xi32> to vector<16xi32>
      %mul3A_1061 = arith.constant 2 : i32
      %mul3A_1062 = vector.broadcast %mul3A_1061 : i32 to vector<16xi32>
      %mul3A_1063 = arith.muli %get3A_1060, %mul3A_1062 : vector<16xi32>
      %add3A_1064 = vector.broadcast %arg0 : i32 to vector<16xi32>
      %add3A_1065 = arith.addi %mul3A_1063, %add3A_1064 : vector<16xi32>
      %swap3A_1066 = arith.constant 7 : i32
      %swap3A_1067 = arith.index_cast %swap3A_1066 : i32 to index
      %swap3A_1068 = arith.constant 16 : index
      %swap3A_1069 = tpu.vector_load %arg8[%swap3A_1067, %swap3A_1068] {strides = array<i32>} : memref<8x128xi32, #tpu.memory_space<vmem>>, vector<1x16xi32>,
      %swap3A_1070 = vector.shape_cast %swap3A_1069 : vector<1x16xi32> to vector<16xi32>
      %swap3A_1071 = vector.shape_cast %add3A_1065 : vector<16xi32> to vector<1x16xi32>
      tpu.vector_store %arg8[%swap3A_1067, %swap3A_1068], %swap3A_1071 {strides = array<i32>} : memref<8x128xi32, #tpu.memory_space<vmem>>, vector<1x16xi32>,
      %get3A_1072 = arith.constant 7 : i32
      %get3A_1073 = arith.index_cast %get3A_1072 : i32 to index
      %get3A_1074 = arith.constant 32 : index
      %get3A_1075 = tpu.vector_load %arg8[%get3A_1073, %get3A_1074] {strides = array<i32>} : memref<8x128xi32, #tpu.memory_space<vmem>>, vector<1x16xi32>,
      %get3A_1076 = vector.shape_cast %get3A_1075 : vector<1x16xi32> to vector<16xi32>
      %mul3A_1077 = arith.constant 2 : i32
      %mul3A_1078 = vector.broadcast %mul3A_1077 : i32 to vector<16xi32>
      %mul3A_1079 = arith.muli %get3A_1076, %mul3A_1078 : vector<16xi32>
      %add3A_1080 = vector.broadcast %arg0 : i32 to vector<16xi32>
      %add3A_1081 = arith.addi %mul3A_1079, %add3A_1080 : vector<16xi32>
      %swap3A_1082 = arith.constant 7 : i32
      %swap3A_1083 = arith.index_cast %swap3A_1082 : i32 to index
      %swap3A_1084 = arith.constant 32 : index
      %swap3A_1085 = tpu.vector_load %arg8[%swap3A_1083, %swap3A_1084] {strides = array<i32>} : memref<8x128xi32, #tpu.memory_space<vmem>>, vector<1x16xi32>,
      %swap3A_1086 = vector.shape_cast %swap3A_1085 : vector<1x16xi32> to vector<16xi32>
      %swap3A_1087 = vector.shape_cast %add3A_1081 : vector<16xi32> to vector<1x16xi32>
      tpu.vector_store %arg8[%swap3A_1083, %swap3A_1084], %swap3A_1087 {strides = array<i32>} : memref<8x128xi32, #tpu.memory_space<vmem>>, vector<1x16xi32>,
      %get3A_1088 = arith.constant 7 : i32
      %get3A_1089 = arith.index_cast %get3A_1088 : i32 to index
      %get3A_1090 = arith.constant 48 : index
      %get3A_1091 = tpu.vector_load %arg8[%get3A_1089, %get3A_1090] {strides = array<i32>} : memref<8x128xi32, #tpu.memory_space<vmem>>, vector<1x16xi32>,
      %get3A_1092 = vector.shape_cast %get3A_1091 : vector<1x16xi32> to vector<16xi32>
      %mul3A_1093 = arith.constant 2 : i32
      %mul3A_1094 = vector.broadcast %mul3A_1093 : i32 to vector<16xi32>
      %mul3A_1095 = arith.muli %get3A_1092, %mul3A_1094 : vector<16xi32>
      %add3A_1096 = vector.broadcast %arg0 : i32 to vector<16xi32>
      %add3A_1097 = arith.addi %mul3A_1095, %add3A_1096 : vector<16xi32>
      %swap3A_1098 = arith.constant 7 : i32
      %swap3A_1099 = arith.index_cast %swap3A_1098 : i32 to index
      %swap3A_1100 = arith.constant 48 : index
      %swap3A_1101 = tpu.vector_load %arg8[%swap3A_1099, %swap3A_1100] {strides = array<i32>} : memref<8x128xi32, #tpu.memory_space<vmem>>, vector<1x16xi32>,
      %swap3A_1102 = vector.shape_cast %swap3A_1101 : vector<1x16xi32> to vector<16xi32>
      %swap3A_1103 = vector.shape_cast %add3A_1097 : vector<16xi32> to vector<1x16xi32>
      tpu.vector_store %arg8[%swap3A_1099, %swap3A_1100], %swap3A_1103 {strides = array<i32>} : memref<8x128xi32, #tpu.memory_space<vmem>>, vector<1x16xi32>,
      %get3A_1104 = arith.constant 7 : i32
      %get3A_1105 = arith.index_cast %get3A_1104 : i32 to index
      %get3A_1106 = arith.constant 64 : index
      %get3A_1107 = tpu.vector_load %arg8[%get3A_1105, %get3A_1106] {strides = array<i32>} : memref<8x128xi32, #tpu.memory_space<vmem>>, vector<1x16xi32>,
      %get3A_1108 = vector.shape_cast %get3A_1107 : vector<1x16xi32> to vector<16xi32>
      %mul3A_1109 = arith.constant 2 : i32
      %mul3A_1110 = vector.broadcast %mul3A_1109 : i32 to vector<16xi32>
      %mul3A_1111 = arith.muli %get3A_1108, %mul3A_1110 : vector<16xi32>
      %add3A_1112 = vector.broadcast %arg0 : i32 to vector<16xi32>
      %add3A_1113 = arith.addi %mul3A_1111, %add3A_1112 : vector<16xi32>
      %swap3A_1114 = arith.constant 7 : i32
      %swap3A_1115 = arith.index_cast %swap3A_1114 : i32 to index
      %swap3A_1116 = arith.constant 64 : index
      %swap3A_1117 = tpu.vector_load %arg8[%swap3A_1115, %swap3A_1116] {strides = array<i32>} : memref<8x128xi32, #tpu.memory_space<vmem>>, vector<1x16xi32>,
      %swap3A_1118 = vector.shape_cast %swap3A_1117 : vector<1x16xi32> to vector<16xi32>
      %swap3A_1119 = vector.shape_cast %add3A_1113 : vector<16xi32> to vector<1x16xi32>
      tpu.vector_store %arg8[%swap3A_1115, %swap3A_1116], %swap3A_1119 {strides = array<i32>} : memref<8x128xi32, #tpu.memory_space<vmem>>, vector<1x16xi32>,
      %get3A_1120 = arith.constant 7 : i32
      %get3A_1121 = arith.index_cast %get3A_1120 : i32 to index
      %get3A_1122 = arith.constant 80 : index
      %get3A_1123 = tpu.vector_load %arg8[%get3A_1121, %get3A_1122] {strides = array<i32>} : memref<8x128xi32, #tpu.memory_space<vmem>>, vector<1x16xi32>,
      %get3A_1124 = vector.shape_cast %get3A_1123 : vector<1x16xi32> to vector<16xi32>
      %mul3A_1125 = arith.constant 2 : i32
      %mul3A_1126 = vector.broadcast %mul3A_1125 : i32 to vector<16xi32>
      %mul3A_1127 = arith.muli %get3A_1124, %mul3A_1126 : vector<16xi32>
      %add3A_1128 = vector.broadcast %arg0 : i32 to vector<16xi32>
      %add3A_1129 = arith.addi %mul3A_1127, %add3A_1128 : vector<16xi32>
      %swap3A_1130 = arith.constant 7 : i32
      %swap3A_1131 = arith.index_cast %swap3A_1130 : i32 to index
      %swap3A_1132 = arith.constant 80 : index
      %swap3A_1133 = tpu.vector_load %arg8[%swap3A_1131, %swap3A_1132] {strides = array<i32>} : memref<8x128xi32, #tpu.memory_space<vmem>>, vector<1x16xi32>,
      %swap3A_1134 = vector.shape_cast %swap3A_1133 : vector<1x16xi32> to vector<16xi32>
      %swap3A_1135 = vector.shape_cast %add3A_1129 : vector<16xi32> to vector<1x16xi32>
      tpu.vector_store %arg8[%swap3A_1131, %swap3A_1132], %swap3A_1135 {strides = array<i32>} : memref<8x128xi32, #tpu.memory_space<vmem>>, vector<1x16xi32>,
      %get3A_1136 = arith.constant 7 : i32
      %get3A_1137 = arith.index_cast %get3A_1136 : i32 to index
      %get3A_1138 = arith.constant 96 : index
      %get3A_1139 = tpu.vector_load %arg8[%get3A_1137, %get3A_1138] {strides = array<i32>} : memref<8x128xi32, #tpu.memory_space<vmem>>, vector<1x16xi32>,
      %get3A_1140 = vector.shape_cast %get3A_1139 : vector<1x16xi32> to vector<16xi32>
      %mul3A_1141 = arith.constant 2 : i32
      %mul3A_1142 = vector.broadcast %mul3A_1141 : i32 to vector<16xi32>
      %mul3A_1143 = arith.muli %get3A_1140, %mul3A_1142 : vector<16xi32>
      %add3A_1144 = vector.broadcast %arg0 : i32 to vector<16xi32>
      %add3A_1145 = arith.addi %mul3A_1143, %add3A_1144 : vector<16xi32>
      %swap3A_1146 = arith.constant 7 : i32
      %swap3A_1147 = arith.index_cast %swap3A_1146 : i32 to index
      %swap3A_1148 = arith.constant 96 : index
      %swap3A_1149 = tpu.vector_load %arg8[%swap3A_1147, %swap3A_1148] {strides = array<i32>} : memref<8x128xi32, #tpu.memory_space<vmem>>, vector<1x16xi32>,
      %swap3A_1150 = vector.shape_cast %swap3A_1149 : vector<1x16xi32> to vector<16xi32>
      %swap3A_1151 = vector.shape_cast %add3A_1145 : vector<16xi32> to vector<1x16xi32>
      tpu.vector_store %arg8[%swap3A_1147, %swap3A_1148], %swap3A_1151 {strides = array<i32>} : memref<8x128xi32, #tpu.memory_space<vmem>>, vector<1x16xi32>,
      %get3A_1152 = arith.constant 7 : i32
      %get3A_1153 = arith.index_cast %get3A_1152 : i32 to index
      %get3A_1154 = arith.constant 112 : index
      %get3A_1155 = tpu.vector_load %arg8[%get3A_1153, %get3A_1154] {strides = array<i32>} : memref<8x128xi32, #tpu.memory_space<vmem>>, vector<1x16xi32>,
      %get3A_1156 = vector.shape_cast %get3A_1155 : vector<1x16xi32> to vector<16xi32>
      %mul3A_1157 = arith.constant 2 : i32
      %mul3A_1158 = vector.broadcast %mul3A_1157 : i32 to vector<16xi32>
      %mul3A_1159 = arith.muli %get3A_1156, %mul3A_1158 : vector<16xi32>
      %add3A_1160 = vector.broadcast %arg0 : i32 to vector<16xi32>
      %add3A_1161 = arith.addi %mul3A_1159, %add3A_1160 : vector<16xi32>
      %swap3A_1162 = arith.constant 7 : i32
      %swap3A_1163 = arith.index_cast %swap3A_1162 : i32 to index
      %swap3A_1164 = arith.constant 112 : index
      %swap3A_1165 = tpu.vector_load %arg8[%swap3A_1163, %swap3A_1164] {strides = array<i32>} : memref<8x128xi32, #tpu.memory_space<vmem>>, vector<1x16xi32>,
      %swap3A_1166 = vector.shape_cast %swap3A_1165 : vector<1x16xi32> to vector<16xi32>
      %swap3A_1167 = vector.shape_cast %add3A_1161 : vector<16xi32> to vector<1x16xi32>
      tpu.vector_store %arg8[%swap3A_1163, %swap3A_1164], %swap3A_1167 {strides = array<i32>} : memref<8x128xi32, #tpu.memory_space<vmem>>, vector<1x16xi32>,
      %dma_start3A_1168 = arith.constant 7 : i32
      %dma_start3A_1169 = arith.constant 0 : i32
      %dma_start3A_1170 = tpu.memref_slice %arg8[%dma_start3A_1168, %dma_start3A_1169] : memref<8x128xi32, #tpu.memory_space<vmem>> -> memref<1x128xi32, #tpu.memory_space<vmem>>
      %dma_start3A_1171 = tpu.memref_squeeze %dma_start3A_1170 : memref<1x128xi32, #tpu.memory_space<vmem>> -> memref<128xi32, #tpu.memory_space<vmem>>
      %dma_start3A_1172 = arith.constant 0 : i32
      %dma_start3A_1173 = arith.constant 0 : i32
      %dma_start3A_1174 = tpu.memref_slice %arg2[%dma_start3A_1172, %dma_start3A_1173] : memref<20000x128xf32, #tpu.memory_space<hbm>> -> memref<20000x128xf32, #tpu.memory_space<hbm>>
      tpu.enqueue_indirect_dma source(%dma_start3A_1174 : memref<20000x128xf32, #tpu.memory_space<hbm>>) target(%arg10 : memref<128x128xf32, #tpu.memory_space<vmem>>) offsets(%dma_start3A_1171 : memref<128xi32, #tpu.memory_space<vmem>>) semaphore(%arg12 : memref<!tpu.dma_semaphore, #tpu.memory_space<semaphore_mem>>)
      %dma_wait3A_1175 = arith.constant 7 : i32
      %dma_wait3A_1176 = arith.constant 0 : i32
      %dma_wait3A_1177 = tpu.memref_slice %arg8[%dma_wait3A_1175, %dma_wait3A_1176] : memref<8x128xi32, #tpu.memory_space<vmem>> -> memref<1x128xi32, #tpu.memory_space<vmem>>
      %dma_wait3A_1178 = tpu.memref_squeeze %dma_wait3A_1177 : memref<1x128xi32, #tpu.memory_space<vmem>> -> memref<128xi32, #tpu.memory_space<vmem>>
      %dma_wait3A_1179 = arith.constant 0 : i32
      %dma_wait3A_1180 = arith.constant 0 : i32
      %dma_wait3A_1181 = tpu.memref_slice %arg2[%dma_wait3A_1179, %dma_wait3A_1180] : memref<20000x128xf32, #tpu.memory_space<hbm>> -> memref<20000x128xf32, #tpu.memory_space<hbm>>
      tpu.wait_indirect_dma semaphore(%arg12 : memref<!tpu.dma_semaphore, #tpu.memory_space<semaphore_mem>>) src(%dma_wait3A_1181 : memref<20000x128xf32, #tpu.memory_space<hbm>>) dst(%arg10 : memref<128x128xf32, #tpu.memory_space<vmem>>)
      %run_scoped3A_1182 = arith.constant 7 : i32
      "tpu.region"() ({
        %run_scoped3A_1183 = tpu.sem_alloc : memref<!tpu.dma_semaphore, #tpu.memory_space<semaphore_mem>>
        %dma_start3A_1184 = arith.constant 0 : i32
        %dma_start3A_1185 = tpu.memref_slice %arg9[%run_scoped3A_1182, %dma_start3A_1184] : memref<8x128xi32, #tpu.memory_space<vmem>> -> memref<1x128xi32, #tpu.memory_space<vmem>>
        %dma_start3A_1186 = tpu.memref_squeeze %dma_start3A_1185 : memref<1x128xi32, #tpu.memory_space<vmem>> -> memref<128xi32, #tpu.memory_space<vmem>>
        %dma_start3A_1187 = arith.constant 0 : i32
        %dma_start3A_1188 = arith.constant 0 : i32
        %dma_start3A_1189 = tpu.memref_slice %arg11[%dma_start3A_1187, %dma_start3A_1188] : memref<10240x128xf32, #tpu.memory_space<vmem_shared>> -> memref<10240x128xf32, #tpu.memory_space<vmem_shared>>
        tpu.enqueue_indirect_dma source(%arg10 : memref<128x128xf32, #tpu.memory_space<vmem>>) target(%dma_start3A_1189 : memref<10240x128xf32, #tpu.memory_space<vmem_shared>>) offsets(%dma_start3A_1186 : memref<128xi32, #tpu.memory_space<vmem>>) semaphore(%run_scoped3A_1183 : memref<!tpu.dma_semaphore, #tpu.memory_space<semaphore_mem>>) {add = true}
        %dma_wait3A_1190 = arith.constant 0 : i32
        %dma_wait3A_1191 = tpu.memref_slice %arg9[%run_scoped3A_1182, %dma_wait3A_1190] : memref<8x128xi32, #tpu.memory_space<vmem>> -> memref<1x128xi32, #tpu.memory_space<vmem>>
        %dma_wait3A_1192 = tpu.memref_squeeze %dma_wait3A_1191 : memref<1x128xi32, #tpu.memory_space<vmem>> -> memref<128xi32, #tpu.memory_space<vmem>>
        %dma_wait3A_1193 = arith.constant 0 : i32
        %dma_wait3A_1194 = arith.constant 0 : i32
        %dma_wait3A_1195 = tpu.memref_slice %arg11[%dma_wait3A_1193, %dma_wait3A_1194] : memref<10240x128xf32, #tpu.memory_space<vmem_shared>> -> memref<10240x128xf32, #tpu.memory_space<vmem_shared>>
        tpu.wait_indirect_dma semaphore(%run_scoped3A_1183 : memref<!tpu.dma_semaphore, #tpu.memory_space<semaphore_mem>>) src(%arg10 : memref<128x128xf32, #tpu.memory_space<vmem>>) dst(%dma_wait3A_1195 : memref<10240x128xf32, #tpu.memory_space<vmem_shared>>)
        tpu.yield
      }) : () -> ()
    }
    %while3A_28 = arith.constant 1 : i32
    scf.for %while3A_37 = %while3A_26 to %while3A_22 step %while3A_28  : i32 {
      %mul3A_38 = arith.constant 16 : i32
      %mul3A_39 = arith.muli %while3A_37, %mul3A_38 : i32
      %add3A_40 = arith.addi %arg1, %mul3A_39 : i32
      %mul3A_41 = arith.constant 8 : i32
      %mul3A_42 = arith.muli %add3A_40, %mul3A_41 : i32
      %multiple_of3A_43 = tpu.assume_multiple %mul3A_42, 8 : i32
      "tpu.region"() ({
        %run_scoped3A_1183 = tpu.sem_alloc : memref<!tpu.dma_semaphore, #tpu.memory_space<semaphore_mem>>
        %dma_start3A_1184 = arith.constant 0 : i32
        %dma_start3A_1185 = tpu.memref_slice %arg3[%multiple_of3A_43, %dma_start3A_1184] : memref<1256x128xi32, #tpu.memory_space<hbm>> -> memref<8x128xi32, #tpu.memory_space<hbm>>
        %dma_start3A_1186 = arith.constant 0 : i32
        %dma_start3A_1187 = tpu.memref_slice %arg3[%multiple_of3A_43, %dma_start3A_1186] : memref<1256x128xi32, #tpu.memory_space<hbm>> -> memref<8x128xi32, #tpu.memory_space<hbm>>
        tpu.enqueue_dma source(%dma_start3A_1187 : memref<8x128xi32, #tpu.memory_space<hbm>>) target(%arg8 : memref<8x128xi32, #tpu.memory_space<vmem>>) target_semaphore(%run_scoped3A_1183 : memref<!tpu.dma_semaphore, #tpu.memory_space<semaphore_mem>>)
        %dma_wait3A_1188 = arith.constant 0 : i32
        %dma_wait3A_1189 = tpu.memref_slice %arg3[%multiple_of3A_43, %dma_wait3A_1188] : memref<1256x128xi32, #tpu.memory_space<hbm>> -> memref<8x128xi32, #tpu.memory_space<hbm>>
        %dma_wait3A_1190 = arith.constant 0 : i32
        %dma_wait3A_1191 = tpu.memref_slice %arg3[%multiple_of3A_43, %dma_wait3A_1190] : memref<1256x128xi32, #tpu.memory_space<hbm>> -> memref<8x128xi32, #tpu.memory_space<hbm>>
        tpu.wait_dma2 semaphore(%run_scoped3A_1183 : memref<!tpu.dma_semaphore, #tpu.memory_space<semaphore_mem>>) src(%dma_wait3A_1191 : memref<8x128xi32, #tpu.memory_space<hbm>>) dst(%arg8 : memref<8x128xi32, #tpu.memory_space<vmem>>)
        tpu.yield
      }) : () -> ()
      "tpu.region"() ({
        %run_scoped3A_1183 = tpu.sem_alloc : memref<!tpu.dma_semaphore, #tpu.memory_space<semaphore_mem>>
        %dma_start3A_1184 = arith.constant 0 : i32
        %dma_start3A_1185 = tpu.memref_slice %arg4[%multiple_of3A_43, %dma_start3A_1184] : memref<1256x128xi32, #tpu.memory_space<hbm>> -> memref<8x128xi32, #tpu.memory_space<hbm>>
        %dma_start3A_1186 = arith.constant 0 : i32
        %dma_start3A_1187 = tpu.memref_slice %arg4[%multiple_of3A_43, %dma_start3A_1186] : memref<1256x128xi32, #tpu.memory_space<hbm>> -> memref<8x128xi32, #tpu.memory_space<hbm>>
        tpu.enqueue_dma source(%dma_start3A_1187 : memref<8x128xi32, #tpu.memory_space<hbm>>) target(%arg9 : memref<8x128xi32, #tpu.memory_space<vmem>>) target_semaphore(%run_scoped3A_1183 : memref<!tpu.dma_semaphore, #tpu.memory_space<semaphore_mem>>)
        %dma_wait3A_1188 = arith.constant 0 : i32
        %dma_wait3A_1189 = tpu.memref_slice %arg4[%multiple_of3A_43, %dma_wait3A_1188] : memref<1256x128xi32, #tpu.memory_space<hbm>> -> memref<8x128xi32, #tpu.memory_space<hbm>>
        %dma_wait3A_1190 = arith.constant 0 : i32
        %dma_wait3A_1191 = tpu.memref_slice %arg4[%multiple_of3A_43, %dma_wait3A_1190] : memref<1256x128xi32, #tpu.memory_space<hbm>> -> memref<8x128xi32, #tpu.memory_space<hbm>>
        tpu.wait_dma2 semaphore(%run_scoped3A_1183 : memref<!tpu.dma_semaphore, #tpu.memory_space<semaphore_mem>>) src(%dma_wait3A_1191 : memref<8x128xi32, #tpu.memory_space<hbm>>) dst(%arg9 : memref<8x128xi32, #tpu.memory_space<vmem>>)
        tpu.yield
      }) : () -> ()
      %get3A = arith.constant 0 : i32
      %get3A_44 = arith.index_cast %get3A : i32 to index
      %get3A_45 = arith.constant 0 : index
      %get3A_46 = tpu.vector_load %arg8[%get3A_44, %get3A_45] {strides = array<i32>} : memref<8x128xi32, #tpu.memory_space<vmem>>, vector<1x16xi32>,
      %get3A_47 = vector.shape_cast %get3A_46 : vector<1x16xi32> to vector<16xi32>
      %mul3A_48 = arith.constant 2 : i32
      %mul3A_49 = vector.broadcast %mul3A_48 : i32 to vector<16xi32>
      %mul3A_50 = arith.muli %get3A_47, %mul3A_49 : vector<16xi32>
      %add3A_51 = vector.broadcast %arg0 : i32 to vector<16xi32>
      %add3A_52 = arith.addi %mul3A_50, %add3A_51 : vector<16xi32>
      %swap3A = arith.constant 0 : i32
      %swap3A_53 = arith.index_cast %swap3A : i32 to index
      %swap3A_54 = arith.constant 0 : index
      %swap3A_55 = tpu.vector_load %arg8[%swap3A_53, %swap3A_54] {strides = array<i32>} : memref<8x128xi32, #tpu.memory_space<vmem>>, vector<1x16xi32>,
      %swap3A_56 = vector.shape_cast %swap3A_55 : vector<1x16xi32> to vector<16xi32>
      %swap3A_57 = vector.shape_cast %add3A_52 : vector<16xi32> to vector<1x16xi32>
      tpu.vector_store %arg8[%swap3A_53, %swap3A_54], %swap3A_57 {strides = array<i32>} : memref<8x128xi32, #tpu.memory_space<vmem>>, vector<1x16xi32>,
      %get3A_58 = arith.constant 0 : i32
      %get3A_59 = arith.index_cast %get3A_58 : i32 to index
      %get3A_60 = arith.constant 16 : index
      %get3A_61 = tpu.vector_load %arg8[%get3A_59, %get3A_60] {strides = array<i32>} : memref<8x128xi32, #tpu.memory_space<vmem>>, vector<1x16xi32>,
      %get3A_62 = vector.shape_cast %get3A_61 : vector<1x16xi32> to vector<16xi32>
      %mul3A_63 = arith.constant 2 : i32
      %mul3A_64 = vector.broadcast %mul3A_63 : i32 to vector<16xi32>
      %mul3A_65 = arith.muli %get3A_62, %mul3A_64 : vector<16xi32>
      %add3A_66 = vector.broadcast %arg0 : i32 to vector<16xi32>
      %add3A_67 = arith.addi %mul3A_65, %add3A_66 : vector<16xi32>
      %swap3A_68 = arith.constant 0 : i32
      %swap3A_69 = arith.index_cast %swap3A_68 : i32 to index
      %swap3A_70 = arith.constant 16 : index
      %swap3A_71 = tpu.vector_load %arg8[%swap3A_69, %swap3A_70] {strides = array<i32>} : memref<8x128xi32, #tpu.memory_space<vmem>>, vector<1x16xi32>,
      %swap3A_72 = vector.shape_cast %swap3A_71 : vector<1x16xi32> to vector<16xi32>
      %swap3A_73 = vector.shape_cast %add3A_67 : vector<16xi32> to vector<1x16xi32>
      tpu.vector_store %arg8[%swap3A_69, %swap3A_70], %swap3A_73 {strides = array<i32>} : memref<8x128xi32, #tpu.memory_space<vmem>>, vector<1x16xi32>,
      %get3A_74 = arith.constant 0 : i32
      %get3A_75 = arith.index_cast %get3A_74 : i32 to index
      %get3A_76 = arith.constant 32 : index
      %get3A_77 = tpu.vector_load %arg8[%get3A_75, %get3A_76] {strides = array<i32>} : memref<8x128xi32, #tpu.memory_space<vmem>>, vector<1x16xi32>,
      %get3A_78 = vector.shape_cast %get3A_77 : vector<1x16xi32> to vector<16xi32>
      %mul3A_79 = arith.constant 2 : i32
      %mul3A_80 = vector.broadcast %mul3A_79 : i32 to vector<16xi32>
      %mul3A_81 = arith.muli %get3A_78, %mul3A_80 : vector<16xi32>
      %add3A_82 = vector.broadcast %arg0 : i32 to vector<16xi32>
      %add3A_83 = arith.addi %mul3A_81, %add3A_82 : vector<16xi32>
      %swap3A_84 = arith.constant 0 : i32
      %swap3A_85 = arith.index_cast %swap3A_84 : i32 to index
      %swap3A_86 = arith.constant 32 : index
      %swap3A_87 = tpu.vector_load %arg8[%swap3A_85, %swap3A_86] {strides = array<i32>} : memref<8x128xi32, #tpu.memory_space<vmem>>, vector<1x16xi32>,
      %swap3A_88 = vector.shape_cast %swap3A_87 : vector<1x16xi32> to vector<16xi32>
      %swap3A_89 = vector.shape_cast %add3A_83 : vector<16xi32> to vector<1x16xi32>
      tpu.vector_store %arg8[%swap3A_85, %swap3A_86], %swap3A_89 {strides = array<i32>} : memref<8x128xi32, #tpu.memory_space<vmem>>, vector<1x16xi32>,
      %get3A_90 = arith.constant 0 : i32
      %get3A_91 = arith.index_cast %get3A_90 : i32 to index
      %get3A_92 = arith.constant 48 : index
      %get3A_93 = tpu.vector_load %arg8[%get3A_91, %get3A_92] {strides = array<i32>} : memref<8x128xi32, #tpu.memory_space<vmem>>, vector<1x16xi32>,
      %get3A_94 = vector.shape_cast %get3A_93 : vector<1x16xi32> to vector<16xi32>
      %mul3A_95 = arith.constant 2 : i32
      %mul3A_96 = vector.broadcast %mul3A_95 : i32 to vector<16xi32>
      %mul3A_97 = arith.muli %get3A_94, %mul3A_96 : vector<16xi32>
      %add3A_98 = vector.broadcast %arg0 : i32 to vector<16xi32>
      %add3A_99 = arith.addi %mul3A_97, %add3A_98 : vector<16xi32>
      %swap3A_100 = arith.constant 0 : i32
      %swap3A_101 = arith.index_cast %swap3A_100 : i32 to index
      %swap3A_102 = arith.constant 48 : index
      %swap3A_103 = tpu.vector_load %arg8[%swap3A_101, %swap3A_102] {strides = array<i32>} : memref<8x128xi32, #tpu.memory_space<vmem>>, vector<1x16xi32>,
      %swap3A_104 = vector.shape_cast %swap3A_103 : vector<1x16xi32> to vector<16xi32>
      %swap3A_105 = vector.shape_cast %add3A_99 : vector<16xi32> to vector<1x16xi32>
      tpu.vector_store %arg8[%swap3A_101, %swap3A_102], %swap3A_105 {strides = array<i32>} : memref<8x128xi32, #tpu.memory_space<vmem>>, vector<1x16xi32>,
      %get3A_106 = arith.constant 0 : i32
      %get3A_107 = arith.index_cast %get3A_106 : i32 to index
      %get3A_108 = arith.constant 64 : index
      %get3A_109 = tpu.vector_load %arg8[%get3A_107, %get3A_108] {strides = array<i32>} : memref<8x128xi32, #tpu.memory_space<vmem>>, vector<1x16xi32>,
      %get3A_110 = vector.shape_cast %get3A_109 : vector<1x16xi32> to vector<16xi32>
      %mul3A_111 = arith.constant 2 : i32
      %mul3A_112 = vector.broadcast %mul3A_111 : i32 to vector<16xi32>
      %mul3A_113 = arith.muli %get3A_110, %mul3A_112 : vector<16xi32>
      %add3A_114 = vector.broadcast %arg0 : i32 to vector<16xi32>
      %add3A_115 = arith.addi %mul3A_113, %add3A_114 : vector<16xi32>
      %swap3A_116 = arith.constant 0 : i32
      %swap3A_117 = arith.index_cast %swap3A_116 : i32 to index
      %swap3A_118 = arith.constant 64 : index
      %swap3A_119 = tpu.vector_load %arg8[%swap3A_117, %swap3A_118] {strides = array<i32>} : memref<8x128xi32, #tpu.memory_space<vmem>>, vector<1x16xi32>,
      %swap3A_120 = vector.shape_cast %swap3A_119 : vector<1x16xi32> to vector<16xi32>
      %swap3A_121 = vector.shape_cast %add3A_115 : vector<16xi32> to vector<1x16xi32>
      tpu.vector_store %arg8[%swap3A_117, %swap3A_118], %swap3A_121 {strides = array<i32>} : memref<8x128xi32, #tpu.memory_space<vmem>>, vector<1x16xi32>,
      %get3A_122 = arith.constant 0 : i32
      %get3A_123 = arith.index_cast %get3A_122 : i32 to index
      %get3A_124 = arith.constant 80 : index
      %get3A_125 = tpu.vector_load %arg8[%get3A_123, %get3A_124] {strides = array<i32>} : memref<8x128xi32, #tpu.memory_space<vmem>>, vector<1x16xi32>,
      %get3A_126 = vector.shape_cast %get3A_125 : vector<1x16xi32> to vector<16xi32>
      %mul3A_127 = arith.constant 2 : i32
      %mul3A_128 = vector.broadcast %mul3A_127 : i32 to vector<16xi32>
      %mul3A_129 = arith.muli %get3A_126, %mul3A_128 : vector<16xi32>
      %add3A_130 = vector.broadcast %arg0 : i32 to vector<16xi32>
      %add3A_131 = arith.addi %mul3A_129, %add3A_130 : vector<16xi32>
      %swap3A_132 = arith.constant 0 : i32
      %swap3A_133 = arith.index_cast %swap3A_132 : i32 to index
      %swap3A_134 = arith.constant 80 : index
      %swap3A_135 = tpu.vector_load %arg8[%swap3A_133, %swap3A_134] {strides = array<i32>} : memref<8x128xi32, #tpu.memory_space<vmem>>, vector<1x16xi32>,
      %swap3A_136 = vector.shape_cast %swap3A_135 : vector<1x16xi32> to vector<16xi32>
      %swap3A_137 = vector.shape_cast %add3A_131 : vector<16xi32> to vector<1x16xi32>
      tpu.vector_store %arg8[%swap3A_133, %swap3A_134], %swap3A_137 {strides = array<i32>} : memref<8x128xi32, #tpu.memory_space<vmem>>, vector<1x16xi32>,
      %get3A_138 = arith.constant 0 : i32
      %get3A_139 = arith.index_cast %get3A_138 : i32 to index
      %get3A_140 = arith.constant 96 : index
      %get3A_141 = tpu.vector_load %arg8[%get3A_139, %get3A_140] {strides = array<i32>} : memref<8x128xi32, #tpu.memory_space<vmem>>, vector<1x16xi32>,
      %get3A_142 = vector.shape_cast %get3A_141 : vector<1x16xi32> to vector<16xi32>
      %mul3A_143 = arith.constant 2 : i32
      %mul3A_144 = vector.broadcast %mul3A_143 : i32 to vector<16xi32>
      %mul3A_145 = arith.muli %get3A_142, %mul3A_144 : vector<16xi32>
      %add3A_146 = vector.broadcast %arg0 : i32 to vector<16xi32>
      %add3A_147 = arith.addi %mul3A_145, %add3A_146 : vector<16xi32>
      %swap3A_148 = arith.constant 0 : i32
      %swap3A_149 = arith.index_cast %swap3A_148 : i32 to index
      %swap3A_150 = arith.constant 96 : index
      %swap3A_151 = tpu.vector_load %arg8[%swap3A_149, %swap3A_150] {strides = array<i32>} : memref<8x128xi32, #tpu.memory_space<vmem>>, vector<1x16xi32>,
      %swap3A_152 = vector.shape_cast %swap3A_151 : vector<1x16xi32> to vector<16xi32>
      %swap3A_153 = vector.shape_cast %add3A_147 : vector<16xi32> to vector<1x16xi32>
      tpu.vector_store %arg8[%swap3A_149, %swap3A_150], %swap3A_153 {strides = array<i32>} : memref<8x128xi32, #tpu.memory_space<vmem>>, vector<1x16xi32>,
      %get3A_154 = arith.constant 0 : i32
      %get3A_155 = arith.index_cast %get3A_154 : i32 to index
      %get3A_156 = arith.constant 112 : index
      %get3A_157 = tpu.vector_load %arg8[%get3A_155, %get3A_156] {strides = array<i32>} : memref<8x128xi32, #tpu.memory_space<vmem>>, vector<1x16xi32>,
      %get3A_158 = vector.shape_cast %get3A_157 : vector<1x16xi32> to vector<16xi32>
      %mul3A_159 = arith.constant 2 : i32
      %mul3A_160 = vector.broadcast %mul3A_159 : i32 to vector<16xi32>
      %mul3A_161 = arith.muli %get3A_158, %mul3A_160 : vector<16xi32>
      %add3A_162 = vector.broadcast %arg0 : i32 to vector<16xi32>
      %add3A_163 = arith.addi %mul3A_161, %add3A_162 : vector<16xi32>
      %swap3A_164 = arith.constant 0 : i32
      %swap3A_165 = arith.index_cast %swap3A_164 : i32 to index
      %swap3A_166 = arith.constant 112 : index
      %swap3A_167 = tpu.vector_load %arg8[%swap3A_165, %swap3A_166] {strides = array<i32>} : memref<8x128xi32, #tpu.memory_space<vmem>>, vector<1x16xi32>,
      %swap3A_168 = vector.shape_cast %swap3A_167 : vector<1x16xi32> to vector<16xi32>
      %swap3A_169 = vector.shape_cast %add3A_163 : vector<16xi32> to vector<1x16xi32>
      tpu.vector_store %arg8[%swap3A_165, %swap3A_166], %swap3A_169 {strides = array<i32>} : memref<8x128xi32, #tpu.memory_space<vmem>>, vector<1x16xi32>,
      %dma_start3A = arith.constant 0 : i32
      %dma_start3A_170 = arith.constant 0 : i32
      %dma_start3A_171 = tpu.memref_slice %arg8[%dma_start3A, %dma_start3A_170] : memref<8x128xi32, #tpu.memory_space<vmem>> -> memref<1x128xi32, #tpu.memory_space<vmem>>
      %dma_start3A_172 = tpu.memref_squeeze %dma_start3A_171 : memref<1x128xi32, #tpu.memory_space<vmem>> -> memref<128xi32, #tpu.memory_space<vmem>>
      %dma_start3A_173 = arith.constant 0 : i32
      %dma_start3A_174 = arith.constant 0 : i32
      %dma_start3A_175 = tpu.memref_slice %arg2[%dma_start3A_173, %dma_start3A_174] : memref<20000x128xf32, #tpu.memory_space<hbm>> -> memref<20000x128xf32, #tpu.memory_space<hbm>>
      tpu.enqueue_indirect_dma source(%dma_start3A_175 : memref<20000x128xf32, #tpu.memory_space<hbm>>) target(%arg10 : memref<128x128xf32, #tpu.memory_space<vmem>>) offsets(%dma_start3A_172 : memref<128xi32, #tpu.memory_space<vmem>>) semaphore(%arg12 : memref<!tpu.dma_semaphore, #tpu.memory_space<semaphore_mem>>)
      %dma_wait3A = arith.constant 0 : i32
      %dma_wait3A_176 = arith.constant 0 : i32
      %dma_wait3A_177 = tpu.memref_slice %arg8[%dma_wait3A, %dma_wait3A_176] : memref<8x128xi32, #tpu.memory_space<vmem>> -> memref<1x128xi32, #tpu.memory_space<vmem>>
      %dma_wait3A_178 = tpu.memref_squeeze %dma_wait3A_177 : memref<1x128xi32, #tpu.memory_space<vmem>> -> memref<128xi32, #tpu.memory_space<vmem>>
      %dma_wait3A_179 = arith.constant 0 : i32
      %dma_wait3A_180 = arith.constant 0 : i32
      %dma_wait3A_181 = tpu.memref_slice %arg2[%dma_wait3A_179, %dma_wait3A_180] : memref<20000x128xf32, #tpu.memory_space<hbm>> -> memref<20000x128xf32, #tpu.memory_space<hbm>>
      tpu.wait_indirect_dma semaphore(%arg12 : memref<!tpu.dma_semaphore, #tpu.memory_space<semaphore_mem>>) src(%dma_wait3A_181 : memref<20000x128xf32, #tpu.memory_space<hbm>>) dst(%arg10 : memref<128x128xf32, #tpu.memory_space<vmem>>)
      %run_scoped3A = arith.constant 0 : i32
      "tpu.region"() ({
        %run_scoped3A_1183 = tpu.sem_alloc : memref<!tpu.dma_semaphore, #tpu.memory_space<semaphore_mem>>
        %dma_start3A_1184 = arith.constant 0 : i32
        %dma_start3A_1185 = tpu.memref_slice %arg9[%run_scoped3A, %dma_start3A_1184] : memref<8x128xi32, #tpu.memory_space<vmem>> -> memref<1x128xi32, #tpu.memory_space<vmem>>
        %dma_start3A_1186 = tpu.memref_squeeze %dma_start3A_1185 : memref<1x128xi32, #tpu.memory_space<vmem>> -> memref<128xi32, #tpu.memory_space<vmem>>
        %dma_start3A_1187 = arith.constant 0 : i32
        %dma_start3A_1188 = arith.constant 0 : i32
        %dma_start3A_1189 = tpu.memref_slice %arg11[%dma_start3A_1187, %dma_start3A_1188] : memref<10240x128xf32, #tpu.memory_space<vmem_shared>> -> memref<10240x128xf32, #tpu.memory_space<vmem_shared>>
        tpu.enqueue_indirect_dma source(%arg10 : memref<128x128xf32, #tpu.memory_space<vmem>>) target(%dma_start3A_1189 : memref<10240x128xf32, #tpu.memory_space<vmem_shared>>) offsets(%dma_start3A_1186 : memref<128xi32, #tpu.memory_space<vmem>>) semaphore(%run_scoped3A_1183 : memref<!tpu.dma_semaphore, #tpu.memory_space<semaphore_mem>>) {add = true}
        %dma_wait3A_1190 = arith.constant 0 : i32
        %dma_wait3A_1191 = tpu.memref_slice %arg9[%run_scoped3A, %dma_wait3A_1190] : memref<8x128xi32, #tpu.memory_space<vmem>> -> memref<1x128xi32, #tpu.memory_space<vmem>>
        %dma_wait3A_1192 = tpu.memref_squeeze %dma_wait3A_1191 : memref<1x128xi32, #tpu.memory_space<vmem>> -> memref<128xi32, #tpu.memory_space<vmem>>
        %dma_wait3A_1193 = arith.constant 0 : i32
        %dma_wait3A_1194 = arith.constant 0 : i32
        %dma_wait3A_1195 = tpu.memref_slice %arg11[%dma_wait3A_1193, %dma_wait3A_1194] : memref<10240x128xf32, #tpu.memory_space<vmem_shared>> -> memref<10240x128xf32, #tpu.memory_space<vmem_shared>>
        tpu.wait_indirect_dma semaphore(%run_scoped3A_1183 : memref<!tpu.dma_semaphore, #tpu.memory_space<semaphore_mem>>) src(%arg10 : memref<128x128xf32, #tpu.memory_space<vmem>>) dst(%dma_wait3A_1195 : memref<10240x128xf32, #tpu.memory_space<vmem_shared>>)
        tpu.yield
      }) : () -> ()
      %get3A_182 = arith.constant 1 : i32
      %get3A_183 = arith.index_cast %get3A_182 : i32 to index
      %get3A_184 = arith.constant 0 : index
      %get3A_185 = tpu.vector_load %arg8[%get3A_183, %get3A_184] {strides = array<i32>} : memref<8x128xi32, #tpu.memory_space<vmem>>, vector<1x16xi32>,
      %get3A_186 = vector.shape_cast %get3A_185 : vector<1x16xi32> to vector<16xi32>
      %mul3A_187 = arith.constant 2 : i32
      %mul3A_188 = vector.broadcast %mul3A_187 : i32 to vector<16xi32>
      %mul3A_189 = arith.muli %get3A_186, %mul3A_188 : vector<16xi32>
      %add3A_190 = vector.broadcast %arg0 : i32 to vector<16xi32>
      %add3A_191 = arith.addi %mul3A_189, %add3A_190 : vector<16xi32>
      %swap3A_192 = arith.constant 1 : i32
      %swap3A_193 = arith.index_cast %swap3A_192 : i32 to index
      %swap3A_194 = arith.constant 0 : index
      %swap3A_195 = tpu.vector_load %arg8[%swap3A_193, %swap3A_194] {strides = array<i32>} : memref<8x128xi32, #tpu.memory_space<vmem>>, vector<1x16xi32>,
      %swap3A_196 = vector.shape_cast %swap3A_195 : vector<1x16xi32> to vector<16xi32>
      %swap3A_197 = vector.shape_cast %add3A_191 : vector<16xi32> to vector<1x16xi32>
      tpu.vector_store %arg8[%swap3A_193, %swap3A_194], %swap3A_197 {strides = array<i32>} : memref<8x128xi32, #tpu.memory_space<vmem>>, vector<1x16xi32>,
      %get3A_198 = arith.constant 1 : i32
      %get3A_199 = arith.index_cast %get3A_198 : i32 to index
      %get3A_200 = arith.constant 16 : index
      %get3A_201 = tpu.vector_load %arg8[%get3A_199, %get3A_200] {strides = array<i32>} : memref<8x128xi32, #tpu.memory_space<vmem>>, vector<1x16xi32>,
      %get3A_202 = vector.shape_cast %get3A_201 : vector<1x16xi32> to vector<16xi32>
      %mul3A_203 = arith.constant 2 : i32
      %mul3A_204 = vector.broadcast %mul3A_203 : i32 to vector<16xi32>
      %mul3A_205 = arith.muli %get3A_202, %mul3A_204 : vector<16xi32>
      %add3A_206 = vector.broadcast %arg0 : i32 to vector<16xi32>
      %add3A_207 = arith.addi %mul3A_205, %add3A_206 : vector<16xi32>
      %swap3A_208 = arith.constant 1 : i32
      %swap3A_209 = arith.index_cast %swap3A_208 : i32 to index
      %swap3A_210 = arith.constant 16 : index
      %swap3A_211 = tpu.vector_load %arg8[%swap3A_209, %swap3A_210] {strides = array<i32>} : memref<8x128xi32, #tpu.memory_space<vmem>>, vector<1x16xi32>,
      %swap3A_212 = vector.shape_cast %swap3A_211 : vector<1x16xi32> to vector<16xi32>
      %swap3A_213 = vector.shape_cast %add3A_207 : vector<16xi32> to vector<1x16xi32>
      tpu.vector_store %arg8[%swap3A_209, %swap3A_210], %swap3A_213 {strides = array<i32>} : memref<8x128xi32, #tpu.memory_space<vmem>>, vector<1x16xi32>,
      %get3A_214 = arith.constant 1 : i32
      %get3A_215 = arith.index_cast %get3A_214 : i32 to index
      %get3A_216 = arith.constant 32 : index
      %get3A_217 = tpu.vector_load %arg8[%get3A_215, %get3A_216] {strides = array<i32>} : memref<8x128xi32, #tpu.memory_space<vmem>>, vector<1x16xi32>,
      %get3A_218 = vector.shape_cast %get3A_217 : vector<1x16xi32> to vector<16xi32>
      %mul3A_219 = arith.constant 2 : i32
      %mul3A_220 = vector.broadcast %mul3A_219 : i32 to vector<16xi32>
      %mul3A_221 = arith.muli %get3A_218, %mul3A_220 : vector<16xi32>
      %add3A_222 = vector.broadcast %arg0 : i32 to vector<16xi32>
      %add3A_223 = arith.addi %mul3A_221, %add3A_222 : vector<16xi32>
      %swap3A_224 = arith.constant 1 : i32
      %swap3A_225 = arith.index_cast %swap3A_224 : i32 to index
      %swap3A_226 = arith.constant 32 : index
      %swap3A_227 = tpu.vector_load %arg8[%swap3A_225, %swap3A_226] {strides = array<i32>} : memref<8x128xi32, #tpu.memory_space<vmem>>, vector<1x16xi32>,
      %swap3A_228 = vector.shape_cast %swap3A_227 : vector<1x16xi32> to vector<16xi32>
      %swap3A_229 = vector.shape_cast %add3A_223 : vector<16xi32> to vector<1x16xi32>
      tpu.vector_store %arg8[%swap3A_225, %swap3A_226], %swap3A_229 {strides = array<i32>} : memref<8x128xi32, #tpu.memory_space<vmem>>, vector<1x16xi32>,
      %get3A_230 = arith.constant 1 : i32
      %get3A_231 = arith.index_cast %get3A_230 : i32 to index
      %get3A_232 = arith.constant 48 : index
      %get3A_233 = tpu.vector_load %arg8[%get3A_231, %get3A_232] {strides = array<i32>} : memref<8x128xi32, #tpu.memory_space<vmem>>, vector<1x16xi32>,
      %get3A_234 = vector.shape_cast %get3A_233 : vector<1x16xi32> to vector<16xi32>
      %mul3A_235 = arith.constant 2 : i32
      %mul3A_236 = vector.broadcast %mul3A_235 : i32 to vector<16xi32>
      %mul3A_237 = arith.muli %get3A_234, %mul3A_236 : vector<16xi32>
      %add3A_238 = vector.broadcast %arg0 : i32 to vector<16xi32>
      %add3A_239 = arith.addi %mul3A_237, %add3A_238 : vector<16xi32>
      %swap3A_240 = arith.constant 1 : i32
      %swap3A_241 = arith.index_cast %swap3A_240 : i32 to index
      %swap3A_242 = arith.constant 48 : index
      %swap3A_243 = tpu.vector_load %arg8[%swap3A_241, %swap3A_242] {strides = array<i32>} : memref<8x128xi32, #tpu.memory_space<vmem>>, vector<1x16xi32>,
      %swap3A_244 = vector.shape_cast %swap3A_243 : vector<1x16xi32> to vector<16xi32>
      %swap3A_245 = vector.shape_cast %add3A_239 : vector<16xi32> to vector<1x16xi32>
      tpu.vector_store %arg8[%swap3A_241, %swap3A_242], %swap3A_245 {strides = array<i32>} : memref<8x128xi32, #tpu.memory_space<vmem>>, vector<1x16xi32>,
      %get3A_246 = arith.constant 1 : i32
      %get3A_247 = arith.index_cast %get3A_246 : i32 to index
      %get3A_248 = arith.constant 64 : index
      %get3A_249 = tpu.vector_load %arg8[%get3A_247, %get3A_248] {strides = array<i32>} : memref<8x128xi32, #tpu.memory_space<vmem>>, vector<1x16xi32>,
      %get3A_250 = vector.shape_cast %get3A_249 : vector<1x16xi32> to vector<16xi32>
      %mul3A_251 = arith.constant 2 : i32
      %mul3A_252 = vector.broadcast %mul3A_251 : i32 to vector<16xi32>
      %mul3A_253 = arith.muli %get3A_250, %mul3A_252 : vector<16xi32>
      %add3A_254 = vector.broadcast %arg0 : i32 to vector<16xi32>
      %add3A_255 = arith.addi %mul3A_253, %add3A_254 : vector<16xi32>
      %swap3A_256 = arith.constant 1 : i32
      %swap3A_257 = arith.index_cast %swap3A_256 : i32 to index
      %swap3A_258 = arith.constant 64 : index
      %swap3A_259 = tpu.vector_load %arg8[%swap3A_257, %swap3A_258] {strides = array<i32>} : memref<8x128xi32, #tpu.memory_space<vmem>>, vector<1x16xi32>,
      %swap3A_260 = vector.shape_cast %swap3A_259 : vector<1x16xi32> to vector<16xi32>
      %swap3A_261 = vector.shape_cast %add3A_255 : vector<16xi32> to vector<1x16xi32>
      tpu.vector_store %arg8[%swap3A_257, %swap3A_258], %swap3A_261 {strides = array<i32>} : memref<8x128xi32, #tpu.memory_space<vmem>>, vector<1x16xi32>,
      %get3A_262 = arith.constant 1 : i32
      %get3A_263 = arith.index_cast %get3A_262 : i32 to index
      %get3A_264 = arith.constant 80 : index
      %get3A_265 = tpu.vector_load %arg8[%get3A_263, %get3A_264] {strides = array<i32>} : memref<8x128xi32, #tpu.memory_space<vmem>>, vector<1x16xi32>,
      %get3A_266 = vector.shape_cast %get3A_265 : vector<1x16xi32> to vector<16xi32>
      %mul3A_267 = arith.constant 2 : i32
      %mul3A_268 = vector.broadcast %mul3A_267 : i32 to vector<16xi32>
      %mul3A_269 = arith.muli %get3A_266, %mul3A_268 : vector<16xi32>
      %add3A_270 = vector.broadcast %arg0 : i32 to vector<16xi32>
      %add3A_271 = arith.addi %mul3A_269, %add3A_270 : vector<16xi32>
      %swap3A_272 = arith.constant 1 : i32
      %swap3A_273 = arith.index_cast %swap3A_272 : i32 to index
      %swap3A_274 = arith.constant 80 : index
      %swap3A_275 = tpu.vector_load %arg8[%swap3A_273, %swap3A_274] {strides = array<i32>} : memref<8x128xi32, #tpu.memory_space<vmem>>, vector<1x16xi32>,
      %swap3A_276 = vector.shape_cast %swap3A_275 : vector<1x16xi32> to vector<16xi32>
      %swap3A_277 = vector.shape_cast %add3A_271 : vector<16xi32> to vector<1x16xi32>
      tpu.vector_store %arg8[%swap3A_273, %swap3A_274], %swap3A_277 {strides = array<i32>} : memref<8x128xi32, #tpu.memory_space<vmem>>, vector<1x16xi32>,
      %get3A_278 = arith.constant 1 : i32
      %get3A_279 = arith.index_cast %get3A_278 : i32 to index
      %get3A_280 = arith.constant 96 : index
      %get3A_281 = tpu.vector_load %arg8[%get3A_279, %get3A_280] {strides = array<i32>} : memref<8x128xi32, #tpu.memory_space<vmem>>, vector<1x16xi32>,
      %get3A_282 = vector.shape_cast %get3A_281 : vector<1x16xi32> to vector<16xi32>
      %mul3A_283 = arith.constant 2 : i32
      %mul3A_284 = vector.broadcast %mul3A_283 : i32 to vector<16xi32>
      %mul3A_285 = arith.muli %get3A_282, %mul3A_284 : vector<16xi32>
      %add3A_286 = vector.broadcast %arg0 : i32 to vector<16xi32>
      %add3A_287 = arith.addi %mul3A_285, %add3A_286 : vector<16xi32>
      %swap3A_288 = arith.constant 1 : i32
      %swap3A_289 = arith.index_cast %swap3A_288 : i32 to index
      %swap3A_290 = arith.constant 96 : index
      %swap3A_291 = tpu.vector_load %arg8[%swap3A_289, %swap3A_290] {strides = array<i32>} : memref<8x128xi32, #tpu.memory_space<vmem>>, vector<1x16xi32>,
      %swap3A_292 = vector.shape_cast %swap3A_291 : vector<1x16xi32> to vector<16xi32>
      %swap3A_293 = vector.shape_cast %add3A_287 : vector<16xi32> to vector<1x16xi32>
      tpu.vector_store %arg8[%swap3A_289, %swap3A_290], %swap3A_293 {strides = array<i32>} : memref<8x128xi32, #tpu.memory_space<vmem>>, vector<1x16xi32>,
      %get3A_294 = arith.constant 1 : i32
      %get3A_295 = arith.index_cast %get3A_294 : i32 to index
      %get3A_296 = arith.constant 112 : index
      %get3A_297 = tpu.vector_load %arg8[%get3A_295, %get3A_296] {strides = array<i32>} : memref<8x128xi32, #tpu.memory_space<vmem>>, vector<1x16xi32>,
      %get3A_298 = vector.shape_cast %get3A_297 : vector<1x16xi32> to vector<16xi32>
      %mul3A_299 = arith.constant 2 : i32
      %mul3A_300 = vector.broadcast %mul3A_299 : i32 to vector<16xi32>
      %mul3A_301 = arith.muli %get3A_298, %mul3A_300 : vector<16xi32>
      %add3A_302 = vector.broadcast %arg0 : i32 to vector<16xi32>
      %add3A_303 = arith.addi %mul3A_301, %add3A_302 : vector<16xi32>
      %swap3A_304 = arith.constant 1 : i32
      %swap3A_305 = arith.index_cast %swap3A_304 : i32 to index
      %swap3A_306 = arith.constant 112 : index
      %swap3A_307 = tpu.vector_load %arg8[%swap3A_305, %swap3A_306] {strides = array<i32>} : memref<8x128xi32, #tpu.memory_space<vmem>>, vector<1x16xi32>,
      %swap3A_308 = vector.shape_cast %swap3A_307 : vector<1x16xi32> to vector<16xi32>
      %swap3A_309 = vector.shape_cast %add3A_303 : vector<16xi32> to vector<1x16xi32>
      tpu.vector_store %arg8[%swap3A_305, %swap3A_306], %swap3A_309 {strides = array<i32>} : memref<8x128xi32, #tpu.memory_space<vmem>>, vector<1x16xi32>,
      %dma_start3A_310 = arith.constant 1 : i32
      %dma_start3A_311 = arith.constant 0 : i32
      %dma_start3A_312 = tpu.memref_slice %arg8[%dma_start3A_310, %dma_start3A_311] : memref<8x128xi32, #tpu.memory_space<vmem>> -> memref<1x128xi32, #tpu.memory_space<vmem>>
      %dma_start3A_313 = tpu.memref_squeeze %dma_start3A_312 : memref<1x128xi32, #tpu.memory_space<vmem>> -> memref<128xi32, #tpu.memory_space<vmem>>
      %dma_start3A_314 = arith.constant 0 : i32
      %dma_start3A_315 = arith.constant 0 : i32
      %dma_start3A_316 = tpu.memref_slice %arg2[%dma_start3A_314, %dma_start3A_315] : memref<20000x128xf32, #tpu.memory_space<hbm>> -> memref<20000x128xf32, #tpu.memory_space<hbm>>
      tpu.enqueue_indirect_dma source(%dma_start3A_316 : memref<20000x128xf32, #tpu.memory_space<hbm>>) target(%arg10 : memref<128x128xf32, #tpu.memory_space<vmem>>) offsets(%dma_start3A_313 : memref<128xi32, #tpu.memory_space<vmem>>) semaphore(%arg12 : memref<!tpu.dma_semaphore, #tpu.memory_space<semaphore_mem>>)
      %dma_wait3A_317 = arith.constant 1 : i32
      %dma_wait3A_318 = arith.constant 0 : i32
      %dma_wait3A_319 = tpu.memref_slice %arg8[%dma_wait3A_317, %dma_wait3A_318] : memref<8x128xi32, #tpu.memory_space<vmem>> -> memref<1x128xi32, #tpu.memory_space<vmem>>
      %dma_wait3A_320 = tpu.memref_squeeze %dma_wait3A_319 : memref<1x128xi32, #tpu.memory_space<vmem>> -> memref<128xi32, #tpu.memory_space<vmem>>
      %dma_wait3A_321 = arith.constant 0 : i32
      %dma_wait3A_322 = arith.constant 0 : i32
      %dma_wait3A_323 = tpu.memref_slice %arg2[%dma_wait3A_321, %dma_wait3A_322] : memref<20000x128xf32, #tpu.memory_space<hbm>> -> memref<20000x128xf32, #tpu.memory_space<hbm>>
      tpu.wait_indirect_dma semaphore(%arg12 : memref<!tpu.dma_semaphore, #tpu.memory_space<semaphore_mem>>) src(%dma_wait3A_323 : memref<20000x128xf32, #tpu.memory_space<hbm>>) dst(%arg10 : memref<128x128xf32, #tpu.memory_space<vmem>>)
      %run_scoped3A_324 = arith.constant 1 : i32
      "tpu.region"() ({
        %run_scoped3A_1183 = tpu.sem_alloc : memref<!tpu.dma_semaphore, #tpu.memory_space<semaphore_mem>>
        %dma_start3A_1184 = arith.constant 0 : i32
        %dma_start3A_1185 = tpu.memref_slice %arg9[%run_scoped3A_324, %dma_start3A_1184] : memref<8x128xi32, #tpu.memory_space<vmem>> -> memref<1x128xi32, #tpu.memory_space<vmem>>
        %dma_start3A_1186 = tpu.memref_squeeze %dma_start3A_1185 : memref<1x128xi32, #tpu.memory_space<vmem>> -> memref<128xi32, #tpu.memory_space<vmem>>
        %dma_start3A_1187 = arith.constant 0 : i32
        %dma_start3A_1188 = arith.constant 0 : i32
        %dma_start3A_1189 = tpu.memref_slice %arg11[%dma_start3A_1187, %dma_start3A_1188] : memref<10240x128xf32, #tpu.memory_space<vmem_shared>> -> memref<10240x128xf32, #tpu.memory_space<vmem_shared>>
        tpu.enqueue_indirect_dma source(%arg10 : memref<128x128xf32, #tpu.memory_space<vmem>>) target(%dma_start3A_1189 : memref<10240x128xf32, #tpu.memory_space<vmem_shared>>) offsets(%dma_start3A_1186 : memref<128xi32, #tpu.memory_space<vmem>>) semaphore(%run_scoped3A_1183 : memref<!tpu.dma_semaphore, #tpu.memory_space<semaphore_mem>>) {add = true}
        %dma_wait3A_1190 = arith.constant 0 : i32
        %dma_wait3A_1191 = tpu.memref_slice %arg9[%run_scoped3A_324, %dma_wait3A_1190] : memref<8x128xi32, #tpu.memory_space<vmem>> -> memref<1x128xi32, #tpu.memory_space<vmem>>
        %dma_wait3A_1192 = tpu.memref_squeeze %dma_wait3A_1191 : memref<1x128xi32, #tpu.memory_space<vmem>> -> memref<128xi32, #tpu.memory_space<vmem>>
        %dma_wait3A_1193 = arith.constant 0 : i32
        %dma_wait3A_1194 = arith.constant 0 : i32
        %dma_wait3A_1195 = tpu.memref_slice %arg11[%dma_wait3A_1193, %dma_wait3A_1194] : memref<10240x128xf32, #tpu.memory_space<vmem_shared>> -> memref<10240x128xf32, #tpu.memory_space<vmem_shared>>
        tpu.wait_indirect_dma semaphore(%run_scoped3A_1183 : memref<!tpu.dma_semaphore, #tpu.memory_space<semaphore_mem>>) src(%arg10 : memref<128x128xf32, #tpu.memory_space<vmem>>) dst(%dma_wait3A_1195 : memref<10240x128xf32, #tpu.memory_space<vmem_shared>>)
        tpu.yield
      }) : () -> ()
      %get3A_325 = arith.constant 2 : i32
      %get3A_326 = arith.index_cast %get3A_325 : i32 to index
      %get3A_327 = arith.constant 0 : index
      %get3A_328 = tpu.vector_load %arg8[%get3A_326, %get3A_327] {strides = array<i32>} : memref<8x128xi32, #tpu.memory_space<vmem>>, vector<1x16xi32>,
      %get3A_329 = vector.shape_cast %get3A_328 : vector<1x16xi32> to vector<16xi32>
      %mul3A_330 = arith.constant 2 : i32
      %mul3A_331 = vector.broadcast %mul3A_330 : i32 to vector<16xi32>
      %mul3A_332 = arith.muli %get3A_329, %mul3A_331 : vector<16xi32>
      %add3A_333 = vector.broadcast %arg0 : i32 to vector<16xi32>
      %add3A_334 = arith.addi %mul3A_332, %add3A_333 : vector<16xi32>
      %swap3A_335 = arith.constant 2 : i32
      %swap3A_336 = arith.index_cast %swap3A_335 : i32 to index
      %swap3A_337 = arith.constant 0 : index
      %swap3A_338 = tpu.vector_load %arg8[%swap3A_336, %swap3A_337] {strides = array<i32>} : memref<8x128xi32, #tpu.memory_space<vmem>>, vector<1x16xi32>,
      %swap3A_339 = vector.shape_cast %swap3A_338 : vector<1x16xi32> to vector<16xi32>
      %swap3A_340 = vector.shape_cast %add3A_334 : vector<16xi32> to vector<1x16xi32>
      tpu.vector_store %arg8[%swap3A_336, %swap3A_337], %swap3A_340 {strides = array<i32>} : memref<8x128xi32, #tpu.memory_space<vmem>>, vector<1x16xi32>,
      %get3A_341 = arith.constant 2 : i32
      %get3A_342 = arith.index_cast %get3A_341 : i32 to index
      %get3A_343 = arith.constant 16 : index
      %get3A_344 = tpu.vector_load %arg8[%get3A_342, %get3A_343] {strides = array<i32>} : memref<8x128xi32, #tpu.memory_space<vmem>>, vector<1x16xi32>,
      %get3A_345 = vector.shape_cast %get3A_344 : vector<1x16xi32> to vector<16xi32>
      %mul3A_346 = arith.constant 2 : i32
      %mul3A_347 = vector.broadcast %mul3A_346 : i32 to vector<16xi32>
      %mul3A_348 = arith.muli %get3A_345, %mul3A_347 : vector<16xi32>
      %add3A_349 = vector.broadcast %arg0 : i32 to vector<16xi32>
      %add3A_350 = arith.addi %mul3A_348, %add3A_349 : vector<16xi32>
      %swap3A_351 = arith.constant 2 : i32
      %swap3A_352 = arith.index_cast %swap3A_351 : i32 to index
      %swap3A_353 = arith.constant 16 : index
      %swap3A_354 = tpu.vector_load %arg8[%swap3A_352, %swap3A_353] {strides = array<i32>} : memref<8x128xi32, #tpu.memory_space<vmem>>, vector<1x16xi32>,
      %swap3A_355 = vector.shape_cast %swap3A_354 : vector<1x16xi32> to vector<16xi32>
      %swap3A_356 = vector.shape_cast %add3A_350 : vector<16xi32> to vector<1x16xi32>
      tpu.vector_store %arg8[%swap3A_352, %swap3A_353], %swap3A_356 {strides = array<i32>} : memref<8x128xi32, #tpu.memory_space<vmem>>, vector<1x16xi32>,
      %get3A_357 = arith.constant 2 : i32
      %get3A_358 = arith.index_cast %get3A_357 : i32 to index
      %get3A_359 = arith.constant 32 : index
      %get3A_360 = tpu.vector_load %arg8[%get3A_358, %get3A_359] {strides = array<i32>} : memref<8x128xi32, #tpu.memory_space<vmem>>, vector<1x16xi32>,
      %get3A_361 = vector.shape_cast %get3A_360 : vector<1x16xi32> to vector<16xi32>
      %mul3A_362 = arith.constant 2 : i32
      %mul3A_363 = vector.broadcast %mul3A_362 : i32 to vector<16xi32>
      %mul3A_364 = arith.muli %get3A_361, %mul3A_363 : vector<16xi32>
      %add3A_365 = vector.broadcast %arg0 : i32 to vector<16xi32>
      %add3A_366 = arith.addi %mul3A_364, %add3A_365 : vector<16xi32>
      %swap3A_367 = arith.constant 2 : i32
      %swap3A_368 = arith.index_cast %swap3A_367 : i32 to index
      %swap3A_369 = arith.constant 32 : index
      %swap3A_370 = tpu.vector_load %arg8[%swap3A_368, %swap3A_369] {strides = array<i32>} : memref<8x128xi32, #tpu.memory_space<vmem>>, vector<1x16xi32>,
      %swap3A_371 = vector.shape_cast %swap3A_370 : vector<1x16xi32> to vector<16xi32>
      %swap3A_372 = vector.shape_cast %add3A_366 : vector<16xi32> to vector<1x16xi32>
      tpu.vector_store %arg8[%swap3A_368, %swap3A_369], %swap3A_372 {strides = array<i32>} : memref<8x128xi32, #tpu.memory_space<vmem>>, vector<1x16xi32>,
      %get3A_373 = arith.constant 2 : i32
      %get3A_374 = arith.index_cast %get3A_373 : i32 to index
      %get3A_375 = arith.constant 48 : index
      %get3A_376 = tpu.vector_load %arg8[%get3A_374, %get3A_375] {strides = array<i32>} : memref<8x128xi32, #tpu.memory_space<vmem>>, vector<1x16xi32>,
      %get3A_377 = vector.shape_cast %get3A_376 : vector<1x16xi32> to vector<16xi32>
      %mul3A_378 = arith.constant 2 : i32
      %mul3A_379 = vector.broadcast %mul3A_378 : i32 to vector<16xi32>
      %mul3A_380 = arith.muli %get3A_377, %mul3A_379 : vector<16xi32>
      %add3A_381 = vector.broadcast %arg0 : i32 to vector<16xi32>
      %add3A_382 = arith.addi %mul3A_380, %add3A_381 : vector<16xi32>
      %swap3A_383 = arith.constant 2 : i32
      %swap3A_384 = arith.index_cast %swap3A_383 : i32 to index
      %swap3A_385 = arith.constant 48 : index
      %swap3A_386 = tpu.vector_load %arg8[%swap3A_384, %swap3A_385] {strides = array<i32>} : memref<8x128xi32, #tpu.memory_space<vmem>>, vector<1x16xi32>,
      %swap3A_387 = vector.shape_cast %swap3A_386 : vector<1x16xi32> to vector<16xi32>
      %swap3A_388 = vector.shape_cast %add3A_382 : vector<16xi32> to vector<1x16xi32>
      tpu.vector_store %arg8[%swap3A_384, %swap3A_385], %swap3A_388 {strides = array<i32>} : memref<8x128xi32, #tpu.memory_space<vmem>>, vector<1x16xi32>,
      %get3A_389 = arith.constant 2 : i32
      %get3A_390 = arith.index_cast %get3A_389 : i32 to index
      %get3A_391 = arith.constant 64 : index
      %get3A_392 = tpu.vector_load %arg8[%get3A_390, %get3A_391] {strides = array<i32>} : memref<8x128xi32, #tpu.memory_space<vmem>>, vector<1x16xi32>,
      %get3A_393 = vector.shape_cast %get3A_392 : vector<1x16xi32> to vector<16xi32>
      %mul3A_394 = arith.constant 2 : i32
      %mul3A_395 = vector.broadcast %mul3A_394 : i32 to vector<16xi32>
      %mul3A_396 = arith.muli %get3A_393, %mul3A_395 : vector<16xi32>
      %add3A_397 = vector.broadcast %arg0 : i32 to vector<16xi32>
      %add3A_398 = arith.addi %mul3A_396, %add3A_397 : vector<16xi32>
      %swap3A_399 = arith.constant 2 : i32
      %swap3A_400 = arith.index_cast %swap3A_399 : i32 to index
      %swap3A_401 = arith.constant 64 : index
      %swap3A_402 = tpu.vector_load %arg8[%swap3A_400, %swap3A_401] {strides = array<i32>} : memref<8x128xi32, #tpu.memory_space<vmem>>, vector<1x16xi32>,
      %swap3A_403 = vector.shape_cast %swap3A_402 : vector<1x16xi32> to vector<16xi32>
      %swap3A_404 = vector.shape_cast %add3A_398 : vector<16xi32> to vector<1x16xi32>
      tpu.vector_store %arg8[%swap3A_400, %swap3A_401], %swap3A_404 {strides = array<i32>} : memref<8x128xi32, #tpu.memory_space<vmem>>, vector<1x16xi32>,
      %get3A_405 = arith.constant 2 : i32
      %get3A_406 = arith.index_cast %get3A_405 : i32 to index
      %get3A_407 = arith.constant 80 : index
      %get3A_408 = tpu.vector_load %arg8[%get3A_406, %get3A_407] {strides = array<i32>} : memref<8x128xi32, #tpu.memory_space<vmem>>, vector<1x16xi32>,
      %get3A_409 = vector.shape_cast %get3A_408 : vector<1x16xi32> to vector<16xi32>
      %mul3A_410 = arith.constant 2 : i32
      %mul3A_411 = vector.broadcast %mul3A_410 : i32 to vector<16xi32>
      %mul3A_412 = arith.muli %get3A_409, %mul3A_411 : vector<16xi32>
      %add3A_413 = vector.broadcast %arg0 : i32 to vector<16xi32>
      %add3A_414 = arith.addi %mul3A_412, %add3A_413 : vector<16xi32>
      %swap3A_415 = arith.constant 2 : i32
      %swap3A_416 = arith.index_cast %swap3A_415 : i32 to index
      %swap3A_417 = arith.constant 80 : index
      %swap3A_418 = tpu.vector_load %arg8[%swap3A_416, %swap3A_417] {strides = array<i32>} : memref<8x128xi32, #tpu.memory_space<vmem>>, vector<1x16xi32>,
      %swap3A_419 = vector.shape_cast %swap3A_418 : vector<1x16xi32> to vector<16xi32>
      %swap3A_420 = vector.shape_cast %add3A_414 : vector<16xi32> to vector<1x16xi32>
      tpu.vector_store %arg8[%swap3A_416, %swap3A_417], %swap3A_420 {strides = array<i32>} : memref<8x128xi32, #tpu.memory_space<vmem>>, vector<1x16xi32>,
      %get3A_421 = arith.constant 2 : i32
      %get3A_422 = arith.index_cast %get3A_421 : i32 to index
      %get3A_423 = arith.constant 96 : index
      %get3A_424 = tpu.vector_load %arg8[%get3A_422, %get3A_423] {strides = array<i32>} : memref<8x128xi32, #tpu.memory_space<vmem>>, vector<1x16xi32>,
      %get3A_425 = vector.shape_cast %get3A_424 : vector<1x16xi32> to vector<16xi32>
      %mul3A_426 = arith.constant 2 : i32
      %mul3A_427 = vector.broadcast %mul3A_426 : i32 to vector<16xi32>
      %mul3A_428 = arith.muli %get3A_425, %mul3A_427 : vector<16xi32>
      %add3A_429 = vector.broadcast %arg0 : i32 to vector<16xi32>
      %add3A_430 = arith.addi %mul3A_428, %add3A_429 : vector<16xi32>
      %swap3A_431 = arith.constant 2 : i32
      %swap3A_432 = arith.index_cast %swap3A_431 : i32 to index
      %swap3A_433 = arith.constant 96 : index
      %swap3A_434 = tpu.vector_load %arg8[%swap3A_432, %swap3A_433] {strides = array<i32>} : memref<8x128xi32, #tpu.memory_space<vmem>>, vector<1x16xi32>,
      %swap3A_435 = vector.shape_cast %swap3A_434 : vector<1x16xi32> to vector<16xi32>
      %swap3A_436 = vector.shape_cast %add3A_430 : vector<16xi32> to vector<1x16xi32>
      tpu.vector_store %arg8[%swap3A_432, %swap3A_433], %swap3A_436 {strides = array<i32>} : memref<8x128xi32, #tpu.memory_space<vmem>>, vector<1x16xi32>,
      %get3A_437 = arith.constant 2 : i32
      %get3A_438 = arith.index_cast %get3A_437 : i32 to index
      %get3A_439 = arith.constant 112 : index
      %get3A_440 = tpu.vector_load %arg8[%get3A_438, %get3A_439] {strides = array<i32>} : memref<8x128xi32, #tpu.memory_space<vmem>>, vector<1x16xi32>,
      %get3A_441 = vector.shape_cast %get3A_440 : vector<1x16xi32> to vector<16xi32>
      %mul3A_442 = arith.constant 2 : i32
      %mul3A_443 = vector.broadcast %mul3A_442 : i32 to vector<16xi32>
      %mul3A_444 = arith.muli %get3A_441, %mul3A_443 : vector<16xi32>
      %add3A_445 = vector.broadcast %arg0 : i32 to vector<16xi32>
      %add3A_446 = arith.addi %mul3A_444, %add3A_445 : vector<16xi32>
      %swap3A_447 = arith.constant 2 : i32
      %swap3A_448 = arith.index_cast %swap3A_447 : i32 to index
      %swap3A_449 = arith.constant 112 : index
      %swap3A_450 = tpu.vector_load %arg8[%swap3A_448, %swap3A_449] {strides = array<i32>} : memref<8x128xi32, #tpu.memory_space<vmem>>, vector<1x16xi32>,
      %swap3A_451 = vector.shape_cast %swap3A_450 : vector<1x16xi32> to vector<16xi32>
      %swap3A_452 = vector.shape_cast %add3A_446 : vector<16xi32> to vector<1x16xi32>
      tpu.vector_store %arg8[%swap3A_448, %swap3A_449], %swap3A_452 {strides = array<i32>} : memref<8x128xi32, #tpu.memory_space<vmem>>, vector<1x16xi32>,
      %dma_start3A_453 = arith.constant 2 : i32
      %dma_start3A_454 = arith.constant 0 : i32
      %dma_start3A_455 = tpu.memref_slice %arg8[%dma_start3A_453, %dma_start3A_454] : memref<8x128xi32, #tpu.memory_space<vmem>> -> memref<1x128xi32, #tpu.memory_space<vmem>>
      %dma_start3A_456 = tpu.memref_squeeze %dma_start3A_455 : memref<1x128xi32, #tpu.memory_space<vmem>> -> memref<128xi32, #tpu.memory_space<vmem>>
      %dma_start3A_457 = arith.constant 0 : i32
      %dma_start3A_458 = arith.constant 0 : i32
      %dma_start3A_459 = tpu.memref_slice %arg2[%dma_start3A_457, %dma_start3A_458] : memref<20000x128xf32, #tpu.memory_space<hbm>> -> memref<20000x128xf32, #tpu.memory_space<hbm>>
      tpu.enqueue_indirect_dma source(%dma_start3A_459 : memref<20000x128xf32, #tpu.memory_space<hbm>>) target(%arg10 : memref<128x128xf32, #tpu.memory_space<vmem>>) offsets(%dma_start3A_456 : memref<128xi32, #tpu.memory_space<vmem>>) semaphore(%arg12 : memref<!tpu.dma_semaphore, #tpu.memory_space<semaphore_mem>>)
      %dma_wait3A_460 = arith.constant 2 : i32
      %dma_wait3A_461 = arith.constant 0 : i32
      %dma_wait3A_462 = tpu.memref_slice %arg8[%dma_wait3A_460, %dma_wait3A_461] : memref<8x128xi32, #tpu.memory_space<vmem>> -> memref<1x128xi32, #tpu.memory_space<vmem>>
      %dma_wait3A_463 = tpu.memref_squeeze %dma_wait3A_462 : memref<1x128xi32, #tpu.memory_space<vmem>> -> memref<128xi32, #tpu.memory_space<vmem>>
      %dma_wait3A_464 = arith.constant 0 : i32
      %dma_wait3A_465 = arith.constant 0 : i32
      %dma_wait3A_466 = tpu.memref_slice %arg2[%dma_wait3A_464, %dma_wait3A_465] : memref<20000x128xf32, #tpu.memory_space<hbm>> -> memref<20000x128xf32, #tpu.memory_space<hbm>>
      tpu.wait_indirect_dma semaphore(%arg12 : memref<!tpu.dma_semaphore, #tpu.memory_space<semaphore_mem>>) src(%dma_wait3A_466 : memref<20000x128xf32, #tpu.memory_space<hbm>>) dst(%arg10 : memref<128x128xf32, #tpu.memory_space<vmem>>)
      %run_scoped3A_467 = arith.constant 2 : i32
      "tpu.region"() ({
        %run_scoped3A_1183 = tpu.sem_alloc : memref<!tpu.dma_semaphore, #tpu.memory_space<semaphore_mem>>
        %dma_start3A_1184 = arith.constant 0 : i32
        %dma_start3A_1185 = tpu.memref_slice %arg9[%run_scoped3A_467, %dma_start3A_1184] : memref<8x128xi32, #tpu.memory_space<vmem>> -> memref<1x128xi32, #tpu.memory_space<vmem>>
        %dma_start3A_1186 = tpu.memref_squeeze %dma_start3A_1185 : memref<1x128xi32, #tpu.memory_space<vmem>> -> memref<128xi32, #tpu.memory_space<vmem>>
        %dma_start3A_1187 = arith.constant 0 : i32
        %dma_start3A_1188 = arith.constant 0 : i32
        %dma_start3A_1189 = tpu.memref_slice %arg11[%dma_start3A_1187, %dma_start3A_1188] : memref<10240x128xf32, #tpu.memory_space<vmem_shared>> -> memref<10240x128xf32, #tpu.memory_space<vmem_shared>>
        tpu.enqueue_indirect_dma source(%arg10 : memref<128x128xf32, #tpu.memory_space<vmem>>) target(%dma_start3A_1189 : memref<10240x128xf32, #tpu.memory_space<vmem_shared>>) offsets(%dma_start3A_1186 : memref<128xi32, #tpu.memory_space<vmem>>) semaphore(%run_scoped3A_1183 : memref<!tpu.dma_semaphore, #tpu.memory_space<semaphore_mem>>) {add = true}
        %dma_wait3A_1190 = arith.constant 0 : i32
        %dma_wait3A_1191 = tpu.memref_slice %arg9[%run_scoped3A_467, %dma_wait3A_1190] : memref<8x128xi32, #tpu.memory_space<vmem>> -> memref<1x128xi32, #tpu.memory_space<vmem>>
        %dma_wait3A_1192 = tpu.memref_squeeze %dma_wait3A_1191 : memref<1x128xi32, #tpu.memory_space<vmem>> -> memref<128xi32, #tpu.memory_space<vmem>>
        %dma_wait3A_1193 = arith.constant 0 : i32
        %dma_wait3A_1194 = arith.constant 0 : i32
        %dma_wait3A_1195 = tpu.memref_slice %arg11[%dma_wait3A_1193, %dma_wait3A_1194] : memref<10240x128xf32, #tpu.memory_space<vmem_shared>> -> memref<10240x128xf32, #tpu.memory_space<vmem_shared>>
        tpu.wait_indirect_dma semaphore(%run_scoped3A_1183 : memref<!tpu.dma_semaphore, #tpu.memory_space<semaphore_mem>>) src(%arg10 : memref<128x128xf32, #tpu.memory_space<vmem>>) dst(%dma_wait3A_1195 : memref<10240x128xf32, #tpu.memory_space<vmem_shared>>)
        tpu.yield
      }) : () -> ()
      %get3A_468 = arith.constant 3 : i32
      %get3A_469 = arith.index_cast %get3A_468 : i32 to index
      %get3A_470 = arith.constant 0 : index
      %get3A_471 = tpu.vector_load %arg8[%get3A_469, %get3A_470] {strides = array<i32>} : memref<8x128xi32, #tpu.memory_space<vmem>>, vector<1x16xi32>,
      %get3A_472 = vector.shape_cast %get3A_471 : vector<1x16xi32> to vector<16xi32>
      %mul3A_473 = arith.constant 2 : i32
      %mul3A_474 = vector.broadcast %mul3A_473 : i32 to vector<16xi32>
      %mul3A_475 = arith.muli %get3A_472, %mul3A_474 : vector<16xi32>
      %add3A_476 = vector.broadcast %arg0 : i32 to vector<16xi32>
      %add3A_477 = arith.addi %mul3A_475, %add3A_476 : vector<16xi32>
      %swap3A_478 = arith.constant 3 : i32
      %swap3A_479 = arith.index_cast %swap3A_478 : i32 to index
      %swap3A_480 = arith.constant 0 : index
      %swap3A_481 = tpu.vector_load %arg8[%swap3A_479, %swap3A_480] {strides = array<i32>} : memref<8x128xi32, #tpu.memory_space<vmem>>, vector<1x16xi32>,
      %swap3A_482 = vector.shape_cast %swap3A_481 : vector<1x16xi32> to vector<16xi32>
      %swap3A_483 = vector.shape_cast %add3A_477 : vector<16xi32> to vector<1x16xi32>
      tpu.vector_store %arg8[%swap3A_479, %swap3A_480], %swap3A_483 {strides = array<i32>} : memref<8x128xi32, #tpu.memory_space<vmem>>, vector<1x16xi32>,
      %get3A_484 = arith.constant 3 : i32
      %get3A_485 = arith.index_cast %get3A_484 : i32 to index
      %get3A_486 = arith.constant 16 : index
      %get3A_487 = tpu.vector_load %arg8[%get3A_485, %get3A_486] {strides = array<i32>} : memref<8x128xi32, #tpu.memory_space<vmem>>, vector<1x16xi32>,
      %get3A_488 = vector.shape_cast %get3A_487 : vector<1x16xi32> to vector<16xi32>
      %mul3A_489 = arith.constant 2 : i32
      %mul3A_490 = vector.broadcast %mul3A_489 : i32 to vector<16xi32>
      %mul3A_491 = arith.muli %get3A_488, %mul3A_490 : vector<16xi32>
      %add3A_492 = vector.broadcast %arg0 : i32 to vector<16xi32>
      %add3A_493 = arith.addi %mul3A_491, %add3A_492 : vector<16xi32>
      %swap3A_494 = arith.constant 3 : i32
      %swap3A_495 = arith.index_cast %swap3A_494 : i32 to index
      %swap3A_496 = arith.constant 16 : index
      %swap3A_497 = tpu.vector_load %arg8[%swap3A_495, %swap3A_496] {strides = array<i32>} : memref<8x128xi32, #tpu.memory_space<vmem>>, vector<1x16xi32>,
      %swap3A_498 = vector.shape_cast %swap3A_497 : vector<1x16xi32> to vector<16xi32>
      %swap3A_499 = vector.shape_cast %add3A_493 : vector<16xi32> to vector<1x16xi32>
      tpu.vector_store %arg8[%swap3A_495, %swap3A_496], %swap3A_499 {strides = array<i32>} : memref<8x128xi32, #tpu.memory_space<vmem>>, vector<1x16xi32>,
      %get3A_500 = arith.constant 3 : i32
      %get3A_501 = arith.index_cast %get3A_500 : i32 to index
      %get3A_502 = arith.constant 32 : index
      %get3A_503 = tpu.vector_load %arg8[%get3A_501, %get3A_502] {strides = array<i32>} : memref<8x128xi32, #tpu.memory_space<vmem>>, vector<1x16xi32>,
      %get3A_504 = vector.shape_cast %get3A_503 : vector<1x16xi32> to vector<16xi32>
      %mul3A_505 = arith.constant 2 : i32
      %mul3A_506 = vector.broadcast %mul3A_505 : i32 to vector<16xi32>
      %mul3A_507 = arith.muli %get3A_504, %mul3A_506 : vector<16xi32>
      %add3A_508 = vector.broadcast %arg0 : i32 to vector<16xi32>
      %add3A_509 = arith.addi %mul3A_507, %add3A_508 : vector<16xi32>
      %swap3A_510 = arith.constant 3 : i32
      %swap3A_511 = arith.index_cast %swap3A_510 : i32 to index
      %swap3A_512 = arith.constant 32 : index
      %swap3A_513 = tpu.vector_load %arg8[%swap3A_511, %swap3A_512] {strides = array<i32>} : memref<8x128xi32, #tpu.memory_space<vmem>>, vector<1x16xi32>,
      %swap3A_514 = vector.shape_cast %swap3A_513 : vector<1x16xi32> to vector<16xi32>
      %swap3A_515 = vector.shape_cast %add3A_509 : vector<16xi32> to vector<1x16xi32>
      tpu.vector_store %arg8[%swap3A_511, %swap3A_512], %swap3A_515 {strides = array<i32>} : memref<8x128xi32, #tpu.memory_space<vmem>>, vector<1x16xi32>,
      %get3A_516 = arith.constant 3 : i32
      %get3A_517 = arith.index_cast %get3A_516 : i32 to index
      %get3A_518 = arith.constant 48 : index
      %get3A_519 = tpu.vector_load %arg8[%get3A_517, %get3A_518] {strides = array<i32>} : memref<8x128xi32, #tpu.memory_space<vmem>>, vector<1x16xi32>,
      %get3A_520 = vector.shape_cast %get3A_519 : vector<1x16xi32> to vector<16xi32>
      %mul3A_521 = arith.constant 2 : i32
      %mul3A_522 = vector.broadcast %mul3A_521 : i32 to vector<16xi32>
      %mul3A_523 = arith.muli %get3A_520, %mul3A_522 : vector<16xi32>
      %add3A_524 = vector.broadcast %arg0 : i32 to vector<16xi32>
      %add3A_525 = arith.addi %mul3A_523, %add3A_524 : vector<16xi32>
      %swap3A_526 = arith.constant 3 : i32
      %swap3A_527 = arith.index_cast %swap3A_526 : i32 to index
      %swap3A_528 = arith.constant 48 : index
      %swap3A_529 = tpu.vector_load %arg8[%swap3A_527, %swap3A_528] {strides = array<i32>} : memref<8x128xi32, #tpu.memory_space<vmem>>, vector<1x16xi32>,
      %swap3A_530 = vector.shape_cast %swap3A_529 : vector<1x16xi32> to vector<16xi32>
      %swap3A_531 = vector.shape_cast %add3A_525 : vector<16xi32> to vector<1x16xi32>
      tpu.vector_store %arg8[%swap3A_527, %swap3A_528], %swap3A_531 {strides = array<i32>} : memref<8x128xi32, #tpu.memory_space<vmem>>, vector<1x16xi32>,
      %get3A_532 = arith.constant 3 : i32
      %get3A_533 = arith.index_cast %get3A_532 : i32 to index
      %get3A_534 = arith.constant 64 : index
      %get3A_535 = tpu.vector_load %arg8[%get3A_533, %get3A_534] {strides = array<i32>} : memref<8x128xi32, #tpu.memory_space<vmem>>, vector<1x16xi32>,
      %get3A_536 = vector.shape_cast %get3A_535 : vector<1x16xi32> to vector<16xi32>
      %mul3A_537 = arith.constant 2 : i32
      %mul3A_538 = vector.broadcast %mul3A_537 : i32 to vector<16xi32>
      %mul3A_539 = arith.muli %get3A_536, %mul3A_538 : vector<16xi32>
      %add3A_540 = vector.broadcast %arg0 : i32 to vector<16xi32>
      %add3A_541 = arith.addi %mul3A_539, %add3A_540 : vector<16xi32>
      %swap3A_542 = arith.constant 3 : i32
      %swap3A_543 = arith.index_cast %swap3A_542 : i32 to index
      %swap3A_544 = arith.constant 64 : index
      %swap3A_545 = tpu.vector_load %arg8[%swap3A_543, %swap3A_544] {strides = array<i32>} : memref<8x128xi32, #tpu.memory_space<vmem>>, vector<1x16xi32>,
      %swap3A_546 = vector.shape_cast %swap3A_545 : vector<1x16xi32> to vector<16xi32>
      %swap3A_547 = vector.shape_cast %add3A_541 : vector<16xi32> to vector<1x16xi32>
      tpu.vector_store %arg8[%swap3A_543, %swap3A_544], %swap3A_547 {strides = array<i32>} : memref<8x128xi32, #tpu.memory_space<vmem>>, vector<1x16xi32>,
      %get3A_548 = arith.constant 3 : i32
      %get3A_549 = arith.index_cast %get3A_548 : i32 to index
      %get3A_550 = arith.constant 80 : index
      %get3A_551 = tpu.vector_load %arg8[%get3A_549, %get3A_550] {strides = array<i32>} : memref<8x128xi32, #tpu.memory_space<vmem>>, vector<1x16xi32>,
      %get3A_552 = vector.shape_cast %get3A_551 : vector<1x16xi32> to vector<16xi32>
      %mul3A_553 = arith.constant 2 : i32
      %mul3A_554 = vector.broadcast %mul3A_553 : i32 to vector<16xi32>
      %mul3A_555 = arith.muli %get3A_552, %mul3A_554 : vector<16xi32>
      %add3A_556 = vector.broadcast %arg0 : i32 to vector<16xi32>
      %add3A_557 = arith.addi %mul3A_555, %add3A_556 : vector<16xi32>
      %swap3A_558 = arith.constant 3 : i32
      %swap3A_559 = arith.index_cast %swap3A_558 : i32 to index
      %swap3A_560 = arith.constant 80 : index
      %swap3A_561 = tpu.vector_load %arg8[%swap3A_559, %swap3A_560] {strides = array<i32>} : memref<8x128xi32, #tpu.memory_space<vmem>>, vector<1x16xi32>,
      %swap3A_562 = vector.shape_cast %swap3A_561 : vector<1x16xi32> to vector<16xi32>
      %swap3A_563 = vector.shape_cast %add3A_557 : vector<16xi32> to vector<1x16xi32>
      tpu.vector_store %arg8[%swap3A_559, %swap3A_560], %swap3A_563 {strides = array<i32>} : memref<8x128xi32, #tpu.memory_space<vmem>>, vector<1x16xi32>,
      %get3A_564 = arith.constant 3 : i32
      %get3A_565 = arith.index_cast %get3A_564 : i32 to index
      %get3A_566 = arith.constant 96 : index
      %get3A_567 = tpu.vector_load %arg8[%get3A_565, %get3A_566] {strides = array<i32>} : memref<8x128xi32, #tpu.memory_space<vmem>>, vector<1x16xi32>,
      %get3A_568 = vector.shape_cast %get3A_567 : vector<1x16xi32> to vector<16xi32>
      %mul3A_569 = arith.constant 2 : i32
      %mul3A_570 = vector.broadcast %mul3A_569 : i32 to vector<16xi32>
      %mul3A_571 = arith.muli %get3A_568, %mul3A_570 : vector<16xi32>
      %add3A_572 = vector.broadcast %arg0 : i32 to vector<16xi32>
      %add3A_573 = arith.addi %mul3A_571, %add3A_572 : vector<16xi32>
      %swap3A_574 = arith.constant 3 : i32
      %swap3A_575 = arith.index_cast %swap3A_574 : i32 to index
      %swap3A_576 = arith.constant 96 : index
      %swap3A_577 = tpu.vector_load %arg8[%swap3A_575, %swap3A_576] {strides = array<i32>} : memref<8x128xi32, #tpu.memory_space<vmem>>, vector<1x16xi32>,
      %swap3A_578 = vector.shape_cast %swap3A_577 : vector<1x16xi32> to vector<16xi32>
      %swap3A_579 = vector.shape_cast %add3A_573 : vector<16xi32> to vector<1x16xi32>
      tpu.vector_store %arg8[%swap3A_575, %swap3A_576], %swap3A_579 {strides = array<i32>} : memref<8x128xi32, #tpu.memory_space<vmem>>, vector<1x16xi32>,
      %get3A_580 = arith.constant 3 : i32
      %get3A_581 = arith.index_cast %get3A_580 : i32 to index
      %get3A_582 = arith.constant 112 : index
      %get3A_583 = tpu.vector_load %arg8[%get3A_581, %get3A_582] {strides = array<i32>} : memref<8x128xi32, #tpu.memory_space<vmem>>, vector<1x16xi32>,
      %get3A_584 = vector.shape_cast %get3A_583 : vector<1x16xi32> to vector<16xi32>
      %mul3A_585 = arith.constant 2 : i32
      %mul3A_586 = vector.broadcast %mul3A_585 : i32 to vector<16xi32>
      %mul3A_587 = arith.muli %get3A_584, %mul3A_586 : vector<16xi32>
      %add3A_588 = vector.broadcast %arg0 : i32 to vector<16xi32>
      %add3A_589 = arith.addi %mul3A_587, %add3A_588 : vector<16xi32>
      %swap3A_590 = arith.constant 3 : i32
      %swap3A_591 = arith.index_cast %swap3A_590 : i32 to index
      %swap3A_592 = arith.constant 112 : index
      %swap3A_593 = tpu.vector_load %arg8[%swap3A_591, %swap3A_592] {strides = array<i32>} : memref<8x128xi32, #tpu.memory_space<vmem>>, vector<1x16xi32>,
      %swap3A_594 = vector.shape_cast %swap3A_593 : vector<1x16xi32> to vector<16xi32>
      %swap3A_595 = vector.shape_cast %add3A_589 : vector<16xi32> to vector<1x16xi32>
      tpu.vector_store %arg8[%swap3A_591, %swap3A_592], %swap3A_595 {strides = array<i32>} : memref<8x128xi32, #tpu.memory_space<vmem>>, vector<1x16xi32>,
      %dma_start3A_596 = arith.constant 3 : i32
      %dma_start3A_597 = arith.constant 0 : i32
      %dma_start3A_598 = tpu.memref_slice %arg8[%dma_start3A_596, %dma_start3A_597] : memref<8x128xi32, #tpu.memory_space<vmem>> -> memref<1x128xi32, #tpu.memory_space<vmem>>
      %dma_start3A_599 = tpu.memref_squeeze %dma_start3A_598 : memref<1x128xi32, #tpu.memory_space<vmem>> -> memref<128xi32, #tpu.memory_space<vmem>>
      %dma_start3A_600 = arith.constant 0 : i32
      %dma_start3A_601 = arith.constant 0 : i32
      %dma_start3A_602 = tpu.memref_slice %arg2[%dma_start3A_600, %dma_start3A_601] : memref<20000x128xf32, #tpu.memory_space<hbm>> -> memref<20000x128xf32, #tpu.memory_space<hbm>>
      tpu.enqueue_indirect_dma source(%dma_start3A_602 : memref<20000x128xf32, #tpu.memory_space<hbm>>) target(%arg10 : memref<128x128xf32, #tpu.memory_space<vmem>>) offsets(%dma_start3A_599 : memref<128xi32, #tpu.memory_space<vmem>>) semaphore(%arg12 : memref<!tpu.dma_semaphore, #tpu.memory_space<semaphore_mem>>)
      %dma_wait3A_603 = arith.constant 3 : i32
      %dma_wait3A_604 = arith.constant 0 : i32
      %dma_wait3A_605 = tpu.memref_slice %arg8[%dma_wait3A_603, %dma_wait3A_604] : memref<8x128xi32, #tpu.memory_space<vmem>> -> memref<1x128xi32, #tpu.memory_space<vmem>>
      %dma_wait3A_606 = tpu.memref_squeeze %dma_wait3A_605 : memref<1x128xi32, #tpu.memory_space<vmem>> -> memref<128xi32, #tpu.memory_space<vmem>>
      %dma_wait3A_607 = arith.constant 0 : i32
      %dma_wait3A_608 = arith.constant 0 : i32
      %dma_wait3A_609 = tpu.memref_slice %arg2[%dma_wait3A_607, %dma_wait3A_608] : memref<20000x128xf32, #tpu.memory_space<hbm>> -> memref<20000x128xf32, #tpu.memory_space<hbm>>
      tpu.wait_indirect_dma semaphore(%arg12 : memref<!tpu.dma_semaphore, #tpu.memory_space<semaphore_mem>>) src(%dma_wait3A_609 : memref<20000x128xf32, #tpu.memory_space<hbm>>) dst(%arg10 : memref<128x128xf32, #tpu.memory_space<vmem>>)
      %run_scoped3A_610 = arith.constant 3 : i32
      "tpu.region"() ({
        %run_scoped3A_1183 = tpu.sem_alloc : memref<!tpu.dma_semaphore, #tpu.memory_space<semaphore_mem>>
        %dma_start3A_1184 = arith.constant 0 : i32
        %dma_start3A_1185 = tpu.memref_slice %arg9[%run_scoped3A_610, %dma_start3A_1184] : memref<8x128xi32, #tpu.memory_space<vmem>> -> memref<1x128xi32, #tpu.memory_space<vmem>>
        %dma_start3A_1186 = tpu.memref_squeeze %dma_start3A_1185 : memref<1x128xi32, #tpu.memory_space<vmem>> -> memref<128xi32, #tpu.memory_space<vmem>>
        %dma_start3A_1187 = arith.constant 0 : i32
        %dma_start3A_1188 = arith.constant 0 : i32
        %dma_start3A_1189 = tpu.memref_slice %arg11[%dma_start3A_1187, %dma_start3A_1188] : memref<10240x128xf32, #tpu.memory_space<vmem_shared>> -> memref<10240x128xf32, #tpu.memory_space<vmem_shared>>
        tpu.enqueue_indirect_dma source(%arg10 : memref<128x128xf32, #tpu.memory_space<vmem>>) target(%dma_start3A_1189 : memref<10240x128xf32, #tpu.memory_space<vmem_shared>>) offsets(%dma_start3A_1186 : memref<128xi32, #tpu.memory_space<vmem>>) semaphore(%run_scoped3A_1183 : memref<!tpu.dma_semaphore, #tpu.memory_space<semaphore_mem>>) {add = true}
        %dma_wait3A_1190 = arith.constant 0 : i32
        %dma_wait3A_1191 = tpu.memref_slice %arg9[%run_scoped3A_610, %dma_wait3A_1190] : memref<8x128xi32, #tpu.memory_space<vmem>> -> memref<1x128xi32, #tpu.memory_space<vmem>>
        %dma_wait3A_1192 = tpu.memref_squeeze %dma_wait3A_1191 : memref<1x128xi32, #tpu.memory_space<vmem>> -> memref<128xi32, #tpu.memory_space<vmem>>
        %dma_wait3A_1193 = arith.constant 0 : i32
        %dma_wait3A_1194 = arith.constant 0 : i32
        %dma_wait3A_1195 = tpu.memref_slice %arg11[%dma_wait3A_1193, %dma_wait3A_1194] : memref<10240x128xf32, #tpu.memory_space<vmem_shared>> -> memref<10240x128xf32, #tpu.memory_space<vmem_shared>>
        tpu.wait_indirect_dma semaphore(%run_scoped3A_1183 : memref<!tpu.dma_semaphore, #tpu.memory_space<semaphore_mem>>) src(%arg10 : memref<128x128xf32, #tpu.memory_space<vmem>>) dst(%dma_wait3A_1195 : memref<10240x128xf32, #tpu.memory_space<vmem_shared>>)
        tpu.yield
      }) : () -> ()
      %get3A_611 = arith.constant 4 : i32
      %get3A_612 = arith.index_cast %get3A_611 : i32 to index
      %get3A_613 = arith.constant 0 : index
      %get3A_614 = tpu.vector_load %arg8[%get3A_612, %get3A_613] {strides = array<i32>} : memref<8x128xi32, #tpu.memory_space<vmem>>, vector<1x16xi32>,
      %get3A_615 = vector.shape_cast %get3A_614 : vector<1x16xi32> to vector<16xi32>
      %mul3A_616 = arith.constant 2 : i32
      %mul3A_617 = vector.broadcast %mul3A_616 : i32 to vector<16xi32>
      %mul3A_618 = arith.muli %get3A_615, %mul3A_617 : vector<16xi32>
      %add3A_619 = vector.broadcast %arg0 : i32 to vector<16xi32>
      %add3A_620 = arith.addi %mul3A_618, %add3A_619 : vector<16xi32>
      %swap3A_621 = arith.constant 4 : i32
      %swap3A_622 = arith.index_cast %swap3A_621 : i32 to index
      %swap3A_623 = arith.constant 0 : index
      %swap3A_624 = tpu.vector_load %arg8[%swap3A_622, %swap3A_623] {strides = array<i32>} : memref<8x128xi32, #tpu.memory_space<vmem>>, vector<1x16xi32>,
      %swap3A_625 = vector.shape_cast %swap3A_624 : vector<1x16xi32> to vector<16xi32>
      %swap3A_626 = vector.shape_cast %add3A_620 : vector<16xi32> to vector<1x16xi32>
      tpu.vector_store %arg8[%swap3A_622, %swap3A_623], %swap3A_626 {strides = array<i32>} : memref<8x128xi32, #tpu.memory_space<vmem>>, vector<1x16xi32>,
      %get3A_627 = arith.constant 4 : i32
      %get3A_628 = arith.index_cast %get3A_627 : i32 to index
      %get3A_629 = arith.constant 16 : index
      %get3A_630 = tpu.vector_load %arg8[%get3A_628, %get3A_629] {strides = array<i32>} : memref<8x128xi32, #tpu.memory_space<vmem>>, vector<1x16xi32>,
      %get3A_631 = vector.shape_cast %get3A_630 : vector<1x16xi32> to vector<16xi32>
      %mul3A_632 = arith.constant 2 : i32
      %mul3A_633 = vector.broadcast %mul3A_632 : i32 to vector<16xi32>
      %mul3A_634 = arith.muli %get3A_631, %mul3A_633 : vector<16xi32>
      %add3A_635 = vector.broadcast %arg0 : i32 to vector<16xi32>
      %add3A_636 = arith.addi %mul3A_634, %add3A_635 : vector<16xi32>
      %swap3A_637 = arith.constant 4 : i32
      %swap3A_638 = arith.index_cast %swap3A_637 : i32 to index
      %swap3A_639 = arith.constant 16 : index
      %swap3A_640 = tpu.vector_load %arg8[%swap3A_638, %swap3A_639] {strides = array<i32>} : memref<8x128xi32, #tpu.memory_space<vmem>>, vector<1x16xi32>,
      %swap3A_641 = vector.shape_cast %swap3A_640 : vector<1x16xi32> to vector<16xi32>
      %swap3A_642 = vector.shape_cast %add3A_636 : vector<16xi32> to vector<1x16xi32>
      tpu.vector_store %arg8[%swap3A_638, %swap3A_639], %swap3A_642 {strides = array<i32>} : memref<8x128xi32, #tpu.memory_space<vmem>>, vector<1x16xi32>,
      %get3A_643 = arith.constant 4 : i32
      %get3A_644 = arith.index_cast %get3A_643 : i32 to index
      %get3A_645 = arith.constant 32 : index
      %get3A_646 = tpu.vector_load %arg8[%get3A_644, %get3A_645] {strides = array<i32>} : memref<8x128xi32, #tpu.memory_space<vmem>>, vector<1x16xi32>,
      %get3A_647 = vector.shape_cast %get3A_646 : vector<1x16xi32> to vector<16xi32>
      %mul3A_648 = arith.constant 2 : i32
      %mul3A_649 = vector.broadcast %mul3A_648 : i32 to vector<16xi32>
      %mul3A_650 = arith.muli %get3A_647, %mul3A_649 : vector<16xi32>
      %add3A_651 = vector.broadcast %arg0 : i32 to vector<16xi32>
      %add3A_652 = arith.addi %mul3A_650, %add3A_651 : vector<16xi32>
      %swap3A_653 = arith.constant 4 : i32
      %swap3A_654 = arith.index_cast %swap3A_653 : i32 to index
      %swap3A_655 = arith.constant 32 : index
      %swap3A_656 = tpu.vector_load %arg8[%swap3A_654, %swap3A_655] {strides = array<i32>} : memref<8x128xi32, #tpu.memory_space<vmem>>, vector<1x16xi32>,
      %swap3A_657 = vector.shape_cast %swap3A_656 : vector<1x16xi32> to vector<16xi32>
      %swap3A_658 = vector.shape_cast %add3A_652 : vector<16xi32> to vector<1x16xi32>
      tpu.vector_store %arg8[%swap3A_654, %swap3A_655], %swap3A_658 {strides = array<i32>} : memref<8x128xi32, #tpu.memory_space<vmem>>, vector<1x16xi32>,
      %get3A_659 = arith.constant 4 : i32
      %get3A_660 = arith.index_cast %get3A_659 : i32 to index
      %get3A_661 = arith.constant 48 : index
      %get3A_662 = tpu.vector_load %arg8[%get3A_660, %get3A_661] {strides = array<i32>} : memref<8x128xi32, #tpu.memory_space<vmem>>, vector<1x16xi32>,
      %get3A_663 = vector.shape_cast %get3A_662 : vector<1x16xi32> to vector<16xi32>
      %mul3A_664 = arith.constant 2 : i32
      %mul3A_665 = vector.broadcast %mul3A_664 : i32 to vector<16xi32>
      %mul3A_666 = arith.muli %get3A_663, %mul3A_665 : vector<16xi32>
      %add3A_667 = vector.broadcast %arg0 : i32 to vector<16xi32>
      %add3A_668 = arith.addi %mul3A_666, %add3A_667 : vector<16xi32>
      %swap3A_669 = arith.constant 4 : i32
      %swap3A_670 = arith.index_cast %swap3A_669 : i32 to index
      %swap3A_671 = arith.constant 48 : index
      %swap3A_672 = tpu.vector_load %arg8[%swap3A_670, %swap3A_671] {strides = array<i32>} : memref<8x128xi32, #tpu.memory_space<vmem>>, vector<1x16xi32>,
      %swap3A_673 = vector.shape_cast %swap3A_672 : vector<1x16xi32> to vector<16xi32>
      %swap3A_674 = vector.shape_cast %add3A_668 : vector<16xi32> to vector<1x16xi32>
      tpu.vector_store %arg8[%swap3A_670, %swap3A_671], %swap3A_674 {strides = array<i32>} : memref<8x128xi32, #tpu.memory_space<vmem>>, vector<1x16xi32>,
      %get3A_675 = arith.constant 4 : i32
      %get3A_676 = arith.index_cast %get3A_675 : i32 to index
      %get3A_677 = arith.constant 64 : index
      %get3A_678 = tpu.vector_load %arg8[%get3A_676, %get3A_677] {strides = array<i32>} : memref<8x128xi32, #tpu.memory_space<vmem>>, vector<1x16xi32>,
      %get3A_679 = vector.shape_cast %get3A_678 : vector<1x16xi32> to vector<16xi32>
      %mul3A_680 = arith.constant 2 : i32
      %mul3A_681 = vector.broadcast %mul3A_680 : i32 to vector<16xi32>
      %mul3A_682 = arith.muli %get3A_679, %mul3A_681 : vector<16xi32>
      %add3A_683 = vector.broadcast %arg0 : i32 to vector<16xi32>
      %add3A_684 = arith.addi %mul3A_682, %add3A_683 : vector<16xi32>
      %swap3A_685 = arith.constant 4 : i32
      %swap3A_686 = arith.index_cast %swap3A_685 : i32 to index
      %swap3A_687 = arith.constant 64 : index
      %swap3A_688 = tpu.vector_load %arg8[%swap3A_686, %swap3A_687] {strides = array<i32>} : memref<8x128xi32, #tpu.memory_space<vmem>>, vector<1x16xi32>,
      %swap3A_689 = vector.shape_cast %swap3A_688 : vector<1x16xi32> to vector<16xi32>
      %swap3A_690 = vector.shape_cast %add3A_684 : vector<16xi32> to vector<1x16xi32>
      tpu.vector_store %arg8[%swap3A_686, %swap3A_687], %swap3A_690 {strides = array<i32>} : memref<8x128xi32, #tpu.memory_space<vmem>>, vector<1x16xi32>,
      %get3A_691 = arith.constant 4 : i32
      %get3A_692 = arith.index_cast %get3A_691 : i32 to index
      %get3A_693 = arith.constant 80 : index
      %get3A_694 = tpu.vector_load %arg8[%get3A_692, %get3A_693] {strides = array<i32>} : memref<8x128xi32, #tpu.memory_space<vmem>>, vector<1x16xi32>,
      %get3A_695 = vector.shape_cast %get3A_694 : vector<1x16xi32> to vector<16xi32>
      %mul3A_696 = arith.constant 2 : i32
      %mul3A_697 = vector.broadcast %mul3A_696 : i32 to vector<16xi32>
      %mul3A_698 = arith.muli %get3A_695, %mul3A_697 : vector<16xi32>
      %add3A_699 = vector.broadcast %arg0 : i32 to vector<16xi32>
      %add3A_700 = arith.addi %mul3A_698, %add3A_699 : vector<16xi32>
      %swap3A_701 = arith.constant 4 : i32
      %swap3A_702 = arith.index_cast %swap3A_701 : i32 to index
      %swap3A_703 = arith.constant 80 : index
      %swap3A_704 = tpu.vector_load %arg8[%swap3A_702, %swap3A_703] {strides = array<i32>} : memref<8x128xi32, #tpu.memory_space<vmem>>, vector<1x16xi32>,
      %swap3A_705 = vector.shape_cast %swap3A_704 : vector<1x16xi32> to vector<16xi32>
      %swap3A_706 = vector.shape_cast %add3A_700 : vector<16xi32> to vector<1x16xi32>
      tpu.vector_store %arg8[%swap3A_702, %swap3A_703], %swap3A_706 {strides = array<i32>} : memref<8x128xi32, #tpu.memory_space<vmem>>, vector<1x16xi32>,
      %get3A_707 = arith.constant 4 : i32
      %get3A_708 = arith.index_cast %get3A_707 : i32 to index
      %get3A_709 = arith.constant 96 : index
      %get3A_710 = tpu.vector_load %arg8[%get3A_708, %get3A_709] {strides = array<i32>} : memref<8x128xi32, #tpu.memory_space<vmem>>, vector<1x16xi32>,
      %get3A_711 = vector.shape_cast %get3A_710 : vector<1x16xi32> to vector<16xi32>
      %mul3A_712 = arith.constant 2 : i32
      %mul3A_713 = vector.broadcast %mul3A_712 : i32 to vector<16xi32>
      %mul3A_714 = arith.muli %get3A_711, %mul3A_713 : vector<16xi32>
      %add3A_715 = vector.broadcast %arg0 : i32 to vector<16xi32>
      %add3A_716 = arith.addi %mul3A_714, %add3A_715 : vector<16xi32>
      %swap3A_717 = arith.constant 4 : i32
      %swap3A_718 = arith.index_cast %swap3A_717 : i32 to index
      %swap3A_719 = arith.constant 96 : index
      %swap3A_720 = tpu.vector_load %arg8[%swap3A_718, %swap3A_719] {strides = array<i32>} : memref<8x128xi32, #tpu.memory_space<vmem>>, vector<1x16xi32>,
      %swap3A_721 = vector.shape_cast %swap3A_720 : vector<1x16xi32> to vector<16xi32>
      %swap3A_722 = vector.shape_cast %add3A_716 : vector<16xi32> to vector<1x16xi32>
      tpu.vector_store %arg8[%swap3A_718, %swap3A_719], %swap3A_722 {strides = array<i32>} : memref<8x128xi32, #tpu.memory_space<vmem>>, vector<1x16xi32>,
      %get3A_723 = arith.constant 4 : i32
      %get3A_724 = arith.index_cast %get3A_723 : i32 to index
      %get3A_725 = arith.constant 112 : index
      %get3A_726 = tpu.vector_load %arg8[%get3A_724, %get3A_725] {strides = array<i32>} : memref<8x128xi32, #tpu.memory_space<vmem>>, vector<1x16xi32>,
      %get3A_727 = vector.shape_cast %get3A_726 : vector<1x16xi32> to vector<16xi32>
      %mul3A_728 = arith.constant 2 : i32
      %mul3A_729 = vector.broadcast %mul3A_728 : i32 to vector<16xi32>
      %mul3A_730 = arith.muli %get3A_727, %mul3A_729 : vector<16xi32>
      %add3A_731 = vector.broadcast %arg0 : i32 to vector<16xi32>
      %add3A_732 = arith.addi %mul3A_730, %add3A_731 : vector<16xi32>
      %swap3A_733 = arith.constant 4 : i32
      %swap3A_734 = arith.index_cast %swap3A_733 : i32 to index
      %swap3A_735 = arith.constant 112 : index
      %swap3A_736 = tpu.vector_load %arg8[%swap3A_734, %swap3A_735] {strides = array<i32>} : memref<8x128xi32, #tpu.memory_space<vmem>>, vector<1x16xi32>,
      %swap3A_737 = vector.shape_cast %swap3A_736 : vector<1x16xi32> to vector<16xi32>
      %swap3A_738 = vector.shape_cast %add3A_732 : vector<16xi32> to vector<1x16xi32>
      tpu.vector_store %arg8[%swap3A_734, %swap3A_735], %swap3A_738 {strides = array<i32>} : memref<8x128xi32, #tpu.memory_space<vmem>>, vector<1x16xi32>,
      %dma_start3A_739 = arith.constant 4 : i32
      %dma_start3A_740 = arith.constant 0 : i32
      %dma_start3A_741 = tpu.memref_slice %arg8[%dma_start3A_739, %dma_start3A_740] : memref<8x128xi32, #tpu.memory_space<vmem>> -> memref<1x128xi32, #tpu.memory_space<vmem>>
      %dma_start3A_742 = tpu.memref_squeeze %dma_start3A_741 : memref<1x128xi32, #tpu.memory_space<vmem>> -> memref<128xi32, #tpu.memory_space<vmem>>
      %dma_start3A_743 = arith.constant 0 : i32
      %dma_start3A_744 = arith.constant 0 : i32
      %dma_start3A_745 = tpu.memref_slice %arg2[%dma_start3A_743, %dma_start3A_744] : memref<20000x128xf32, #tpu.memory_space<hbm>> -> memref<20000x128xf32, #tpu.memory_space<hbm>>
      tpu.enqueue_indirect_dma source(%dma_start3A_745 : memref<20000x128xf32, #tpu.memory_space<hbm>>) target(%arg10 : memref<128x128xf32, #tpu.memory_space<vmem>>) offsets(%dma_start3A_742 : memref<128xi32, #tpu.memory_space<vmem>>) semaphore(%arg12 : memref<!tpu.dma_semaphore, #tpu.memory_space<semaphore_mem>>)
      %dma_wait3A_746 = arith.constant 4 : i32
      %dma_wait3A_747 = arith.constant 0 : i32
      %dma_wait3A_748 = tpu.memref_slice %arg8[%dma_wait3A_746, %dma_wait3A_747] : memref<8x128xi32, #tpu.memory_space<vmem>> -> memref<1x128xi32, #tpu.memory_space<vmem>>
      %dma_wait3A_749 = tpu.memref_squeeze %dma_wait3A_748 : memref<1x128xi32, #tpu.memory_space<vmem>> -> memref<128xi32, #tpu.memory_space<vmem>>
      %dma_wait3A_750 = arith.constant 0 : i32
      %dma_wait3A_751 = arith.constant 0 : i32
      %dma_wait3A_752 = tpu.memref_slice %arg2[%dma_wait3A_750, %dma_wait3A_751] : memref<20000x128xf32, #tpu.memory_space<hbm>> -> memref<20000x128xf32, #tpu.memory_space<hbm>>
      tpu.wait_indirect_dma semaphore(%arg12 : memref<!tpu.dma_semaphore, #tpu.memory_space<semaphore_mem>>) src(%dma_wait3A_752 : memref<20000x128xf32, #tpu.memory_space<hbm>>) dst(%arg10 : memref<128x128xf32, #tpu.memory_space<vmem>>)
      %run_scoped3A_753 = arith.constant 4 : i32
      "tpu.region"() ({
        %run_scoped3A_1183 = tpu.sem_alloc : memref<!tpu.dma_semaphore, #tpu.memory_space<semaphore_mem>>
        %dma_start3A_1184 = arith.constant 0 : i32
        %dma_start3A_1185 = tpu.memref_slice %arg9[%run_scoped3A_753, %dma_start3A_1184] : memref<8x128xi32, #tpu.memory_space<vmem>> -> memref<1x128xi32, #tpu.memory_space<vmem>>
        %dma_start3A_1186 = tpu.memref_squeeze %dma_start3A_1185 : memref<1x128xi32, #tpu.memory_space<vmem>> -> memref<128xi32, #tpu.memory_space<vmem>>
        %dma_start3A_1187 = arith.constant 0 : i32
        %dma_start3A_1188 = arith.constant 0 : i32
        %dma_start3A_1189 = tpu.memref_slice %arg11[%dma_start3A_1187, %dma_start3A_1188] : memref<10240x128xf32, #tpu.memory_space<vmem_shared>> -> memref<10240x128xf32, #tpu.memory_space<vmem_shared>>
        tpu.enqueue_indirect_dma source(%arg10 : memref<128x128xf32, #tpu.memory_space<vmem>>) target(%dma_start3A_1189 : memref<10240x128xf32, #tpu.memory_space<vmem_shared>>) offsets(%dma_start3A_1186 : memref<128xi32, #tpu.memory_space<vmem>>) semaphore(%run_scoped3A_1183 : memref<!tpu.dma_semaphore, #tpu.memory_space<semaphore_mem>>) {add = true}
        %dma_wait3A_1190 = arith.constant 0 : i32
        %dma_wait3A_1191 = tpu.memref_slice %arg9[%run_scoped3A_753, %dma_wait3A_1190] : memref<8x128xi32, #tpu.memory_space<vmem>> -> memref<1x128xi32, #tpu.memory_space<vmem>>
        %dma_wait3A_1192 = tpu.memref_squeeze %dma_wait3A_1191 : memref<1x128xi32, #tpu.memory_space<vmem>> -> memref<128xi32, #tpu.memory_space<vmem>>
        %dma_wait3A_1193 = arith.constant 0 : i32
        %dma_wait3A_1194 = arith.constant 0 : i32
        %dma_wait3A_1195 = tpu.memref_slice %arg11[%dma_wait3A_1193, %dma_wait3A_1194] : memref<10240x128xf32, #tpu.memory_space<vmem_shared>> -> memref<10240x128xf32, #tpu.memory_space<vmem_shared>>
        tpu.wait_indirect_dma semaphore(%run_scoped3A_1183 : memref<!tpu.dma_semaphore, #tpu.memory_space<semaphore_mem>>) src(%arg10 : memref<128x128xf32, #tpu.memory_space<vmem>>) dst(%dma_wait3A_1195 : memref<10240x128xf32, #tpu.memory_space<vmem_shared>>)
        tpu.yield
      }) : () -> ()
      %get3A_754 = arith.constant 5 : i32
      %get3A_755 = arith.index_cast %get3A_754 : i32 to index
      %get3A_756 = arith.constant 0 : index
      %get3A_757 = tpu.vector_load %arg8[%get3A_755, %get3A_756] {strides = array<i32>} : memref<8x128xi32, #tpu.memory_space<vmem>>, vector<1x16xi32>,
      %get3A_758 = vector.shape_cast %get3A_757 : vector<1x16xi32> to vector<16xi32>
      %mul3A_759 = arith.constant 2 : i32
      %mul3A_760 = vector.broadcast %mul3A_759 : i32 to vector<16xi32>
      %mul3A_761 = arith.muli %get3A_758, %mul3A_760 : vector<16xi32>
      %add3A_762 = vector.broadcast %arg0 : i32 to vector<16xi32>
      %add3A_763 = arith.addi %mul3A_761, %add3A_762 : vector<16xi32>
      %swap3A_764 = arith.constant 5 : i32
      %swap3A_765 = arith.index_cast %swap3A_764 : i32 to index
      %swap3A_766 = arith.constant 0 : index
      %swap3A_767 = tpu.vector_load %arg8[%swap3A_765, %swap3A_766] {strides = array<i32>} : memref<8x128xi32, #tpu.memory_space<vmem>>, vector<1x16xi32>,
      %swap3A_768 = vector.shape_cast %swap3A_767 : vector<1x16xi32> to vector<16xi32>
      %swap3A_769 = vector.shape_cast %add3A_763 : vector<16xi32> to vector<1x16xi32>
      tpu.vector_store %arg8[%swap3A_765, %swap3A_766], %swap3A_769 {strides = array<i32>} : memref<8x128xi32, #tpu.memory_space<vmem>>, vector<1x16xi32>,
      %get3A_770 = arith.constant 5 : i32
      %get3A_771 = arith.index_cast %get3A_770 : i32 to index
      %get3A_772 = arith.constant 16 : index
      %get3A_773 = tpu.vector_load %arg8[%get3A_771, %get3A_772] {strides = array<i32>} : memref<8x128xi32, #tpu.memory_space<vmem>>, vector<1x16xi32>,
      %get3A_774 = vector.shape_cast %get3A_773 : vector<1x16xi32> to vector<16xi32>
      %mul3A_775 = arith.constant 2 : i32
      %mul3A_776 = vector.broadcast %mul3A_775 : i32 to vector<16xi32>
      %mul3A_777 = arith.muli %get3A_774, %mul3A_776 : vector<16xi32>
      %add3A_778 = vector.broadcast %arg0 : i32 to vector<16xi32>
      %add3A_779 = arith.addi %mul3A_777, %add3A_778 : vector<16xi32>
      %swap3A_780 = arith.constant 5 : i32
      %swap3A_781 = arith.index_cast %swap3A_780 : i32 to index
      %swap3A_782 = arith.constant 16 : index
      %swap3A_783 = tpu.vector_load %arg8[%swap3A_781, %swap3A_782] {strides = array<i32>} : memref<8x128xi32, #tpu.memory_space<vmem>>, vector<1x16xi32>,
      %swap3A_784 = vector.shape_cast %swap3A_783 : vector<1x16xi32> to vector<16xi32>
      %swap3A_785 = vector.shape_cast %add3A_779 : vector<16xi32> to vector<1x16xi32>
      tpu.vector_store %arg8[%swap3A_781, %swap3A_782], %swap3A_785 {strides = array<i32>} : memref<8x128xi32, #tpu.memory_space<vmem>>, vector<1x16xi32>,
      %get3A_786 = arith.constant 5 : i32
      %get3A_787 = arith.index_cast %get3A_786 : i32 to index
      %get3A_788 = arith.constant 32 : index
      %get3A_789 = tpu.vector_load %arg8[%get3A_787, %get3A_788] {strides = array<i32>} : memref<8x128xi32, #tpu.memory_space<vmem>>, vector<1x16xi32>,
      %get3A_790 = vector.shape_cast %get3A_789 : vector<1x16xi32> to vector<16xi32>
      %mul3A_791 = arith.constant 2 : i32
      %mul3A_792 = vector.broadcast %mul3A_791 : i32 to vector<16xi32>
      %mul3A_793 = arith.muli %get3A_790, %mul3A_792 : vector<16xi32>
      %add3A_794 = vector.broadcast %arg0 : i32 to vector<16xi32>
      %add3A_795 = arith.addi %mul3A_793, %add3A_794 : vector<16xi32>
      %swap3A_796 = arith.constant 5 : i32
      %swap3A_797 = arith.index_cast %swap3A_796 : i32 to index
      %swap3A_798 = arith.constant 32 : index
      %swap3A_799 = tpu.vector_load %arg8[%swap3A_797, %swap3A_798] {strides = array<i32>} : memref<8x128xi32, #tpu.memory_space<vmem>>, vector<1x16xi32>,
      %swap3A_800 = vector.shape_cast %swap3A_799 : vector<1x16xi32> to vector<16xi32>
      %swap3A_801 = vector.shape_cast %add3A_795 : vector<16xi32> to vector<1x16xi32>
      tpu.vector_store %arg8[%swap3A_797, %swap3A_798], %swap3A_801 {strides = array<i32>} : memref<8x128xi32, #tpu.memory_space<vmem>>, vector<1x16xi32>,
      %get3A_802 = arith.constant 5 : i32
      %get3A_803 = arith.index_cast %get3A_802 : i32 to index
      %get3A_804 = arith.constant 48 : index
      %get3A_805 = tpu.vector_load %arg8[%get3A_803, %get3A_804] {strides = array<i32>} : memref<8x128xi32, #tpu.memory_space<vmem>>, vector<1x16xi32>,
      %get3A_806 = vector.shape_cast %get3A_805 : vector<1x16xi32> to vector<16xi32>
      %mul3A_807 = arith.constant 2 : i32
      %mul3A_808 = vector.broadcast %mul3A_807 : i32 to vector<16xi32>
      %mul3A_809 = arith.muli %get3A_806, %mul3A_808 : vector<16xi32>
      %add3A_810 = vector.broadcast %arg0 : i32 to vector<16xi32>
      %add3A_811 = arith.addi %mul3A_809, %add3A_810 : vector<16xi32>
      %swap3A_812 = arith.constant 5 : i32
      %swap3A_813 = arith.index_cast %swap3A_812 : i32 to index
      %swap3A_814 = arith.constant 48 : index
      %swap3A_815 = tpu.vector_load %arg8[%swap3A_813, %swap3A_814] {strides = array<i32>} : memref<8x128xi32, #tpu.memory_space<vmem>>, vector<1x16xi32>,
      %swap3A_816 = vector.shape_cast %swap3A_815 : vector<1x16xi32> to vector<16xi32>
      %swap3A_817 = vector.shape_cast %add3A_811 : vector<16xi32> to vector<1x16xi32>
      tpu.vector_store %arg8[%swap3A_813, %swap3A_814], %swap3A_817 {strides = array<i32>} : memref<8x128xi32, #tpu.memory_space<vmem>>, vector<1x16xi32>,
      %get3A_818 = arith.constant 5 : i32
      %get3A_819 = arith.index_cast %get3A_818 : i32 to index
      %get3A_820 = arith.constant 64 : index
      %get3A_821 = tpu.vector_load %arg8[%get3A_819, %get3A_820] {strides = array<i32>} : memref<8x128xi32, #tpu.memory_space<vmem>>, vector<1x16xi32>,
      %get3A_822 = vector.shape_cast %get3A_821 : vector<1x16xi32> to vector<16xi32>
      %mul3A_823 = arith.constant 2 : i32
      %mul3A_824 = vector.broadcast %mul3A_823 : i32 to vector<16xi32>
      %mul3A_825 = arith.muli %get3A_822, %mul3A_824 : vector<16xi32>
      %add3A_826 = vector.broadcast %arg0 : i32 to vector<16xi32>
      %add3A_827 = arith.addi %mul3A_825, %add3A_826 : vector<16xi32>
      %swap3A_828 = arith.constant 5 : i32
      %swap3A_829 = arith.index_cast %swap3A_828 : i32 to index
      %swap3A_830 = arith.constant 64 : index
      %swap3A_831 = tpu.vector_load %arg8[%swap3A_829, %swap3A_830] {strides = array<i32>} : memref<8x128xi32, #tpu.memory_space<vmem>>, vector<1x16xi32>,
      %swap3A_832 = vector.shape_cast %swap3A_831 : vector<1x16xi32> to vector<16xi32>
      %swap3A_833 = vector.shape_cast %add3A_827 : vector<16xi32> to vector<1x16xi32>
      tpu.vector_store %arg8[%swap3A_829, %swap3A_830], %swap3A_833 {strides = array<i32>} : memref<8x128xi32, #tpu.memory_space<vmem>>, vector<1x16xi32>,
      %get3A_834 = arith.constant 5 : i32
      %get3A_835 = arith.index_cast %get3A_834 : i32 to index
      %get3A_836 = arith.constant 80 : index
      %get3A_837 = tpu.vector_load %arg8[%get3A_835, %get3A_836] {strides = array<i32>} : memref<8x128xi32, #tpu.memory_space<vmem>>, vector<1x16xi32>,
      %get3A_838 = vector.shape_cast %get3A_837 : vector<1x16xi32> to vector<16xi32>
      %mul3A_839 = arith.constant 2 : i32
      %mul3A_840 = vector.broadcast %mul3A_839 : i32 to vector<16xi32>
      %mul3A_841 = arith.muli %get3A_838, %mul3A_840 : vector<16xi32>
      %add3A_842 = vector.broadcast %arg0 : i32 to vector<16xi32>
      %add3A_843 = arith.addi %mul3A_841, %add3A_842 : vector<16xi32>
      %swap3A_844 = arith.constant 5 : i32
      %swap3A_845 = arith.index_cast %swap3A_844 : i32 to index
      %swap3A_846 = arith.constant 80 : index
      %swap3A_847 = tpu.vector_load %arg8[%swap3A_845, %swap3A_846] {strides = array<i32>} : memref<8x128xi32, #tpu.memory_space<vmem>>, vector<1x16xi32>,
      %swap3A_848 = vector.shape_cast %swap3A_847 : vector<1x16xi32> to vector<16xi32>
      %swap3A_849 = vector.shape_cast %add3A_843 : vector<16xi32> to vector<1x16xi32>
      tpu.vector_store %arg8[%swap3A_845, %swap3A_846], %swap3A_849 {strides = array<i32>} : memref<8x128xi32, #tpu.memory_space<vmem>>, vector<1x16xi32>,
      %get3A_850 = arith.constant 5 : i32
      %get3A_851 = arith.index_cast %get3A_850 : i32 to index
      %get3A_852 = arith.constant 96 : index
      %get3A_853 = tpu.vector_load %arg8[%get3A_851, %get3A_852] {strides = array<i32>} : memref<8x128xi32, #tpu.memory_space<vmem>>, vector<1x16xi32>,
      %get3A_854 = vector.shape_cast %get3A_853 : vector<1x16xi32> to vector<16xi32>
      %mul3A_855 = arith.constant 2 : i32
      %mul3A_856 = vector.broadcast %mul3A_855 : i32 to vector<16xi32>
      %mul3A_857 = arith.muli %get3A_854, %mul3A_856 : vector<16xi32>
      %add3A_858 = vector.broadcast %arg0 : i32 to vector<16xi32>
      %add3A_859 = arith.addi %mul3A_857, %add3A_858 : vector<16xi32>
      %swap3A_860 = arith.constant 5 : i32
      %swap3A_861 = arith.index_cast %swap3A_860 : i32 to index
      %swap3A_862 = arith.constant 96 : index
      %swap3A_863 = tpu.vector_load %arg8[%swap3A_861, %swap3A_862] {strides = array<i32>} : memref<8x128xi32, #tpu.memory_space<vmem>>, vector<1x16xi32>,
      %swap3A_864 = vector.shape_cast %swap3A_863 : vector<1x16xi32> to vector<16xi32>
      %swap3A_865 = vector.shape_cast %add3A_859 : vector<16xi32> to vector<1x16xi32>
      tpu.vector_store %arg8[%swap3A_861, %swap3A_862], %swap3A_865 {strides = array<i32>} : memref<8x128xi32, #tpu.memory_space<vmem>>, vector<1x16xi32>,
      %get3A_866 = arith.constant 5 : i32
      %get3A_867 = arith.index_cast %get3A_866 : i32 to index
      %get3A_868 = arith.constant 112 : index
      %get3A_869 = tpu.vector_load %arg8[%get3A_867, %get3A_868] {strides = array<i32>} : memref<8x128xi32, #tpu.memory_space<vmem>>, vector<1x16xi32>,
      %get3A_870 = vector.shape_cast %get3A_869 : vector<1x16xi32> to vector<16xi32>
      %mul3A_871 = arith.constant 2 : i32
      %mul3A_872 = vector.broadcast %mul3A_871 : i32 to vector<16xi32>
      %mul3A_873 = arith.muli %get3A_870, %mul3A_872 : vector<16xi32>
      %add3A_874 = vector.broadcast %arg0 : i32 to vector<16xi32>
      %add3A_875 = arith.addi %mul3A_873, %add3A_874 : vector<16xi32>
      %swap3A_876 = arith.constant 5 : i32
      %swap3A_877 = arith.index_cast %swap3A_876 : i32 to index
      %swap3A_878 = arith.constant 112 : index
      %swap3A_879 = tpu.vector_load %arg8[%swap3A_877, %swap3A_878] {strides = array<i32>} : memref<8x128xi32, #tpu.memory_space<vmem>>, vector<1x16xi32>,
      %swap3A_880 = vector.shape_cast %swap3A_879 : vector<1x16xi32> to vector<16xi32>
      %swap3A_881 = vector.shape_cast %add3A_875 : vector<16xi32> to vector<1x16xi32>
      tpu.vector_store %arg8[%swap3A_877, %swap3A_878], %swap3A_881 {strides = array<i32>} : memref<8x128xi32, #tpu.memory_space<vmem>>, vector<1x16xi32>,
      %dma_start3A_882 = arith.constant 5 : i32
      %dma_start3A_883 = arith.constant 0 : i32
      %dma_start3A_884 = tpu.memref_slice %arg8[%dma_start3A_882, %dma_start3A_883] : memref<8x128xi32, #tpu.memory_space<vmem>> -> memref<1x128xi32, #tpu.memory_space<vmem>>
      %dma_start3A_885 = tpu.memref_squeeze %dma_start3A_884 : memref<1x128xi32, #tpu.memory_space<vmem>> -> memref<128xi32, #tpu.memory_space<vmem>>
      %dma_start3A_886 = arith.constant 0 : i32
      %dma_start3A_887 = arith.constant 0 : i32
      %dma_start3A_888 = tpu.memref_slice %arg2[%dma_start3A_886, %dma_start3A_887] : memref<20000x128xf32, #tpu.memory_space<hbm>> -> memref<20000x128xf32, #tpu.memory_space<hbm>>
      tpu.enqueue_indirect_dma source(%dma_start3A_888 : memref<20000x128xf32, #tpu.memory_space<hbm>>) target(%arg10 : memref<128x128xf32, #tpu.memory_space<vmem>>) offsets(%dma_start3A_885 : memref<128xi32, #tpu.memory_space<vmem>>) semaphore(%arg12 : memref<!tpu.dma_semaphore, #tpu.memory_space<semaphore_mem>>)
      %dma_wait3A_889 = arith.constant 5 : i32
      %dma_wait3A_890 = arith.constant 0 : i32
      %dma_wait3A_891 = tpu.memref_slice %arg8[%dma_wait3A_889, %dma_wait3A_890] : memref<8x128xi32, #tpu.memory_space<vmem>> -> memref<1x128xi32, #tpu.memory_space<vmem>>
      %dma_wait3A_892 = tpu.memref_squeeze %dma_wait3A_891 : memref<1x128xi32, #tpu.memory_space<vmem>> -> memref<128xi32, #tpu.memory_space<vmem>>
      %dma_wait3A_893 = arith.constant 0 : i32
      %dma_wait3A_894 = arith.constant 0 : i32
      %dma_wait3A_895 = tpu.memref_slice %arg2[%dma_wait3A_893, %dma_wait3A_894] : memref<20000x128xf32, #tpu.memory_space<hbm>> -> memref<20000x128xf32, #tpu.memory_space<hbm>>
      tpu.wait_indirect_dma semaphore(%arg12 : memref<!tpu.dma_semaphore, #tpu.memory_space<semaphore_mem>>) src(%dma_wait3A_895 : memref<20000x128xf32, #tpu.memory_space<hbm>>) dst(%arg10 : memref<128x128xf32, #tpu.memory_space<vmem>>)
      %run_scoped3A_896 = arith.constant 5 : i32
      "tpu.region"() ({
        %run_scoped3A_1183 = tpu.sem_alloc : memref<!tpu.dma_semaphore, #tpu.memory_space<semaphore_mem>>
        %dma_start3A_1184 = arith.constant 0 : i32
        %dma_start3A_1185 = tpu.memref_slice %arg9[%run_scoped3A_896, %dma_start3A_1184] : memref<8x128xi32, #tpu.memory_space<vmem>> -> memref<1x128xi32, #tpu.memory_space<vmem>>
        %dma_start3A_1186 = tpu.memref_squeeze %dma_start3A_1185 : memref<1x128xi32, #tpu.memory_space<vmem>> -> memref<128xi32, #tpu.memory_space<vmem>>
        %dma_start3A_1187 = arith.constant 0 : i32
        %dma_start3A_1188 = arith.constant 0 : i32
        %dma_start3A_1189 = tpu.memref_slice %arg11[%dma_start3A_1187, %dma_start3A_1188] : memref<10240x128xf32, #tpu.memory_space<vmem_shared>> -> memref<10240x128xf32, #tpu.memory_space<vmem_shared>>
        tpu.enqueue_indirect_dma source(%arg10 : memref<128x128xf32, #tpu.memory_space<vmem>>) target(%dma_start3A_1189 : memref<10240x128xf32, #tpu.memory_space<vmem_shared>>) offsets(%dma_start3A_1186 : memref<128xi32, #tpu.memory_space<vmem>>) semaphore(%run_scoped3A_1183 : memref<!tpu.dma_semaphore, #tpu.memory_space<semaphore_mem>>) {add = true}
        %dma_wait3A_1190 = arith.constant 0 : i32
        %dma_wait3A_1191 = tpu.memref_slice %arg9[%run_scoped3A_896, %dma_wait3A_1190] : memref<8x128xi32, #tpu.memory_space<vmem>> -> memref<1x128xi32, #tpu.memory_space<vmem>>
        %dma_wait3A_1192 = tpu.memref_squeeze %dma_wait3A_1191 : memref<1x128xi32, #tpu.memory_space<vmem>> -> memref<128xi32, #tpu.memory_space<vmem>>
        %dma_wait3A_1193 = arith.constant 0 : i32
        %dma_wait3A_1194 = arith.constant 0 : i32
        %dma_wait3A_1195 = tpu.memref_slice %arg11[%dma_wait3A_1193, %dma_wait3A_1194] : memref<10240x128xf32, #tpu.memory_space<vmem_shared>> -> memref<10240x128xf32, #tpu.memory_space<vmem_shared>>
        tpu.wait_indirect_dma semaphore(%run_scoped3A_1183 : memref<!tpu.dma_semaphore, #tpu.memory_space<semaphore_mem>>) src(%arg10 : memref<128x128xf32, #tpu.memory_space<vmem>>) dst(%dma_wait3A_1195 : memref<10240x128xf32, #tpu.memory_space<vmem_shared>>)
        tpu.yield
      }) : () -> ()
      %get3A_897 = arith.constant 6 : i32
      %get3A_898 = arith.index_cast %get3A_897 : i32 to index
      %get3A_899 = arith.constant 0 : index
      %get3A_900 = tpu.vector_load %arg8[%get3A_898, %get3A_899] {strides = array<i32>} : memref<8x128xi32, #tpu.memory_space<vmem>>, vector<1x16xi32>,
      %get3A_901 = vector.shape_cast %get3A_900 : vector<1x16xi32> to vector<16xi32>
      %mul3A_902 = arith.constant 2 : i32
      %mul3A_903 = vector.broadcast %mul3A_902 : i32 to vector<16xi32>
      %mul3A_904 = arith.muli %get3A_901, %mul3A_903 : vector<16xi32>
      %add3A_905 = vector.broadcast %arg0 : i32 to vector<16xi32>
      %add3A_906 = arith.addi %mul3A_904, %add3A_905 : vector<16xi32>
      %swap3A_907 = arith.constant 6 : i32
      %swap3A_908 = arith.index_cast %swap3A_907 : i32 to index
      %swap3A_909 = arith.constant 0 : index
      %swap3A_910 = tpu.vector_load %arg8[%swap3A_908, %swap3A_909] {strides = array<i32>} : memref<8x128xi32, #tpu.memory_space<vmem>>, vector<1x16xi32>,
      %swap3A_911 = vector.shape_cast %swap3A_910 : vector<1x16xi32> to vector<16xi32>
      %swap3A_912 = vector.shape_cast %add3A_906 : vector<16xi32> to vector<1x16xi32>
      tpu.vector_store %arg8[%swap3A_908, %swap3A_909], %swap3A_912 {strides = array<i32>} : memref<8x128xi32, #tpu.memory_space<vmem>>, vector<1x16xi32>,
      %get3A_913 = arith.constant 6 : i32
      %get3A_914 = arith.index_cast %get3A_913 : i32 to index
      %get3A_915 = arith.constant 16 : index
      %get3A_916 = tpu.vector_load %arg8[%get3A_914, %get3A_915] {strides = array<i32>} : memref<8x128xi32, #tpu.memory_space<vmem>>, vector<1x16xi32>,
      %get3A_917 = vector.shape_cast %get3A_916 : vector<1x16xi32> to vector<16xi32>
      %mul3A_918 = arith.constant 2 : i32
      %mul3A_919 = vector.broadcast %mul3A_918 : i32 to vector<16xi32>
      %mul3A_920 = arith.muli %get3A_917, %mul3A_919 : vector<16xi32>
      %add3A_921 = vector.broadcast %arg0 : i32 to vector<16xi32>
      %add3A_922 = arith.addi %mul3A_920, %add3A_921 : vector<16xi32>
      %swap3A_923 = arith.constant 6 : i32
      %swap3A_924 = arith.index_cast %swap3A_923 : i32 to index
      %swap3A_925 = arith.constant 16 : index
      %swap3A_926 = tpu.vector_load %arg8[%swap3A_924, %swap3A_925] {strides = array<i32>} : memref<8x128xi32, #tpu.memory_space<vmem>>, vector<1x16xi32>,
      %swap3A_927 = vector.shape_cast %swap3A_926 : vector<1x16xi32> to vector<16xi32>
      %swap3A_928 = vector.shape_cast %add3A_922 : vector<16xi32> to vector<1x16xi32>
      tpu.vector_store %arg8[%swap3A_924, %swap3A_925], %swap3A_928 {strides = array<i32>} : memref<8x128xi32, #tpu.memory_space<vmem>>, vector<1x16xi32>,
      %get3A_929 = arith.constant 6 : i32
      %get3A_930 = arith.index_cast %get3A_929 : i32 to index
      %get3A_931 = arith.constant 32 : index
      %get3A_932 = tpu.vector_load %arg8[%get3A_930, %get3A_931] {strides = array<i32>} : memref<8x128xi32, #tpu.memory_space<vmem>>, vector<1x16xi32>,
      %get3A_933 = vector.shape_cast %get3A_932 : vector<1x16xi32> to vector<16xi32>
      %mul3A_934 = arith.constant 2 : i32
      %mul3A_935 = vector.broadcast %mul3A_934 : i32 to vector<16xi32>
      %mul3A_936 = arith.muli %get3A_933, %mul3A_935 : vector<16xi32>
      %add3A_937 = vector.broadcast %arg0 : i32 to vector<16xi32>
      %add3A_938 = arith.addi %mul3A_936, %add3A_937 : vector<16xi32>
      %swap3A_939 = arith.constant 6 : i32
      %swap3A_940 = arith.index_cast %swap3A_939 : i32 to index
      %swap3A_941 = arith.constant 32 : index
      %swap3A_942 = tpu.vector_load %arg8[%swap3A_940, %swap3A_941] {strides = array<i32>} : memref<8x128xi32, #tpu.memory_space<vmem>>, vector<1x16xi32>,
      %swap3A_943 = vector.shape_cast %swap3A_942 : vector<1x16xi32> to vector<16xi32>
      %swap3A_944 = vector.shape_cast %add3A_938 : vector<16xi32> to vector<1x16xi32>
      tpu.vector_store %arg8[%swap3A_940, %swap3A_941], %swap3A_944 {strides = array<i32>} : memref<8x128xi32, #tpu.memory_space<vmem>>, vector<1x16xi32>,
      %get3A_945 = arith.constant 6 : i32
      %get3A_946 = arith.index_cast %get3A_945 : i32 to index
      %get3A_947 = arith.constant 48 : index
      %get3A_948 = tpu.vector_load %arg8[%get3A_946, %get3A_947] {strides = array<i32>} : memref<8x128xi32, #tpu.memory_space<vmem>>, vector<1x16xi32>,
      %get3A_949 = vector.shape_cast %get3A_948 : vector<1x16xi32> to vector<16xi32>
      %mul3A_950 = arith.constant 2 : i32
      %mul3A_951 = vector.broadcast %mul3A_950 : i32 to vector<16xi32>
      %mul3A_952 = arith.muli %get3A_949, %mul3A_951 : vector<16xi32>
      %add3A_953 = vector.broadcast %arg0 : i32 to vector<16xi32>
      %add3A_954 = arith.addi %mul3A_952, %add3A_953 : vector<16xi32>
      %swap3A_955 = arith.constant 6 : i32
      %swap3A_956 = arith.index_cast %swap3A_955 : i32 to index
      %swap3A_957 = arith.constant 48 : index
      %swap3A_958 = tpu.vector_load %arg8[%swap3A_956, %swap3A_957] {strides = array<i32>} : memref<8x128xi32, #tpu.memory_space<vmem>>, vector<1x16xi32>,
      %swap3A_959 = vector.shape_cast %swap3A_958 : vector<1x16xi32> to vector<16xi32>
      %swap3A_960 = vector.shape_cast %add3A_954 : vector<16xi32> to vector<1x16xi32>
      tpu.vector_store %arg8[%swap3A_956, %swap3A_957], %swap3A_960 {strides = array<i32>} : memref<8x128xi32, #tpu.memory_space<vmem>>, vector<1x16xi32>,
      %get3A_961 = arith.constant 6 : i32
      %get3A_962 = arith.index_cast %get3A_961 : i32 to index
      %get3A_963 = arith.constant 64 : index
      %get3A_964 = tpu.vector_load %arg8[%get3A_962, %get3A_963] {strides = array<i32>} : memref<8x128xi32, #tpu.memory_space<vmem>>, vector<1x16xi32>,
      %get3A_965 = vector.shape_cast %get3A_964 : vector<1x16xi32> to vector<16xi32>
      %mul3A_966 = arith.constant 2 : i32
      %mul3A_967 = vector.broadcast %mul3A_966 : i32 to vector<16xi32>
      %mul3A_968 = arith.muli %get3A_965, %mul3A_967 : vector<16xi32>
      %add3A_969 = vector.broadcast %arg0 : i32 to vector<16xi32>
      %add3A_970 = arith.addi %mul3A_968, %add3A_969 : vector<16xi32>
      %swap3A_971 = arith.constant 6 : i32
      %swap3A_972 = arith.index_cast %swap3A_971 : i32 to index
      %swap3A_973 = arith.constant 64 : index
      %swap3A_974 = tpu.vector_load %arg8[%swap3A_972, %swap3A_973] {strides = array<i32>} : memref<8x128xi32, #tpu.memory_space<vmem>>, vector<1x16xi32>,
      %swap3A_975 = vector.shape_cast %swap3A_974 : vector<1x16xi32> to vector<16xi32>
      %swap3A_976 = vector.shape_cast %add3A_970 : vector<16xi32> to vector<1x16xi32>
      tpu.vector_store %arg8[%swap3A_972, %swap3A_973], %swap3A_976 {strides = array<i32>} : memref<8x128xi32, #tpu.memory_space<vmem>>, vector<1x16xi32>,
      %get3A_977 = arith.constant 6 : i32
      %get3A_978 = arith.index_cast %get3A_977 : i32 to index
      %get3A_979 = arith.constant 80 : index
      %get3A_980 = tpu.vector_load %arg8[%get3A_978, %get3A_979] {strides = array<i32>} : memref<8x128xi32, #tpu.memory_space<vmem>>, vector<1x16xi32>,
      %get3A_981 = vector.shape_cast %get3A_980 : vector<1x16xi32> to vector<16xi32>
      %mul3A_982 = arith.constant 2 : i32
      %mul3A_983 = vector.broadcast %mul3A_982 : i32 to vector<16xi32>
      %mul3A_984 = arith.muli %get3A_981, %mul3A_983 : vector<16xi32>
      %add3A_985 = vector.broadcast %arg0 : i32 to vector<16xi32>
      %add3A_986 = arith.addi %mul3A_984, %add3A_985 : vector<16xi32>
      %swap3A_987 = arith.constant 6 : i32
      %swap3A_988 = arith.index_cast %swap3A_987 : i32 to index
      %swap3A_989 = arith.constant 80 : index
      %swap3A_990 = tpu.vector_load %arg8[%swap3A_988, %swap3A_989] {strides = array<i32>} : memref<8x128xi32, #tpu.memory_space<vmem>>, vector<1x16xi32>,
      %swap3A_991 = vector.shape_cast %swap3A_990 : vector<1x16xi32> to vector<16xi32>
      %swap3A_992 = vector.shape_cast %add3A_986 : vector<16xi32> to vector<1x16xi32>
      tpu.vector_store %arg8[%swap3A_988, %swap3A_989], %swap3A_992 {strides = array<i32>} : memref<8x128xi32, #tpu.memory_space<vmem>>, vector<1x16xi32>,
      %get3A_993 = arith.constant 6 : i32
      %get3A_994 = arith.index_cast %get3A_993 : i32 to index
      %get3A_995 = arith.constant 96 : index
      %get3A_996 = tpu.vector_load %arg8[%get3A_994, %get3A_995] {strides = array<i32>} : memref<8x128xi32, #tpu.memory_space<vmem>>, vector<1x16xi32>,
      %get3A_997 = vector.shape_cast %get3A_996 : vector<1x16xi32> to vector<16xi32>
      %mul3A_998 = arith.constant 2 : i32
      %mul3A_999 = vector.broadcast %mul3A_998 : i32 to vector<16xi32>
      %mul3A_1000 = arith.muli %get3A_997, %mul3A_999 : vector<16xi32>
      %add3A_1001 = vector.broadcast %arg0 : i32 to vector<16xi32>
      %add3A_1002 = arith.addi %mul3A_1000, %add3A_1001 : vector<16xi32>
      %swap3A_1003 = arith.constant 6 : i32
      %swap3A_1004 = arith.index_cast %swap3A_1003 : i32 to index
      %swap3A_1005 = arith.constant 96 : index
      %swap3A_1006 = tpu.vector_load %arg8[%swap3A_1004, %swap3A_1005] {strides = array<i32>} : memref<8x128xi32, #tpu.memory_space<vmem>>, vector<1x16xi32>,
      %swap3A_1007 = vector.shape_cast %swap3A_1006 : vector<1x16xi32> to vector<16xi32>
      %swap3A_1008 = vector.shape_cast %add3A_1002 : vector<16xi32> to vector<1x16xi32>
      tpu.vector_store %arg8[%swap3A_1004, %swap3A_1005], %swap3A_1008 {strides = array<i32>} : memref<8x128xi32, #tpu.memory_space<vmem>>, vector<1x16xi32>,
      %get3A_1009 = arith.constant 6 : i32
      %get3A_1010 = arith.index_cast %get3A_1009 : i32 to index
      %get3A_1011 = arith.constant 112 : index
      %get3A_1012 = tpu.vector_load %arg8[%get3A_1010, %get3A_1011] {strides = array<i32>} : memref<8x128xi32, #tpu.memory_space<vmem>>, vector<1x16xi32>,
      %get3A_1013 = vector.shape_cast %get3A_1012 : vector<1x16xi32> to vector<16xi32>
      %mul3A_1014 = arith.constant 2 : i32
      %mul3A_1015 = vector.broadcast %mul3A_1014 : i32 to vector<16xi32>
      %mul3A_1016 = arith.muli %get3A_1013, %mul3A_1015 : vector<16xi32>
      %add3A_1017 = vector.broadcast %arg0 : i32 to vector<16xi32>
      %add3A_1018 = arith.addi %mul3A_1016, %add3A_1017 : vector<16xi32>
      %swap3A_1019 = arith.constant 6 : i32
      %swap3A_1020 = arith.index_cast %swap3A_1019 : i32 to index
      %swap3A_1021 = arith.constant 112 : index
      %swap3A_1022 = tpu.vector_load %arg8[%swap3A_1020, %swap3A_1021] {strides = array<i32>} : memref<8x128xi32, #tpu.memory_space<vmem>>, vector<1x16xi32>,
      %swap3A_1023 = vector.shape_cast %swap3A_1022 : vector<1x16xi32> to vector<16xi32>
      %swap3A_1024 = vector.shape_cast %add3A_1018 : vector<16xi32> to vector<1x16xi32>
      tpu.vector_store %arg8[%swap3A_1020, %swap3A_1021], %swap3A_1024 {strides = array<i32>} : memref<8x128xi32, #tpu.memory_space<vmem>>, vector<1x16xi32>,
      %dma_start3A_1025 = arith.constant 6 : i32
      %dma_start3A_1026 = arith.constant 0 : i32
      %dma_start3A_1027 = tpu.memref_slice %arg8[%dma_start3A_1025, %dma_start3A_1026] : memref<8x128xi32, #tpu.memory_space<vmem>> -> memref<1x128xi32, #tpu.memory_space<vmem>>
      %dma_start3A_1028 = tpu.memref_squeeze %dma_start3A_1027 : memref<1x128xi32, #tpu.memory_space<vmem>> -> memref<128xi32, #tpu.memory_space<vmem>>
      %dma_start3A_1029 = arith.constant 0 : i32
      %dma_start3A_1030 = arith.constant 0 : i32
      %dma_start3A_1031 = tpu.memref_slice %arg2[%dma_start3A_1029, %dma_start3A_1030] : memref<20000x128xf32, #tpu.memory_space<hbm>> -> memref<20000x128xf32, #tpu.memory_space<hbm>>
      tpu.enqueue_indirect_dma source(%dma_start3A_1031 : memref<20000x128xf32, #tpu.memory_space<hbm>>) target(%arg10 : memref<128x128xf32, #tpu.memory_space<vmem>>) offsets(%dma_start3A_1028 : memref<128xi32, #tpu.memory_space<vmem>>) semaphore(%arg12 : memref<!tpu.dma_semaphore, #tpu.memory_space<semaphore_mem>>)
      %dma_wait3A_1032 = arith.constant 6 : i32
      %dma_wait3A_1033 = arith.constant 0 : i32
      %dma_wait3A_1034 = tpu.memref_slice %arg8[%dma_wait3A_1032, %dma_wait3A_1033] : memref<8x128xi32, #tpu.memory_space<vmem>> -> memref<1x128xi32, #tpu.memory_space<vmem>>
      %dma_wait3A_1035 = tpu.memref_squeeze %dma_wait3A_1034 : memref<1x128xi32, #tpu.memory_space<vmem>> -> memref<128xi32, #tpu.memory_space<vmem>>
      %dma_wait3A_1036 = arith.constant 0 : i32
      %dma_wait3A_1037 = arith.constant 0 : i32
      %dma_wait3A_1038 = tpu.memref_slice %arg2[%dma_wait3A_1036, %dma_wait3A_1037] : memref<20000x128xf32, #tpu.memory_space<hbm>> -> memref<20000x128xf32, #tpu.memory_space<hbm>>
      tpu.wait_indirect_dma semaphore(%arg12 : memref<!tpu.dma_semaphore, #tpu.memory_space<semaphore_mem>>) src(%dma_wait3A_1038 : memref<20000x128xf32, #tpu.memory_space<hbm>>) dst(%arg10 : memref<128x128xf32, #tpu.memory_space<vmem>>)
      %run_scoped3A_1039 = arith.constant 6 : i32
      "tpu.region"() ({
        %run_scoped3A_1183 = tpu.sem_alloc : memref<!tpu.dma_semaphore, #tpu.memory_space<semaphore_mem>>
        %dma_start3A_1184 = arith.constant 0 : i32
        %dma_start3A_1185 = tpu.memref_slice %arg9[%run_scoped3A_1039, %dma_start3A_1184] : memref<8x128xi32, #tpu.memory_space<vmem>> -> memref<1x128xi32, #tpu.memory_space<vmem>>
        %dma_start3A_1186 = tpu.memref_squeeze %dma_start3A_1185 : memref<1x128xi32, #tpu.memory_space<vmem>> -> memref<128xi32, #tpu.memory_space<vmem>>
        %dma_start3A_1187 = arith.constant 0 : i32
        %dma_start3A_1188 = arith.constant 0 : i32
        %dma_start3A_1189 = tpu.memref_slice %arg11[%dma_start3A_1187, %dma_start3A_1188] : memref<10240x128xf32, #tpu.memory_space<vmem_shared>> -> memref<10240x128xf32, #tpu.memory_space<vmem_shared>>
        tpu.enqueue_indirect_dma source(%arg10 : memref<128x128xf32, #tpu.memory_space<vmem>>) target(%dma_start3A_1189 : memref<10240x128xf32, #tpu.memory_space<vmem_shared>>) offsets(%dma_start3A_1186 : memref<128xi32, #tpu.memory_space<vmem>>) semaphore(%run_scoped3A_1183 : memref<!tpu.dma_semaphore, #tpu.memory_space<semaphore_mem>>) {add = true}
        %dma_wait3A_1190 = arith.constant 0 : i32
        %dma_wait3A_1191 = tpu.memref_slice %arg9[%run_scoped3A_1039, %dma_wait3A_1190] : memref<8x128xi32, #tpu.memory_space<vmem>> -> memref<1x128xi32, #tpu.memory_space<vmem>>
        %dma_wait3A_1192 = tpu.memref_squeeze %dma_wait3A_1191 : memref<1x128xi32, #tpu.memory_space<vmem>> -> memref<128xi32, #tpu.memory_space<vmem>>
        %dma_wait3A_1193 = arith.constant 0 : i32
        %dma_wait3A_1194 = arith.constant 0 : i32
        %dma_wait3A_1195 = tpu.memref_slice %arg11[%dma_wait3A_1193, %dma_wait3A_1194] : memref<10240x128xf32, #tpu.memory_space<vmem_shared>> -> memref<10240x128xf32, #tpu.memory_space<vmem_shared>>
        tpu.wait_indirect_dma semaphore(%run_scoped3A_1183 : memref<!tpu.dma_semaphore, #tpu.memory_space<semaphore_mem>>) src(%arg10 : memref<128x128xf32, #tpu.memory_space<vmem>>) dst(%dma_wait3A_1195 : memref<10240x128xf32, #tpu.memory_space<vmem_shared>>)
        tpu.yield
      }) : () -> ()
      %get3A_1040 = arith.constant 7 : i32
      %get3A_1041 = arith.index_cast %get3A_1040 : i32 to index
      %get3A_1042 = arith.constant 0 : index
      %get3A_1043 = tpu.vector_load %arg8[%get3A_1041, %get3A_1042] {strides = array<i32>} : memref<8x128xi32, #tpu.memory_space<vmem>>, vector<1x16xi32>,
      %get3A_1044 = vector.shape_cast %get3A_1043 : vector<1x16xi32> to vector<16xi32>
      %mul3A_1045 = arith.constant 2 : i32
      %mul3A_1046 = vector.broadcast %mul3A_1045 : i32 to vector<16xi32>
      %mul3A_1047 = arith.muli %get3A_1044, %mul3A_1046 : vector<16xi32>
      %add3A_1048 = vector.broadcast %arg0 : i32 to vector<16xi32>
      %add3A_1049 = arith.addi %mul3A_1047, %add3A_1048 : vector<16xi32>
      %swap3A_1050 = arith.constant 7 : i32
      %swap3A_1051 = arith.index_cast %swap3A_1050 : i32 to index
      %swap3A_1052 = arith.constant 0 : index
      %swap3A_1053 = tpu.vector_load %arg8[%swap3A_1051, %swap3A_1052] {strides = array<i32>} : memref<8x128xi32, #tpu.memory_space<vmem>>, vector<1x16xi32>,
      %swap3A_1054 = vector.shape_cast %swap3A_1053 : vector<1x16xi32> to vector<16xi32>
      %swap3A_1055 = vector.shape_cast %add3A_1049 : vector<16xi32> to vector<1x16xi32>
      tpu.vector_store %arg8[%swap3A_1051, %swap3A_1052], %swap3A_1055 {strides = array<i32>} : memref<8x128xi32, #tpu.memory_space<vmem>>, vector<1x16xi32>,
      %get3A_1056 = arith.constant 7 : i32
      %get3A_1057 = arith.index_cast %get3A_1056 : i32 to index
      %get3A_1058 = arith.constant 16 : index
      %get3A_1059 = tpu.vector_load %arg8[%get3A_1057, %get3A_1058] {strides = array<i32>} : memref<8x128xi32, #tpu.memory_space<vmem>>, vector<1x16xi32>,
      %get3A_1060 = vector.shape_cast %get3A_1059 : vector<1x16xi32> to vector<16xi32>
      %mul3A_1061 = arith.constant 2 : i32
      %mul3A_1062 = vector.broadcast %mul3A_1061 : i32 to vector<16xi32>
      %mul3A_1063 = arith.muli %get3A_1060, %mul3A_1062 : vector<16xi32>
      %add3A_1064 = vector.broadcast %arg0 : i32 to vector<16xi32>
      %add3A_1065 = arith.addi %mul3A_1063, %add3A_1064 : vector<16xi32>
      %swap3A_1066 = arith.constant 7 : i32
      %swap3A_1067 = arith.index_cast %swap3A_1066 : i32 to index
      %swap3A_1068 = arith.constant 16 : index
      %swap3A_1069 = tpu.vector_load %arg8[%swap3A_1067, %swap3A_1068] {strides = array<i32>} : memref<8x128xi32, #tpu.memory_space<vmem>>, vector<1x16xi32>,
      %swap3A_1070 = vector.shape_cast %swap3A_1069 : vector<1x16xi32> to vector<16xi32>
      %swap3A_1071 = vector.shape_cast %add3A_1065 : vector<16xi32> to vector<1x16xi32>
      tpu.vector_store %arg8[%swap3A_1067, %swap3A_1068], %swap3A_1071 {strides = array<i32>} : memref<8x128xi32, #tpu.memory_space<vmem>>, vector<1x16xi32>,
      %get3A_1072 = arith.constant 7 : i32
      %get3A_1073 = arith.index_cast %get3A_1072 : i32 to index
      %get3A_1074 = arith.constant 32 : index
      %get3A_1075 = tpu.vector_load %arg8[%get3A_1073, %get3A_1074] {strides = array<i32>} : memref<8x128xi32, #tpu.memory_space<vmem>>, vector<1x16xi32>,
      %get3A_1076 = vector.shape_cast %get3A_1075 : vector<1x16xi32> to vector<16xi32>
      %mul3A_1077 = arith.constant 2 : i32
      %mul3A_1078 = vector.broadcast %mul3A_1077 : i32 to vector<16xi32>
      %mul3A_1079 = arith.muli %get3A_1076, %mul3A_1078 : vector<16xi32>
      %add3A_1080 = vector.broadcast %arg0 : i32 to vector<16xi32>
      %add3A_1081 = arith.addi %mul3A_1079, %add3A_1080 : vector<16xi32>
      %swap3A_1082 = arith.constant 7 : i32
      %swap3A_1083 = arith.index_cast %swap3A_1082 : i32 to index
      %swap3A_1084 = arith.constant 32 : index
      %swap3A_1085 = tpu.vector_load %arg8[%swap3A_1083, %swap3A_1084] {strides = array<i32>} : memref<8x128xi32, #tpu.memory_space<vmem>>, vector<1x16xi32>,
      %swap3A_1086 = vector.shape_cast %swap3A_1085 : vector<1x16xi32> to vector<16xi32>
      %swap3A_1087 = vector.shape_cast %add3A_1081 : vector<16xi32> to vector<1x16xi32>
      tpu.vector_store %arg8[%swap3A_1083, %swap3A_1084], %swap3A_1087 {strides = array<i32>} : memref<8x128xi32, #tpu.memory_space<vmem>>, vector<1x16xi32>,
      %get3A_1088 = arith.constant 7 : i32
      %get3A_1089 = arith.index_cast %get3A_1088 : i32 to index
      %get3A_1090 = arith.constant 48 : index
      %get3A_1091 = tpu.vector_load %arg8[%get3A_1089, %get3A_1090] {strides = array<i32>} : memref<8x128xi32, #tpu.memory_space<vmem>>, vector<1x16xi32>,
      %get3A_1092 = vector.shape_cast %get3A_1091 : vector<1x16xi32> to vector<16xi32>
      %mul3A_1093 = arith.constant 2 : i32
      %mul3A_1094 = vector.broadcast %mul3A_1093 : i32 to vector<16xi32>
      %mul3A_1095 = arith.muli %get3A_1092, %mul3A_1094 : vector<16xi32>
      %add3A_1096 = vector.broadcast %arg0 : i32 to vector<16xi32>
      %add3A_1097 = arith.addi %mul3A_1095, %add3A_1096 : vector<16xi32>
      %swap3A_1098 = arith.constant 7 : i32
      %swap3A_1099 = arith.index_cast %swap3A_1098 : i32 to index
      %swap3A_1100 = arith.constant 48 : index
      %swap3A_1101 = tpu.vector_load %arg8[%swap3A_1099, %swap3A_1100] {strides = array<i32>} : memref<8x128xi32, #tpu.memory_space<vmem>>, vector<1x16xi32>,
      %swap3A_1102 = vector.shape_cast %swap3A_1101 : vector<1x16xi32> to vector<16xi32>
      %swap3A_1103 = vector.shape_cast %add3A_1097 : vector<16xi32> to vector<1x16xi32>
      tpu.vector_store %arg8[%swap3A_1099, %swap3A_1100], %swap3A_1103 {strides = array<i32>} : memref<8x128xi32, #tpu.memory_space<vmem>>, vector<1x16xi32>,
      %get3A_1104 = arith.constant 7 : i32
      %get3A_1105 = arith.index_cast %get3A_1104 : i32 to index
      %get3A_1106 = arith.constant 64 : index
      %get3A_1107 = tpu.vector_load %arg8[%get3A_1105, %get3A_1106] {strides = array<i32>} : memref<8x128xi32, #tpu.memory_space<vmem>>, vector<1x16xi32>,
      %get3A_1108 = vector.shape_cast %get3A_1107 : vector<1x16xi32> to vector<16xi32>
      %mul3A_1109 = arith.constant 2 : i32
      %mul3A_1110 = vector.broadcast %mul3A_1109 : i32 to vector<16xi32>
      %mul3A_1111 = arith.muli %get3A_1108, %mul3A_1110 : vector<16xi32>
      %add3A_1112 = vector.broadcast %arg0 : i32 to vector<16xi32>
      %add3A_1113 = arith.addi %mul3A_1111, %add3A_1112 : vector<16xi32>
      %swap3A_1114 = arith.constant 7 : i32
      %swap3A_1115 = arith.index_cast %swap3A_1114 : i32 to index
      %swap3A_1116 = arith.constant 64 : index
      %swap3A_1117 = tpu.vector_load %arg8[%swap3A_1115, %swap3A_1116] {strides = array<i32>} : memref<8x128xi32, #tpu.memory_space<vmem>>, vector<1x16xi32>,
      %swap3A_1118 = vector.shape_cast %swap3A_1117 : vector<1x16xi32> to vector<16xi32>
      %swap3A_1119 = vector.shape_cast %add3A_1113 : vector<16xi32> to vector<1x16xi32>
      tpu.vector_store %arg8[%swap3A_1115, %swap3A_1116], %swap3A_1119 {strides = array<i32>} : memref<8x128xi32, #tpu.memory_space<vmem>>, vector<1x16xi32>,
      %get3A_1120 = arith.constant 7 : i32
      %get3A_1121 = arith.index_cast %get3A_1120 : i32 to index
      %get3A_1122 = arith.constant 80 : index
      %get3A_1123 = tpu.vector_load %arg8[%get3A_1121, %get3A_1122] {strides = array<i32>} : memref<8x128xi32, #tpu.memory_space<vmem>>, vector<1x16xi32>,
      %get3A_1124 = vector.shape_cast %get3A_1123 : vector<1x16xi32> to vector<16xi32>
      %mul3A_1125 = arith.constant 2 : i32
      %mul3A_1126 = vector.broadcast %mul3A_1125 : i32 to vector<16xi32>
      %mul3A_1127 = arith.muli %get3A_1124, %mul3A_1126 : vector<16xi32>
      %add3A_1128 = vector.broadcast %arg0 : i32 to vector<16xi32>
      %add3A_1129 = arith.addi %mul3A_1127, %add3A_1128 : vector<16xi32>
      %swap3A_1130 = arith.constant 7 : i32
      %swap3A_1131 = arith.index_cast %swap3A_1130 : i32 to index
      %swap3A_1132 = arith.constant 80 : index
      %swap3A_1133 = tpu.vector_load %arg8[%swap3A_1131, %swap3A_1132] {strides = array<i32>} : memref<8x128xi32, #tpu.memory_space<vmem>>, vector<1x16xi32>,
      %swap3A_1134 = vector.shape_cast %swap3A_1133 : vector<1x16xi32> to vector<16xi32>
      %swap3A_1135 = vector.shape_cast %add3A_1129 : vector<16xi32> to vector<1x16xi32>
      tpu.vector_store %arg8[%swap3A_1131, %swap3A_1132], %swap3A_1135 {strides = array<i32>} : memref<8x128xi32, #tpu.memory_space<vmem>>, vector<1x16xi32>,
      %get3A_1136 = arith.constant 7 : i32
      %get3A_1137 = arith.index_cast %get3A_1136 : i32 to index
      %get3A_1138 = arith.constant 96 : index
      %get3A_1139 = tpu.vector_load %arg8[%get3A_1137, %get3A_1138] {strides = array<i32>} : memref<8x128xi32, #tpu.memory_space<vmem>>, vector<1x16xi32>,
      %get3A_1140 = vector.shape_cast %get3A_1139 : vector<1x16xi32> to vector<16xi32>
      %mul3A_1141 = arith.constant 2 : i32
      %mul3A_1142 = vector.broadcast %mul3A_1141 : i32 to vector<16xi32>
      %mul3A_1143 = arith.muli %get3A_1140, %mul3A_1142 : vector<16xi32>
      %add3A_1144 = vector.broadcast %arg0 : i32 to vector<16xi32>
      %add3A_1145 = arith.addi %mul3A_1143, %add3A_1144 : vector<16xi32>
      %swap3A_1146 = arith.constant 7 : i32
      %swap3A_1147 = arith.index_cast %swap3A_1146 : i32 to index
      %swap3A_1148 = arith.constant 96 : index
      %swap3A_1149 = tpu.vector_load %arg8[%swap3A_1147, %swap3A_1148] {strides = array<i32>} : memref<8x128xi32, #tpu.memory_space<vmem>>, vector<1x16xi32>,
      %swap3A_1150 = vector.shape_cast %swap3A_1149 : vector<1x16xi32> to vector<16xi32>
      %swap3A_1151 = vector.shape_cast %add3A_1145 : vector<16xi32> to vector<1x16xi32>
      tpu.vector_store %arg8[%swap3A_1147, %swap3A_1148], %swap3A_1151 {strides = array<i32>} : memref<8x128xi32, #tpu.memory_space<vmem>>, vector<1x16xi32>,
      %get3A_1152 = arith.constant 7 : i32
      %get3A_1153 = arith.index_cast %get3A_1152 : i32 to index
      %get3A_1154 = arith.constant 112 : index
      %get3A_1155 = tpu.vector_load %arg8[%get3A_1153, %get3A_1154] {strides = array<i32>} : memref<8x128xi32, #tpu.memory_space<vmem>>, vector<1x16xi32>,
      %get3A_1156 = vector.shape_cast %get3A_1155 : vector<1x16xi32> to vector<16xi32>
      %mul3A_1157 = arith.constant 2 : i32
      %mul3A_1158 = vector.broadcast %mul3A_1157 : i32 to vector<16xi32>
      %mul3A_1159 = arith.muli %get3A_1156, %mul3A_1158 : vector<16xi32>
      %add3A_1160 = vector.broadcast %arg0 : i32 to vector<16xi32>
      %add3A_1161 = arith.addi %mul3A_1159, %add3A_1160 : vector<16xi32>
      %swap3A_1162 = arith.constant 7 : i32
      %swap3A_1163 = arith.index_cast %swap3A_1162 : i32 to index
      %swap3A_1164 = arith.constant 112 : index
      %swap3A_1165 = tpu.vector_load %arg8[%swap3A_1163, %swap3A_1164] {strides = array<i32>} : memref<8x128xi32, #tpu.memory_space<vmem>>, vector<1x16xi32>,
      %swap3A_1166 = vector.shape_cast %swap3A_1165 : vector<1x16xi32> to vector<16xi32>
      %swap3A_1167 = vector.shape_cast %add3A_1161 : vector<16xi32> to vector<1x16xi32>
      tpu.vector_store %arg8[%swap3A_1163, %swap3A_1164], %swap3A_1167 {strides = array<i32>} : memref<8x128xi32, #tpu.memory_space<vmem>>, vector<1x16xi32>,
      %dma_start3A_1168 = arith.constant 7 : i32
      %dma_start3A_1169 = arith.constant 0 : i32
      %dma_start3A_1170 = tpu.memref_slice %arg8[%dma_start3A_1168, %dma_start3A_1169] : memref<8x128xi32, #tpu.memory_space<vmem>> -> memref<1x128xi32, #tpu.memory_space<vmem>>
      %dma_start3A_1171 = tpu.memref_squeeze %dma_start3A_1170 : memref<1x128xi32, #tpu.memory_space<vmem>> -> memref<128xi32, #tpu.memory_space<vmem>>
      %dma_start3A_1172 = arith.constant 0 : i32
      %dma_start3A_1173 = arith.constant 0 : i32
      %dma_start3A_1174 = tpu.memref_slice %arg2[%dma_start3A_1172, %dma_start3A_1173] : memref<20000x128xf32, #tpu.memory_space<hbm>> -> memref<20000x128xf32, #tpu.memory_space<hbm>>
      tpu.enqueue_indirect_dma source(%dma_start3A_1174 : memref<20000x128xf32, #tpu.memory_space<hbm>>) target(%arg10 : memref<128x128xf32, #tpu.memory_space<vmem>>) offsets(%dma_start3A_1171 : memref<128xi32, #tpu.memory_space<vmem>>) semaphore(%arg12 : memref<!tpu.dma_semaphore, #tpu.memory_space<semaphore_mem>>)
      %dma_wait3A_1175 = arith.constant 7 : i32
      %dma_wait3A_1176 = arith.constant 0 : i32
      %dma_wait3A_1177 = tpu.memref_slice %arg8[%dma_wait3A_1175, %dma_wait3A_1176] : memref<8x128xi32, #tpu.memory_space<vmem>> -> memref<1x128xi32, #tpu.memory_space<vmem>>
      %dma_wait3A_1178 = tpu.memref_squeeze %dma_wait3A_1177 : memref<1x128xi32, #tpu.memory_space<vmem>> -> memref<128xi32, #tpu.memory_space<vmem>>
      %dma_wait3A_1179 = arith.constant 0 : i32
      %dma_wait3A_1180 = arith.constant 0 : i32
      %dma_wait3A_1181 = tpu.memref_slice %arg2[%dma_wait3A_1179, %dma_wait3A_1180] : memref<20000x128xf32, #tpu.memory_space<hbm>> -> memref<20000x128xf32, #tpu.memory_space<hbm>>
      tpu.wait_indirect_dma semaphore(%arg12 : memref<!tpu.dma_semaphore, #tpu.memory_space<semaphore_mem>>) src(%dma_wait3A_1181 : memref<20000x128xf32, #tpu.memory_space<hbm>>) dst(%arg10 : memref<128x128xf32, #tpu.memory_space<vmem>>)
      %run_scoped3A_1182 = arith.constant 7 : i32
      "tpu.region"() ({
        %run_scoped3A_1183 = tpu.sem_alloc : memref<!tpu.dma_semaphore, #tpu.memory_space<semaphore_mem>>
        %dma_start3A_1184 = arith.constant 0 : i32
        %dma_start3A_1185 = tpu.memref_slice %arg9[%run_scoped3A_1182, %dma_start3A_1184] : memref<8x128xi32, #tpu.memory_space<vmem>> -> memref<1x128xi32, #tpu.memory_space<vmem>>
        %dma_start3A_1186 = tpu.memref_squeeze %dma_start3A_1185 : memref<1x128xi32, #tpu.memory_space<vmem>> -> memref<128xi32, #tpu.memory_space<vmem>>
        %dma_start3A_1187 = arith.constant 0 : i32
        %dma_start3A_1188 = arith.constant 0 : i32
        %dma_start3A_1189 = tpu.memref_slice %arg11[%dma_start3A_1187, %dma_start3A_1188] : memref<10240x128xf32, #tpu.memory_space<vmem_shared>> -> memref<10240x128xf32, #tpu.memory_space<vmem_shared>>
        tpu.enqueue_indirect_dma source(%arg10 : memref<128x128xf32, #tpu.memory_space<vmem>>) target(%dma_start3A_1189 : memref<10240x128xf32, #tpu.memory_space<vmem_shared>>) offsets(%dma_start3A_1186 : memref<128xi32, #tpu.memory_space<vmem>>) semaphore(%run_scoped3A_1183 : memref<!tpu.dma_semaphore, #tpu.memory_space<semaphore_mem>>) {add = true}
        %dma_wait3A_1190 = arith.constant 0 : i32
        %dma_wait3A_1191 = tpu.memref_slice %arg9[%run_scoped3A_1182, %dma_wait3A_1190] : memref<8x128xi32, #tpu.memory_space<vmem>> -> memref<1x128xi32, #tpu.memory_space<vmem>>
        %dma_wait3A_1192 = tpu.memref_squeeze %dma_wait3A_1191 : memref<1x128xi32, #tpu.memory_space<vmem>> -> memref<128xi32, #tpu.memory_space<vmem>>
        %dma_wait3A_1193 = arith.constant 0 : i32
        %dma_wait3A_1194 = arith.constant 0 : i32
        %dma_wait3A_1195 = tpu.memref_slice %arg11[%dma_wait3A_1193, %dma_wait3A_1194] : memref<10240x128xf32, #tpu.memory_space<vmem_shared>> -> memref<10240x128xf32, #tpu.memory_space<vmem_shared>>
        tpu.wait_indirect_dma semaphore(%run_scoped3A_1183 : memref<!tpu.dma_semaphore, #tpu.memory_space<semaphore_mem>>) src(%arg10 : memref<128x128xf32, #tpu.memory_space<vmem>>) dst(%dma_wait3A_1195 : memref<10240x128xf32, #tpu.memory_space<vmem_shared>>)
        tpu.yield
      }) : () -> ()
    }
    %barrier3A_29 = arith.constant 0 : index
    tpu.barrier barrier_id(%barrier3A_29)
    %eq3A = arith.constant 0 : i32
    %eq3A_30 = arith.cmpi eq, %arg0, %eq3A : i32
    %convert_element_type3A = arith.extui %eq3A_30 : i1 to i32
    %cond3A = arith.constant 0 : i32
    %cond3A_31 = arith.cmpi ne, %convert_element_type3A, %cond3A : i32
    scf.if %cond3A_31 {
      "tpu.region"() ({
        %run_scoped3A = tpu.sem_alloc : memref<!tpu.dma_semaphore, #tpu.memory_space<semaphore_mem>>
        %dma_start3A = arith.constant 0 : i32
        %dma_start3A_37 = tpu.memref_slice %arg6[%multiple_of3A, %dma_start3A] : memref<10240x128xf32, #tpu.memory_space<hbm>> -> memref<640x128xf32, #tpu.memory_space<hbm>>
        %dma_start3A_38 = arith.constant 0 : i32
        %dma_start3A_39 = tpu.memref_slice %arg11[%multiple_of3A, %dma_start3A_38] : memref<10240x128xf32, #tpu.memory_space<vmem_shared>> -> memref<640x128xf32, #tpu.memory_space<vmem_shared>>
        tpu.enqueue_dma source(%dma_start3A_39 : memref<640x128xf32, #tpu.memory_space<vmem_shared>>) target(%dma_start3A_37 : memref<640x128xf32, #tpu.memory_space<hbm>>) target_semaphore(%run_scoped3A : memref<!tpu.dma_semaphore, #tpu.memory_space<semaphore_mem>>)
        %dma_wait3A = arith.constant 0 : i32
        %dma_wait3A_40 = tpu.memref_slice %arg6[%multiple_of3A, %dma_wait3A] : memref<10240x128xf32, #tpu.memory_space<hbm>> -> memref<640x128xf32, #tpu.memory_space<hbm>>
        %dma_wait3A_41 = arith.constant 0 : i32
        %dma_wait3A_42 = tpu.memref_slice %arg11[%multiple_of3A, %dma_wait3A_41] : memref<10240x128xf32, #tpu.memory_space<vmem_shared>> -> memref<640x128xf32, #tpu.memory_space<vmem_shared>>
        tpu.wait_dma2 semaphore(%run_scoped3A : memref<!tpu.dma_semaphore, #tpu.memory_space<semaphore_mem>>) src(%dma_wait3A_42 : memref<640x128xf32, #tpu.memory_space<vmem_shared>>) dst(%dma_wait3A_40 : memref<640x128xf32, #tpu.memory_space<hbm>>)
        tpu.yield
      }) : () -> ()
    } else {
    }
    %eq3A_32 = arith.constant 1 : i32
    %eq3A_33 = arith.cmpi eq, %arg0, %eq3A_32 : i32
    %convert_element_type3A_34 = arith.extui %eq3A_33 : i1 to i32
    %cond3A_35 = arith.constant 0 : i32
    %cond3A_36 = arith.cmpi ne, %convert_element_type3A_34, %cond3A_35 : i32
    scf.if %cond3A_36 {
      "tpu.region"() ({
        %run_scoped3A = tpu.sem_alloc : memref<!tpu.dma_semaphore, #tpu.memory_space<semaphore_mem>>
        %dma_start3A = arith.constant 0 : i32
        %dma_start3A_37 = tpu.memref_slice %arg7[%multiple_of3A, %dma_start3A] : memref<10240x128xf32, #tpu.memory_space<hbm>> -> memref<640x128xf32, #tpu.memory_space<hbm>>
        %dma_start3A_38 = arith.constant 0 : i32
        %dma_start3A_39 = tpu.memref_slice %arg11[%multiple_of3A, %dma_start3A_38] : memref<10240x128xf32, #tpu.memory_space<vmem_shared>> -> memref<640x128xf32, #tpu.memory_space<vmem_shared>>
        tpu.enqueue_dma source(%dma_start3A_39 : memref<640x128xf32, #tpu.memory_space<vmem_shared>>) target(%dma_start3A_37 : memref<640x128xf32, #tpu.memory_space<hbm>>) target_semaphore(%run_scoped3A : memref<!tpu.dma_semaphore, #tpu.memory_space<semaphore_mem>>)
        %dma_wait3A = arith.constant 0 : i32
        %dma_wait3A_40 = tpu.memref_slice %arg7[%multiple_of3A, %dma_wait3A] : memref<10240x128xf32, #tpu.memory_space<hbm>> -> memref<640x128xf32, #tpu.memory_space<hbm>>
        %dma_wait3A_41 = arith.constant 0 : i32
        %dma_wait3A_42 = tpu.memref_slice %arg11[%multiple_of3A, %dma_wait3A_41] : memref<10240x128xf32, #tpu.memory_space<vmem_shared>> -> memref<640x128xf32, #tpu.memory_space<vmem_shared>>
        tpu.wait_dma2 semaphore(%run_scoped3A : memref<!tpu.dma_semaphore, #tpu.memory_space<semaphore_mem>>) src(%dma_wait3A_42 : memref<640x128xf32, #tpu.memory_space<vmem_shared>>) dst(%dma_wait3A_40 : memref<640x128xf32, #tpu.memory_space<hbm>>)
        tpu.yield
      }) : () -> ()
    } else {
    }
    return
  }
}

module attributes {stable_mosaic.version = 14 : i64} {
  func.func @_ka_body(%arg0: i32, %arg1: i32, %arg2: memref<1000x256xf32, #tpu.memory_space<vmem>>, %arg3: memref<256x256xf32, #tpu.memory_space<vmem>>, %arg4: memref<1x256xf32, #tpu.memory_space<vmem>>, %arg5: memref<1x256xf32, #tpu.memory_space<vmem>>, %arg6: memref<1x256xf32, #tpu.memory_space<vmem>>, %arg7: memref<256x128xf32, #tpu.memory_space<vmem>>, %arg8: memref<1x128xf32, #tpu.memory_space<vmem>>, %arg9: memref<1000x256xf32, #tpu.memory_space<vmem>>, %arg10: memref<1000x128xf32, #tpu.memory_space<vmem>>, %arg11: memref<10000x256xf32, #tpu.memory_space<vmem>>, %arg12: memref<2x256xf32, #tpu.memory_space<vmem>>) attributes {dimension_semantics = [#tpu.dimension_semantics<arbitrary>, #tpu.dimension_semantics<arbitrary>], iteration_bounds = array<i64: 2, 10>, scalar_prefetch = 0 : i64, scratch_operands = 2 : i64, tpu.core_type = #tpu.core_type<tc>, window_params = [{transform_indices = @transform_0, window_bounds = array<i64: 1000, 256>}, {pipeline_mode = #tpu.pipeline_mode<synchronous>, transform_indices = @transform_1, window_bounds = array<i64: 256, 256>}, {pipeline_mode = #tpu.pipeline_mode<synchronous>, transform_indices = @transform_2, window_bounds = array<i64: 1, 256>}, {pipeline_mode = #tpu.pipeline_mode<synchronous>, transform_indices = @transform_3, window_bounds = array<i64: 1, 256>}, {pipeline_mode = #tpu.pipeline_mode<synchronous>, transform_indices = @transform_4, window_bounds = array<i64: 1, 256>}, {pipeline_mode = #tpu.pipeline_mode<synchronous>, transform_indices = @transform_5, window_bounds = array<i64: 256, 128>}, {pipeline_mode = #tpu.pipeline_mode<synchronous>, transform_indices = @transform_6, window_bounds = array<i64: 1, 128>}, {transform_indices = @transform_7, window_bounds = array<i64: 1000, 256>}, {transform_indices = @transform_8, window_bounds = array<i64: 1000, 128>}]} {
    %eq3A = arith.constant 0 : i32
    %eq3A_0 = arith.cmpi eq, %arg0, %eq3A : i32
    %eq3A_1 = arith.constant 0 : i32
    %eq3A_2 = arith.cmpi eq, %arg1, %eq3A_1 : i32
    %and3A = arith.andi %eq3A_0, %eq3A_2 : i1
    %convert_element_type3A = arith.extui %and3A : i1 to i32
    %cond3A = arith.constant 0 : i32
    %cond3A_3 = arith.cmpi ne, %convert_element_type3A, %cond3A : i32
    scf.if %cond3A_3 {
      %broadcast_in_dim3A = arith.constant 0.000000e+00 : f32
      %broadcast_in_dim3A_14 = vector.broadcast %broadcast_in_dim3A : f32 to vector<2x256xf32>
      %swap3A = arith.constant 0 : index
      %swap3A_15 = arith.constant 0 : index
      %swap3A_16 = vector.load %arg12[%swap3A, %swap3A_15] : memref<2x256xf32, #tpu.memory_space<vmem>>, vector<2x256xf32>
      tpu.vector_store %arg12[%swap3A, %swap3A_15], %broadcast_in_dim3A_14 {strides = array<i32>} : memref<2x256xf32, #tpu.memory_space<vmem>>, vector<2x256xf32>,
    } else {
    }
    %eq3A_4 = arith.constant 0 : i32
    %eq3A_5 = arith.cmpi eq, %arg0, %eq3A_4 : i32
    %convert_element_type3A_6 = arith.extui %eq3A_5 : i1 to i32
    %cond3A_7 = arith.constant 0 : i32
    %cond3A_8 = arith.cmpi ne, %convert_element_type3A_6, %cond3A_7 : i32
    scf.if %cond3A_8 {
      %get3A = arith.constant 0 : index
      %get3A_14 = arith.constant 0 : index
      %get3A_15 = vector.load %arg2[%get3A, %get3A_14] : memref<1000x256xf32, #tpu.memory_space<vmem>>, vector<1000x256xf32>
      %get3A_16 = arith.constant 0 : index
      %get3A_17 = arith.constant 0 : index
      %get3A_18 = vector.load %arg3[%get3A_16, %get3A_17] : memref<256x256xf32, #tpu.memory_space<vmem>>, vector<256x256xf32>
      %dot_general3A = arith.constant dense<0.000000e+00> : vector<1000x256xf32>
      %dot_general3A_19 = tpu.matmul %get3A_15, %get3A_18, %dot_general3A {dimension_numbers = #tpu.dot_dimension_numbers<[1], [0], [0], [1], [0, 0, 1, 1], [], []>, transpose_lhs_hint = false} : vector<1000x256xf32>, vector<256x256xf32>, vector<1000x256xf32> -> vector<1000x256xf32>
      %get3A_20 = arith.constant 0 : index
      %get3A_21 = arith.constant 0 : index
      %get3A_22 = vector.load %arg4[%get3A_20, %get3A_21] : memref<1x256xf32, #tpu.memory_space<vmem>>, vector<1x256xf32>
      %add3A = vector.broadcast %get3A_22 : vector<1x256xf32> to vector<1000x256xf32>
      %add3A_23 = arith.addf %dot_general3A_19, %add3A : vector<1000x256xf32>
      %mul3A = arith.constant 1000 : i32
      %mul3A_24 = arith.muli %arg1, %mul3A : i32
      %swap3A = arith.index_cast %mul3A_24 : i32 to index
      %swap3A_25 = arith.constant 0 : index
      %swap3A_26 = vector.load %arg11[%swap3A, %swap3A_25] : memref<10000x256xf32, #tpu.memory_space<vmem>>, vector<1000x256xf32>
      tpu.vector_store %arg11[%swap3A, %swap3A_25], %add3A_23 {strides = array<i32>} : memref<10000x256xf32, #tpu.memory_space<vmem>>, vector<1000x256xf32>,
      %get3A_27 = arith.constant 0 : index
      %get3A_28 = arith.constant 0 : index
      %get3A_29 = vector.load %arg12[%get3A_27, %get3A_28] : memref<2x256xf32, #tpu.memory_space<vmem>>, vector<1x256xf32>
      %reduce_sum3A = arith.constant dense<0.000000e+00> : vector<256xf32>
      %reduce_sum3A_30 = vector.multi_reduction <add>, %add3A_23, %reduce_sum3A [0] : vector<1000x256xf32> to vector<256xf32>
      %broadcast_in_dim3A = vector.shape_cast %reduce_sum3A_30 : vector<256xf32> to vector<1x256xf32>
      %add3A_31 = arith.addf %get3A_29, %broadcast_in_dim3A : vector<1x256xf32>
      %swap3A_32 = arith.constant 0 : index
      %swap3A_33 = arith.constant 0 : index
      %swap3A_34 = vector.load %arg12[%swap3A_32, %swap3A_33] : memref<2x256xf32, #tpu.memory_space<vmem>>, vector<1x256xf32>
      tpu.vector_store %arg12[%swap3A_32, %swap3A_33], %add3A_31 {strides = array<i32>} : memref<2x256xf32, #tpu.memory_space<vmem>>, vector<1x256xf32>,
      %get3A_35 = arith.constant 1 : index
      %get3A_36 = arith.constant 0 : index
      %get3A_37 = vector.load %arg12[%get3A_35, %get3A_36] : memref<2x256xf32, #tpu.memory_space<vmem>>, vector<1x256xf32>
      %mul3A_38 = arith.mulf %add3A_23, %add3A_23 : vector<1000x256xf32>
      %reduce_sum3A_39 = arith.constant dense<0.000000e+00> : vector<256xf32>
      %reduce_sum3A_40 = vector.multi_reduction <add>, %mul3A_38, %reduce_sum3A_39 [0] : vector<1000x256xf32> to vector<256xf32>
      %broadcast_in_dim3A_41 = vector.shape_cast %reduce_sum3A_40 : vector<256xf32> to vector<1x256xf32>
      %add3A_42 = arith.addf %get3A_37, %broadcast_in_dim3A_41 : vector<1x256xf32>
      %swap3A_43 = arith.constant 1 : index
      %swap3A_44 = arith.constant 0 : index
      %swap3A_45 = vector.load %arg12[%swap3A_43, %swap3A_44] : memref<2x256xf32, #tpu.memory_space<vmem>>, vector<1x256xf32>
      tpu.vector_store %arg12[%swap3A_43, %swap3A_44], %add3A_42 {strides = array<i32>} : memref<2x256xf32, #tpu.memory_space<vmem>>, vector<1x256xf32>,
    } else {
    }
    %eq3A_9 = arith.constant 1 : i32
    %eq3A_10 = arith.cmpi eq, %arg0, %eq3A_9 : i32
    %convert_element_type3A_11 = arith.extui %eq3A_10 : i1 to i32
    %cond3A_12 = arith.constant 0 : i32
    %cond3A_13 = arith.cmpi ne, %convert_element_type3A_11, %cond3A_12 : i32
    scf.if %cond3A_13 {
      %get3A = arith.constant 0 : index
      %get3A_14 = arith.constant 0 : index
      %get3A_15 = vector.load %arg12[%get3A, %get3A_14] : memref<2x256xf32, #tpu.memory_space<vmem>>, vector<1x256xf32>
      %div3A = arith.constant 1.000000e+04 : f32
      %div3A_16 = vector.broadcast %div3A : f32 to vector<1x256xf32>
      %div3A_17 = arith.divf %get3A_15, %div3A_16 : vector<1x256xf32>
      %get3A_18 = arith.constant 1 : index
      %get3A_19 = arith.constant 0 : index
      %get3A_20 = vector.load %arg12[%get3A_18, %get3A_19] : memref<2x256xf32, #tpu.memory_space<vmem>>, vector<1x256xf32>
      %div3A_21 = arith.constant 1.000000e+04 : f32
      %div3A_22 = vector.broadcast %div3A_21 : f32 to vector<1x256xf32>
      %div3A_23 = arith.divf %get3A_20, %div3A_22 : vector<1x256xf32>
      %mul3A = arith.mulf %div3A_17, %div3A_17 : vector<1x256xf32>
      %sub3A = arith.subf %div3A_23, %mul3A : vector<1x256xf32>
      %get3A_24 = arith.constant 0 : index
      %get3A_25 = arith.constant 0 : index
      %get3A_26 = vector.load %arg5[%get3A_24, %get3A_25] : memref<1x256xf32, #tpu.memory_space<vmem>>, vector<1x256xf32>
      %add3A = arith.constant 9.99999974E-6 : f32
      %add3A_27 = vector.broadcast %add3A : f32 to vector<1x256xf32>
      %add3A_28 = arith.addf %sub3A, %add3A_27 : vector<1x256xf32>
      %rsqrt3A = math.rsqrt %add3A_28 : vector<1x256xf32>
      %mul3A_29 = arith.mulf %get3A_26, %rsqrt3A : vector<1x256xf32>
      %get3A_30 = arith.constant 0 : index
      %get3A_31 = arith.constant 0 : index
      %get3A_32 = vector.load %arg6[%get3A_30, %get3A_31] : memref<1x256xf32, #tpu.memory_space<vmem>>, vector<1x256xf32>
      %mul3A_33 = arith.mulf %div3A_17, %mul3A_29 : vector<1x256xf32>
      %sub3A_34 = arith.subf %get3A_32, %mul3A_33 : vector<1x256xf32>
      %mul3A_35 = arith.constant 1000 : i32
      %mul3A_36 = arith.muli %arg1, %mul3A_35 : i32
      %get3A_37 = arith.index_cast %mul3A_36 : i32 to index
      %get3A_38 = arith.constant 0 : index
      %get3A_39 = vector.load %arg11[%get3A_37, %get3A_38] : memref<10000x256xf32, #tpu.memory_space<vmem>>, vector<1000x256xf32>
      %mul3A_40 = vector.broadcast %mul3A_29 : vector<1x256xf32> to vector<1000x256xf32>
      %mul3A_41 = arith.mulf %get3A_39, %mul3A_40 : vector<1000x256xf32>
      %add3A_42 = vector.broadcast %sub3A_34 : vector<1x256xf32> to vector<1000x256xf32>
      %add3A_43 = arith.addf %mul3A_41, %add3A_42 : vector<1000x256xf32>
      %max3A = arith.constant 0.000000e+00 : f32
      %max3A_44 = vector.broadcast %max3A : f32 to vector<1000x256xf32>
      %max3A_45 = arith.maximumf %add3A_43, %max3A_44 : vector<1000x256xf32>
      %swap3A = arith.constant 0 : index
      %swap3A_46 = arith.constant 0 : index
      %swap3A_47 = vector.load %arg9[%swap3A, %swap3A_46] : memref<1000x256xf32, #tpu.memory_space<vmem>>, vector<1000x256xf32>
      tpu.vector_store %arg9[%swap3A, %swap3A_46], %max3A_45 {strides = array<i32>} : memref<1000x256xf32, #tpu.memory_space<vmem>>, vector<1000x256xf32>,
      %get3A_48 = arith.constant 0 : index
      %get3A_49 = arith.constant 0 : index
      %get3A_50 = vector.load %arg7[%get3A_48, %get3A_49] : memref<256x128xf32, #tpu.memory_space<vmem>>, vector<256x128xf32>
      %dot_general3A = arith.constant dense<0.000000e+00> : vector<1000x128xf32>
      %dot_general3A_51 = tpu.matmul %max3A_45, %get3A_50, %dot_general3A {dimension_numbers = #tpu.dot_dimension_numbers<[1], [0], [0], [1], [0, 0, 1, 1], [], []>, transpose_lhs_hint = false} : vector<1000x256xf32>, vector<256x128xf32>, vector<1000x128xf32> -> vector<1000x128xf32>
      %get3A_52 = arith.constant 0 : index
      %get3A_53 = arith.constant 0 : index
      %get3A_54 = vector.load %arg8[%get3A_52, %get3A_53] : memref<1x128xf32, #tpu.memory_space<vmem>>, vector<1x128xf32>
      %add3A_55 = vector.broadcast %get3A_54 : vector<1x128xf32> to vector<1000x128xf32>
      %add3A_56 = arith.addf %dot_general3A_51, %add3A_55 : vector<1000x128xf32>
      %swap3A_57 = arith.constant 0 : index
      %swap3A_58 = arith.constant 0 : index
      %swap3A_59 = vector.load %arg10[%swap3A_57, %swap3A_58] : memref<1000x128xf32, #tpu.memory_space<vmem>>, vector<1000x128xf32>
      tpu.vector_store %arg10[%swap3A_57, %swap3A_58], %add3A_56 {strides = array<i32>} : memref<1000x128xf32, #tpu.memory_space<vmem>>, vector<1000x128xf32>,
    } else {
    }
    return
  }
  func.func @transform_0(%arg0: i32, %arg1: i32) -> (i32, i32) {
    %eq3A = arith.constant 0 : i32
    %eq3A_0 = arith.cmpi eq, %arg0, %eq3A : i32
    %jit3A = arith.constant 0 : i32
    %select_n3A = arith.select %eq3A_0, %arg1, %jit3A : i32
    %c0_i32 = arith.constant 0 : i32
    %c0_i32_1 = arith.constant 0 : i32
    return %select_n3A, %c0_i32 : i32, i32
  }
  func.func @transform_1(%arg0: i32, %arg1: i32) -> (i32, i32) {
    %c0_i32 = arith.constant 0 : i32
    %c0_i32_0 = arith.constant 0 : i32
    %c0_i32_1 = arith.constant 0 : i32
    return %c0_i32, %c0_i32_0 : i32, i32
  }
  func.func @transform_2(%arg0: i32, %arg1: i32) -> (i32, i32) {
    %c0_i32 = arith.constant 0 : i32
    %c0_i32_0 = arith.constant 0 : i32
    %c0_i32_1 = arith.constant 0 : i32
    return %c0_i32, %c0_i32_0 : i32, i32
  }
  func.func @transform_3(%arg0: i32, %arg1: i32) -> (i32, i32) {
    %c0_i32 = arith.constant 0 : i32
    %c0_i32_0 = arith.constant 0 : i32
    %c0_i32_1 = arith.constant 0 : i32
    return %c0_i32, %c0_i32_0 : i32, i32
  }
  func.func @transform_4(%arg0: i32, %arg1: i32) -> (i32, i32) {
    %c0_i32 = arith.constant 0 : i32
    %c0_i32_0 = arith.constant 0 : i32
    %c0_i32_1 = arith.constant 0 : i32
    return %c0_i32, %c0_i32_0 : i32, i32
  }
  func.func @transform_5(%arg0: i32, %arg1: i32) -> (i32, i32) {
    %c0_i32 = arith.constant 0 : i32
    %c0_i32_0 = arith.constant 0 : i32
    %c0_i32_1 = arith.constant 0 : i32
    return %c0_i32, %c0_i32_0 : i32, i32
  }
  func.func @transform_6(%arg0: i32, %arg1: i32) -> (i32, i32) {
    %c0_i32 = arith.constant 0 : i32
    %c0_i32_0 = arith.constant 0 : i32
    %c0_i32_1 = arith.constant 0 : i32
    return %c0_i32, %c0_i32_0 : i32, i32
  }
  func.func @transform_7(%arg0: i32, %arg1: i32) -> (i32, i32) {
    %eq3A = arith.constant 1 : i32
    %eq3A_0 = arith.cmpi eq, %arg0, %eq3A : i32
    %jit3A = arith.constant 0 : i32
    %select_n3A = arith.select %eq3A_0, %arg1, %jit3A : i32
    %c0_i32 = arith.constant 0 : i32
    %c0_i32_1 = arith.constant 0 : i32
    return %select_n3A, %c0_i32 : i32, i32
  }
  func.func @transform_8(%arg0: i32, %arg1: i32) -> (i32, i32) {
    %eq3A = arith.constant 1 : i32
    %eq3A_0 = arith.cmpi eq, %arg0, %eq3A : i32
    %jit3A = arith.constant 0 : i32
    %select_n3A = arith.select %eq3A_0, %arg1, %jit3A : i32
    %c0_i32 = arith.constant 0 : i32
    %c0_i32_1 = arith.constant 0 : i32
    return %select_n3A, %c0_i32 : i32, i32
  }
}

module attributes {stable_mosaic.version = 14 : i64} {
  func.func @_kb_body(%arg0: i32, %arg1: i32, %arg2: memref<1000x256xf32, #tpu.memory_space<vmem>>, %arg3: memref<1000x128xf32, #tpu.memory_space<vmem>>, %arg4: memref<1000x128xf32, #tpu.memory_space<vmem>>, %arg5: memref<1000x128xf32, #tpu.memory_space<vmem>>, %arg6: memref<1x1x1000xi32, #tpu.memory_space<vmem>>, %arg7: memref<256x256xf32, #tpu.memory_space<vmem>>, %arg8: memref<1x256xf32, #tpu.memory_space<vmem>>, %arg9: memref<1x256xf32, #tpu.memory_space<vmem>>, %arg10: memref<1x256xf32, #tpu.memory_space<vmem>>, %arg11: memref<256x256xf32, #tpu.memory_space<vmem>>, %arg12: memref<1x256xf32, #tpu.memory_space<vmem>>, %arg13: memref<1x256xf32, #tpu.memory_space<vmem>>, %arg14: memref<1x256xf32, #tpu.memory_space<vmem>>, %arg15: memref<256x2xf32, #tpu.memory_space<vmem>>, %arg16: memref<1x2xf32, #tpu.memory_space<vmem>>, %arg17: memref<1000x2xf32, #tpu.memory_space<vmem>>, %arg18: memref<8x2xf32, #tpu.memory_space<vmem>>, %arg19: memref<10000x256xf32, #tpu.memory_space<vmem>>, %arg20: memref<10000x256xf32, #tpu.memory_space<vmem>>, %arg21: memref<4x256xf32, #tpu.memory_space<vmem>>, %arg22: memref<8x128xf32, #tpu.memory_space<vmem>>, %arg23: memref<8x256xf32, #tpu.memory_space<vmem>>, %arg24: memref<8x128xf32, #tpu.memory_space<vmem>>) attributes {dimension_semantics = [#tpu.dimension_semantics<arbitrary>, #tpu.dimension_semantics<arbitrary>], iteration_bounds = array<i64: 3, 10>, scalar_prefetch = 0 : i64, scratch_operands = 6 : i64, tpu.core_type = #tpu.core_type<tc>, window_params = [{transform_indices = @transform_0, window_bounds = array<i64: 1000, 256>}, {transform_indices = @transform_1, window_bounds = array<i64: 1000, 128>}, {transform_indices = @transform_2, window_bounds = array<i64: 1000, 128>}, {transform_indices = @transform_3, window_bounds = array<i64: 1000, 128>}, {transform_indices = @transform_4, window_bounds = array<i64: 1, 1, 1000>}, {pipeline_mode = #tpu.pipeline_mode<synchronous>, transform_indices = @transform_5, window_bounds = array<i64: 256, 256>}, {pipeline_mode = #tpu.pipeline_mode<synchronous>, transform_indices = @transform_6, window_bounds = array<i64: 1, 256>}, {pipeline_mode = #tpu.pipeline_mode<synchronous>, transform_indices = @transform_7, window_bounds = array<i64: 1, 256>}, {pipeline_mode = #tpu.pipeline_mode<synchronous>, transform_indices = @transform_8, window_bounds = array<i64: 1, 256>}, {pipeline_mode = #tpu.pipeline_mode<synchronous>, transform_indices = @transform_9, window_bounds = array<i64: 256, 256>}, {pipeline_mode = #tpu.pipeline_mode<synchronous>, transform_indices = @transform_10, window_bounds = array<i64: 1, 256>}, {pipeline_mode = #tpu.pipeline_mode<synchronous>, transform_indices = @transform_11, window_bounds = array<i64: 1, 256>}, {pipeline_mode = #tpu.pipeline_mode<synchronous>, transform_indices = @transform_12, window_bounds = array<i64: 1, 256>}, {pipeline_mode = #tpu.pipeline_mode<synchronous>, transform_indices = @transform_13, window_bounds = array<i64: 256, 2>}, {pipeline_mode = #tpu.pipeline_mode<synchronous>, transform_indices = @transform_14, window_bounds = array<i64: 1, 2>}, {transform_indices = @transform_15, window_bounds = array<i64: 1000, 2>}, {pipeline_mode = #tpu.pipeline_mode<synchronous>, transform_indices = @transform_16, window_bounds = array<i64: 8, 2>}]} {
    %eq3A = arith.constant 0 : i32
    %eq3A_0 = arith.cmpi eq, %arg0, %eq3A : i32
    %eq3A_1 = arith.constant 0 : i32
    %eq3A_2 = arith.cmpi eq, %arg1, %eq3A_1 : i32
    %and3A = arith.andi %eq3A_0, %eq3A_2 : i1
    %convert_element_type3A = arith.extui %and3A : i1 to i32
    %cond3A = arith.constant 0 : i32
    %cond3A_3 = arith.cmpi ne, %convert_element_type3A, %cond3A : i32
    scf.if %cond3A_3 {
      %broadcast_in_dim3A = arith.constant 0.000000e+00 : f32
      %broadcast_in_dim3A_19 = vector.broadcast %broadcast_in_dim3A : f32 to vector<4x256xf32>
      %swap3A = arith.constant 0 : index
      %swap3A_20 = arith.constant 0 : index
      %swap3A_21 = vector.load %arg21[%swap3A, %swap3A_20] : memref<4x256xf32, #tpu.memory_space<vmem>>, vector<4x256xf32>
      tpu.vector_store %arg21[%swap3A, %swap3A_20], %broadcast_in_dim3A_19 {strides = array<i32>} : memref<4x256xf32, #tpu.memory_space<vmem>>, vector<4x256xf32>,
      %broadcast_in_dim3A_22 = arith.constant 0.000000e+00 : f32
      %broadcast_in_dim3A_23 = vector.broadcast %broadcast_in_dim3A_22 : f32 to vector<8x128xf32>
      %swap3A_24 = arith.constant 0 : index
      %swap3A_25 = arith.constant 0 : index
      %swap3A_26 = vector.load %arg22[%swap3A_24, %swap3A_25] : memref<8x128xf32, #tpu.memory_space<vmem>>, vector<8x128xf32>
      tpu.vector_store %arg22[%swap3A_24, %swap3A_25], %broadcast_in_dim3A_23 {strides = array<i32>} : memref<8x128xf32, #tpu.memory_space<vmem>>, vector<8x128xf32>,
      %broadcast_in_dim3A_27 = arith.constant 0.000000e+00 : f32
      %broadcast_in_dim3A_28 = vector.broadcast %broadcast_in_dim3A_27 : f32 to vector<8x256xf32>
      %swap3A_29 = arith.constant 0 : index
      %swap3A_30 = arith.constant 0 : index
      %swap3A_31 = vector.load %arg23[%swap3A_29, %swap3A_30] : memref<8x256xf32, #tpu.memory_space<vmem>>, vector<8x256xf32>
      tpu.vector_store %arg23[%swap3A_29, %swap3A_30], %broadcast_in_dim3A_28 {strides = array<i32>} : memref<8x256xf32, #tpu.memory_space<vmem>>, vector<8x256xf32>,
      %broadcast_in_dim3A_32 = arith.constant 0.000000e+00 : f32
      %broadcast_in_dim3A_33 = vector.broadcast %broadcast_in_dim3A_32 : f32 to vector<8x128xf32>
      %swap3A_34 = arith.constant 0 : index
      %swap3A_35 = arith.constant 0 : index
      %swap3A_36 = vector.load %arg24[%swap3A_34, %swap3A_35] : memref<8x128xf32, #tpu.memory_space<vmem>>, vector<8x128xf32>
      tpu.vector_store %arg24[%swap3A_34, %swap3A_35], %broadcast_in_dim3A_33 {strides = array<i32>} : memref<8x128xf32, #tpu.memory_space<vmem>>, vector<8x128xf32>,
    } else {
    }
    %eq3A_4 = arith.constant 0 : i32
    %eq3A_5 = arith.cmpi eq, %arg0, %eq3A_4 : i32
    %convert_element_type3A_6 = arith.extui %eq3A_5 : i1 to i32
    %cond3A_7 = arith.constant 0 : i32
    %cond3A_8 = arith.cmpi ne, %convert_element_type3A_6, %cond3A_7 : i32
    scf.if %cond3A_8 {
      %get3A = arith.constant 0 : index
      %get3A_19 = arith.constant 0 : index
      %get3A_20 = vector.load %arg3[%get3A, %get3A_19] : memref<1000x128xf32, #tpu.memory_space<vmem>>, vector<1000x128xf32>
      %get3A_21 = arith.constant 0 : index
      %get3A_22 = arith.constant 0 : index
      %get3A_23 = vector.load %arg4[%get3A_21, %get3A_22] : memref<1000x128xf32, #tpu.memory_space<vmem>>, vector<1000x128xf32>
      %concatenate3A = tpu.concatenate %get3A_20, %get3A_23 in 1 : vector<1000x128xf32>, vector<1000x128xf32> -> vector<1000x256xf32>
      %get3A_24 = arith.constant 0 : index
      %get3A_25 = arith.constant 0 : index
      %get3A_26 = vector.load %arg2[%get3A_24, %get3A_25] : memref<1000x256xf32, #tpu.memory_space<vmem>>, vector<1000x256xf32>
      %add3A = arith.addf %get3A_26, %concatenate3A : vector<1000x256xf32>
      %get3A_27 = arith.constant 0 : index
      %get3A_28 = arith.constant 0 : index
      %get3A_29 = vector.load %arg7[%get3A_27, %get3A_28] : memref<256x256xf32, #tpu.memory_space<vmem>>, vector<256x256xf32>
      %dot_general3A = arith.constant dense<0.000000e+00> : vector<1000x256xf32>
      %dot_general3A_30 = tpu.matmul %add3A, %get3A_29, %dot_general3A {dimension_numbers = #tpu.dot_dimension_numbers<[1], [0], [0], [1], [0, 0, 1, 1], [], []>, transpose_lhs_hint = false} : vector<1000x256xf32>, vector<256x256xf32>, vector<1000x256xf32> -> vector<1000x256xf32>
      %get3A_31 = arith.constant 0 : index
      %get3A_32 = arith.constant 0 : index
      %get3A_33 = vector.load %arg8[%get3A_31, %get3A_32] : memref<1x256xf32, #tpu.memory_space<vmem>>, vector<1x256xf32>
      %add3A_34 = vector.broadcast %get3A_33 : vector<1x256xf32> to vector<1000x256xf32>
      %add3A_35 = arith.addf %dot_general3A_30, %add3A_34 : vector<1000x256xf32>
      %mul3A = arith.constant 1000 : i32
      %mul3A_36 = arith.muli %arg1, %mul3A : i32
      %swap3A = arith.index_cast %mul3A_36 : i32 to index
      %swap3A_37 = arith.constant 0 : index
      %swap3A_38 = vector.load %arg19[%swap3A, %swap3A_37] : memref<10000x256xf32, #tpu.memory_space<vmem>>, vector<1000x256xf32>
      tpu.vector_store %arg19[%swap3A, %swap3A_37], %add3A_35 {strides = array<i32>} : memref<10000x256xf32, #tpu.memory_space<vmem>>, vector<1000x256xf32>,
      %get3A_39 = arith.constant 0 : index
      %get3A_40 = arith.constant 0 : index
      %get3A_41 = vector.load %arg21[%get3A_39, %get3A_40] : memref<4x256xf32, #tpu.memory_space<vmem>>, vector<1x256xf32>
      %reduce_sum3A = arith.constant dense<0.000000e+00> : vector<256xf32>
      %reduce_sum3A_42 = vector.multi_reduction <add>, %add3A_35, %reduce_sum3A [0] : vector<1000x256xf32> to vector<256xf32>
      %broadcast_in_dim3A = vector.shape_cast %reduce_sum3A_42 : vector<256xf32> to vector<1x256xf32>
      %add3A_43 = arith.addf %get3A_41, %broadcast_in_dim3A : vector<1x256xf32>
      %swap3A_44 = arith.constant 0 : index
      %swap3A_45 = arith.constant 0 : index
      %swap3A_46 = vector.load %arg21[%swap3A_44, %swap3A_45] : memref<4x256xf32, #tpu.memory_space<vmem>>, vector<1x256xf32>
      tpu.vector_store %arg21[%swap3A_44, %swap3A_45], %add3A_43 {strides = array<i32>} : memref<4x256xf32, #tpu.memory_space<vmem>>, vector<1x256xf32>,
      %get3A_47 = arith.constant 1 : index
      %get3A_48 = arith.constant 0 : index
      %get3A_49 = vector.load %arg21[%get3A_47, %get3A_48] : memref<4x256xf32, #tpu.memory_space<vmem>>, vector<1x256xf32>
      %mul3A_50 = arith.mulf %add3A_35, %add3A_35 : vector<1000x256xf32>
      %reduce_sum3A_51 = arith.constant dense<0.000000e+00> : vector<256xf32>
      %reduce_sum3A_52 = vector.multi_reduction <add>, %mul3A_50, %reduce_sum3A_51 [0] : vector<1000x256xf32> to vector<256xf32>
      %broadcast_in_dim3A_53 = vector.shape_cast %reduce_sum3A_52 : vector<256xf32> to vector<1x256xf32>
      %add3A_54 = arith.addf %get3A_49, %broadcast_in_dim3A_53 : vector<1x256xf32>
      %swap3A_55 = arith.constant 1 : index
      %swap3A_56 = arith.constant 0 : index
      %swap3A_57 = vector.load %arg21[%swap3A_55, %swap3A_56] : memref<4x256xf32, #tpu.memory_space<vmem>>, vector<1x256xf32>
      tpu.vector_store %arg21[%swap3A_55, %swap3A_56], %add3A_54 {strides = array<i32>} : memref<4x256xf32, #tpu.memory_space<vmem>>, vector<1x256xf32>,
    } else {
    }
    %eq3A_9 = arith.constant 1 : i32
    %eq3A_10 = arith.cmpi eq, %arg0, %eq3A_9 : i32
    %convert_element_type3A_11 = arith.extui %eq3A_10 : i1 to i32
    %cond3A_12 = arith.constant 0 : i32
    %cond3A_13 = arith.cmpi ne, %convert_element_type3A_11, %cond3A_12 : i32
    scf.if %cond3A_13 {
      %get3A = arith.constant 0 : index
      %get3A_19 = arith.constant 0 : index
      %get3A_20 = vector.load %arg21[%get3A, %get3A_19] : memref<4x256xf32, #tpu.memory_space<vmem>>, vector<1x256xf32>
      %div3A = arith.constant 1.000000e+04 : f32
      %div3A_21 = vector.broadcast %div3A : f32 to vector<1x256xf32>
      %div3A_22 = arith.divf %get3A_20, %div3A_21 : vector<1x256xf32>
      %get3A_23 = arith.constant 1 : index
      %get3A_24 = arith.constant 0 : index
      %get3A_25 = vector.load %arg21[%get3A_23, %get3A_24] : memref<4x256xf32, #tpu.memory_space<vmem>>, vector<1x256xf32>
      %div3A_26 = arith.constant 1.000000e+04 : f32
      %div3A_27 = vector.broadcast %div3A_26 : f32 to vector<1x256xf32>
      %div3A_28 = arith.divf %get3A_25, %div3A_27 : vector<1x256xf32>
      %mul3A = arith.mulf %div3A_22, %div3A_22 : vector<1x256xf32>
      %sub3A = arith.subf %div3A_28, %mul3A : vector<1x256xf32>
      %get3A_29 = arith.constant 0 : index
      %get3A_30 = arith.constant 0 : index
      %get3A_31 = vector.load %arg9[%get3A_29, %get3A_30] : memref<1x256xf32, #tpu.memory_space<vmem>>, vector<1x256xf32>
      %add3A = arith.constant 9.99999974E-6 : f32
      %add3A_32 = vector.broadcast %add3A : f32 to vector<1x256xf32>
      %add3A_33 = arith.addf %sub3A, %add3A_32 : vector<1x256xf32>
      %rsqrt3A = math.rsqrt %add3A_33 : vector<1x256xf32>
      %mul3A_34 = arith.mulf %get3A_31, %rsqrt3A : vector<1x256xf32>
      %get3A_35 = arith.constant 0 : index
      %get3A_36 = arith.constant 0 : index
      %get3A_37 = vector.load %arg10[%get3A_35, %get3A_36] : memref<1x256xf32, #tpu.memory_space<vmem>>, vector<1x256xf32>
      %mul3A_38 = arith.mulf %div3A_22, %mul3A_34 : vector<1x256xf32>
      %sub3A_39 = arith.subf %get3A_37, %mul3A_38 : vector<1x256xf32>
      %mul3A_40 = arith.constant 1000 : i32
      %mul3A_41 = arith.muli %arg1, %mul3A_40 : i32
      %get3A_42 = arith.index_cast %mul3A_41 : i32 to index
      %get3A_43 = arith.constant 0 : index
      %get3A_44 = vector.load %arg19[%get3A_42, %get3A_43] : memref<10000x256xf32, #tpu.memory_space<vmem>>, vector<1000x256xf32>
      %mul3A_45 = vector.broadcast %mul3A_34 : vector<1x256xf32> to vector<1000x256xf32>
      %mul3A_46 = arith.mulf %get3A_44, %mul3A_45 : vector<1000x256xf32>
      %add3A_47 = vector.broadcast %sub3A_39 : vector<1x256xf32> to vector<1000x256xf32>
      %add3A_48 = arith.addf %mul3A_46, %add3A_47 : vector<1000x256xf32>
      %max3A = arith.constant 0.000000e+00 : f32
      %max3A_49 = vector.broadcast %max3A : f32 to vector<1000x256xf32>
      %max3A_50 = arith.maximumf %add3A_48, %max3A_49 : vector<1000x256xf32>
      %get3A_51 = arith.constant 0 : index
      %get3A_52 = arith.constant 0 : index
      %get3A_53 = vector.load %arg11[%get3A_51, %get3A_52] : memref<256x256xf32, #tpu.memory_space<vmem>>, vector<256x256xf32>
      %dot_general3A = arith.constant dense<0.000000e+00> : vector<1000x256xf32>
      %dot_general3A_54 = tpu.matmul %max3A_50, %get3A_53, %dot_general3A {dimension_numbers = #tpu.dot_dimension_numbers<[1], [0], [0], [1], [0, 0, 1, 1], [], []>, transpose_lhs_hint = false} : vector<1000x256xf32>, vector<256x256xf32>, vector<1000x256xf32> -> vector<1000x256xf32>
      %get3A_55 = arith.constant 0 : index
      %get3A_56 = arith.constant 0 : index
      %get3A_57 = vector.load %arg12[%get3A_55, %get3A_56] : memref<1x256xf32, #tpu.memory_space<vmem>>, vector<1x256xf32>
      %add3A_58 = vector.broadcast %get3A_57 : vector<1x256xf32> to vector<1000x256xf32>
      %add3A_59 = arith.addf %dot_general3A_54, %add3A_58 : vector<1000x256xf32>
      %get3A_60 = arith.constant 0 : index
      %get3A_61 = arith.constant 0 : index
      %get3A_62 = vector.load %arg5[%get3A_60, %get3A_61] : memref<1000x128xf32, #tpu.memory_space<vmem>>, vector<1000x128xf32>
      %concatenate3A = tpu.concatenate %get3A_62, %get3A_62 in 1 : vector<1000x128xf32>, vector<1000x128xf32> -> vector<1000x256xf32>
      %add3A_63 = arith.addf %add3A_59, %concatenate3A : vector<1000x256xf32>
      %mul3A_64 = arith.constant 1000 : i32
      %mul3A_65 = arith.muli %arg1, %mul3A_64 : i32
      %swap3A = arith.index_cast %mul3A_65 : i32 to index
      %swap3A_66 = arith.constant 0 : index
      %swap3A_67 = vector.load %arg20[%swap3A, %swap3A_66] : memref<10000x256xf32, #tpu.memory_space<vmem>>, vector<1000x256xf32>
      tpu.vector_store %arg20[%swap3A, %swap3A_66], %add3A_63 {strides = array<i32>} : memref<10000x256xf32, #tpu.memory_space<vmem>>, vector<1000x256xf32>,
      %get3A_68 = arith.constant 2 : index
      %get3A_69 = arith.constant 0 : index
      %get3A_70 = vector.load %arg21[%get3A_68, %get3A_69] : memref<4x256xf32, #tpu.memory_space<vmem>>, vector<1x256xf32>
      %reduce_sum3A = arith.constant dense<0.000000e+00> : vector<256xf32>
      %reduce_sum3A_71 = vector.multi_reduction <add>, %add3A_63, %reduce_sum3A [0] : vector<1000x256xf32> to vector<256xf32>
      %broadcast_in_dim3A = vector.shape_cast %reduce_sum3A_71 : vector<256xf32> to vector<1x256xf32>
      %add3A_72 = arith.addf %get3A_70, %broadcast_in_dim3A : vector<1x256xf32>
      %swap3A_73 = arith.constant 2 : index
      %swap3A_74 = arith.constant 0 : index
      %swap3A_75 = vector.load %arg21[%swap3A_73, %swap3A_74] : memref<4x256xf32, #tpu.memory_space<vmem>>, vector<1x256xf32>
      tpu.vector_store %arg21[%swap3A_73, %swap3A_74], %add3A_72 {strides = array<i32>} : memref<4x256xf32, #tpu.memory_space<vmem>>, vector<1x256xf32>,
      %get3A_76 = arith.constant 3 : index
      %get3A_77 = arith.constant 0 : index
      %get3A_78 = vector.load %arg21[%get3A_76, %get3A_77] : memref<4x256xf32, #tpu.memory_space<vmem>>, vector<1x256xf32>
      %mul3A_79 = arith.mulf %add3A_63, %add3A_63 : vector<1000x256xf32>
      %reduce_sum3A_80 = arith.constant dense<0.000000e+00> : vector<256xf32>
      %reduce_sum3A_81 = vector.multi_reduction <add>, %mul3A_79, %reduce_sum3A_80 [0] : vector<1000x256xf32> to vector<256xf32>
      %broadcast_in_dim3A_82 = vector.shape_cast %reduce_sum3A_81 : vector<256xf32> to vector<1x256xf32>
      %add3A_83 = arith.addf %get3A_78, %broadcast_in_dim3A_82 : vector<1x256xf32>
      %swap3A_84 = arith.constant 3 : index
      %swap3A_85 = arith.constant 0 : index
      %swap3A_86 = vector.load %arg21[%swap3A_84, %swap3A_85] : memref<4x256xf32, #tpu.memory_space<vmem>>, vector<1x256xf32>
      tpu.vector_store %arg21[%swap3A_84, %swap3A_85], %add3A_83 {strides = array<i32>} : memref<4x256xf32, #tpu.memory_space<vmem>>, vector<1x256xf32>,
      %get3A_87 = arith.constant 0 : index
      %get3A_88 = arith.constant 0 : index
      %get3A_89 = arith.constant 0 : index
      %get3A_90 = vector.load %arg6[%get3A_87, %get3A_88, %get3A_89] : memref<1x1x1000xi32, #tpu.memory_space<vmem>>, vector<1x1x1000xi32>
      %get3A_91 = vector.shape_cast %get3A_90 : vector<1x1x1000xi32> to vector<1000xi32>
      %iota3A = tpu.iota {dimensions = array<i32: 1>} : vector<1x8xi32>
      %broadcast_in_dim3A_92 = vector.shape_cast %get3A_91 : vector<1000xi32> to vector<1000x1xi32>
      %eq3A_93 = vector.broadcast %broadcast_in_dim3A_92 : vector<1000x1xi32> to vector<1000x8xi32>
      %eq3A_94 = vector.broadcast %iota3A : vector<1x8xi32> to vector<1000x8xi32>
      %eq3A_95 = arith.cmpi eq, %eq3A_93, %eq3A_94 : vector<1000x8xi32>
      %convert_element_type3A_96 = arith.extui %eq3A_95 : vector<1000x8xi1> to vector<1000x8xi32>
      %convert_element_type3A_97 = arith.sitofp %convert_element_type3A_96 : vector<1000x8xi32> to vector<1000x8xf32>
      %get3A_98 = arith.constant 0 : index
      %get3A_99 = arith.constant 0 : index
      %get3A_100 = vector.load %arg22[%get3A_98, %get3A_99] : memref<8x128xf32, #tpu.memory_space<vmem>>, vector<8x128xf32>
      %dot_general3A_101 = arith.constant dense<0.000000e+00> : vector<8x128xf32>
      %dot_general3A_102 = tpu.matmul %convert_element_type3A_97, %get3A_62, %dot_general3A_101 {dimension_numbers = #tpu.dot_dimension_numbers<[0], [0], [1], [1], [0, 1, 1, 1], [], []>, transpose_lhs_hint = false} : vector<1000x8xf32>, vector<1000x128xf32>, vector<8x128xf32> -> vector<8x128xf32>
      %add3A_103 = arith.addf %get3A_100, %dot_general3A_102 : vector<8x128xf32>
      %swap3A_104 = arith.constant 0 : index
      %swap3A_105 = arith.constant 0 : index
      %swap3A_106 = vector.load %arg22[%swap3A_104, %swap3A_105] : memref<8x128xf32, #tpu.memory_space<vmem>>, vector<8x128xf32>
      tpu.vector_store %arg22[%swap3A_104, %swap3A_105], %add3A_103 {strides = array<i32>} : memref<8x128xf32, #tpu.memory_space<vmem>>, vector<8x128xf32>,
      %get3A_107 = arith.constant 0 : index
      %get3A_108 = arith.constant 0 : index
      %get3A_109 = vector.load %arg23[%get3A_107, %get3A_108] : memref<8x256xf32, #tpu.memory_space<vmem>>, vector<8x256xf32>
      %dot_general3A_110 = arith.constant dense<0.000000e+00> : vector<8x256xf32>
      %dot_general3A_111 = tpu.matmul %convert_element_type3A_97, %add3A_59, %dot_general3A_110 {dimension_numbers = #tpu.dot_dimension_numbers<[0], [0], [1], [1], [0, 1, 1, 1], [], []>, transpose_lhs_hint = false} : vector<1000x8xf32>, vector<1000x256xf32>, vector<8x256xf32> -> vector<8x256xf32>
      %add3A_112 = arith.addf %get3A_109, %dot_general3A_111 : vector<8x256xf32>
      %swap3A_113 = arith.constant 0 : index
      %swap3A_114 = arith.constant 0 : index
      %swap3A_115 = vector.load %arg23[%swap3A_113, %swap3A_114] : memref<8x256xf32, #tpu.memory_space<vmem>>, vector<8x256xf32>
      tpu.vector_store %arg23[%swap3A_113, %swap3A_114], %add3A_112 {strides = array<i32>} : memref<8x256xf32, #tpu.memory_space<vmem>>, vector<8x256xf32>,
      %get3A_116 = arith.constant 0 : index
      %get3A_117 = arith.constant 0 : index
      %get3A_118 = vector.load %arg24[%get3A_116, %get3A_117] : memref<8x128xf32, #tpu.memory_space<vmem>>, vector<8x128xf32>
      %broadcast_in_dim3A_119 = arith.constant 1.000000e+00 : f32
      %broadcast_in_dim3A_120 = vector.broadcast %broadcast_in_dim3A_119 : f32 to vector<1000x128xf32>
      %dot_general3A_121 = arith.constant dense<0.000000e+00> : vector<8x128xf32>
      %dot_general3A_122 = tpu.matmul %convert_element_type3A_97, %broadcast_in_dim3A_120, %dot_general3A_121 {dimension_numbers = #tpu.dot_dimension_numbers<[0], [0], [1], [1], [0, 1, 1, 1], [], []>, transpose_lhs_hint = false} : vector<1000x8xf32>, vector<1000x128xf32>, vector<8x128xf32> -> vector<8x128xf32>
      %add3A_123 = arith.addf %get3A_118, %dot_general3A_122 : vector<8x128xf32>
      %swap3A_124 = arith.constant 0 : index
      %swap3A_125 = arith.constant 0 : index
      %swap3A_126 = vector.load %arg24[%swap3A_124, %swap3A_125] : memref<8x128xf32, #tpu.memory_space<vmem>>, vector<8x128xf32>
      tpu.vector_store %arg24[%swap3A_124, %swap3A_125], %add3A_123 {strides = array<i32>} : memref<8x128xf32, #tpu.memory_space<vmem>>, vector<8x128xf32>,
    } else {
    }
    %eq3A_14 = arith.constant 2 : i32
    %eq3A_15 = arith.cmpi eq, %arg0, %eq3A_14 : i32
    %convert_element_type3A_16 = arith.extui %eq3A_15 : i1 to i32
    %cond3A_17 = arith.constant 0 : i32
    %cond3A_18 = arith.cmpi ne, %convert_element_type3A_16, %cond3A_17 : i32
    scf.if %cond3A_18 {
      %get3A = arith.constant 2 : index
      %get3A_19 = arith.constant 0 : index
      %get3A_20 = vector.load %arg21[%get3A, %get3A_19] : memref<4x256xf32, #tpu.memory_space<vmem>>, vector<1x256xf32>
      %div3A = arith.constant 1.000000e+04 : f32
      %div3A_21 = vector.broadcast %div3A : f32 to vector<1x256xf32>
      %div3A_22 = arith.divf %get3A_20, %div3A_21 : vector<1x256xf32>
      %get3A_23 = arith.constant 3 : index
      %get3A_24 = arith.constant 0 : index
      %get3A_25 = vector.load %arg21[%get3A_23, %get3A_24] : memref<4x256xf32, #tpu.memory_space<vmem>>, vector<1x256xf32>
      %div3A_26 = arith.constant 1.000000e+04 : f32
      %div3A_27 = vector.broadcast %div3A_26 : f32 to vector<1x256xf32>
      %div3A_28 = arith.divf %get3A_25, %div3A_27 : vector<1x256xf32>
      %mul3A = arith.mulf %div3A_22, %div3A_22 : vector<1x256xf32>
      %sub3A = arith.subf %div3A_28, %mul3A : vector<1x256xf32>
      %get3A_29 = arith.constant 0 : index
      %get3A_30 = arith.constant 0 : index
      %get3A_31 = vector.load %arg13[%get3A_29, %get3A_30] : memref<1x256xf32, #tpu.memory_space<vmem>>, vector<1x256xf32>
      %add3A = arith.constant 9.99999974E-6 : f32
      %add3A_32 = vector.broadcast %add3A : f32 to vector<1x256xf32>
      %add3A_33 = arith.addf %sub3A, %add3A_32 : vector<1x256xf32>
      %rsqrt3A = math.rsqrt %add3A_33 : vector<1x256xf32>
      %mul3A_34 = arith.mulf %get3A_31, %rsqrt3A : vector<1x256xf32>
      %get3A_35 = arith.constant 0 : index
      %get3A_36 = arith.constant 0 : index
      %get3A_37 = vector.load %arg14[%get3A_35, %get3A_36] : memref<1x256xf32, #tpu.memory_space<vmem>>, vector<1x256xf32>
      %mul3A_38 = arith.mulf %div3A_22, %mul3A_34 : vector<1x256xf32>
      %sub3A_39 = arith.subf %get3A_37, %mul3A_38 : vector<1x256xf32>
      %mul3A_40 = arith.constant 1000 : i32
      %mul3A_41 = arith.muli %arg1, %mul3A_40 : i32
      %get3A_42 = arith.index_cast %mul3A_41 : i32 to index
      %get3A_43 = arith.constant 0 : index
      %get3A_44 = vector.load %arg20[%get3A_42, %get3A_43] : memref<10000x256xf32, #tpu.memory_space<vmem>>, vector<1000x256xf32>
      %mul3A_45 = vector.broadcast %mul3A_34 : vector<1x256xf32> to vector<1000x256xf32>
      %mul3A_46 = arith.mulf %get3A_44, %mul3A_45 : vector<1000x256xf32>
      %add3A_47 = vector.broadcast %sub3A_39 : vector<1x256xf32> to vector<1000x256xf32>
      %add3A_48 = arith.addf %mul3A_46, %add3A_47 : vector<1000x256xf32>
      %get3A_49 = arith.constant 0 : index
      %get3A_50 = arith.constant 0 : index
      %get3A_51 = vector.load %arg15[%get3A_49, %get3A_50] : memref<256x2xf32, #tpu.memory_space<vmem>>, vector<256x2xf32>
      %dot_general3A = arith.constant dense<0.000000e+00> : vector<1000x2xf32>
      %dot_general3A_52 = tpu.matmul %add3A_48, %get3A_51, %dot_general3A {dimension_numbers = #tpu.dot_dimension_numbers<[1], [0], [0], [1], [0, 0, 1, 1], [], []>, transpose_lhs_hint = false} : vector<1000x256xf32>, vector<256x2xf32>, vector<1000x2xf32> -> vector<1000x2xf32>
      %get3A_53 = arith.constant 0 : index
      %get3A_54 = arith.constant 0 : index
      %get3A_55 = vector.load %arg16[%get3A_53, %get3A_54] : memref<1x2xf32, #tpu.memory_space<vmem>>, vector<1x2xf32>
      %add3A_56 = vector.broadcast %get3A_55 : vector<1x2xf32> to vector<1000x2xf32>
      %add3A_57 = arith.addf %dot_general3A_52, %add3A_56 : vector<1000x2xf32>
      %neg3A = arith.constant 0.000000e+00 : f32
      %neg3A_58 = vector.broadcast %neg3A : f32 to vector<1000x2xf32>
      %neg3A_59 = arith.subf %neg3A_58, %add3A_57 : vector<1000x2xf32>
      %exp3A = math.exp %neg3A_59 : vector<1000x2xf32>
      %add3A_60 = arith.constant 1.000000e+00 : f32
      %add3A_61 = vector.broadcast %add3A_60 : f32 to vector<1000x2xf32>
      %add3A_62 = arith.addf %add3A_61, %exp3A : vector<1000x2xf32>
      %div3A_63 = arith.constant 1.000000e+00 : f32
      %div3A_64 = vector.broadcast %div3A_63 : f32 to vector<1000x2xf32>
      %div3A_65 = arith.divf %div3A_64, %add3A_62 : vector<1000x2xf32>
      %swap3A = arith.constant 0 : index
      %swap3A_66 = arith.constant 0 : index
      %swap3A_67 = vector.load %arg17[%swap3A, %swap3A_66] : memref<1000x2xf32, #tpu.memory_space<vmem>>, vector<1000x2xf32>
      tpu.vector_store %arg17[%swap3A, %swap3A_66], %div3A_65 {strides = array<i32>} : memref<1000x2xf32, #tpu.memory_space<vmem>>, vector<1000x2xf32>,
      %eq3A_68 = arith.constant 0 : i32
      %eq3A_69 = arith.cmpi eq, %arg1, %eq3A_68 : i32
      %convert_element_type3A_70 = arith.extui %eq3A_69 : i1 to i32
      %cond3A_71 = arith.constant 0 : i32
      %cond3A_72 = arith.cmpi ne, %convert_element_type3A_70, %cond3A_71 : i32
      scf.if %cond3A_72 {
        %get3A_73 = arith.constant 0 : index
        %get3A_74 = arith.constant 0 : index
        %get3A_75 = vector.load %arg24[%get3A_73, %get3A_74] : memref<8x128xf32, #tpu.memory_space<vmem>>, vector<8x128xf32>
        %max3A = arith.constant 1.000000e+00 : f32
        %max3A_76 = vector.broadcast %max3A : f32 to vector<8x128xf32>
        %max3A_77 = arith.maximumf %get3A_75, %max3A_76 : vector<8x128xf32>
        %get3A_78 = arith.constant 0 : index
        %get3A_79 = arith.constant 0 : index
        %get3A_80 = vector.load %arg22[%get3A_78, %get3A_79] : memref<8x128xf32, #tpu.memory_space<vmem>>, vector<8x128xf32>
        %div3A_81 = arith.divf %get3A_80, %max3A_77 : vector<8x128xf32>
        %concatenate3A = tpu.concatenate %max3A_77, %max3A_77 in 1 : vector<8x128xf32>, vector<8x128xf32> -> vector<8x256xf32>
        %concatenate3A_82 = tpu.concatenate %div3A_81, %div3A_81 in 1 : vector<8x128xf32>, vector<8x128xf32> -> vector<8x256xf32>
        %get3A_83 = arith.constant 0 : index
        %get3A_84 = arith.constant 0 : index
        %get3A_85 = vector.load %arg23[%get3A_83, %get3A_84] : memref<8x256xf32, #tpu.memory_space<vmem>>, vector<8x256xf32>
        %div3A_86 = arith.divf %get3A_85, %concatenate3A : vector<8x256xf32>
        %add3A_87 = arith.addf %concatenate3A_82, %div3A_86 : vector<8x256xf32>
        %reduce_sum3A = arith.constant dense<0.000000e+00> : vector<256xf32>
        %reduce_sum3A_88 = vector.multi_reduction <add>, %add3A_87, %reduce_sum3A [0] : vector<8x256xf32> to vector<256xf32>
        %broadcast_in_dim3A = vector.shape_cast %reduce_sum3A_88 : vector<256xf32> to vector<1x256xf32>
        %div3A_89 = arith.constant 8.000000e+00 : f32
        %div3A_90 = vector.broadcast %div3A_89 : f32 to vector<1x256xf32>
        %div3A_91 = arith.divf %broadcast_in_dim3A, %div3A_90 : vector<1x256xf32>
        %sub3A_92 = vector.broadcast %div3A_91 : vector<1x256xf32> to vector<8x256xf32>
        %sub3A_93 = arith.subf %add3A_87, %sub3A_92 : vector<8x256xf32>
        %integer_pow3A = arith.mulf %sub3A_93, %sub3A_93 : vector<8x256xf32>
        %reduce_sum3A_94 = arith.constant dense<0.000000e+00> : vector<256xf32>
        %reduce_sum3A_95 = vector.multi_reduction <add>, %integer_pow3A, %reduce_sum3A_94 [0] : vector<8x256xf32> to vector<256xf32>
        %broadcast_in_dim3A_96 = vector.shape_cast %reduce_sum3A_95 : vector<256xf32> to vector<1x256xf32>
        %div3A_97 = arith.constant 8.000000e+00 : f32
        %div3A_98 = vector.broadcast %div3A_97 : f32 to vector<1x256xf32>
        %div3A_99 = arith.divf %broadcast_in_dim3A_96, %div3A_98 : vector<1x256xf32>
        %sub3A_100 = vector.broadcast %div3A_91 : vector<1x256xf32> to vector<8x256xf32>
        %sub3A_101 = arith.subf %add3A_87, %sub3A_100 : vector<8x256xf32>
        %add3A_102 = arith.constant 9.99999974E-6 : f32
        %add3A_103 = vector.broadcast %add3A_102 : f32 to vector<1x256xf32>
        %add3A_104 = arith.addf %div3A_99, %add3A_103 : vector<1x256xf32>
        %sqrt3A = math.sqrt %add3A_104 : vector<1x256xf32>
        %div3A_105 = vector.broadcast %sqrt3A : vector<1x256xf32> to vector<8x256xf32>
        %div3A_106 = arith.divf %sub3A_101, %div3A_105 : vector<8x256xf32>
        %get3A_107 = arith.constant 0 : index
        %get3A_108 = arith.constant 0 : index
        %get3A_109 = vector.load %arg13[%get3A_107, %get3A_108] : memref<1x256xf32, #tpu.memory_space<vmem>>, vector<1x256xf32>
        %mul3A_110 = vector.broadcast %get3A_109 : vector<1x256xf32> to vector<8x256xf32>
        %mul3A_111 = arith.mulf %div3A_106, %mul3A_110 : vector<8x256xf32>
        %get3A_112 = arith.constant 0 : index
        %get3A_113 = arith.constant 0 : index
        %get3A_114 = vector.load %arg14[%get3A_112, %get3A_113] : memref<1x256xf32, #tpu.memory_space<vmem>>, vector<1x256xf32>
        %add3A_115 = vector.broadcast %get3A_114 : vector<1x256xf32> to vector<8x256xf32>
        %add3A_116 = arith.addf %mul3A_111, %add3A_115 : vector<8x256xf32>
        %get3A_117 = arith.constant 0 : index
        %get3A_118 = arith.constant 0 : index
        %get3A_119 = vector.load %arg15[%get3A_117, %get3A_118] : memref<256x2xf32, #tpu.memory_space<vmem>>, vector<256x2xf32>
        %dot_general3A_120 = arith.constant dense<0.000000e+00> : vector<8x2xf32>
        %dot_general3A_121 = tpu.matmul %add3A_116, %get3A_119, %dot_general3A_120 {dimension_numbers = #tpu.dot_dimension_numbers<[1], [0], [0], [1], [0, 0, 1, 1], [], []>, transpose_lhs_hint = false} : vector<8x256xf32>, vector<256x2xf32>, vector<8x2xf32> -> vector<8x2xf32>
        %get3A_122 = arith.constant 0 : index
        %get3A_123 = arith.constant 0 : index
        %get3A_124 = vector.load %arg16[%get3A_122, %get3A_123] : memref<1x2xf32, #tpu.memory_space<vmem>>, vector<1x2xf32>
        %add3A_125 = vector.broadcast %get3A_124 : vector<1x2xf32> to vector<8x2xf32>
        %add3A_126 = arith.addf %dot_general3A_121, %add3A_125 : vector<8x2xf32>
        %neg3A_127 = arith.constant 0.000000e+00 : f32
        %neg3A_128 = vector.broadcast %neg3A_127 : f32 to vector<8x2xf32>
        %neg3A_129 = arith.subf %neg3A_128, %add3A_126 : vector<8x2xf32>
        %exp3A_130 = math.exp %neg3A_129 : vector<8x2xf32>
        %add3A_131 = arith.constant 1.000000e+00 : f32
        %add3A_132 = vector.broadcast %add3A_131 : f32 to vector<8x2xf32>
        %add3A_133 = arith.addf %add3A_132, %exp3A_130 : vector<8x2xf32>
        %div3A_134 = arith.constant 1.000000e+00 : f32
        %div3A_135 = vector.broadcast %div3A_134 : f32 to vector<8x2xf32>
        %div3A_136 = arith.divf %div3A_135, %add3A_133 : vector<8x2xf32>
        %swap3A_137 = arith.constant 0 : index
        %swap3A_138 = arith.constant 0 : index
        %swap3A_139 = vector.load %arg18[%swap3A_137, %swap3A_138] : memref<8x2xf32, #tpu.memory_space<vmem>>, vector<8x2xf32>
        tpu.vector_store %arg18[%swap3A_137, %swap3A_138], %div3A_136 {strides = array<i32>} : memref<8x2xf32, #tpu.memory_space<vmem>>, vector<8x2xf32>,
      } else {
      }
    } else {
    }
    return
  }
  func.func @transform_0(%arg0: i32, %arg1: i32) -> (i32, i32) {
    %eq3A = arith.constant 0 : i32
    %eq3A_0 = arith.cmpi eq, %arg0, %eq3A : i32
    %jit3A = arith.constant 0 : i32
    %select_n3A = arith.select %eq3A_0, %arg1, %jit3A : i32
    %c0_i32 = arith.constant 0 : i32
    %c0_i32_1 = arith.constant 0 : i32
    return %select_n3A, %c0_i32 : i32, i32
  }
  func.func @transform_1(%arg0: i32, %arg1: i32) -> (i32, i32) {
    %eq3A = arith.constant 0 : i32
    %eq3A_0 = arith.cmpi eq, %arg0, %eq3A : i32
    %jit3A = arith.constant 0 : i32
    %select_n3A = arith.select %eq3A_0, %arg1, %jit3A : i32
    %c0_i32 = arith.constant 0 : i32
    %c0_i32_1 = arith.constant 0 : i32
    return %select_n3A, %c0_i32 : i32, i32
  }
  func.func @transform_2(%arg0: i32, %arg1: i32) -> (i32, i32) {
    %eq3A = arith.constant 0 : i32
    %eq3A_0 = arith.cmpi eq, %arg0, %eq3A : i32
    %jit3A = arith.constant 0 : i32
    %select_n3A = arith.select %eq3A_0, %arg1, %jit3A : i32
    %c0_i32 = arith.constant 0 : i32
    %c0_i32_1 = arith.constant 0 : i32
    return %select_n3A, %c0_i32 : i32, i32
  }
  func.func @transform_3(%arg0: i32, %arg1: i32) -> (i32, i32) {
    %eq3A = arith.constant 1 : i32
    %eq3A_0 = arith.cmpi eq, %arg0, %eq3A : i32
    %jit3A = arith.constant 0 : i32
    %select_n3A = arith.select %eq3A_0, %arg1, %jit3A : i32
    %c0_i32 = arith.constant 0 : i32
    %c0_i32_1 = arith.constant 0 : i32
    return %select_n3A, %c0_i32 : i32, i32
  }
  func.func @transform_4(%arg0: i32, %arg1: i32) -> (i32, i32, i32) {
    %eq3A = arith.constant 1 : i32
    %eq3A_0 = arith.cmpi eq, %arg0, %eq3A : i32
    %jit3A = arith.constant 0 : i32
    %select_n3A = arith.select %eq3A_0, %arg1, %jit3A : i32
    %c0_i32 = arith.constant 0 : i32
    %c0_i32_1 = arith.constant 0 : i32
    %c0_i32_2 = arith.constant 0 : i32
    return %select_n3A, %c0_i32, %c0_i32_1 : i32, i32, i32
  }
  func.func @transform_5(%arg0: i32, %arg1: i32) -> (i32, i32) {
    %c0_i32 = arith.constant 0 : i32
    %c0_i32_0 = arith.constant 0 : i32
    %c0_i32_1 = arith.constant 0 : i32
    return %c0_i32, %c0_i32_0 : i32, i32
  }
  func.func @transform_6(%arg0: i32, %arg1: i32) -> (i32, i32) {
    %c0_i32 = arith.constant 0 : i32
    %c0_i32_0 = arith.constant 0 : i32
    %c0_i32_1 = arith.constant 0 : i32
    return %c0_i32, %c0_i32_0 : i32, i32
  }
  func.func @transform_7(%arg0: i32, %arg1: i32) -> (i32, i32) {
    %c0_i32 = arith.constant 0 : i32
    %c0_i32_0 = arith.constant 0 : i32
    %c0_i32_1 = arith.constant 0 : i32
    return %c0_i32, %c0_i32_0 : i32, i32
  }
  func.func @transform_8(%arg0: i32, %arg1: i32) -> (i32, i32) {
    %c0_i32 = arith.constant 0 : i32
    %c0_i32_0 = arith.constant 0 : i32
    %c0_i32_1 = arith.constant 0 : i32
    return %c0_i32, %c0_i32_0 : i32, i32
  }
  func.func @transform_9(%arg0: i32, %arg1: i32) -> (i32, i32) {
    %c0_i32 = arith.constant 0 : i32
    %c0_i32_0 = arith.constant 0 : i32
    %c0_i32_1 = arith.constant 0 : i32
    return %c0_i32, %c0_i32_0 : i32, i32
  }
  func.func @transform_10(%arg0: i32, %arg1: i32) -> (i32, i32) {
    %c0_i32 = arith.constant 0 : i32
    %c0_i32_0 = arith.constant 0 : i32
    %c0_i32_1 = arith.constant 0 : i32
    return %c0_i32, %c0_i32_0 : i32, i32
  }
  func.func @transform_11(%arg0: i32, %arg1: i32) -> (i32, i32) {
    %c0_i32 = arith.constant 0 : i32
    %c0_i32_0 = arith.constant 0 : i32
    %c0_i32_1 = arith.constant 0 : i32
    return %c0_i32, %c0_i32_0 : i32, i32
  }
  func.func @transform_12(%arg0: i32, %arg1: i32) -> (i32, i32) {
    %c0_i32 = arith.constant 0 : i32
    %c0_i32_0 = arith.constant 0 : i32
    %c0_i32_1 = arith.constant 0 : i32
    return %c0_i32, %c0_i32_0 : i32, i32
  }
  func.func @transform_13(%arg0: i32, %arg1: i32) -> (i32, i32) {
    %c0_i32 = arith.constant 0 : i32
    %c0_i32_0 = arith.constant 0 : i32
    %c0_i32_1 = arith.constant 0 : i32
    return %c0_i32, %c0_i32_0 : i32, i32
  }
  func.func @transform_14(%arg0: i32, %arg1: i32) -> (i32, i32) {
    %c0_i32 = arith.constant 0 : i32
    %c0_i32_0 = arith.constant 0 : i32
    %c0_i32_1 = arith.constant 0 : i32
    return %c0_i32, %c0_i32_0 : i32, i32
  }
  func.func @transform_15(%arg0: i32, %arg1: i32) -> (i32, i32) {
    %eq3A = arith.constant 2 : i32
    %eq3A_0 = arith.cmpi eq, %arg0, %eq3A : i32
    %jit3A = arith.constant 0 : i32
    %select_n3A = arith.select %eq3A_0, %arg1, %jit3A : i32
    %c0_i32 = arith.constant 0 : i32
    %c0_i32_1 = arith.constant 0 : i32
    return %select_n3A, %c0_i32 : i32, i32
  }
  func.func @transform_16(%arg0: i32, %arg1: i32) -> (i32, i32) {
    %c0_i32 = arith.constant 0 : i32
    %c0_i32_0 = arith.constant 0 : i32
    %c0_i32_1 = arith.constant 0 : i32
    return %c0_i32, %c0_i32_0 : i32, i32
  }
}

</mosaic_0001>

<sc_bundles>
// kernel: kernel.5.cloned.1.call-start
scs
__scs_entry_jumppad:
0x0: {  	(pc) =	sbr.rel $0x88, $3  }
0x1: {  	(tag) =	ssettag $0x0;
	lr =	simm.s32 $0x1  }
0x2: {  	[smem:$0x3F88] =	sst lr;
	_ =	strace $0xD0000000  }
0x3: {  	_ = 	snop  }
0x4: {  	_ = 	snop  }
0x5: {  	_ = 	snop  }
0x6: {  	_ = 	snop  }
0x7: {  	_ = 	snop  }
__scs_overlays_trampoline_lowered:
0x8: {  	[smem:$0x3F97] =	sst s0  }
0x9: {  	[smem:$0x3F98] =	sst s1  }
0xa: {  	[smem:$0x3F99] =	sst s2  }
0xb: {  	[smem:$0x3F9A] =	sst s3  }
0xc: {  	[smem:$0x3F9B] =	sst s4  }
0xd: {  	[smem:$0x3F9C] =	sst s5  }
0xe: {  	[smem:$0x3F9D] =	sst s6  }
0xf: {  	[smem:$0x3F9E] =	sst s7  }
0x10: {  	[smem:$0x3F9F] =	sst s8  }
0x11: {  	[smem:$0x3FA0] =	sst s9;
	s0 =	simm.s32 @!p0 $0x0  }
0x12: {  	s1 =	sld [smem:$0x3F86];
	s0 =	simm.s32 @p0 $0x1  }
0x13: {  	[smem:$0x3FA1] =	sst s0;
	s0 =	simm.s32 @!p1 $0x0  }
0x14: {  	s2 =	sld [smem:$0x3F85];
	s0 =	simm.s32 @p1 $0x1  }
0x15: {  	[smem:$0x3FA2] =	sst s0;
	s0 =	simm.s32 @!p2 $0x0  }
0x16: {  	s3 =	sld [smem:$0x3FDB];
	s0 =	simm.s32 @p2 $0x1  }
0x17: {  	s4 =	simm.s32 $0x1BF5;
	[smem:$0x3FA4] =	sst s0  }
0x18: {  	s0 =	sld [smem:$0x3F87];
	_ =	swait.ge [sflag:s4], $0x0  }
0x19: {  	s7 =	sld [smem:$0x3F88]  }
0x1a: {  	s8 =	sadd.s32 $0xFFFFE003, lr  }
0x1b: {  	s9 =	sadd.s32 $0xFFFFFEF7, lr;
	s5 =	simm.s32 $0xFFFFFFFF;
	p2 =	slt.u32 s8, $0xFFFFF086  }
0x1c: {  	p1 =	slt.u32 s9, $0xF7A;
	s5 =	simm.s32 @!p2 $0x0  }
0x1d: {  	s5 =	simm.s32 @p1 $0x1;
	p0 =	seq.s32 s7, s2  }
0x1e: {  	s7 =	smul.u32 @!p0 $0xF7A, s2;
	p2 =	seq.s32 @!p0 s5, $0x0  }
0x1f: {  	s9 =	smul.u32 $0xF7A, s1;
	s8 =	simm.s32 @!p0 $0x1BF5;
	p2 =	por !p2, p0  }
0x20: {  	[sflag:s8] =	ssyncset.s32 @!p0 $0xFFFFF086;
	s6 =	sadd.s32 @!p0 s3, s7;
	s7 =	simm.s32 @!p0 $0x108  }
0x21: {  	s3 =	sadd.s32 s3, s9;
	s6 =	sadd.s32 @!p0 $0x88, s6;
	s7 =	simm.s32 @p2 $0x1082  }
0x22: {  	[simem:s7], [sflag:s8] =	dma.local @!p0 [hbm:s6], $0xF7A  }
0x23: {  	s9 =	sor.u32 $0xD0000000, s2;
	s6 =	simm.s32 $0x108;
	_ =	swait.ge @!p0 [sflag:s8], $0x0  }
0x24: {  	s3 =	sadd.s32 $0x88, s3;
	s6 =	simm.s32 @!p1 $0x1082;
	[sflag:s4] =	ssyncset.s32 $0xFFFFF086  }
0x25: {  	[simem:s6], [sflag:s4] =	dma.local [hbm:s3], $0xF7A  }
0x26: {  	[smem:$0x3F88] =	sst s1;
	(tag) =	ssettag s2;
	_ =	strace s9  }
0x27: {  	s1 =	sld [smem:$0x3F98]  }
0x28: {  	s2 =	sld [smem:$0x3F99]  }
0x29: {  	s4 =	sld [smem:$0x3F9B]  }
0x2a: {  	p0 =	seq.s32 s5, $0x0;
	s5 =	sld [smem:$0x3F9C]  }
0x2b: {  	s6 =	sld [smem:$0x3F9D]  }
0x2c: {  	s7 =	sld [smem:$0x3F9E]  }
0x2d: {  	s3 =	simm.s32 $0x108;
	s8 =	sld [smem:$0x3F9F]  }
0x2e: {  	s3 =	simm.s32 @!p0 $0x1082;
	s9 =	sld [smem:$0x3FA0]  }
0x2f: {  	lr =	sadd.s32 s0, s3;
	s0 =	sld [smem:$0x3F97]  }
0x30: {  	s3 =	sld [smem:$0x3F9A]  }
0x31: {  	[smem:$0x3FA3] =	sst s10  }
0x32: {  	s10 =	sld [smem:$0x3FA1];
	_ =	sdelay $0x3  }
0x33: {  	p0 =	seq.s32 s10, $0x1;
	s10 =	sld [smem:$0x3FA3];
	_ =	sdelay $0x3  }
0x34: {  	[smem:$0x3FA3] =	sst s10  }
0x35: {  	s10 =	sld [smem:$0x3FA2];
	_ =	sdelay $0x3  }
0x36: {  	p1 =	seq.s32 s10, $0x1;
	s10 =	sld [smem:$0x3FA3];
	_ =	sdelay $0x3  }
0x37: {  	[smem:$0x3FA3] =	sst s10  }
0x38: {  	s10 =	sld [smem:$0x3FA4]  }
0x39: {  	_ = 	snop;
	(pc) =	sbr.ind lr, $3  }
0x3a: {  	_ = 	snop  }
0x3b: {  	_ = 	snop  }
0x3c: {  	p2 =	seq.s32 s10, $0x1;
	s10 =	sld [smem:$0x3FA3]  }
0x3d: {  	_ =	shalt  }
0x3e: {  	_ =	shalt  }
0x3f: {  	_ =	shalt  }
0x40: {  	_ =	shalt  }
0x41: {  	_ =	shalt  }
0x42: {  	_ =	shalt  }
0x43: {  	_ =	shalt  }
0x44: {  	_ =	shalt  }
0x45: {  	_ =	shalt  }
0x46: {  	_ =	shalt  }
0x47: {  	_ =	shalt  }
0x48: {  	_ =	shalt  }
0x49: {  	_ =	shalt  }
0x4a: {  	_ =	shalt  }
0x4b: {  	_ =	shalt  }
0x4c: {  	_ =	shalt  }
0x4d: {  	_ =	shalt  }
0x4e: {  	_ =	shalt  }
0x4f: {  	_ =	shalt  }
0x50: {  	_ =	shalt  }
0x51: {  	_ =	shalt  }
0x52: {  	_ =	shalt  }
0x53: {  	_ =	shalt  }
0x54: {  	_ =	shalt  }
0x55: {  	_ =	shalt  }
0x56: {  	_ =	shalt  }
0x57: {  	_ =	shalt  }
0x58: {  	_ =	shalt  }
0x59: {  	_ =	shalt  }
0x5a: {  	_ =	shalt  }
0x5b: {  	_ =	shalt  }
0x5c: {  	_ =	shalt  }
0x5d: {  	_ =	shalt  }
0x5e: {  	_ =	shalt  }
0x5f: {  	_ =	shalt  }
0x60: {  	_ =	shalt  }
0x61: {  	_ =	shalt  }
0x62: {  	_ =	shalt  }
0x63: {  	_ =	shalt  }
0x64: {  	_ =	shalt  }
0x65: {  	_ =	shalt  }
0x66: {  	_ =	shalt  }
0x67: {  	_ =	shalt  }
0x68: {  	_ =	shalt  }
0x69: {  	_ =	shalt  }
0x6a: {  	_ =	shalt  }
0x6b: {  	_ =	shalt  }
0x6c: {  	_ =	shalt  }
0x6d: {  	_ =	shalt  }
0x6e: {  	_ =	shalt  }
0x6f: {  	_ =	shalt  }
0x70: {  	_ =	shalt  }
0x71: {  	_ =	shalt  }
0x72: {  	_ =	shalt  }
0x73: {  	_ =	shalt  }
0x74: {  	_ =	shalt  }
0x75: {  	_ =	shalt  }
0x76: {  	_ =	shalt  }
0x77: {  	_ =	shalt  }
0x78: {  	_ =	shalt  }
0x79: {  	_ =	shalt  }
0x7a: {  	_ =	shalt  }
0x7b: {  	_ =	shalt  }
0x7c: {  	_ =	shalt  }
0x7d: {  	_ =	shalt  }
0x7e: {  	_ =	shalt  }
0x7f: {  	_ =	shalt  }
0x80: {  	_ =	shalt  }
0x81: {  	_ =	shalt  }
0x82: {  	_ =	shalt  }
0x83: {  	_ =	shalt  }
0x84: {  	_ =	shalt  }
0x85: {  	_ =	shalt  }
0x86: {  	_ =	shalt  }
0x87: {  	_ =	shalt  }
.Lfunc_end0:
.L_simem_size_0:
called_computation_lowered:
.L_overlay_start_0:
0x88: {  	s2 =	sld [smem:$0x3FD9]  }
0x89: {  	s3 =	sld [smem:$0x3FFE];
	_ =	sdelay $0x1  }
0x8a: {  	s1 =	srdreg.scid  }
0x8b: {  	s0 =	sand.u32 $0x1, s1  }
0x8c: {  	s16 =	sshll.u32 s0, $0xA;
	s2 =	sadd.s32 s3, s2  }
0x8d: {  	s2 =	sadd.s32 s2, s16  }
0x8e: {  	[smem:$0x3FAF] =	sst s2  }
0x8f: {  	_ = 	snop  }
0x90: {  	(tm) =	ssettm $0x1  }
0x91: {  	s17 =	sld [smem:$0x3FFB];
	_ =	sdelay $0x3  }
0x92: {  	_ =	strace s17  }
0x93: {  	s2 =	sld [smem:$0x3FFC];
	_ =	sdelay $0x3  }
0x94: {  	_ =	strace s2  }
0x95: {  	s2 =	sld [smem:$0x3FFD];
	_ =	sdelay $0x3  }
0x96: {  	_ =	strace s2  }
0x97: {  	_ =	strace $0x8FFFFFFF  }
0x98: {  	s18 =	sld [smem:$0x3FDB];
	_ =	sdelay $0x1  }
0x99: {  	s19 =	simm.s32 $_scs_section_size  }
0x9a: {  	s4 =	simm.s32 $_size__tile_overlayer_lowered;
	s5 =	simm.s32 $_tile_overlayer_lowered  }
0x9b: {  	s22 =	simm.s32 $0x1BFF;
	s21 =	sshll.u32 s5, $0x1;
	s2 =	sadd.s32 s19, s18  }
0x9c: {  	s6 =	simm.s32 $0x0;
	s20 =	sshll.u32 s4, $0x1;
	s4 =	sadd.s32 s21, s2  }
0x9d: {  	[timem:s6], [sflag:s22] =	dma.local [hbm:s4], s20  }
0x9e: {  	_ =	swait.ge [sflag:s22], s20  }
0x9f: {  	s3 =	ssub.s32 $0x0, s20;
	[sflag:s22] =	ssyncset.done $0x0  }
0xa0: {  	[sflag:s22] =	ssyncadd.s32 s3;
	_ =	sdelay $0x1  }
0xa1: {  	s23 =	simm.s32 $0x1B8B  }
0xa2: {  	_ =	swait.ge [sflag:s23], $0x1  }
0xa3: {  	[sflag:s23] =	ssyncset.done $0x0  }
0xa4: {  	s25 =	simm.s32 $0x1B8E;
	s24 =	sld [smem:$0x3FFE];
	[sflag:s23] =	ssyncadd.s32 $0xFFFFFFFF  }
0xa5: {  	s26 =	simm.s32 $execute0_lowered;
	[smem:$0x3FD2] =	sst s25  }
0xa6: {  	s4 =	sshll.u32 s26, $0x1;
	_ =	strace $0x80000046;
	[dreg:$0x1] =	wrdreg $0xFFFFFFFF  }
0xa7: {  	s28 =	simm.s32 $_size_execute0_lowered;
	s2 =	sadd.s32 s2, s4;
	[dreg:$0x0] =	wrdreg $0x0  }
0xa8: {  	s4 =	sshll.u32 s28, $0x1;
	[dreg:$0x2] =	wrdreg s2  }
0xa9: {  	[dreg:$0x3] =	wrdreg s4  }
0xaa: {  	[dreg:$0x4] =	wrdreg $0xC0  }
0xab: {  	_ =	task [dreg:s6], $0x5FFFF  }
0xac: {  	[dreg:$0x1] =	wrdreg $0xFFFFFFFF  }
0xad: {  	[dreg:$0x0] =	wrdreg $0x60  }
0xae: {  	[dreg:$0x2] =	wrdreg s24  }
0xaf: {  	[dreg:$0x3] =	wrdreg $0x48000  }
0xb0: {  	[dreg:$0x4] =	wrdreg $0x9  }
0xb1: {  	_ =	task.clear_ibuf [dreg:s6], $0x5FFFF;
	_ =	strace $0x90000046  }
0xb2: {  	s29 =	simm.s32 $0x9;
	_ =	strace $0x80000048  }
0xb3: {  	_ =	swait.ge [sflag:s29], $0x1  }
0xb4: {  	[sflag:s29] =	ssyncadd.s32 $0xFFFFFFFF  }
0xb5: {  	_ =	strace $0x90000048  }
0xb6: {  	_ =	sfence  }
0xb7: {  	s30 =	sld [smem:$0x0];
	_ =	sdelay $0x2  }
0xb8: {  	s31 =	sshll.u32 s1, $0xD;
	s1 =	sshrl.u32 s1, $0x2  }
0xb9: {  	s3 =	sand.u32 $0x4000, s31;
	s1 =	sadd.s32 s1, s30  }
0xba: {  	s0 =	sor.u32 s3, s0;
	s1 =	sshll.u32 s1, $0x11  }
0xbb: {  	s0 =	sor.u32 s1, s0  }
0xbc: {  	s0 =	sadd.s32 $0x8F2B, s0  }
0xbd: {  	[sflag:s0] =	ssyncadd.remote.s32 $0x1  }
0xbe: {  	_ =	sfence.sel $0xFFFF  }
0xbf: {  	[dreg:$0x0] =	wrdreg $0xFFFFFFFF;
	(pc) =	sbr.abs _section_cstart, $3  }
0xc0: {  	[dreg:$0x1] =	wrdreg $0xFFFFFFFF  }
0xc1: {  	_ =	task.clear_ibuf [dreg:s6], $0x2FFFF;
	_ =	strace $0x9FFFFFFF  }
0xc2: {  	(tm) =	ssettm $0x7FFFFFFF  }
0xc3: {  	_ =	shalt  }
tec
execute0_lowered:
.L_overlay_start_1:
0x0: {  	(tag) =	ssettag $0x1  }
0x1: {  	s0 =	rddreg [dreg:$0x0]  }
0x2: {  	s2 =	rddreg [dreg:$0x1]  }
0x3: {  	s3 =	simm.s32 $0x0;
	s12 =	stileid.u32;
	s1 =	srdreg.scid  }
0x4: {  	s9 =	simm.s32 $0xFC000;
	s13 =	simm.s32 $0x2;
	s14 =	simm.s32 $0x400  }
0x5: {  	s15 =	simm.s32 $0x80;
	s16 =	simm.s32 $0x800;
	s17 =	simm.s32 $0x1  }
0x6: {  	s18 =	simm.s32 $0x480;
	s19 =	simm.s32 $0x100;
	s20 =	simm.s32 $0x500  }
0x7: {  	s21 =	simm.s32 $0x180;
	s28 =	simm.s32 $0x300;
	s29 =	simm.s32 $0x700  }
0x8: {  	s30 =	simm.s32 $0x380;
	s31 =	simm.s32 $0x780;
	[smem:$0x7FF] =	sst s3  }
0x9: {  	s7 =	sand.u32 $0x1, s1;
	s22 =	smul.u32 $0x50000, s12;
	s4 =	sadd.s32 $0x79600, s0  }
0xa: {  	s5 =	sshll.u32 s12, $0x7;
	s8 =	sadd.s32 $0xD1800, s0;
	s24 =	sshll.u32 s12, $0x6  }
0xb: {  	s25 =	ssub.s32 $0xAC, s12;
	s12 =	smul.u32 $0x2800, s12;
	_ =	strace $0x80000047  }
0xc: {  	s6 =	ssub.s32 $0x2, s7;
	s10 =	sadd.s32 s5, s0;
	[dreg:$0x3] =	wrdreg s8  }
0xd: {  	p0 =	seq.s32 s7, $0x1;
	s8 =	sshrl.u32 s25, $0x4;
	s25 =	simm.s32 $0x280  }
0xe: {  	s23 =	sshrl.u32 s6, $0x1;
	s1 =	sshrl.u32 s22, $0x2;
	s9 =	simm.s32 @!p0 $0xD4000  }
0xf: {  	s22 =	simm.s32 $0x580;
	s5 =	ssub.s32 s6, s23;
	s11 =	sadd.s32 s1, s2  }
0x10: {  	s6 =	sor.u32 $0x1C02, s24;
	s0 =	sadd.s32 s9, s0;
	s1 =	sadd.s32 $0xC7800, s10  }
0x11: {  	s23 =	simm.s32 $0x200;
	s24 =	simm.s32 $0x600;
	s26 =	smax.u32 s5, $0x1  }
0x12: {  	s9 =	sadd.s32 s0, s12;
	s5 =	sadd.s32 $0xCC800, s10;
	s12 =	sshrl.u32 s11, $0x3  }
0x13: {  	v0 =	vmov s7;
	s0 =	simm.s32 $0x0;
	[dreg:$0x4] =	wrdreg s26;
	s26 =	simm.s32 $0x680  }
.LBB2_1:
0x14: {  	s7 =	rddreg [dreg:$0x3]  }
0x15: {  	[spmem:s12], [sflag:s6] =	dma.local [hbm:s7], $0x2800  }
0x16: {  	_ =	swait.ge [sflag:s13], $0x2800  }
0x17: {  	[sflag:s13] =	ssyncset.done $0x0  }
0x18: {  	s11 =	smov.u32 s1;
	[sflag:s13] =	ssyncadd.s32 $0xFFFFD800  }
0x19: {  	s10 =	smov.u32 s5;
	s7 =	smov.u32 s8;
	[bflag:$0x0] =	sbarrier.arrive $0xFFFF  }
.LBB2_2:
0x1a: {  	[tilespmem:s3], [sflag:$0x2] =	stream.linear.gather [hbm4b:s11+s3], $0x400, $0x38;
	[tilespmem:$0x18800] =	vst v63  }
0x1b: {  	_ =	swait.ge [sflag:s13], $0x400  }
0x1c: {  	[sflag:s13] =	ssyncset.done $0x0  }
0x1d: {  	[sflag:s13] =	ssyncadd.s32 $0xFFFFFC00  }
0x1e: {  	[tilespmem:s14], [sflag:$0x2] =	stream.linear.gather [hbm4b:s10+s3], $0x400, $0x38;
	[tilespmem:$0x18800] =	vst v63  }
0x1f: {  	_ =	swait.ge [sflag:s13], $0x400  }
0x20: {  	[sflag:s13] =	ssyncset.done $0x0  }
0x21: {  	[sflag:s13] =	ssyncadd.s32 $0xFFFFFC00  }
0x22: {  	v1 =	vld [tilespmem:$0x0]  }
0x23: {  	v2 =	vld [tilespmem:$0x10]  }
0x24: {  	v3 =	vld [tilespmem:$0x20]  }
0x25: {  	v4 =	vld [tilespmem:$0x30]  }
0x26: {  	v5 =	vld [tilespmem:$0x40]  }
0x27: {  	v6 =	vld [tilespmem:$0x50];
	v1 =	vshll.u32 v1, $0x1  }
0x28: {  	v7 =	vld [tilespmem:$0x60];
	v2 =	vshll.u32 v2, $0x1;
	v1 =	vor.u32 v0, v1  }
0x29: {  	[tilespmem:$0x0] =	vst v1;
	v1 =	vor.u32 v0, v2;
	v2 =	vshll.u32 v3, $0x1;
	v3 =	vld [tilespmem:$0x70]  }
0x2a: {  	[tilespmem:$0x10] =	vst v1;
	v1 =	vor.u32 v0, v2;
	v2 =	vshll.u32 v4, $0x1  }
0x2b: {  	[tilespmem:$0x20] =	vst v1;
	v1 =	vor.u32 v0, v2;
	v2 =	vshll.u32 v5, $0x1  }
0x2c: {  	[tilespmem:$0x30] =	vst v1;
	v1 =	vor.u32 v0, v2;
	v2 =	vshll.u32 v6, $0x1  }
0x2d: {  	[tilespmem:$0x40] =	vst v1;
	v1 =	vor.u32 v0, v2;
	v2 =	vshll.u32 v7, $0x1  }
0x2e: {  	[tilespmem:$0x50] =	vst v1;
	v1 =	vor.u32 v0, v2;
	v2 =	vshll.u32 v3, $0x1  }
0x2f: {  	[tilespmem:$0x60] =	vst v1;
	v1 =	vor.u32 v0, v2  }
0x30: {  	[tilespmem:$0x70] =	vst v1  }
0x31: {  	[tilespmem:s16], [sflag:$0x1] =	stream.indirect.gather [hbm4b:s4+s15], $0x80, s3, s15, $0xb8;
	[tilespmem:$0x18800] =	vst v63  }
0x32: {  	_ =	swait.ge [sflag:s17], $0x4000  }
0x33: {  	[sflag:s17] =	ssyncset.done $0x0  }
0x34: {  	[sflag:s17] =	ssyncadd.s32 $0xFFFFC000  }
0x35: {  	[spmem:s2] =	stream.indirect.scatter.add.f32 [tilespmem:s16], [sflag:$0x2], $0x80, s14, s15, $0xb8;
	[tilespmem:$0x18800] =	vst v63  }
0x36: {  	_ =	swait.ge [sflag:s13], $0x4000  }
0x37: {  	[sflag:s13] =	ssyncset.done $0x0  }
0x38: {  	[sflag:s13] =	ssyncadd.s32 $0xFFFFC000  }
0x39: {  	v1 =	vld [tilespmem:$0x80]  }
0x3a: {  	v2 =	vld [tilespmem:$0x90]  }
0x3b: {  	v3 =	vld [tilespmem:$0xA0]  }
0x3c: {  	v36 =	vld [tilespmem:$0xB0]  }
0x3d: {  	v37 =	vld [tilespmem:$0xC0]  }
0x3e: {  	v38 =	vld [tilespmem:$0xD0];
	v1 =	vshll.u32 v1, $0x1  }
0x3f: {  	v39 =	vld [tilespmem:$0xE0];
	v2 =	vshll.u32 v2, $0x1;
	v1 =	vor.u32 v0, v1  }
0x40: {  	[tilespmem:$0x80] =	vst v1;
	v1 =	vor.u32 v0, v2;
	v2 =	vshll.u32 v3, $0x1;
	v3 =	vld [tilespmem:$0xF0]  }
0x41: {  	[tilespmem:$0x90] =	vst v1;
	v1 =	vor.u32 v0, v2;
	v2 =	vshll.u32 v36, $0x1  }
0x42: {  	[tilespmem:$0xA0] =	vst v1;
	v1 =	vor.u32 v0, v2;
	v2 =	vshll.u32 v37, $0x1  }
0x43: {  	[tilespmem:$0xB0] =	vst v1;
	v1 =	vor.u32 v0, v2;
	v2 =	vshll.u32 v38, $0x1  }
0x44: {  	[tilespmem:$0xC0] =	vst v1;
	v1 =	vor.u32 v0, v2;
	v2 =	vshll.u32 v39, $0x1  }
0x45: {  	[tilespmem:$0xD0] =	vst v1;
	v1 =	vor.u32 v0, v2;
	v2 =	vshll.u32 v3, $0x1  }
0x46: {  	[tilespmem:$0xE0] =	vst v1;
	v1 =	vor.u32 v0, v2  }
0x47: {  	[tilespmem:$0xF0] =	vst v1  }
0x48: {  	[tilespmem:s16], [sflag:$0x1] =	stream.indirect.gather [hbm4b:s4+s15], $0x80, s15, s15, $0xb8;
	[tilespmem:$0x18800] =	vst v63  }
0x49: {  	_ =	swait.ge [sflag:s17], $0x4000  }
0x4a: {  	[sflag:s17] =	ssyncset.done $0x0  }
0x4b: {  	[sflag:s17] =	ssyncadd.s32 $0xFFFFC000  }
0x4c: {  	[spmem:s2] =	stream.indirect.scatter.add.f32 [tilespmem:s16], [sflag:$0x2], $0x80, s18, s15, $0xb8;
	[tilespmem:$0x18800] =	vst v63  }
0x4d: {  	_ =	swait.ge [sflag:s13], $0x4000  }
0x4e: {  	[sflag:s13] =	ssyncset.done $0x0  }
0x4f: {  	[sflag:s13] =	ssyncadd.s32 $0xFFFFC000  }
0x50: {  	v1 =	vld [tilespmem:$0x100]  }
0x51: {  	v2 =	vld [tilespmem:$0x110]  }
0x52: {  	v3 =	vld [tilespmem:$0x120]  }
0x53: {  	v40 =	vld [tilespmem:$0x130]  }
0x54: {  	v41 =	vld [tilespmem:$0x140]  }
0x55: {  	v42 =	vld [tilespmem:$0x150];
	v1 =	vshll.u32 v1, $0x1  }
0x56: {  	v43 =	vld [tilespmem:$0x160];
	v2 =	vshll.u32 v2, $0x1;
	v1 =	vor.u32 v0, v1  }
0x57: {  	[tilespmem:$0x100] =	vst v1;
	v1 =	vor.u32 v0, v2;
	v2 =	vshll.u32 v3, $0x1;
	v3 =	vld [tilespmem:$0x170]  }
0x58: {  	[tilespmem:$0x110] =	vst v1;
	v1 =	vor.u32 v0, v2;
	v2 =	vshll.u32 v40, $0x1  }
0x59: {  	[tilespmem:$0x120] =	vst v1;
	v1 =	vor.u32 v0, v2;
	v2 =	vshll.u32 v41, $0x1  }
0x5a: {  	[tilespmem:$0x130] =	vst v1;
	v1 =	vor.u32 v0, v2;
	v2 =	vshll.u32 v42, $0x1  }
0x5b: {  	[tilespmem:$0x140] =	vst v1;
	v1 =	vor.u32 v0, v2;
	v2 =	vshll.u32 v43, $0x1  }
0x5c: {  	[tilespmem:$0x150] =	vst v1;
	v1 =	vor.u32 v0, v2;
	v2 =	vshll.u32 v3, $0x1  }
0x5d: {  	[tilespmem:$0x160] =	vst v1;
	v1 =	vor.u32 v0, v2  }
0x5e: {  	[tilespmem:$0x170] =	vst v1  }
0x5f: {  	[tilespmem:s16], [sflag:$0x1] =	stream.indirect.gather [hbm4b:s4+s15], $0x80, s19, s15, $0xb8;
	[tilespmem:$0x18800] =	vst v63  }
0x60: {  	_ =	swait.ge [sflag:s17], $0x4000  }
0x61: {  	[sflag:s17] =	ssyncset.done $0x0  }
0x62: {  	[sflag:s17] =	ssyncadd.s32 $0xFFFFC000  }
0x63: {  	[spmem:s2] =	stream.indirect.scatter.add.f32 [tilespmem:s16], [sflag:$0x2], $0x80, s20, s15, $0xb8;
	[tilespmem:$0x18800] =	vst v63  }
0x64: {  	_ =	swait.ge [sflag:s13], $0x4000  }
0x65: {  	[sflag:s13] =	ssyncset.done $0x0  }
0x66: {  	[sflag:s13] =	ssyncadd.s32 $0xFFFFC000  }
0x67: {  	v1 =	vld [tilespmem:$0x180]  }
0x68: {  	v2 =	vld [tilespmem:$0x190]  }
0x69: {  	v3 =	vld [tilespmem:$0x1A0]  }
0x6a: {  	v44 =	vld [tilespmem:$0x1B0]  }
0x6b: {  	v45 =	vld [tilespmem:$0x1C0]  }
0x6c: {  	v46 =	vld [tilespmem:$0x1D0];
	v1 =	vshll.u32 v1, $0x1  }
0x6d: {  	v47 =	vld [tilespmem:$0x1E0];
	v2 =	vshll.u32 v2, $0x1;
	v1 =	vor.u32 v0, v1  }
0x6e: {  	[tilespmem:$0x180] =	vst v1;
	v1 =	vor.u32 v0, v2;
	v2 =	vshll.u32 v3, $0x1;
	v3 =	vld [tilespmem:$0x1F0]  }
0x6f: {  	[tilespmem:$0x190] =	vst v1;
	v1 =	vor.u32 v0, v2;
	v2 =	vshll.u32 v44, $0x1  }
0x70: {  	[tilespmem:$0x1A0] =	vst v1;
	v1 =	vor.u32 v0, v2;
	v2 =	vshll.u32 v45, $0x1  }
0x71: {  	[tilespmem:$0x1B0] =	vst v1;
	v1 =	vor.u32 v0, v2;
	v2 =	vshll.u32 v46, $0x1  }
0x72: {  	[tilespmem:$0x1C0] =	vst v1;
	v1 =	vor.u32 v0, v2;
	v2 =	vshll.u32 v47, $0x1  }
0x73: {  	[tilespmem:$0x1D0] =	vst v1;
	v1 =	vor.u32 v0, v2;
	v2 =	vshll.u32 v3, $0x1  }
0x74: {  	[tilespmem:$0x1E0] =	vst v1;
	v1 =	vor.u32 v0, v2  }
0x75: {  	[tilespmem:$0x1F0] =	vst v1  }
0x76: {  	[tilespmem:s16], [sflag:$0x1] =	stream.indirect.gather [hbm4b:s4+s15], $0x80, s21, s15, $0xb8;
	[tilespmem:$0x18800] =	vst v63  }
0x77: {  	_ =	swait.ge [sflag:s17], $0x4000  }
0x78: {  	[sflag:s17] =	ssyncset.done $0x0  }
0x79: {  	[sflag:s17] =	ssyncadd.s32 $0xFFFFC000  }
0x7a: {  	[spmem:s2] =	stream.indirect.scatter.add.f32 [tilespmem:s16], [sflag:$0x2], $0x80, s22, s15, $0xb8;
	[tilespmem:$0x18800] =	vst v63  }
0x7b: {  	_ =	swait.ge [sflag:s13], $0x4000  }
0x7c: {  	[sflag:s13] =	ssyncset.done $0x0  }
0x7d: {  	[sflag:s13] =	ssyncadd.s32 $0xFFFFC000  }
0x7e: {  	v1 =	vld [tilespmem:$0x200]  }
0x7f: {  	v2 =	vld [tilespmem:$0x210]  }
0x80: {  	v3 =	vld [tilespmem:$0x220]  }
0x81: {  	v48 =	vld [tilespmem:$0x230]  }
0x82: {  	v49 =	vld [tilespmem:$0x240]  }
0x83: {  	v50 =	vld [tilespmem:$0x250];
	v1 =	vshll.u32 v1, $0x1  }
0x84: {  	v51 =	vld [tilespmem:$0x260];
	v2 =	vshll.u32 v2, $0x1;
	v1 =	vor.u32 v0, v1  }
0x85: {  	[tilespmem:$0x200] =	vst v1;
	v1 =	vor.u32 v0, v2;
	v2 =	vshll.u32 v3, $0x1;
	v3 =	vld [tilespmem:$0x270]  }
0x86: {  	[tilespmem:$0x210] =	vst v1;
	v1 =	vor.u32 v0, v2;
	v2 =	vshll.u32 v48, $0x1  }
0x87: {  	[tilespmem:$0x220] =	vst v1;
	v1 =	vor.u32 v0, v2;
	v2 =	vshll.u32 v49, $0x1  }
0x88: {  	[tilespmem:$0x230] =	vst v1;
	v1 =	vor.u32 v0, v2;
	v2 =	vshll.u32 v50, $0x1  }
0x89: {  	[tilespmem:$0x240] =	vst v1;
	v1 =	vor.u32 v0, v2;
	v2 =	vshll.u32 v51, $0x1  }
0x8a: {  	[tilespmem:$0x250] =	vst v1;
	v1 =	vor.u32 v0, v2;
	v2 =	vshll.u32 v3, $0x1  }
0x8b: {  	[tilespmem:$0x260] =	vst v1;
	v1 =	vor.u32 v0, v2  }
0x8c: {  	[tilespmem:$0x270] =	vst v1  }
0x8d: {  	[tilespmem:s16], [sflag:$0x1] =	stream.indirect.gather [hbm4b:s4+s15], $0x80, s23, s15, $0xb8;
	[tilespmem:$0x18800] =	vst v63  }
0x8e: {  	_ =	swait.ge [sflag:s17], $0x4000  }
0x8f: {  	[sflag:s17] =	ssyncset.done $0x0  }
0x90: {  	[sflag:s17] =	ssyncadd.s32 $0xFFFFC000  }
0x91: {  	[spmem:s2] =	stream.indirect.scatter.add.f32 [tilespmem:s16], [sflag:$0x2], $0x80, s24, s15, $0xb8;
	[tilespmem:$0x18800] =	vst v63  }
0x92: {  	_ =	swait.ge [sflag:s13], $0x4000  }
0x93: {  	[sflag:s13] =	ssyncset.done $0x0  }
0x94: {  	[sflag:s13] =	ssyncadd.s32 $0xFFFFC000  }
0x95: {  	v1 =	vld [tilespmem:$0x280]  }
0x96: {  	v2 =	vld [tilespmem:$0x290]  }
0x97: {  	v3 =	vld [tilespmem:$0x2A0]  }
0x98: {  	v52 =	vld [tilespmem:$0x2B0]  }
0x99: {  	v53 =	vld [tilespmem:$0x2C0]  }
0x9a: {  	v54 =	vld [tilespmem:$0x2D0];
	v1 =	vshll.u32 v1, $0x1  }
0x9b: {  	v55 =	vld [tilespmem:$0x2E0];
	v2 =	vshll.u32 v2, $0x1;
	v1 =	vor.u32 v0, v1  }
0x9c: {  	[tilespmem:$0x280] =	vst v1;
	v1 =	vor.u32 v0, v2;
	v2 =	vshll.u32 v3, $0x1;
	v3 =	vld [tilespmem:$0x2F0]  }
0x9d: {  	[tilespmem:$0x290] =	vst v1;
	v1 =	vor.u32 v0, v2;
	v2 =	vshll.u32 v52, $0x1  }
0x9e: {  	[tilespmem:$0x2A0] =	vst v1;
	v1 =	vor.u32 v0, v2;
	v2 =	vshll.u32 v53, $0x1  }
0x9f: {  	[tilespmem:$0x2B0] =	vst v1;
	v1 =	vor.u32 v0, v2;
	v2 =	vshll.u32 v54, $0x1  }
0xa0: {  	[tilespmem:$0x2C0] =	vst v1;
	v1 =	vor.u32 v0, v2;
	v2 =	vshll.u32 v55, $0x1  }
0xa1: {  	[tilespmem:$0x2D0] =	vst v1;
	v1 =	vor.u32 v0, v2;
	v2 =	vshll.u32 v3, $0x1  }
0xa2: {  	[tilespmem:$0x2E0] =	vst v1;
	v1 =	vor.u32 v0, v2  }
0xa3: {  	[tilespmem:$0x2F0] =	vst v1  }
0xa4: {  	[tilespmem:s16], [sflag:$0x1] =	stream.indirect.gather [hbm4b:s4+s15], $0x80, s25, s15, $0xb8;
	[tilespmem:$0x18800] =	vst v63  }
0xa5: {  	_ =	swait.ge [sflag:s17], $0x4000  }
0xa6: {  	[sflag:s17] =	ssyncset.done $0x0  }
0xa7: {  	[sflag:s17] =	ssyncadd.s32 $0xFFFFC000  }
0xa8: {  	[spmem:s2] =	stream.indirect.scatter.add.f32 [tilespmem:s16], [sflag:$0x2], $0x80, s26, s15, $0xb8;
	[tilespmem:$0x18800] =	vst v63  }
0xa9: {  	_ =	swait.ge [sflag:s13], $0x4000  }
0xaa: {  	[sflag:s13] =	ssyncset.done $0x0  }
0xab: {  	[sflag:s13] =	ssyncadd.s32 $0xFFFFC000  }
0xac: {  	v1 =	vld [tilespmem:$0x300]  }
0xad: {  	v2 =	vld [tilespmem:$0x310]  }
0xae: {  	v3 =	vld [tilespmem:$0x320]  }
0xaf: {  	v56 =	vld [tilespmem:$0x330]  }
0xb0: {  	v57 =	vld [tilespmem:$0x340]  }
0xb1: {  	v58 =	vld [tilespmem:$0x350];
	v1 =	vshll.u32 v1, $0x1  }
0xb2: {  	v59 =	vld [tilespmem:$0x360];
	v2 =	vshll.u32 v2, $0x1;
	v1 =	vor.u32 v0, v1  }
0xb3: {  	[tilespmem:$0x300] =	vst v1;
	v1 =	vor.u32 v0, v2;
	v2 =	vshll.u32 v3, $0x1;
	v3 =	vld [tilespmem:$0x370]  }
0xb4: {  	[tilespmem:$0x310] =	vst v1;
	v1 =	vor.u32 v0, v2;
	v2 =	vshll.u32 v56, $0x1  }
0xb5: {  	[tilespmem:$0x320] =	vst v1;
	v1 =	vor.u32 v0, v2;
	v2 =	vshll.u32 v57, $0x1  }
0xb6: {  	[tilespmem:$0x330] =	vst v1;
	v1 =	vor.u32 v0, v2;
	v2 =	vshll.u32 v58, $0x1  }
0xb7: {  	[tilespmem:$0x340] =	vst v1;
	v1 =	vor.u32 v0, v2;
	v2 =	vshll.u32 v59, $0x1  }
0xb8: {  	[tilespmem:$0x350] =	vst v1;
	v1 =	vor.u32 v0, v2;
	v2 =	vshll.u32 v3, $0x1  }
0xb9: {  	[tilespmem:$0x360] =	vst v1;
	v1 =	vor.u32 v0, v2  }
0xba: {  	[tilespmem:$0x370] =	vst v1  }
0xbb: {  	[tilespmem:s16], [sflag:$0x1] =	stream.indirect.gather [hbm4b:s4+s15], $0x80, s28, s15, $0xb8;
	[tilespmem:$0x18800] =	vst v63  }
0xbc: {  	_ =	swait.ge [sflag:s17], $0x4000  }
0xbd: {  	[sflag:s17] =	ssyncset.done $0x0  }
0xbe: {  	[sflag:s17] =	ssyncadd.s32 $0xFFFFC000  }
0xbf: {  	[spmem:s2] =	stream.indirect.scatter.add.f32 [tilespmem:s16], [sflag:$0x2], $0x80, s29, s15, $0xb8;
	[tilespmem:$0x18800] =	vst v63  }
0xc0: {  	_ =	swait.ge [sflag:s13], $0x4000  }
0xc1: {  	[sflag:s13] =	ssyncset.done $0x0  }
0xc2: {  	[sflag:s13] =	ssyncadd.s32 $0xFFFFC000  }
0xc3: {  	v1 =	vld [tilespmem:$0x380]  }
0xc4: {  	v2 =	vld [tilespmem:$0x390]  }
0xc5: {  	v3 =	vld [tilespmem:$0x3A0]  }
0xc6: {  	v60 =	vld [tilespmem:$0x3B0]  }
0xc7: {  	v61 =	vld [tilespmem:$0x3C0]  }
0xc8: {  	v62 =	vld [tilespmem:$0x3D0];
	v1 =	vshll.u32 v1, $0x1  }
0xc9: {  	v63 =	vld [tilespmem:$0x3E0];
	v2 =	vshll.u32 v2, $0x1;
	v1 =	vor.u32 v0, v1  }
0xca: {  	[tilespmem:$0x380] =	vst v1;
	v1 =	vor.u32 v0, v2;
	v2 =	vshll.u32 v3, $0x1;
	v3 =	vld [tilespmem:$0x3F0]  }
0xcb: {  	[tilespmem:$0x390] =	vst v1;
	v1 =	vor.u32 v0, v2;
	v2 =	vshll.u32 v60, $0x1  }
0xcc: {  	[tilespmem:$0x3A0] =	vst v1;
	v1 =	vor.u32 v0, v2;
	v2 =	vshll.u32 v61, $0x1  }
0xcd: {  	[tilespmem:$0x3B0] =	vst v1;
	v1 =	vor.u32 v0, v2;
	v2 =	vshll.u32 v62, $0x1  }
0xce: {  	[tilespmem:$0x3C0] =	vst v1;
	v1 =	vor.u32 v0, v2;
	v2 =	vshll.u32 v63, $0x1  }
0xcf: {  	[tilespmem:$0x3D0] =	vst v1;
	v1 =	vor.u32 v0, v2;
	v2 =	vshll.u32 v3, $0x1  }
0xd0: {  	[tilespmem:$0x3E0] =	vst v1;
	v1 =	vor.u32 v0, v2  }
0xd1: {  	[tilespmem:$0x3F0] =	vst v1  }
0xd2: {  	[tilespmem:s16], [sflag:$0x1] =	stream.indirect.gather [hbm4b:s4+s15], $0x80, s30, s15, $0xb8;
	[tilespmem:$0x18800] =	vst v63  }
0xd3: {  	_ =	swait.ge [sflag:s17], $0x4000  }
0xd4: {  	p0 =	sne.s32 s7, $0x1;
	[sflag:s17] =	ssyncset.done $0x0  }
.Ltmp0:
0xd5: {  	[sflag:s17] =	ssyncadd.s32 $0xFFFFC000;
	(pc) =	sbr.rel @p0 .LBB2_2-.Ltmp0, $4  }
0xd6: {  	[spmem:s2] =	stream.indirect.scatter.add.f32 [tilespmem:s16], [sflag:$0x2], $0x80, s31, s15, $0xb8;
	[tilespmem:$0x18800] =	vst v63  }
0xd7: {  	_ =	swait.ge [sflag:s13], $0x4000  }
0xd8: {  	s11 =	sadd.s32 $0x800, s11;
	[sflag:s13] =	ssyncset.done $0x0  }
0xd9: {  	s7 =	sadd.s32 $0xFFFFFFFF, s7;
	s10 =	sadd.s32 $0x800, s10;
	[sflag:s13] =	ssyncadd.s32 $0xFFFFC000  }
0xda: {  	[bflag:$0x0] =	sbarrier.arrive $0xFFFF  }
0xdb: {  	[hbm:s9], [sflag:s6] =	dma.local [spmem:s12], $0x2800  }
0xdc: {  	_ =	swait.ge [sflag:s13], $0x2800  }
0xdd: {  	s0 =	sadd.s32 $0x1, s0;
	s7 =	rddreg [dreg:$0x4]  }
0xde: {  	p0 =	sne.s32 s0, s7  }
.Ltmp1:
0xdf: {  	_ = 	snop;
	(pc) =	sbr.rel @p0 .LBB2_1-.Ltmp1, $3  }
0xe0: {  	_ =	sdelay $0x1  }
0xe1: {  	[sflag:s13] =	ssyncset.done $0x0  }
0xe2: {  	[sflag:s13] =	ssyncadd.s32 $0xFFFFD800  }
0xe3: {  	_ =	sfence.sel $0x180000  }
0xe4: {  	[bflag:$0x0] =	sbarrier.arrive $0xFFFF  }
0xe5: {  	_ =	strace $0x90000047  }
0xe6: {  	s0 =	stileid.u32;
	[bflag:$0x2] =	sbarrier.arrive $0xFFFF  }
0xe7: {  	p0 =	sne.s32 s0, $0x0;
	s0 =	rddreg [dreg:$0x2]  }
0xe8: {  	s0 =	sadd.s32 @!p0 $0x100000, s0  }
0xe9: {  	[sflag:s0] =	ssyncadd.tile.s32 @!p0 $0x1;
	_ =	shalt  }
.Lfunc_end2:
_tile_overlayer_lowered:
.L_overlay_start_2:
0xea: {  	(tag) =	ssettag $0x2  }
0xeb: {  	s0 =	rddreg [dreg:$0x0];
	s2 =	stileid.u32  }
0xec: {  	s1 =	rddreg [dreg:$0x1];
	p0 =	sne.s32 s2, $0x0  }
0xed: {  	s3 =	rddreg [dreg:$0x2];
	[bflag:$0x3] =	sbarrier.arrive $0xFFFF;
	s2 =	simm.s32 @!p0 $0x1C02  }
0xee: {  	[timem:s3], [sflag:s2] =	dma.local @!p0 [hbm:s0], s1  }
0xef: {  	s0 =	simm.s32 @!p0 $0x2  }
0xf0: {  	_ =	swait.ge @!p0 [sflag:s0], s1  }
0xf1: {  	s1 =	ssub.s32 @!p0 $0x0, s1;
	[sflag:s0] =	ssyncset.done @!p0 $0x0  }
0xf2: {  	[sflag:s0] =	ssyncadd.s32 @!p0 s1  }
0xf3: {  	[bflag:$0x3] =	sbarrier.arrive $0xFFFF  }
0xf4: {  	_ =	shalt  }

</sc_bundles>
